<compile_context>
chip_gen: v7x
topology: tpu7x:2x2x1
jax: 0.10.2.dev20260603
libtpu: 0.0.44.dev20260713+nightly
codegen_flags: <defaults>
</compile_context>

<pallas_src>
import functools

import jax
import jax.numpy as jnp
from jax import lax
from jax.experimental import pallas as pl
from jax.experimental.pallas import tpu as pltpu
from jax.experimental.pallas import tpu_sc as plsc

_D = 128
_T = 4
_STEPS = 6
_NC = 2
_NS = 16
_NW = _NC * _NS
_CHUNK = 128


def _transform(h, W_e, b_e, n):
    bn = 2000

    def body(h_ref, w_ref, b_ref, o_ref):
        hb = h_ref[...]
        for t in range(_T):
            o_ref[t] = lax.dot_general(
                hb, w_ref[t], (((1,), (1,)), ((), ())),
                preferred_element_type=jnp.float32) + b_ref[t][None, :]

    return pl.pallas_call(
        body,
        grid=(n // bn,),
        in_specs=[
            pl.BlockSpec((bn, _D), lambda i: (i, 0)),
            pl.BlockSpec((_T, _D, _D), lambda i: (0, 0, 0)),
            pl.BlockSpec((_T, _D), lambda i: (0, 0)),
        ],
        out_specs=pl.BlockSpec((_T, bn, _D), lambda i: (0, i, 0)),
        out_shape=jax.ShapeDtypeStruct((_T, n, _D), jnp.float32),
    )(h, W_e, b_e)


def _gru(parts, h, w_ih, w_hh, b_ih, b_hh, n, W_e=None, b_e=None,
         feature=None):
    bn = 2000

    def gru_block(a0_ref, a1_ref, h_ref, wih_ref, whh_ref, bih_ref,
                  bhh_ref):
        a = a0_ref[0] + a1_ref[0]
        hb = h_ref[...]
        gi = lax.dot_general(a, wih_ref[...], (((1,), (1,)), ((), ())),
                             preferred_element_type=jnp.float32)
        gi = gi + bih_ref[...][None, :]
        gh = lax.dot_general(hb, whh_ref[...], (((1,), (1,)), ((), ())),
                             preferred_element_type=jnp.float32)
        gh = gh + bhh_ref[...][None, :]
        r = jax.nn.sigmoid(gi[:, :_D] + gh[:, :_D])
        z = jax.nn.sigmoid(gi[:, _D:2 * _D] + gh[:, _D:2 * _D])
        nn = jnp.tanh(gi[:, 2 * _D:] + r * gh[:, 2 * _D:])
        return (1.0 - z) * nn + z * hb

    base_specs = [
        pl.BlockSpec((1, bn, _D), lambda i: (0, i, 0)),
        pl.BlockSpec((1, bn, _D), lambda i: (1, i, 0)),
        pl.BlockSpec((bn, _D), lambda i: (i, 0)),
        pl.BlockSpec((3 * _D, _D), lambda i: (0, 0)),
        pl.BlockSpec((3 * _D, _D), lambda i: (0, 0)),
        pl.BlockSpec((3 * _D,), lambda i: (0,)),
        pl.BlockSpec((3 * _D,), lambda i: (0,)),
    ]

    if W_e is not None:
        def body(a0_ref, a1_ref, h_ref, wih_ref, whh_ref, bih_ref,
                 bhh_ref, we_ref, be_ref, hn_ref, xt_ref):
            hn = gru_block(a0_ref, a1_ref, h_ref, wih_ref, whh_ref,
                           bih_ref, bhh_ref)
            hn_ref[...] = hn
            for t in range(_T):
                xt_ref[t] = lax.dot_general(
                    hn, we_ref[t], (((1,), (1,)), ((), ())),
                    preferred_element_type=jnp.float32) + be_ref[t][None, :]

        return pl.pallas_call(
            body,
            grid=(n // bn,),
            in_specs=base_specs + [
                pl.BlockSpec((_T, _D, _D), lambda i: (0, 0, 0)),
                pl.BlockSpec((_T, _D), lambda i: (0, 0)),
            ],
            out_specs=[
                pl.BlockSpec((bn, _D), lambda i: (i, 0)),
                pl.BlockSpec((_T, bn, _D), lambda i: (0, i, 0)),
            ],
            out_shape=[
                jax.ShapeDtypeStruct((n, _D), jnp.float32),
                jax.ShapeDtypeStruct((_T, n, _D), jnp.float32),
            ],
        )(parts, parts, h, w_ih, w_hh, b_ih, b_hh, W_e, b_e)

    def body(a0_ref, a1_ref, h_ref, wih_ref, whh_ref, bih_ref,
             bhh_ref, f_ref, out_ref):
        hn = gru_block(a0_ref, a1_ref, h_ref, wih_ref, whh_ref,
                       bih_ref, bhh_ref)
        out_ref[:, :_D] = hn
        out_ref[:, _D:] = f_ref[...]

    return pl.pallas_call(
        body,
        grid=(n // bn,),
        in_specs=base_specs + [pl.BlockSpec((bn, _D), lambda i: (i, 0))],
        out_specs=pl.BlockSpec((bn, 2 * _D), lambda i: (i, 0)),
        out_shape=jax.ShapeDtypeStruct((n, 2 * _D), jnp.float32),
    )(parts, parts, h, w_ih, w_hh, b_ih, b_hh, feature)


def _sc_aggregate(xt_flat, gidx, dsts, zeros, n, cpw0, cpw1, acc_rows):
    zrows = acc_rows // _NS
    half = max(cpw0, cpw1) // 2
    mesh = plsc.VectorSubcoreMesh(core_axis_name="c", subcore_axis_name="s")

    @functools.partial(
        pl.kernel,
        out_type=jax.ShapeDtypeStruct((_NC, acc_rows, _D), jnp.float32),
        mesh=mesh,
        scratch_types=[
            pltpu.VMEM((half, _CHUNK), jnp.int32),
            pltpu.VMEM((half, _CHUNK), jnp.int32),
            pltpu.VMEM((_CHUNK, _D), jnp.float32),
            pltpu.VMEM((_CHUNK, _D), jnp.float32),
            pltpu.VMEM_SHARED((acc_rows, _D), jnp.float32),
            pltpu.SemaphoreType.DMA,
            pltpu.SemaphoreType.DMA,
        ],
    )
    def k(xt_hbm, gidx_hbm, dst_hbm, zeros_hbm, out_hbm,
          idx_v, dst_v, rows0, rows1, acc, sem0, sem1):
        c = lax.axis_index("c")
        s = lax.axis_index("s")
        wid = c * _NS + s
        nh = jnp.where(c == 0, cpw0 // 4, cpw1 // 4)
        lim = 2 * nh
        pltpu.sync_copy(zeros_hbm.at[pl.ds(s * zrows, zrows)],
                        acc.at[pl.ds(s * zrows, zrows)])
        plsc.subcore_barrier()

        for hh in range(2):
            pltpu.sync_copy(gidx_hbm.at[wid, hh], idx_v)
            pltpu.sync_copy(dst_hbm.at[wid, hh], dst_v)
            pltpu.async_copy(xt_hbm.at[idx_v.at[0]], rows0, sem0)

            def body(i, carry):
                j = 2 * i
                pltpu.async_copy(xt_hbm.at[idx_v.at[j + 1]], rows1, sem1)
                pltpu.make_async_copy(
                    xt_hbm.at[idx_v.at[j]], rows0, sem0).wait()
                pltpu.sync_copy(rows0, acc.at[dst_v.at[j]], add=True)

                @pl.when(j + 2 < lim)
                def _():
                    pltpu.async_copy(xt_hbm.at[idx_v.at[j + 2]], rows0,
                                     sem0)

                pltpu.make_async_copy(
                    xt_hbm.at[idx_v.at[j + 1]], rows1, sem1).wait()
                pltpu.sync_copy(rows1, acc.at[dst_v.at[j + 1]], add=True)
                return carry

            lax.fori_loop(0, nh, body, 0)
        plsc.subcore_barrier()
        pltpu.sync_copy(acc.at[pl.ds(s * zrows, zrows)],
                        out_hbm.at[c, pl.ds(s * zrows, zrows)])

    return k(xt_flat, gidx, dsts, zeros)


def kernel(feature, edge_index, etypes, W_e, b_e, w_ih, w_hh, b_ih, b_hh):
    n = feature.shape[0]
    e = edge_index.shape[1]
    cpw0 = cpw1 = -(-e // (_NW * _CHUNK * 4)) * 4
    acc_rows = -(-n // (_NS * 8)) * (_NS * 8)
    if acc_rows == n:
        acc_rows += _NS * 8

    src = edge_index[0]
    dst = edge_index[1]
    cap = max(cpw0, cpw1)
    epw = -(-e // _NW)
    tail = _NW * epw - e
    padw = cap * _CHUNK - epw

    def layout(x, spread):
        x = jnp.concatenate(
            [x, jnp.full((tail,), n if not spread else 0, jnp.int32)])
        x = x.reshape(_NW, epw)
        if spread:
            fillrow = (jnp.arange(padw, dtype=jnp.int32) * 997) % (_T * n)
        else:
            fillrow = n + jnp.arange(padw, dtype=jnp.int32) % (acc_rows - n)
        fill2 = jnp.broadcast_to(fillrow[None, :], (_NW, padw))
        return jnp.concatenate([x, fill2], axis=1).reshape(
            _NW, 2, cap // 2, _CHUNK)

    gidx = layout(etypes * n + src, True)
    dsts = layout(dst, False)
    zeros = jnp.zeros((acc_rows, _D), jnp.float32)

    h = feature
    xt = _transform(h, W_e, b_e, n)
    for _step in range(_STEPS):
        parts = _sc_aggregate(xt.reshape(_T * n, _D), gidx, dsts, zeros,
                              n, cpw0, cpw1, acc_rows)
        if _step < _STEPS - 1:
            h, xt = _gru(parts, h, w_ih, w_hh, b_ih, b_hh, n,
                         W_e=W_e, b_e=b_e)
        else:
            out = _gru(parts, h, w_ih, w_hh, b_ih, b_hh, n,
                       feature=feature)
    return out

# --- scband reference (transcript-rebuilt; emitter-appended) ---
"""Pipeline reference for scband-devign-model-63247688401221 (READ-ONLY COPY).

The authoritative reference and input builder live on the scoring server;
editing this copy changes nothing except your own understanding.
"""

import jax, jax.numpy as jnp
import numpy as np

N = 10000
E = 320000
D_IN = 128
D_OUT = 128
N_ETYPES = 4
N_STEPS = 6


def setup_inputs(seed: int = 0) -> dict:
    key = jax.random.key(seed)
    ks = jax.random.split(key, 10)
    feature = jax.random.normal(ks[0], (N, D_IN), dtype=jnp.float32)
    edge_index = jax.random.randint(ks[1], (2, E), 0, N, dtype=jnp.int32)
    etypes = jax.random.randint(ks[2], (E,), 0, N_ETYPES, dtype=jnp.int32)
    s = 1.0 / np.sqrt(D_OUT)
    W_e = jax.random.uniform(ks[3], (N_ETYPES, D_OUT, D_OUT), minval=-s, maxval=s, dtype=jnp.float32)
    b_e = jax.random.uniform(ks[4], (N_ETYPES, D_OUT), minval=-s, maxval=s, dtype=jnp.float32)
    w_ih = jax.random.uniform(ks[5], (3 * D_OUT, D_OUT), minval=-s, maxval=s, dtype=jnp.float32)
    w_hh = jax.random.uniform(ks[6], (3 * D_OUT, D_OUT), minval=-s, maxval=s, dtype=jnp.float32)
    b_ih = jax.random.uniform(ks[7], (3 * D_OUT,), minval=-s, maxval=s, dtype=jnp.float32)
    b_hh = jax.random.uniform(ks[8], (3 * D_OUT,), minval=-s, maxval=s, dtype=jnp.float32)
    return {
        "feature": feature,
        "edge_index": edge_index,
        "etypes": etypes,
        "W_e": W_e,
        "b_e": b_e,
        "w_ih": w_ih,
        "w_hh": w_hh,
        "b_ih": b_ih,
        "b_hh": b_hh,
    }


def _gru_cell(x, h, w_ih, w_hh, b_ih, b_hh):
    gi = x @ w_ih.T + b_ih
    gh = h @ w_hh.T + b_hh
    i_r, i_z, i_n = jnp.split(gi, 3, axis=-1)
    h_r, h_z, h_n = jnp.split(gh, 3, axis=-1)
    r = jax.nn.sigmoid(i_r + h_r)
    z = jax.nn.sigmoid(i_z + h_z)
    n = jnp.tanh(i_n + r * h_n)
    return (1.0 - z) * n + z * h


def reference(feature, edge_index, etypes, W_e, b_e, w_ih, w_hh, b_ih, b_hh):
    # GatedGraphConv (DGL semantics): in_feats == out_feats so no zero padding needed.
    src = edge_index[0]
    dst = edge_index[1]
    h = feature
    for _ in range(N_STEPS):
        # per-edge-type linear transform of node features: h @ W_t.T + b_t  -> [N, T, F]
        xt = jnp.einsum("nd,tfd->ntf", h, W_e) + b_e[None, :, :]
        # message for edge e is the transform of its src node under its edge type
        msgs = xt[src, etypes]  # gather [E, F]
        # sum-aggregate messages at dst nodes (scatter-add)
        a = jnp.zeros((N, D_OUT), dtype=h.dtype).at[dst].add(msgs)
        # GRU update
        h = _gru_cell(a, h, w_ih, w_hh, b_ih, b_hh)
    # DevignModel.forward: ci = cat((ggnn_out, feature), dim=-1)
    ci = jnp.concatenate([h, feature], axis=-1)
    return ci

if __name__ == "__main__":
    import jax
    _d = setup_inputs()
    print(jax.jit(kernel)(*tuple(_d.values())))

</pallas_src>

<mosaic_0001>
#map = affine_map<(d0, d1) -> (0, 0)>
#map1 = affine_map<(d0, d1) -> (0, 0, 0, 0)>
#map2 = affine_map<(d0, d1) -> (0, 0, 0)>
module attributes {stable_mosaic.version = 14 : i64} {
  func.func @k(%arg0: i32, %arg1: i32, %arg2: memref<40000x128xf32, #tpu.memory_space<hbm>>, %arg3: memref<32x2x40x128xi32, #tpu.memory_space<hbm>>, %arg4: memref<32x2x40x128xi32, #tpu.memory_space<hbm>>, %arg5: memref<10112x128xf32, #tpu.memory_space<hbm>>, %arg6: memref<2x10112x128xf32, #tpu.memory_space<hbm>>, %arg7: memref<40x128xi32, #tpu.memory_space<vmem>>, %arg8: memref<40x128xi32, #tpu.memory_space<vmem>>, %arg9: memref<128x128xf32, #tpu.memory_space<vmem>>, %arg10: memref<128x128xf32, #tpu.memory_space<vmem>>, %arg11: memref<10112x128xf32, #tpu.memory_space<vmem_shared>>, %arg12: memref<!tpu.dma_semaphore, #tpu.memory_space<semaphore_mem>>, %arg13: memref<!tpu.dma_semaphore, #tpu.memory_space<semaphore_mem>>) attributes {dimension_semantics = [#tpu.dimension_semantics<core_parallel>, #tpu.dimension_semantics<subcore_parallel>], iteration_bounds = array<i64: 2, 16>, scalar_prefetch = 0 : i64, scratch_operands = 7 : i64, tpu.core_type = #tpu.core_type<sc_vector_subcore>, window_params = [{transform_indices = #map}, {transform_indices = #map1}, {transform_indices = #map1}, {transform_indices = #map}, {transform_indices = #map2}]} {
    %mul3A = arith.constant 16 : i32
    %mul3A_0 = arith.muli %arg0, %mul3A : i32
    %add3A = arith.addi %mul3A_0, %arg1 : i32
    %eq3A = arith.constant 0 : i32
    %eq3A_1 = arith.cmpi eq, %arg0, %eq3A : i32
    %jit3A = arith.constant 20 : i32
    %jit3A_2 = arith.constant 20 : i32
    %select_n3A = arith.select %eq3A_1, %jit3A, %jit3A_2 : i32
    %mul3A_3 = arith.constant 2 : i32
    %mul3A_4 = arith.muli %mul3A_3, %select_n3A : i32
    %mul3A_5 = arith.constant 632 : i32
    %mul3A_6 = arith.muli %arg1, %mul3A_5 : i32
    %mul3A_7 = arith.constant 632 : i32
    %mul3A_8 = arith.muli %arg1, %mul3A_7 : i32
    "tpu.region"() ({
      %run_scoped3A_49 = tpu.sem_alloc : memref<!tpu.dma_semaphore, #tpu.memory_space<semaphore_mem>>
      %dma_start3A_50 = arith.constant 0 : i32
      %dma_start3A_51 = tpu.memref_slice %arg11[%mul3A_8, %dma_start3A_50] : memref<10112x128xf32, #tpu.memory_space<vmem_shared>> -> memref<632x128xf32, #tpu.memory_space<vmem_shared>>
      %dma_start3A_52 = arith.constant 0 : i32
      %dma_start3A_53 = tpu.memref_slice %arg5[%mul3A_6, %dma_start3A_52] : memref<10112x128xf32, #tpu.memory_space<hbm>> -> memref<632x128xf32, #tpu.memory_space<hbm>>
      tpu.enqueue_dma source(%dma_start3A_53 : memref<632x128xf32, #tpu.memory_space<hbm>>) target(%dma_start3A_51 : memref<632x128xf32, #tpu.memory_space<vmem_shared>>) target_semaphore(%run_scoped3A_49 : memref<!tpu.dma_semaphore, #tpu.memory_space<semaphore_mem>>)
      %dma_wait3A = arith.constant 0 : i32
      %dma_wait3A_54 = tpu.memref_slice %arg11[%mul3A_8, %dma_wait3A] : memref<10112x128xf32, #tpu.memory_space<vmem_shared>> -> memref<632x128xf32, #tpu.memory_space<vmem_shared>>
      %dma_wait3A_55 = arith.constant 0 : i32
      %dma_wait3A_56 = tpu.memref_slice %arg5[%mul3A_6, %dma_wait3A_55] : memref<10112x128xf32, #tpu.memory_space<hbm>> -> memref<632x128xf32, #tpu.memory_space<hbm>>
      tpu.wait_dma2 semaphore(%run_scoped3A_49 : memref<!tpu.dma_semaphore, #tpu.memory_space<semaphore_mem>>) src(%dma_wait3A_56 : memref<632x128xf32, #tpu.memory_space<hbm>>) dst(%dma_wait3A_54 : memref<632x128xf32, #tpu.memory_space<vmem_shared>>)
      tpu.yield
    }) : () -> ()
    %barrier3A = arith.constant 0 : index
    tpu.barrier barrier_id(%barrier3A)
    %run_scoped3A = arith.constant 0 : i32
    "tpu.region"() ({
      %run_scoped3A_49 = tpu.sem_alloc : memref<!tpu.dma_semaphore, #tpu.memory_space<semaphore_mem>>
      %dma_start3A_50 = arith.constant 0 : i32
      %dma_start3A_51 = arith.constant 0 : i32
      %dma_start3A_52 = tpu.memref_slice %arg3[%add3A, %run_scoped3A, %dma_start3A_50, %dma_start3A_51] : memref<32x2x40x128xi32, #tpu.memory_space<hbm>> -> memref<1x1x40x128xi32, #tpu.memory_space<hbm>>
      %dma_start3A_53 = tpu.memref_squeeze %dma_start3A_52 : memref<1x1x40x128xi32, #tpu.memory_space<hbm>> -> memref<40x128xi32, #tpu.memory_space<hbm>>
      %dma_start3A_54 = arith.constant 0 : i32
      %dma_start3A_55 = arith.constant 0 : i32
      %dma_start3A_56 = tpu.memref_slice %arg3[%add3A, %run_scoped3A, %dma_start3A_54, %dma_start3A_55] : memref<32x2x40x128xi32, #tpu.memory_space<hbm>> -> memref<1x1x40x128xi32, #tpu.memory_space<hbm>>
      %dma_start3A_57 = tpu.memref_squeeze %dma_start3A_56 : memref<1x1x40x128xi32, #tpu.memory_space<hbm>> -> memref<40x128xi32, #tpu.memory_space<hbm>>
      tpu.enqueue_dma source(%dma_start3A_57 : memref<40x128xi32, #tpu.memory_space<hbm>>) target(%arg7 : memref<40x128xi32, #tpu.memory_space<vmem>>) target_semaphore(%run_scoped3A_49 : memref<!tpu.dma_semaphore, #tpu.memory_space<semaphore_mem>>)
      %dma_wait3A = arith.constant 0 : i32
      %dma_wait3A_58 = arith.constant 0 : i32
      %dma_wait3A_59 = tpu.memref_slice %arg3[%add3A, %run_scoped3A, %dma_wait3A, %dma_wait3A_58] : memref<32x2x40x128xi32, #tpu.memory_space<hbm>> -> memref<1x1x40x128xi32, #tpu.memory_space<hbm>>
      %dma_wait3A_60 = tpu.memref_squeeze %dma_wait3A_59 : memref<1x1x40x128xi32, #tpu.memory_space<hbm>> -> memref<40x128xi32, #tpu.memory_space<hbm>>
      %dma_wait3A_61 = arith.constant 0 : i32
      %dma_wait3A_62 = arith.constant 0 : i32
      %dma_wait3A_63 = tpu.memref_slice %arg3[%add3A, %run_scoped3A, %dma_wait3A_61, %dma_wait3A_62] : memref<32x2x40x128xi32, #tpu.memory_space<hbm>> -> memref<1x1x40x128xi32, #tpu.memory_space<hbm>>
      %dma_wait3A_64 = tpu.memref_squeeze %dma_wait3A_63 : memref<1x1x40x128xi32, #tpu.memory_space<hbm>> -> memref<40x128xi32, #tpu.memory_space<hbm>>
      tpu.wait_dma2 semaphore(%run_scoped3A_49 : memref<!tpu.dma_semaphore, #tpu.memory_space<semaphore_mem>>) src(%dma_wait3A_64 : memref<40x128xi32, #tpu.memory_space<hbm>>) dst(%arg7 : memref<40x128xi32, #tpu.memory_space<vmem>>)
      tpu.yield
    }) : () -> ()
    %run_scoped3A_9 = arith.constant 0 : i32
    "tpu.region"() ({
      %run_scoped3A_49 = tpu.sem_alloc : memref<!tpu.dma_semaphore, #tpu.memory_space<semaphore_mem>>
      %dma_start3A_50 = arith.constant 0 : i32
      %dma_start3A_51 = arith.constant 0 : i32
      %dma_start3A_52 = tpu.memref_slice %arg4[%add3A, %run_scoped3A_9, %dma_start3A_50, %dma_start3A_51] : memref<32x2x40x128xi32, #tpu.memory_space<hbm>> -> memref<1x1x40x128xi32, #tpu.memory_space<hbm>>
      %dma_start3A_53 = tpu.memref_squeeze %dma_start3A_52 : memref<1x1x40x128xi32, #tpu.memory_space<hbm>> -> memref<40x128xi32, #tpu.memory_space<hbm>>
      %dma_start3A_54 = arith.constant 0 : i32
      %dma_start3A_55 = arith.constant 0 : i32
      %dma_start3A_56 = tpu.memref_slice %arg4[%add3A, %run_scoped3A_9, %dma_start3A_54, %dma_start3A_55] : memref<32x2x40x128xi32, #tpu.memory_space<hbm>> -> memref<1x1x40x128xi32, #tpu.memory_space<hbm>>
      %dma_start3A_57 = tpu.memref_squeeze %dma_start3A_56 : memref<1x1x40x128xi32, #tpu.memory_space<hbm>> -> memref<40x128xi32, #tpu.memory_space<hbm>>
      tpu.enqueue_dma source(%dma_start3A_57 : memref<40x128xi32, #tpu.memory_space<hbm>>) target(%arg8 : memref<40x128xi32, #tpu.memory_space<vmem>>) target_semaphore(%run_scoped3A_49 : memref<!tpu.dma_semaphore, #tpu.memory_space<semaphore_mem>>)
      %dma_wait3A = arith.constant 0 : i32
      %dma_wait3A_58 = arith.constant 0 : i32
      %dma_wait3A_59 = tpu.memref_slice %arg4[%add3A, %run_scoped3A_9, %dma_wait3A, %dma_wait3A_58] : memref<32x2x40x128xi32, #tpu.memory_space<hbm>> -> memref<1x1x40x128xi32, #tpu.memory_space<hbm>>
      %dma_wait3A_60 = tpu.memref_squeeze %dma_wait3A_59 : memref<1x1x40x128xi32, #tpu.memory_space<hbm>> -> memref<40x128xi32, #tpu.memory_space<hbm>>
      %dma_wait3A_61 = arith.constant 0 : i32
      %dma_wait3A_62 = arith.constant 0 : i32
      %dma_wait3A_63 = tpu.memref_slice %arg4[%add3A, %run_scoped3A_9, %dma_wait3A_61, %dma_wait3A_62] : memref<32x2x40x128xi32, #tpu.memory_space<hbm>> -> memref<1x1x40x128xi32, #tpu.memory_space<hbm>>
      %dma_wait3A_64 = tpu.memref_squeeze %dma_wait3A_63 : memref<1x1x40x128xi32, #tpu.memory_space<hbm>> -> memref<40x128xi32, #tpu.memory_space<hbm>>
      tpu.wait_dma2 semaphore(%run_scoped3A_49 : memref<!tpu.dma_semaphore, #tpu.memory_space<semaphore_mem>>) src(%dma_wait3A_64 : memref<40x128xi32, #tpu.memory_space<hbm>>) dst(%arg8 : memref<40x128xi32, #tpu.memory_space<vmem>>)
      tpu.yield
    }) : () -> ()
    %dma_start3A = arith.constant 0 : i32
    %dma_start3A_10 = arith.constant 0 : i32
    %dma_start3A_11 = tpu.memref_slice %arg7[%dma_start3A, %dma_start3A_10] : memref<40x128xi32, #tpu.memory_space<vmem>> -> memref<1x128xi32, #tpu.memory_space<vmem>>
    %dma_start3A_12 = tpu.memref_squeeze %dma_start3A_11 : memref<1x128xi32, #tpu.memory_space<vmem>> -> memref<128xi32, #tpu.memory_space<vmem>>
    %dma_start3A_13 = arith.constant 0 : i32
    %dma_start3A_14 = arith.constant 0 : i32
    %dma_start3A_15 = tpu.memref_slice %arg2[%dma_start3A_13, %dma_start3A_14] : memref<40000x128xf32, #tpu.memory_space<hbm>> -> memref<40000x128xf32, #tpu.memory_space<hbm>>
    tpu.enqueue_indirect_dma source(%dma_start3A_15 : memref<40000x128xf32, #tpu.memory_space<hbm>>) target(%arg9 : memref<128x128xf32, #tpu.memory_space<vmem>>) offsets(%dma_start3A_12 : memref<128xi32, #tpu.memory_space<vmem>>) semaphore(%arg12 : memref<!tpu.dma_semaphore, #tpu.memory_space<semaphore_mem>>)
    %while3A = arith.constant 0 : i32
    %while3A_16 = arith.constant 0 : i32
    %while3A_17 = arith.subi %select_n3A, %while3A_16 : i32
    %while3A_18 = arith.addi %while3A_16, %while3A_17 : i32
    %while3A_19 = arith.constant 1 : i32
    %while3A_20 = arith.divsi %while3A_17, %while3A_19 : i32
    %while3A_21 = arith.muli %while3A_20, %while3A_19 : i32
    %while3A_22 = arith.addi %while3A_16, %while3A_21 : i32
    %while3A_23 = arith.constant 1 : i32
    scf.for %while3A_49 = %while3A_16 to %while3A_22 step %while3A_23  : i32 {
      %mul3A_50 = arith.constant 2 : i32
      %mul3A_51 = arith.muli %mul3A_50, %while3A_49 : i32
      %add3A_52 = arith.constant 1 : i32
      %add3A_53 = arith.addi %mul3A_51, %add3A_52 : i32
      %dma_start3A_54 = arith.constant 0 : i32
      %dma_start3A_55 = tpu.memref_slice %arg7[%add3A_53, %dma_start3A_54] : memref<40x128xi32, #tpu.memory_space<vmem>> -> memref<1x128xi32, #tpu.memory_space<vmem>>
      %dma_start3A_56 = tpu.memref_squeeze %dma_start3A_55 : memref<1x128xi32, #tpu.memory_space<vmem>> -> memref<128xi32, #tpu.memory_space<vmem>>
      %dma_start3A_57 = arith.constant 0 : i32
      %dma_start3A_58 = arith.constant 0 : i32
      %dma_start3A_59 = tpu.memref_slice %arg2[%dma_start3A_57, %dma_start3A_58] : memref<40000x128xf32, #tpu.memory_space<hbm>> -> memref<40000x128xf32, #tpu.memory_space<hbm>>
      tpu.enqueue_indirect_dma source(%dma_start3A_59 : memref<40000x128xf32, #tpu.memory_space<hbm>>) target(%arg10 : memref<128x128xf32, #tpu.memory_space<vmem>>) offsets(%dma_start3A_56 : memref<128xi32, #tpu.memory_space<vmem>>) semaphore(%arg13 : memref<!tpu.dma_semaphore, #tpu.memory_space<semaphore_mem>>)
      %dma_wait3A = arith.constant 0 : i32
      %dma_wait3A_60 = tpu.memref_slice %arg7[%mul3A_51, %dma_wait3A] : memref<40x128xi32, #tpu.memory_space<vmem>> -> memref<1x128xi32, #tpu.memory_space<vmem>>
      %dma_wait3A_61 = tpu.memref_squeeze %dma_wait3A_60 : memref<1x128xi32, #tpu.memory_space<vmem>> -> memref<128xi32, #tpu.memory_space<vmem>>
      %dma_wait3A_62 = arith.constant 0 : i32
      %dma_wait3A_63 = arith.constant 0 : i32
      %dma_wait3A_64 = tpu.memref_slice %arg2[%dma_wait3A_62, %dma_wait3A_63] : memref<40000x128xf32, #tpu.memory_space<hbm>> -> memref<40000x128xf32, #tpu.memory_space<hbm>>
      tpu.wait_indirect_dma semaphore(%arg12 : memref<!tpu.dma_semaphore, #tpu.memory_space<semaphore_mem>>) src(%dma_wait3A_64 : memref<40000x128xf32, #tpu.memory_space<hbm>>) dst(%arg9 : memref<128x128xf32, #tpu.memory_space<vmem>>)
      "tpu.region"() ({
        %run_scoped3A_78 = tpu.sem_alloc : memref<!tpu.dma_semaphore, #tpu.memory_space<semaphore_mem>>
        %dma_start3A_79 = arith.constant 0 : i32
        %dma_start3A_80 = tpu.memref_slice %arg8[%mul3A_51, %dma_start3A_79] : memref<40x128xi32, #tpu.memory_space<vmem>> -> memref<1x128xi32, #tpu.memory_space<vmem>>
        %dma_start3A_81 = tpu.memref_squeeze %dma_start3A_80 : memref<1x128xi32, #tpu.memory_space<vmem>> -> memref<128xi32, #tpu.memory_space<vmem>>
        %dma_start3A_82 = arith.constant 0 : i32
        %dma_start3A_83 = arith.constant 0 : i32
        %dma_start3A_84 = tpu.memref_slice %arg11[%dma_start3A_82, %dma_start3A_83] : memref<10112x128xf32, #tpu.memory_space<vmem_shared>> -> memref<10112x128xf32, #tpu.memory_space<vmem_shared>>
        tpu.enqueue_indirect_dma source(%arg9 : memref<128x128xf32, #tpu.memory_space<vmem>>) target(%dma_start3A_84 : memref<10112x128xf32, #tpu.memory_space<vmem_shared>>) offsets(%dma_start3A_81 : memref<128xi32, #tpu.memory_space<vmem>>) semaphore(%run_scoped3A_78 : memref<!tpu.dma_semaphore, #tpu.memory_space<semaphore_mem>>) {add = true}
        %dma_wait3A_85 = arith.constant 0 : i32
        %dma_wait3A_86 = tpu.memref_slice %arg8[%mul3A_51, %dma_wait3A_85] : memref<40x128xi32, #tpu.memory_space<vmem>> -> memref<1x128xi32, #tpu.memory_space<vmem>>
        %dma_wait3A_87 = tpu.memref_squeeze %dma_wait3A_86 : memref<1x128xi32, #tpu.memory_space<vmem>> -> memref<128xi32, #tpu.memory_space<vmem>>
        %dma_wait3A_88 = arith.constant 0 : i32
        %dma_wait3A_89 = arith.constant 0 : i32
        %dma_wait3A_90 = tpu.memref_slice %arg11[%dma_wait3A_88, %dma_wait3A_89] : memref<10112x128xf32, #tpu.memory_space<vmem_shared>> -> memref<10112x128xf32, #tpu.memory_space<vmem_shared>>
        tpu.wait_indirect_dma semaphore(%run_scoped3A_78 : memref<!tpu.dma_semaphore, #tpu.memory_space<semaphore_mem>>) src(%arg9 : memref<128x128xf32, #tpu.memory_space<vmem>>) dst(%dma_wait3A_90 : memref<10112x128xf32, #tpu.memory_space<vmem_shared>>)
        tpu.yield
      }) : () -> ()
      %add3A_65 = arith.constant 2 : i32
      %add3A_66 = arith.addi %mul3A_51, %add3A_65 : i32
      %lt3A = arith.cmpi slt, %add3A_66, %mul3A_4 : i32
      %convert_element_type3A = arith.extui %lt3A : i1 to i32
      %cond3A = arith.constant 0 : i32
      %cond3A_67 = arith.cmpi ne, %convert_element_type3A, %cond3A : i32
      scf.if %cond3A_67 {
        %add3A_78 = arith.constant 2 : i32
        %add3A_79 = arith.addi %mul3A_51, %add3A_78 : i32
        %dma_start3A_80 = arith.constant 0 : i32
        %dma_start3A_81 = tpu.memref_slice %arg7[%add3A_79, %dma_start3A_80] : memref<40x128xi32, #tpu.memory_space<vmem>> -> memref<1x128xi32, #tpu.memory_space<vmem>>
        %dma_start3A_82 = tpu.memref_squeeze %dma_start3A_81 : memref<1x128xi32, #tpu.memory_space<vmem>> -> memref<128xi32, #tpu.memory_space<vmem>>
        %dma_start3A_83 = arith.constant 0 : i32
        %dma_start3A_84 = arith.constant 0 : i32
        %dma_start3A_85 = tpu.memref_slice %arg2[%dma_start3A_83, %dma_start3A_84] : memref<40000x128xf32, #tpu.memory_space<hbm>> -> memref<40000x128xf32, #tpu.memory_space<hbm>>
        tpu.enqueue_indirect_dma source(%dma_start3A_85 : memref<40000x128xf32, #tpu.memory_space<hbm>>) target(%arg9 : memref<128x128xf32, #tpu.memory_space<vmem>>) offsets(%dma_start3A_82 : memref<128xi32, #tpu.memory_space<vmem>>) semaphore(%arg12 : memref<!tpu.dma_semaphore, #tpu.memory_space<semaphore_mem>>)
      } else {
      }
      %add3A_68 = arith.constant 1 : i32
      %add3A_69 = arith.addi %mul3A_51, %add3A_68 : i32
      %dma_wait3A_70 = arith.constant 0 : i32
      %dma_wait3A_71 = tpu.memref_slice %arg7[%add3A_69, %dma_wait3A_70] : memref<40x128xi32, #tpu.memory_space<vmem>> -> memref<1x128xi32, #tpu.memory_space<vmem>>
      %dma_wait3A_72 = tpu.memref_squeeze %dma_wait3A_71 : memref<1x128xi32, #tpu.memory_space<vmem>> -> memref<128xi32, #tpu.memory_space<vmem>>
      %dma_wait3A_73 = arith.constant 0 : i32
      %dma_wait3A_74 = arith.constant 0 : i32
      %dma_wait3A_75 = tpu.memref_slice %arg2[%dma_wait3A_73, %dma_wait3A_74] : memref<40000x128xf32, #tpu.memory_space<hbm>> -> memref<40000x128xf32, #tpu.memory_space<hbm>>
      tpu.wait_indirect_dma semaphore(%arg13 : memref<!tpu.dma_semaphore, #tpu.memory_space<semaphore_mem>>) src(%dma_wait3A_75 : memref<40000x128xf32, #tpu.memory_space<hbm>>) dst(%arg10 : memref<128x128xf32, #tpu.memory_space<vmem>>)
      %add3A_76 = arith.constant 1 : i32
      %add3A_77 = arith.addi %mul3A_51, %add3A_76 : i32
      "tpu.region"() ({
        %run_scoped3A_78 = tpu.sem_alloc : memref<!tpu.dma_semaphore, #tpu.memory_space<semaphore_mem>>
        %dma_start3A_79 = arith.constant 0 : i32
        %dma_start3A_80 = tpu.memref_slice %arg8[%add3A_77, %dma_start3A_79] : memref<40x128xi32, #tpu.memory_space<vmem>> -> memref<1x128xi32, #tpu.memory_space<vmem>>
        %dma_start3A_81 = tpu.memref_squeeze %dma_start3A_80 : memref<1x128xi32, #tpu.memory_space<vmem>> -> memref<128xi32, #tpu.memory_space<vmem>>
        %dma_start3A_82 = arith.constant 0 : i32
        %dma_start3A_83 = arith.constant 0 : i32
        %dma_start3A_84 = tpu.memref_slice %arg11[%dma_start3A_82, %dma_start3A_83] : memref<10112x128xf32, #tpu.memory_space<vmem_shared>> -> memref<10112x128xf32, #tpu.memory_space<vmem_shared>>
        tpu.enqueue_indirect_dma source(%arg10 : memref<128x128xf32, #tpu.memory_space<vmem>>) target(%dma_start3A_84 : memref<10112x128xf32, #tpu.memory_space<vmem_shared>>) offsets(%dma_start3A_81 : memref<128xi32, #tpu.memory_space<vmem>>) semaphore(%run_scoped3A_78 : memref<!tpu.dma_semaphore, #tpu.memory_space<semaphore_mem>>) {add = true}
        %dma_wait3A_85 = arith.constant 0 : i32
        %dma_wait3A_86 = tpu.memref_slice %arg8[%add3A_77, %dma_wait3A_85] : memref<40x128xi32, #tpu.memory_space<vmem>> -> memref<1x128xi32, #tpu.memory_space<vmem>>
        %dma_wait3A_87 = tpu.memref_squeeze %dma_wait3A_86 : memref<1x128xi32, #tpu.memory_space<vmem>> -> memref<128xi32, #tpu.memory_space<vmem>>
        %dma_wait3A_88 = arith.constant 0 : i32
        %dma_wait3A_89 = arith.constant 0 : i32
        %dma_wait3A_90 = tpu.memref_slice %arg11[%dma_wait3A_88, %dma_wait3A_89] : memref<10112x128xf32, #tpu.memory_space<vmem_shared>> -> memref<10112x128xf32, #tpu.memory_space<vmem_shared>>
        tpu.wait_indirect_dma semaphore(%run_scoped3A_78 : memref<!tpu.dma_semaphore, #tpu.memory_space<semaphore_mem>>) src(%arg10 : memref<128x128xf32, #tpu.memory_space<vmem>>) dst(%dma_wait3A_90 : memref<10112x128xf32, #tpu.memory_space<vmem_shared>>)
        tpu.yield
      }) : () -> ()
    }
    %while3A_24 = arith.constant 1 : i32
    scf.for %while3A_49 = %while3A_22 to %while3A_18 step %while3A_24  : i32 {
      %mul3A_50 = arith.constant 2 : i32
      %mul3A_51 = arith.muli %mul3A_50, %while3A_49 : i32
      %add3A_52 = arith.constant 1 : i32
      %add3A_53 = arith.addi %mul3A_51, %add3A_52 : i32
      %dma_start3A_54 = arith.constant 0 : i32
      %dma_start3A_55 = tpu.memref_slice %arg7[%add3A_53, %dma_start3A_54] : memref<40x128xi32, #tpu.memory_space<vmem>> -> memref<1x128xi32, #tpu.memory_space<vmem>>
      %dma_start3A_56 = tpu.memref_squeeze %dma_start3A_55 : memref<1x128xi32, #tpu.memory_space<vmem>> -> memref<128xi32, #tpu.memory_space<vmem>>
      %dma_start3A_57 = arith.constant 0 : i32
      %dma_start3A_58 = arith.constant 0 : i32
      %dma_start3A_59 = tpu.memref_slice %arg2[%dma_start3A_57, %dma_start3A_58] : memref<40000x128xf32, #tpu.memory_space<hbm>> -> memref<40000x128xf32, #tpu.memory_space<hbm>>
      tpu.enqueue_indirect_dma source(%dma_start3A_59 : memref<40000x128xf32, #tpu.memory_space<hbm>>) target(%arg10 : memref<128x128xf32, #tpu.memory_space<vmem>>) offsets(%dma_start3A_56 : memref<128xi32, #tpu.memory_space<vmem>>) semaphore(%arg13 : memref<!tpu.dma_semaphore, #tpu.memory_space<semaphore_mem>>)
      %dma_wait3A = arith.constant 0 : i32
      %dma_wait3A_60 = tpu.memref_slice %arg7[%mul3A_51, %dma_wait3A] : memref<40x128xi32, #tpu.memory_space<vmem>> -> memref<1x128xi32, #tpu.memory_space<vmem>>
      %dma_wait3A_61 = tpu.memref_squeeze %dma_wait3A_60 : memref<1x128xi32, #tpu.memory_space<vmem>> -> memref<128xi32, #tpu.memory_space<vmem>>
      %dma_wait3A_62 = arith.constant 0 : i32
      %dma_wait3A_63 = arith.constant 0 : i32
      %dma_wait3A_64 = tpu.memref_slice %arg2[%dma_wait3A_62, %dma_wait3A_63] : memref<40000x128xf32, #tpu.memory_space<hbm>> -> memref<40000x128xf32, #tpu.memory_space<hbm>>
      tpu.wait_indirect_dma semaphore(%arg12 : memref<!tpu.dma_semaphore, #tpu.memory_space<semaphore_mem>>) src(%dma_wait3A_64 : memref<40000x128xf32, #tpu.memory_space<hbm>>) dst(%arg9 : memref<128x128xf32, #tpu.memory_space<vmem>>)
      "tpu.region"() ({
        %run_scoped3A_78 = tpu.sem_alloc : memref<!tpu.dma_semaphore, #tpu.memory_space<semaphore_mem>>
        %dma_start3A_79 = arith.constant 0 : i32
        %dma_start3A_80 = tpu.memref_slice %arg8[%mul3A_51, %dma_start3A_79] : memref<40x128xi32, #tpu.memory_space<vmem>> -> memref<1x128xi32, #tpu.memory_space<vmem>>
        %dma_start3A_81 = tpu.memref_squeeze %dma_start3A_80 : memref<1x128xi32, #tpu.memory_space<vmem>> -> memref<128xi32, #tpu.memory_space<vmem>>
        %dma_start3A_82 = arith.constant 0 : i32
        %dma_start3A_83 = arith.constant 0 : i32
        %dma_start3A_84 = tpu.memref_slice %arg11[%dma_start3A_82, %dma_start3A_83] : memref<10112x128xf32, #tpu.memory_space<vmem_shared>> -> memref<10112x128xf32, #tpu.memory_space<vmem_shared>>
        tpu.enqueue_indirect_dma source(%arg9 : memref<128x128xf32, #tpu.memory_space<vmem>>) target(%dma_start3A_84 : memref<10112x128xf32, #tpu.memory_space<vmem_shared>>) offsets(%dma_start3A_81 : memref<128xi32, #tpu.memory_space<vmem>>) semaphore(%run_scoped3A_78 : memref<!tpu.dma_semaphore, #tpu.memory_space<semaphore_mem>>) {add = true}
        %dma_wait3A_85 = arith.constant 0 : i32
        %dma_wait3A_86 = tpu.memref_slice %arg8[%mul3A_51, %dma_wait3A_85] : memref<40x128xi32, #tpu.memory_space<vmem>> -> memref<1x128xi32, #tpu.memory_space<vmem>>
        %dma_wait3A_87 = tpu.memref_squeeze %dma_wait3A_86 : memref<1x128xi32, #tpu.memory_space<vmem>> -> memref<128xi32, #tpu.memory_space<vmem>>
        %dma_wait3A_88 = arith.constant 0 : i32
        %dma_wait3A_89 = arith.constant 0 : i32
        %dma_wait3A_90 = tpu.memref_slice %arg11[%dma_wait3A_88, %dma_wait3A_89] : memref<10112x128xf32, #tpu.memory_space<vmem_shared>> -> memref<10112x128xf32, #tpu.memory_space<vmem_shared>>
        tpu.wait_indirect_dma semaphore(%run_scoped3A_78 : memref<!tpu.dma_semaphore, #tpu.memory_space<semaphore_mem>>) src(%arg9 : memref<128x128xf32, #tpu.memory_space<vmem>>) dst(%dma_wait3A_90 : memref<10112x128xf32, #tpu.memory_space<vmem_shared>>)
        tpu.yield
      }) : () -> ()
      %add3A_65 = arith.constant 2 : i32
      %add3A_66 = arith.addi %mul3A_51, %add3A_65 : i32
      %lt3A = arith.cmpi slt, %add3A_66, %mul3A_4 : i32
      %convert_element_type3A = arith.extui %lt3A : i1 to i32
      %cond3A = arith.constant 0 : i32
      %cond3A_67 = arith.cmpi ne, %convert_element_type3A, %cond3A : i32
      scf.if %cond3A_67 {
        %add3A_78 = arith.constant 2 : i32
        %add3A_79 = arith.addi %mul3A_51, %add3A_78 : i32
        %dma_start3A_80 = arith.constant 0 : i32
        %dma_start3A_81 = tpu.memref_slice %arg7[%add3A_79, %dma_start3A_80] : memref<40x128xi32, #tpu.memory_space<vmem>> -> memref<1x128xi32, #tpu.memory_space<vmem>>
        %dma_start3A_82 = tpu.memref_squeeze %dma_start3A_81 : memref<1x128xi32, #tpu.memory_space<vmem>> -> memref<128xi32, #tpu.memory_space<vmem>>
        %dma_start3A_83 = arith.constant 0 : i32
        %dma_start3A_84 = arith.constant 0 : i32
        %dma_start3A_85 = tpu.memref_slice %arg2[%dma_start3A_83, %dma_start3A_84] : memref<40000x128xf32, #tpu.memory_space<hbm>> -> memref<40000x128xf32, #tpu.memory_space<hbm>>
        tpu.enqueue_indirect_dma source(%dma_start3A_85 : memref<40000x128xf32, #tpu.memory_space<hbm>>) target(%arg9 : memref<128x128xf32, #tpu.memory_space<vmem>>) offsets(%dma_start3A_82 : memref<128xi32, #tpu.memory_space<vmem>>) semaphore(%arg12 : memref<!tpu.dma_semaphore, #tpu.memory_space<semaphore_mem>>)
      } else {
      }
      %add3A_68 = arith.constant 1 : i32
      %add3A_69 = arith.addi %mul3A_51, %add3A_68 : i32
      %dma_wait3A_70 = arith.constant 0 : i32
      %dma_wait3A_71 = tpu.memref_slice %arg7[%add3A_69, %dma_wait3A_70] : memref<40x128xi32, #tpu.memory_space<vmem>> -> memref<1x128xi32, #tpu.memory_space<vmem>>
      %dma_wait3A_72 = tpu.memref_squeeze %dma_wait3A_71 : memref<1x128xi32, #tpu.memory_space<vmem>> -> memref<128xi32, #tpu.memory_space<vmem>>
      %dma_wait3A_73 = arith.constant 0 : i32
      %dma_wait3A_74 = arith.constant 0 : i32
      %dma_wait3A_75 = tpu.memref_slice %arg2[%dma_wait3A_73, %dma_wait3A_74] : memref<40000x128xf32, #tpu.memory_space<hbm>> -> memref<40000x128xf32, #tpu.memory_space<hbm>>
      tpu.wait_indirect_dma semaphore(%arg13 : memref<!tpu.dma_semaphore, #tpu.memory_space<semaphore_mem>>) src(%dma_wait3A_75 : memref<40000x128xf32, #tpu.memory_space<hbm>>) dst(%arg10 : memref<128x128xf32, #tpu.memory_space<vmem>>)
      %add3A_76 = arith.constant 1 : i32
      %add3A_77 = arith.addi %mul3A_51, %add3A_76 : i32
      "tpu.region"() ({
        %run_scoped3A_78 = tpu.sem_alloc : memref<!tpu.dma_semaphore, #tpu.memory_space<semaphore_mem>>
        %dma_start3A_79 = arith.constant 0 : i32
        %dma_start3A_80 = tpu.memref_slice %arg8[%add3A_77, %dma_start3A_79] : memref<40x128xi32, #tpu.memory_space<vmem>> -> memref<1x128xi32, #tpu.memory_space<vmem>>
        %dma_start3A_81 = tpu.memref_squeeze %dma_start3A_80 : memref<1x128xi32, #tpu.memory_space<vmem>> -> memref<128xi32, #tpu.memory_space<vmem>>
        %dma_start3A_82 = arith.constant 0 : i32
        %dma_start3A_83 = arith.constant 0 : i32
        %dma_start3A_84 = tpu.memref_slice %arg11[%dma_start3A_82, %dma_start3A_83] : memref<10112x128xf32, #tpu.memory_space<vmem_shared>> -> memref<10112x128xf32, #tpu.memory_space<vmem_shared>>
        tpu.enqueue_indirect_dma source(%arg10 : memref<128x128xf32, #tpu.memory_space<vmem>>) target(%dma_start3A_84 : memref<10112x128xf32, #tpu.memory_space<vmem_shared>>) offsets(%dma_start3A_81 : memref<128xi32, #tpu.memory_space<vmem>>) semaphore(%run_scoped3A_78 : memref<!tpu.dma_semaphore, #tpu.memory_space<semaphore_mem>>) {add = true}
        %dma_wait3A_85 = arith.constant 0 : i32
        %dma_wait3A_86 = tpu.memref_slice %arg8[%add3A_77, %dma_wait3A_85] : memref<40x128xi32, #tpu.memory_space<vmem>> -> memref<1x128xi32, #tpu.memory_space<vmem>>
        %dma_wait3A_87 = tpu.memref_squeeze %dma_wait3A_86 : memref<1x128xi32, #tpu.memory_space<vmem>> -> memref<128xi32, #tpu.memory_space<vmem>>
        %dma_wait3A_88 = arith.constant 0 : i32
        %dma_wait3A_89 = arith.constant 0 : i32
        %dma_wait3A_90 = tpu.memref_slice %arg11[%dma_wait3A_88, %dma_wait3A_89] : memref<10112x128xf32, #tpu.memory_space<vmem_shared>> -> memref<10112x128xf32, #tpu.memory_space<vmem_shared>>
        tpu.wait_indirect_dma semaphore(%run_scoped3A_78 : memref<!tpu.dma_semaphore, #tpu.memory_space<semaphore_mem>>) src(%arg10 : memref<128x128xf32, #tpu.memory_space<vmem>>) dst(%dma_wait3A_90 : memref<10112x128xf32, #tpu.memory_space<vmem_shared>>)
        tpu.yield
      }) : () -> ()
    }
    %run_scoped3A_25 = arith.constant 1 : i32
    "tpu.region"() ({
      %run_scoped3A_49 = tpu.sem_alloc : memref<!tpu.dma_semaphore, #tpu.memory_space<semaphore_mem>>
      %dma_start3A_50 = arith.constant 0 : i32
      %dma_start3A_51 = arith.constant 0 : i32
      %dma_start3A_52 = tpu.memref_slice %arg3[%add3A, %run_scoped3A_25, %dma_start3A_50, %dma_start3A_51] : memref<32x2x40x128xi32, #tpu.memory_space<hbm>> -> memref<1x1x40x128xi32, #tpu.memory_space<hbm>>
      %dma_start3A_53 = tpu.memref_squeeze %dma_start3A_52 : memref<1x1x40x128xi32, #tpu.memory_space<hbm>> -> memref<40x128xi32, #tpu.memory_space<hbm>>
      %dma_start3A_54 = arith.constant 0 : i32
      %dma_start3A_55 = arith.constant 0 : i32
      %dma_start3A_56 = tpu.memref_slice %arg3[%add3A, %run_scoped3A_25, %dma_start3A_54, %dma_start3A_55] : memref<32x2x40x128xi32, #tpu.memory_space<hbm>> -> memref<1x1x40x128xi32, #tpu.memory_space<hbm>>
      %dma_start3A_57 = tpu.memref_squeeze %dma_start3A_56 : memref<1x1x40x128xi32, #tpu.memory_space<hbm>> -> memref<40x128xi32, #tpu.memory_space<hbm>>
      tpu.enqueue_dma source(%dma_start3A_57 : memref<40x128xi32, #tpu.memory_space<hbm>>) target(%arg7 : memref<40x128xi32, #tpu.memory_space<vmem>>) target_semaphore(%run_scoped3A_49 : memref<!tpu.dma_semaphore, #tpu.memory_space<semaphore_mem>>)
      %dma_wait3A = arith.constant 0 : i32
      %dma_wait3A_58 = arith.constant 0 : i32
      %dma_wait3A_59 = tpu.memref_slice %arg3[%add3A, %run_scoped3A_25, %dma_wait3A, %dma_wait3A_58] : memref<32x2x40x128xi32, #tpu.memory_space<hbm>> -> memref<1x1x40x128xi32, #tpu.memory_space<hbm>>
      %dma_wait3A_60 = tpu.memref_squeeze %dma_wait3A_59 : memref<1x1x40x128xi32, #tpu.memory_space<hbm>> -> memref<40x128xi32, #tpu.memory_space<hbm>>
      %dma_wait3A_61 = arith.constant 0 : i32
      %dma_wait3A_62 = arith.constant 0 : i32
      %dma_wait3A_63 = tpu.memref_slice %arg3[%add3A, %run_scoped3A_25, %dma_wait3A_61, %dma_wait3A_62] : memref<32x2x40x128xi32, #tpu.memory_space<hbm>> -> memref<1x1x40x128xi32, #tpu.memory_space<hbm>>
      %dma_wait3A_64 = tpu.memref_squeeze %dma_wait3A_63 : memref<1x1x40x128xi32, #tpu.memory_space<hbm>> -> memref<40x128xi32, #tpu.memory_space<hbm>>
      tpu.wait_dma2 semaphore(%run_scoped3A_49 : memref<!tpu.dma_semaphore, #tpu.memory_space<semaphore_mem>>) src(%dma_wait3A_64 : memref<40x128xi32, #tpu.memory_space<hbm>>) dst(%arg7 : memref<40x128xi32, #tpu.memory_space<vmem>>)
      tpu.yield
    }) : () -> ()
    %run_scoped3A_26 = arith.constant 1 : i32
    "tpu.region"() ({
      %run_scoped3A_49 = tpu.sem_alloc : memref<!tpu.dma_semaphore, #tpu.memory_space<semaphore_mem>>
      %dma_start3A_50 = arith.constant 0 : i32
      %dma_start3A_51 = arith.constant 0 : i32
      %dma_start3A_52 = tpu.memref_slice %arg4[%add3A, %run_scoped3A_26, %dma_start3A_50, %dma_start3A_51] : memref<32x2x40x128xi32, #tpu.memory_space<hbm>> -> memref<1x1x40x128xi32, #tpu.memory_space<hbm>>
      %dma_start3A_53 = tpu.memref_squeeze %dma_start3A_52 : memref<1x1x40x128xi32, #tpu.memory_space<hbm>> -> memref<40x128xi32, #tpu.memory_space<hbm>>
      %dma_start3A_54 = arith.constant 0 : i32
      %dma_start3A_55 = arith.constant 0 : i32
      %dma_start3A_56 = tpu.memref_slice %arg4[%add3A, %run_scoped3A_26, %dma_start3A_54, %dma_start3A_55] : memref<32x2x40x128xi32, #tpu.memory_space<hbm>> -> memref<1x1x40x128xi32, #tpu.memory_space<hbm>>
      %dma_start3A_57 = tpu.memref_squeeze %dma_start3A_56 : memref<1x1x40x128xi32, #tpu.memory_space<hbm>> -> memref<40x128xi32, #tpu.memory_space<hbm>>
      tpu.enqueue_dma source(%dma_start3A_57 : memref<40x128xi32, #tpu.memory_space<hbm>>) target(%arg8 : memref<40x128xi32, #tpu.memory_space<vmem>>) target_semaphore(%run_scoped3A_49 : memref<!tpu.dma_semaphore, #tpu.memory_space<semaphore_mem>>)
      %dma_wait3A = arith.constant 0 : i32
      %dma_wait3A_58 = arith.constant 0 : i32
      %dma_wait3A_59 = tpu.memref_slice %arg4[%add3A, %run_scoped3A_26, %dma_wait3A, %dma_wait3A_58] : memref<32x2x40x128xi32, #tpu.memory_space<hbm>> -> memref<1x1x40x128xi32, #tpu.memory_space<hbm>>
      %dma_wait3A_60 = tpu.memref_squeeze %dma_wait3A_59 : memref<1x1x40x128xi32, #tpu.memory_space<hbm>> -> memref<40x128xi32, #tpu.memory_space<hbm>>
      %dma_wait3A_61 = arith.constant 0 : i32
      %dma_wait3A_62 = arith.constant 0 : i32
      %dma_wait3A_63 = tpu.memref_slice %arg4[%add3A, %run_scoped3A_26, %dma_wait3A_61, %dma_wait3A_62] : memref<32x2x40x128xi32, #tpu.memory_space<hbm>> -> memref<1x1x40x128xi32, #tpu.memory_space<hbm>>
      %dma_wait3A_64 = tpu.memref_squeeze %dma_wait3A_63 : memref<1x1x40x128xi32, #tpu.memory_space<hbm>> -> memref<40x128xi32, #tpu.memory_space<hbm>>
      tpu.wait_dma2 semaphore(%run_scoped3A_49 : memref<!tpu.dma_semaphore, #tpu.memory_space<semaphore_mem>>) src(%dma_wait3A_64 : memref<40x128xi32, #tpu.memory_space<hbm>>) dst(%arg8 : memref<40x128xi32, #tpu.memory_space<vmem>>)
      tpu.yield
    }) : () -> ()
    %dma_start3A_27 = arith.constant 0 : i32
    %dma_start3A_28 = arith.constant 0 : i32
    %dma_start3A_29 = tpu.memref_slice %arg7[%dma_start3A_27, %dma_start3A_28] : memref<40x128xi32, #tpu.memory_space<vmem>> -> memref<1x128xi32, #tpu.memory_space<vmem>>
    %dma_start3A_30 = tpu.memref_squeeze %dma_start3A_29 : memref<1x128xi32, #tpu.memory_space<vmem>> -> memref<128xi32, #tpu.memory_space<vmem>>
    %dma_start3A_31 = arith.constant 0 : i32
    %dma_start3A_32 = arith.constant 0 : i32
    %dma_start3A_33 = tpu.memref_slice %arg2[%dma_start3A_31, %dma_start3A_32] : memref<40000x128xf32, #tpu.memory_space<hbm>> -> memref<40000x128xf32, #tpu.memory_space<hbm>>
    tpu.enqueue_indirect_dma source(%dma_start3A_33 : memref<40000x128xf32, #tpu.memory_space<hbm>>) target(%arg9 : memref<128x128xf32, #tpu.memory_space<vmem>>) offsets(%dma_start3A_30 : memref<128xi32, #tpu.memory_space<vmem>>) semaphore(%arg12 : memref<!tpu.dma_semaphore, #tpu.memory_space<semaphore_mem>>)
    %while3A_34 = arith.constant 0 : i32
    %while3A_35 = arith.constant 0 : i32
    %while3A_36 = arith.subi %select_n3A, %while3A_35 : i32
    %while3A_37 = arith.addi %while3A_35, %while3A_36 : i32
    %while3A_38 = arith.constant 1 : i32
    %while3A_39 = arith.divsi %while3A_36, %while3A_38 : i32
    %while3A_40 = arith.muli %while3A_39, %while3A_38 : i32
    %while3A_41 = arith.addi %while3A_35, %while3A_40 : i32
    %while3A_42 = arith.constant 1 : i32
    scf.for %while3A_49 = %while3A_35 to %while3A_41 step %while3A_42  : i32 {
      %mul3A_50 = arith.constant 2 : i32
      %mul3A_51 = arith.muli %mul3A_50, %while3A_49 : i32
      %add3A_52 = arith.constant 1 : i32
      %add3A_53 = arith.addi %mul3A_51, %add3A_52 : i32
      %dma_start3A_54 = arith.constant 0 : i32
      %dma_start3A_55 = tpu.memref_slice %arg7[%add3A_53, %dma_start3A_54] : memref<40x128xi32, #tpu.memory_space<vmem>> -> memref<1x128xi32, #tpu.memory_space<vmem>>
      %dma_start3A_56 = tpu.memref_squeeze %dma_start3A_55 : memref<1x128xi32, #tpu.memory_space<vmem>> -> memref<128xi32, #tpu.memory_space<vmem>>
      %dma_start3A_57 = arith.constant 0 : i32
      %dma_start3A_58 = arith.constant 0 : i32
      %dma_start3A_59 = tpu.memref_slice %arg2[%dma_start3A_57, %dma_start3A_58] : memref<40000x128xf32, #tpu.memory_space<hbm>> -> memref<40000x128xf32, #tpu.memory_space<hbm>>
      tpu.enqueue_indirect_dma source(%dma_start3A_59 : memref<40000x128xf32, #tpu.memory_space<hbm>>) target(%arg10 : memref<128x128xf32, #tpu.memory_space<vmem>>) offsets(%dma_start3A_56 : memref<128xi32, #tpu.memory_space<vmem>>) semaphore(%arg13 : memref<!tpu.dma_semaphore, #tpu.memory_space<semaphore_mem>>)
      %dma_wait3A = arith.constant 0 : i32
      %dma_wait3A_60 = tpu.memref_slice %arg7[%mul3A_51, %dma_wait3A] : memref<40x128xi32, #tpu.memory_space<vmem>> -> memref<1x128xi32, #tpu.memory_space<vmem>>
      %dma_wait3A_61 = tpu.memref_squeeze %dma_wait3A_60 : memref<1x128xi32, #tpu.memory_space<vmem>> -> memref<128xi32, #tpu.memory_space<vmem>>
      %dma_wait3A_62 = arith.constant 0 : i32
      %dma_wait3A_63 = arith.constant 0 : i32
      %dma_wait3A_64 = tpu.memref_slice %arg2[%dma_wait3A_62, %dma_wait3A_63] : memref<40000x128xf32, #tpu.memory_space<hbm>> -> memref<40000x128xf32, #tpu.memory_space<hbm>>
      tpu.wait_indirect_dma semaphore(%arg12 : memref<!tpu.dma_semaphore, #tpu.memory_space<semaphore_mem>>) src(%dma_wait3A_64 : memref<40000x128xf32, #tpu.memory_space<hbm>>) dst(%arg9 : memref<128x128xf32, #tpu.memory_space<vmem>>)
      "tpu.region"() ({
        %run_scoped3A_78 = tpu.sem_alloc : memref<!tpu.dma_semaphore, #tpu.memory_space<semaphore_mem>>
        %dma_start3A_79 = arith.constant 0 : i32
        %dma_start3A_80 = tpu.memref_slice %arg8[%mul3A_51, %dma_start3A_79] : memref<40x128xi32, #tpu.memory_space<vmem>> -> memref<1x128xi32, #tpu.memory_space<vmem>>
        %dma_start3A_81 = tpu.memref_squeeze %dma_start3A_80 : memref<1x128xi32, #tpu.memory_space<vmem>> -> memref<128xi32, #tpu.memory_space<vmem>>
        %dma_start3A_82 = arith.constant 0 : i32
        %dma_start3A_83 = arith.constant 0 : i32
        %dma_start3A_84 = tpu.memref_slice %arg11[%dma_start3A_82, %dma_start3A_83] : memref<10112x128xf32, #tpu.memory_space<vmem_shared>> -> memref<10112x128xf32, #tpu.memory_space<vmem_shared>>
        tpu.enqueue_indirect_dma source(%arg9 : memref<128x128xf32, #tpu.memory_space<vmem>>) target(%dma_start3A_84 : memref<10112x128xf32, #tpu.memory_space<vmem_shared>>) offsets(%dma_start3A_81 : memref<128xi32, #tpu.memory_space<vmem>>) semaphore(%run_scoped3A_78 : memref<!tpu.dma_semaphore, #tpu.memory_space<semaphore_mem>>) {add = true}
        %dma_wait3A_85 = arith.constant 0 : i32
        %dma_wait3A_86 = tpu.memref_slice %arg8[%mul3A_51, %dma_wait3A_85] : memref<40x128xi32, #tpu.memory_space<vmem>> -> memref<1x128xi32, #tpu.memory_space<vmem>>
        %dma_wait3A_87 = tpu.memref_squeeze %dma_wait3A_86 : memref<1x128xi32, #tpu.memory_space<vmem>> -> memref<128xi32, #tpu.memory_space<vmem>>
        %dma_wait3A_88 = arith.constant 0 : i32
        %dma_wait3A_89 = arith.constant 0 : i32
        %dma_wait3A_90 = tpu.memref_slice %arg11[%dma_wait3A_88, %dma_wait3A_89] : memref<10112x128xf32, #tpu.memory_space<vmem_shared>> -> memref<10112x128xf32, #tpu.memory_space<vmem_shared>>
        tpu.wait_indirect_dma semaphore(%run_scoped3A_78 : memref<!tpu.dma_semaphore, #tpu.memory_space<semaphore_mem>>) src(%arg9 : memref<128x128xf32, #tpu.memory_space<vmem>>) dst(%dma_wait3A_90 : memref<10112x128xf32, #tpu.memory_space<vmem_shared>>)
        tpu.yield
      }) : () -> ()
      %add3A_65 = arith.constant 2 : i32
      %add3A_66 = arith.addi %mul3A_51, %add3A_65 : i32
      %lt3A = arith.cmpi slt, %add3A_66, %mul3A_4 : i32
      %convert_element_type3A = arith.extui %lt3A : i1 to i32
      %cond3A = arith.constant 0 : i32
      %cond3A_67 = arith.cmpi ne, %convert_element_type3A, %cond3A : i32
      scf.if %cond3A_67 {
        %add3A_78 = arith.constant 2 : i32
        %add3A_79 = arith.addi %mul3A_51, %add3A_78 : i32
        %dma_start3A_80 = arith.constant 0 : i32
        %dma_start3A_81 = tpu.memref_slice %arg7[%add3A_79, %dma_start3A_80] : memref<40x128xi32, #tpu.memory_space<vmem>> -> memref<1x128xi32, #tpu.memory_space<vmem>>
        %dma_start3A_82 = tpu.memref_squeeze %dma_start3A_81 : memref<1x128xi32, #tpu.memory_space<vmem>> -> memref<128xi32, #tpu.memory_space<vmem>>
        %dma_start3A_83 = arith.constant 0 : i32
        %dma_start3A_84 = arith.constant 0 : i32
        %dma_start3A_85 = tpu.memref_slice %arg2[%dma_start3A_83, %dma_start3A_84] : memref<40000x128xf32, #tpu.memory_space<hbm>> -> memref<40000x128xf32, #tpu.memory_space<hbm>>
        tpu.enqueue_indirect_dma source(%dma_start3A_85 : memref<40000x128xf32, #tpu.memory_space<hbm>>) target(%arg9 : memref<128x128xf32, #tpu.memory_space<vmem>>) offsets(%dma_start3A_82 : memref<128xi32, #tpu.memory_space<vmem>>) semaphore(%arg12 : memref<!tpu.dma_semaphore, #tpu.memory_space<semaphore_mem>>)
      } else {
      }
      %add3A_68 = arith.constant 1 : i32
      %add3A_69 = arith.addi %mul3A_51, %add3A_68 : i32
      %dma_wait3A_70 = arith.constant 0 : i32
      %dma_wait3A_71 = tpu.memref_slice %arg7[%add3A_69, %dma_wait3A_70] : memref<40x128xi32, #tpu.memory_space<vmem>> -> memref<1x128xi32, #tpu.memory_space<vmem>>
      %dma_wait3A_72 = tpu.memref_squeeze %dma_wait3A_71 : memref<1x128xi32, #tpu.memory_space<vmem>> -> memref<128xi32, #tpu.memory_space<vmem>>
      %dma_wait3A_73 = arith.constant 0 : i32
      %dma_wait3A_74 = arith.constant 0 : i32
      %dma_wait3A_75 = tpu.memref_slice %arg2[%dma_wait3A_73, %dma_wait3A_74] : memref<40000x128xf32, #tpu.memory_space<hbm>> -> memref<40000x128xf32, #tpu.memory_space<hbm>>
      tpu.wait_indirect_dma semaphore(%arg13 : memref<!tpu.dma_semaphore, #tpu.memory_space<semaphore_mem>>) src(%dma_wait3A_75 : memref<40000x128xf32, #tpu.memory_space<hbm>>) dst(%arg10 : memref<128x128xf32, #tpu.memory_space<vmem>>)
      %add3A_76 = arith.constant 1 : i32
      %add3A_77 = arith.addi %mul3A_51, %add3A_76 : i32
      "tpu.region"() ({
        %run_scoped3A_78 = tpu.sem_alloc : memref<!tpu.dma_semaphore, #tpu.memory_space<semaphore_mem>>
        %dma_start3A_79 = arith.constant 0 : i32
        %dma_start3A_80 = tpu.memref_slice %arg8[%add3A_77, %dma_start3A_79] : memref<40x128xi32, #tpu.memory_space<vmem>> -> memref<1x128xi32, #tpu.memory_space<vmem>>
        %dma_start3A_81 = tpu.memref_squeeze %dma_start3A_80 : memref<1x128xi32, #tpu.memory_space<vmem>> -> memref<128xi32, #tpu.memory_space<vmem>>
        %dma_start3A_82 = arith.constant 0 : i32
        %dma_start3A_83 = arith.constant 0 : i32
        %dma_start3A_84 = tpu.memref_slice %arg11[%dma_start3A_82, %dma_start3A_83] : memref<10112x128xf32, #tpu.memory_space<vmem_shared>> -> memref<10112x128xf32, #tpu.memory_space<vmem_shared>>
        tpu.enqueue_indirect_dma source(%arg10 : memref<128x128xf32, #tpu.memory_space<vmem>>) target(%dma_start3A_84 : memref<10112x128xf32, #tpu.memory_space<vmem_shared>>) offsets(%dma_start3A_81 : memref<128xi32, #tpu.memory_space<vmem>>) semaphore(%run_scoped3A_78 : memref<!tpu.dma_semaphore, #tpu.memory_space<semaphore_mem>>) {add = true}
        %dma_wait3A_85 = arith.constant 0 : i32
        %dma_wait3A_86 = tpu.memref_slice %arg8[%add3A_77, %dma_wait3A_85] : memref<40x128xi32, #tpu.memory_space<vmem>> -> memref<1x128xi32, #tpu.memory_space<vmem>>
        %dma_wait3A_87 = tpu.memref_squeeze %dma_wait3A_86 : memref<1x128xi32, #tpu.memory_space<vmem>> -> memref<128xi32, #tpu.memory_space<vmem>>
        %dma_wait3A_88 = arith.constant 0 : i32
        %dma_wait3A_89 = arith.constant 0 : i32
        %dma_wait3A_90 = tpu.memref_slice %arg11[%dma_wait3A_88, %dma_wait3A_89] : memref<10112x128xf32, #tpu.memory_space<vmem_shared>> -> memref<10112x128xf32, #tpu.memory_space<vmem_shared>>
        tpu.wait_indirect_dma semaphore(%run_scoped3A_78 : memref<!tpu.dma_semaphore, #tpu.memory_space<semaphore_mem>>) src(%arg10 : memref<128x128xf32, #tpu.memory_space<vmem>>) dst(%dma_wait3A_90 : memref<10112x128xf32, #tpu.memory_space<vmem_shared>>)
        tpu.yield
      }) : () -> ()
    }
    %while3A_43 = arith.constant 1 : i32
    scf.for %while3A_49 = %while3A_41 to %while3A_37 step %while3A_43  : i32 {
      %mul3A_50 = arith.constant 2 : i32
      %mul3A_51 = arith.muli %mul3A_50, %while3A_49 : i32
      %add3A_52 = arith.constant 1 : i32
      %add3A_53 = arith.addi %mul3A_51, %add3A_52 : i32
      %dma_start3A_54 = arith.constant 0 : i32
      %dma_start3A_55 = tpu.memref_slice %arg7[%add3A_53, %dma_start3A_54] : memref<40x128xi32, #tpu.memory_space<vmem>> -> memref<1x128xi32, #tpu.memory_space<vmem>>
      %dma_start3A_56 = tpu.memref_squeeze %dma_start3A_55 : memref<1x128xi32, #tpu.memory_space<vmem>> -> memref<128xi32, #tpu.memory_space<vmem>>
      %dma_start3A_57 = arith.constant 0 : i32
      %dma_start3A_58 = arith.constant 0 : i32
      %dma_start3A_59 = tpu.memref_slice %arg2[%dma_start3A_57, %dma_start3A_58] : memref<40000x128xf32, #tpu.memory_space<hbm>> -> memref<40000x128xf32, #tpu.memory_space<hbm>>
      tpu.enqueue_indirect_dma source(%dma_start3A_59 : memref<40000x128xf32, #tpu.memory_space<hbm>>) target(%arg10 : memref<128x128xf32, #tpu.memory_space<vmem>>) offsets(%dma_start3A_56 : memref<128xi32, #tpu.memory_space<vmem>>) semaphore(%arg13 : memref<!tpu.dma_semaphore, #tpu.memory_space<semaphore_mem>>)
      %dma_wait3A = arith.constant 0 : i32
      %dma_wait3A_60 = tpu.memref_slice %arg7[%mul3A_51, %dma_wait3A] : memref<40x128xi32, #tpu.memory_space<vmem>> -> memref<1x128xi32, #tpu.memory_space<vmem>>
      %dma_wait3A_61 = tpu.memref_squeeze %dma_wait3A_60 : memref<1x128xi32, #tpu.memory_space<vmem>> -> memref<128xi32, #tpu.memory_space<vmem>>
      %dma_wait3A_62 = arith.constant 0 : i32
      %dma_wait3A_63 = arith.constant 0 : i32
      %dma_wait3A_64 = tpu.memref_slice %arg2[%dma_wait3A_62, %dma_wait3A_63] : memref<40000x128xf32, #tpu.memory_space<hbm>> -> memref<40000x128xf32, #tpu.memory_space<hbm>>
      tpu.wait_indirect_dma semaphore(%arg12 : memref<!tpu.dma_semaphore, #tpu.memory_space<semaphore_mem>>) src(%dma_wait3A_64 : memref<40000x128xf32, #tpu.memory_space<hbm>>) dst(%arg9 : memref<128x128xf32, #tpu.memory_space<vmem>>)
      "tpu.region"() ({
        %run_scoped3A_78 = tpu.sem_alloc : memref<!tpu.dma_semaphore, #tpu.memory_space<semaphore_mem>>
        %dma_start3A_79 = arith.constant 0 : i32
        %dma_start3A_80 = tpu.memref_slice %arg8[%mul3A_51, %dma_start3A_79] : memref<40x128xi32, #tpu.memory_space<vmem>> -> memref<1x128xi32, #tpu.memory_space<vmem>>
        %dma_start3A_81 = tpu.memref_squeeze %dma_start3A_80 : memref<1x128xi32, #tpu.memory_space<vmem>> -> memref<128xi32, #tpu.memory_space<vmem>>
        %dma_start3A_82 = arith.constant 0 : i32
        %dma_start3A_83 = arith.constant 0 : i32
        %dma_start3A_84 = tpu.memref_slice %arg11[%dma_start3A_82, %dma_start3A_83] : memref<10112x128xf32, #tpu.memory_space<vmem_shared>> -> memref<10112x128xf32, #tpu.memory_space<vmem_shared>>
        tpu.enqueue_indirect_dma source(%arg9 : memref<128x128xf32, #tpu.memory_space<vmem>>) target(%dma_start3A_84 : memref<10112x128xf32, #tpu.memory_space<vmem_shared>>) offsets(%dma_start3A_81 : memref<128xi32, #tpu.memory_space<vmem>>) semaphore(%run_scoped3A_78 : memref<!tpu.dma_semaphore, #tpu.memory_space<semaphore_mem>>) {add = true}
        %dma_wait3A_85 = arith.constant 0 : i32
        %dma_wait3A_86 = tpu.memref_slice %arg8[%mul3A_51, %dma_wait3A_85] : memref<40x128xi32, #tpu.memory_space<vmem>> -> memref<1x128xi32, #tpu.memory_space<vmem>>
        %dma_wait3A_87 = tpu.memref_squeeze %dma_wait3A_86 : memref<1x128xi32, #tpu.memory_space<vmem>> -> memref<128xi32, #tpu.memory_space<vmem>>
        %dma_wait3A_88 = arith.constant 0 : i32
        %dma_wait3A_89 = arith.constant 0 : i32
        %dma_wait3A_90 = tpu.memref_slice %arg11[%dma_wait3A_88, %dma_wait3A_89] : memref<10112x128xf32, #tpu.memory_space<vmem_shared>> -> memref<10112x128xf32, #tpu.memory_space<vmem_shared>>
        tpu.wait_indirect_dma semaphore(%run_scoped3A_78 : memref<!tpu.dma_semaphore, #tpu.memory_space<semaphore_mem>>) src(%arg9 : memref<128x128xf32, #tpu.memory_space<vmem>>) dst(%dma_wait3A_90 : memref<10112x128xf32, #tpu.memory_space<vmem_shared>>)
        tpu.yield
      }) : () -> ()
      %add3A_65 = arith.constant 2 : i32
      %add3A_66 = arith.addi %mul3A_51, %add3A_65 : i32
      %lt3A = arith.cmpi slt, %add3A_66, %mul3A_4 : i32
      %convert_element_type3A = arith.extui %lt3A : i1 to i32
      %cond3A = arith.constant 0 : i32
      %cond3A_67 = arith.cmpi ne, %convert_element_type3A, %cond3A : i32
      scf.if %cond3A_67 {
        %add3A_78 = arith.constant 2 : i32
        %add3A_79 = arith.addi %mul3A_51, %add3A_78 : i32
        %dma_start3A_80 = arith.constant 0 : i32
        %dma_start3A_81 = tpu.memref_slice %arg7[%add3A_79, %dma_start3A_80] : memref<40x128xi32, #tpu.memory_space<vmem>> -> memref<1x128xi32, #tpu.memory_space<vmem>>
        %dma_start3A_82 = tpu.memref_squeeze %dma_start3A_81 : memref<1x128xi32, #tpu.memory_space<vmem>> -> memref<128xi32, #tpu.memory_space<vmem>>
        %dma_start3A_83 = arith.constant 0 : i32
        %dma_start3A_84 = arith.constant 0 : i32
        %dma_start3A_85 = tpu.memref_slice %arg2[%dma_start3A_83, %dma_start3A_84] : memref<40000x128xf32, #tpu.memory_space<hbm>> -> memref<40000x128xf32, #tpu.memory_space<hbm>>
        tpu.enqueue_indirect_dma source(%dma_start3A_85 : memref<40000x128xf32, #tpu.memory_space<hbm>>) target(%arg9 : memref<128x128xf32, #tpu.memory_space<vmem>>) offsets(%dma_start3A_82 : memref<128xi32, #tpu.memory_space<vmem>>) semaphore(%arg12 : memref<!tpu.dma_semaphore, #tpu.memory_space<semaphore_mem>>)
      } else {
      }
      %add3A_68 = arith.constant 1 : i32
      %add3A_69 = arith.addi %mul3A_51, %add3A_68 : i32
      %dma_wait3A_70 = arith.constant 0 : i32
      %dma_wait3A_71 = tpu.memref_slice %arg7[%add3A_69, %dma_wait3A_70] : memref<40x128xi32, #tpu.memory_space<vmem>> -> memref<1x128xi32, #tpu.memory_space<vmem>>
      %dma_wait3A_72 = tpu.memref_squeeze %dma_wait3A_71 : memref<1x128xi32, #tpu.memory_space<vmem>> -> memref<128xi32, #tpu.memory_space<vmem>>
      %dma_wait3A_73 = arith.constant 0 : i32
      %dma_wait3A_74 = arith.constant 0 : i32
      %dma_wait3A_75 = tpu.memref_slice %arg2[%dma_wait3A_73, %dma_wait3A_74] : memref<40000x128xf32, #tpu.memory_space<hbm>> -> memref<40000x128xf32, #tpu.memory_space<hbm>>
      tpu.wait_indirect_dma semaphore(%arg13 : memref<!tpu.dma_semaphore, #tpu.memory_space<semaphore_mem>>) src(%dma_wait3A_75 : memref<40000x128xf32, #tpu.memory_space<hbm>>) dst(%arg10 : memref<128x128xf32, #tpu.memory_space<vmem>>)
      %add3A_76 = arith.constant 1 : i32
      %add3A_77 = arith.addi %mul3A_51, %add3A_76 : i32
      "tpu.region"() ({
        %run_scoped3A_78 = tpu.sem_alloc : memref<!tpu.dma_semaphore, #tpu.memory_space<semaphore_mem>>
        %dma_start3A_79 = arith.constant 0 : i32
        %dma_start3A_80 = tpu.memref_slice %arg8[%add3A_77, %dma_start3A_79] : memref<40x128xi32, #tpu.memory_space<vmem>> -> memref<1x128xi32, #tpu.memory_space<vmem>>
        %dma_start3A_81 = tpu.memref_squeeze %dma_start3A_80 : memref<1x128xi32, #tpu.memory_space<vmem>> -> memref<128xi32, #tpu.memory_space<vmem>>
        %dma_start3A_82 = arith.constant 0 : i32
        %dma_start3A_83 = arith.constant 0 : i32
        %dma_start3A_84 = tpu.memref_slice %arg11[%dma_start3A_82, %dma_start3A_83] : memref<10112x128xf32, #tpu.memory_space<vmem_shared>> -> memref<10112x128xf32, #tpu.memory_space<vmem_shared>>
        tpu.enqueue_indirect_dma source(%arg10 : memref<128x128xf32, #tpu.memory_space<vmem>>) target(%dma_start3A_84 : memref<10112x128xf32, #tpu.memory_space<vmem_shared>>) offsets(%dma_start3A_81 : memref<128xi32, #tpu.memory_space<vmem>>) semaphore(%run_scoped3A_78 : memref<!tpu.dma_semaphore, #tpu.memory_space<semaphore_mem>>) {add = true}
        %dma_wait3A_85 = arith.constant 0 : i32
        %dma_wait3A_86 = tpu.memref_slice %arg8[%add3A_77, %dma_wait3A_85] : memref<40x128xi32, #tpu.memory_space<vmem>> -> memref<1x128xi32, #tpu.memory_space<vmem>>
        %dma_wait3A_87 = tpu.memref_squeeze %dma_wait3A_86 : memref<1x128xi32, #tpu.memory_space<vmem>> -> memref<128xi32, #tpu.memory_space<vmem>>
        %dma_wait3A_88 = arith.constant 0 : i32
        %dma_wait3A_89 = arith.constant 0 : i32
        %dma_wait3A_90 = tpu.memref_slice %arg11[%dma_wait3A_88, %dma_wait3A_89] : memref<10112x128xf32, #tpu.memory_space<vmem_shared>> -> memref<10112x128xf32, #tpu.memory_space<vmem_shared>>
        tpu.wait_indirect_dma semaphore(%run_scoped3A_78 : memref<!tpu.dma_semaphore, #tpu.memory_space<semaphore_mem>>) src(%arg10 : memref<128x128xf32, #tpu.memory_space<vmem>>) dst(%dma_wait3A_90 : memref<10112x128xf32, #tpu.memory_space<vmem_shared>>)
        tpu.yield
      }) : () -> ()
    }
    %barrier3A_44 = arith.constant 0 : index
    tpu.barrier barrier_id(%barrier3A_44)
    %mul3A_45 = arith.constant 632 : i32
    %mul3A_46 = arith.muli %arg1, %mul3A_45 : i32
    %mul3A_47 = arith.constant 632 : i32
    %mul3A_48 = arith.muli %arg1, %mul3A_47 : i32
    "tpu.region"() ({
      %run_scoped3A_49 = tpu.sem_alloc : memref<!tpu.dma_semaphore, #tpu.memory_space<semaphore_mem>>
      %dma_start3A_50 = arith.constant 0 : i32
      %dma_start3A_51 = tpu.memref_slice %arg6[%arg0, %mul3A_48, %dma_start3A_50] : memref<2x10112x128xf32, #tpu.memory_space<hbm>> -> memref<1x632x128xf32, #tpu.memory_space<hbm>>
      %dma_start3A_52 = tpu.memref_squeeze %dma_start3A_51 : memref<1x632x128xf32, #tpu.memory_space<hbm>> -> memref<632x128xf32, #tpu.memory_space<hbm>>
      %dma_start3A_53 = arith.constant 0 : i32
      %dma_start3A_54 = tpu.memref_slice %arg11[%mul3A_46, %dma_start3A_53] : memref<10112x128xf32, #tpu.memory_space<vmem_shared>> -> memref<632x128xf32, #tpu.memory_space<vmem_shared>>
      tpu.enqueue_dma source(%dma_start3A_54 : memref<632x128xf32, #tpu.memory_space<vmem_shared>>) target(%dma_start3A_52 : memref<632x128xf32, #tpu.memory_space<hbm>>) target_semaphore(%run_scoped3A_49 : memref<!tpu.dma_semaphore, #tpu.memory_space<semaphore_mem>>)
      %dma_wait3A = arith.constant 0 : i32
      %dma_wait3A_55 = tpu.memref_slice %arg6[%arg0, %mul3A_48, %dma_wait3A] : memref<2x10112x128xf32, #tpu.memory_space<hbm>> -> memref<1x632x128xf32, #tpu.memory_space<hbm>>
      %dma_wait3A_56 = tpu.memref_squeeze %dma_wait3A_55 : memref<1x632x128xf32, #tpu.memory_space<hbm>> -> memref<632x128xf32, #tpu.memory_space<hbm>>
      %dma_wait3A_57 = arith.constant 0 : i32
      %dma_wait3A_58 = tpu.memref_slice %arg11[%mul3A_46, %dma_wait3A_57] : memref<10112x128xf32, #tpu.memory_space<vmem_shared>> -> memref<632x128xf32, #tpu.memory_space<vmem_shared>>
      tpu.wait_dma2 semaphore(%run_scoped3A_49 : memref<!tpu.dma_semaphore, #tpu.memory_space<semaphore_mem>>) src(%dma_wait3A_58 : memref<632x128xf32, #tpu.memory_space<vmem_shared>>) dst(%dma_wait3A_56 : memref<632x128xf32, #tpu.memory_space<hbm>>)
      tpu.yield
    }) : () -> ()
    return
  }
}

#map = affine_map<(d0, d1) -> (0, 0)>
#map1 = affine_map<(d0, d1) -> (0, 0, 0, 0)>
#map2 = affine_map<(d0, d1) -> (0, 0, 0)>
module attributes {stable_mosaic.version = 14 : i64} {
  func.func @k(%arg0: i32, %arg1: i32, %arg2: memref<40000x128xf32, #tpu.memory_space<hbm>>, %arg3: memref<32x2x40x128xi32, #tpu.memory_space<hbm>>, %arg4: memref<32x2x40x128xi32, #tpu.memory_space<hbm>>, %arg5: memref<10112x128xf32, #tpu.memory_space<hbm>>, %arg6: memref<2x10112x128xf32, #tpu.memory_space<hbm>>, %arg7: memref<40x128xi32, #tpu.memory_space<vmem>>, %arg8: memref<40x128xi32, #tpu.memory_space<vmem>>, %arg9: memref<128x128xf32, #tpu.memory_space<vmem>>, %arg10: memref<128x128xf32, #tpu.memory_space<vmem>>, %arg11: memref<10112x128xf32, #tpu.memory_space<vmem_shared>>, %arg12: memref<!tpu.dma_semaphore, #tpu.memory_space<semaphore_mem>>, %arg13: memref<!tpu.dma_semaphore, #tpu.memory_space<semaphore_mem>>) attributes {dimension_semantics = [#tpu.dimension_semantics<core_parallel>, #tpu.dimension_semantics<subcore_parallel>], iteration_bounds = array<i64: 2, 16>, scalar_prefetch = 0 : i64, scratch_operands = 7 : i64, tpu.core_type = #tpu.core_type<sc_vector_subcore>, window_params = [{transform_indices = #map}, {transform_indices = #map1}, {transform_indices = #map1}, {transform_indices = #map}, {transform_indices = #map2}]} {
    %mul3A = arith.constant 16 : i32
    %mul3A_0 = arith.muli %arg0, %mul3A : i32
    %add3A = arith.addi %mul3A_0, %arg1 : i32
    %eq3A = arith.constant 0 : i32
    %eq3A_1 = arith.cmpi eq, %arg0, %eq3A : i32
    %jit3A = arith.constant 20 : i32
    %jit3A_2 = arith.constant 20 : i32
    %select_n3A = arith.select %eq3A_1, %jit3A, %jit3A_2 : i32
    %mul3A_3 = arith.constant 2 : i32
    %mul3A_4 = arith.muli %mul3A_3, %select_n3A : i32
    %mul3A_5 = arith.constant 632 : i32
    %mul3A_6 = arith.muli %arg1, %mul3A_5 : i32
    %mul3A_7 = arith.constant 632 : i32
    %mul3A_8 = arith.muli %arg1, %mul3A_7 : i32
    "tpu.region"() ({
      %run_scoped3A_49 = tpu.sem_alloc : memref<!tpu.dma_semaphore, #tpu.memory_space<semaphore_mem>>
      %dma_start3A_50 = arith.constant 0 : i32
      %dma_start3A_51 = tpu.memref_slice %arg11[%mul3A_8, %dma_start3A_50] : memref<10112x128xf32, #tpu.memory_space<vmem_shared>> -> memref<632x128xf32, #tpu.memory_space<vmem_shared>>
      %dma_start3A_52 = arith.constant 0 : i32
      %dma_start3A_53 = tpu.memref_slice %arg5[%mul3A_6, %dma_start3A_52] : memref<10112x128xf32, #tpu.memory_space<hbm>> -> memref<632x128xf32, #tpu.memory_space<hbm>>
      tpu.enqueue_dma source(%dma_start3A_53 : memref<632x128xf32, #tpu.memory_space<hbm>>) target(%dma_start3A_51 : memref<632x128xf32, #tpu.memory_space<vmem_shared>>) target_semaphore(%run_scoped3A_49 : memref<!tpu.dma_semaphore, #tpu.memory_space<semaphore_mem>>)
      %dma_wait3A = arith.constant 0 : i32
      %dma_wait3A_54 = tpu.memref_slice %arg11[%mul3A_8, %dma_wait3A] : memref<10112x128xf32, #tpu.memory_space<vmem_shared>> -> memref<632x128xf32, #tpu.memory_space<vmem_shared>>
      %dma_wait3A_55 = arith.constant 0 : i32
      %dma_wait3A_56 = tpu.memref_slice %arg5[%mul3A_6, %dma_wait3A_55] : memref<10112x128xf32, #tpu.memory_space<hbm>> -> memref<632x128xf32, #tpu.memory_space<hbm>>
      tpu.wait_dma2 semaphore(%run_scoped3A_49 : memref<!tpu.dma_semaphore, #tpu.memory_space<semaphore_mem>>) src(%dma_wait3A_56 : memref<632x128xf32, #tpu.memory_space<hbm>>) dst(%dma_wait3A_54 : memref<632x128xf32, #tpu.memory_space<vmem_shared>>)
      tpu.yield
    }) : () -> ()
    %barrier3A = arith.constant 0 : index
    tpu.barrier barrier_id(%barrier3A)
    %run_scoped3A = arith.constant 0 : i32
    "tpu.region"() ({
      %run_scoped3A_49 = tpu.sem_alloc : memref<!tpu.dma_semaphore, #tpu.memory_space<semaphore_mem>>
      %dma_start3A_50 = arith.constant 0 : i32
      %dma_start3A_51 = arith.constant 0 : i32
      %dma_start3A_52 = tpu.memref_slice %arg3[%add3A, %run_scoped3A, %dma_start3A_50, %dma_start3A_51] : memref<32x2x40x128xi32, #tpu.memory_space<hbm>> -> memref<1x1x40x128xi32, #tpu.memory_space<hbm>>
      %dma_start3A_53 = tpu.memref_squeeze %dma_start3A_52 : memref<1x1x40x128xi32, #tpu.memory_space<hbm>> -> memref<40x128xi32, #tpu.memory_space<hbm>>
      %dma_start3A_54 = arith.constant 0 : i32
      %dma_start3A_55 = arith.constant 0 : i32
      %dma_start3A_56 = tpu.memref_slice %arg3[%add3A, %run_scoped3A, %dma_start3A_54, %dma_start3A_55] : memref<32x2x40x128xi32, #tpu.memory_space<hbm>> -> memref<1x1x40x128xi32, #tpu.memory_space<hbm>>
      %dma_start3A_57 = tpu.memref_squeeze %dma_start3A_56 : memref<1x1x40x128xi32, #tpu.memory_space<hbm>> -> memref<40x128xi32, #tpu.memory_space<hbm>>
      tpu.enqueue_dma source(%dma_start3A_57 : memref<40x128xi32, #tpu.memory_space<hbm>>) target(%arg7 : memref<40x128xi32, #tpu.memory_space<vmem>>) target_semaphore(%run_scoped3A_49 : memref<!tpu.dma_semaphore, #tpu.memory_space<semaphore_mem>>)
      %dma_wait3A = arith.constant 0 : i32
      %dma_wait3A_58 = arith.constant 0 : i32
      %dma_wait3A_59 = tpu.memref_slice %arg3[%add3A, %run_scoped3A, %dma_wait3A, %dma_wait3A_58] : memref<32x2x40x128xi32, #tpu.memory_space<hbm>> -> memref<1x1x40x128xi32, #tpu.memory_space<hbm>>
      %dma_wait3A_60 = tpu.memref_squeeze %dma_wait3A_59 : memref<1x1x40x128xi32, #tpu.memory_space<hbm>> -> memref<40x128xi32, #tpu.memory_space<hbm>>
      %dma_wait3A_61 = arith.constant 0 : i32
      %dma_wait3A_62 = arith.constant 0 : i32
      %dma_wait3A_63 = tpu.memref_slice %arg3[%add3A, %run_scoped3A, %dma_wait3A_61, %dma_wait3A_62] : memref<32x2x40x128xi32, #tpu.memory_space<hbm>> -> memref<1x1x40x128xi32, #tpu.memory_space<hbm>>
      %dma_wait3A_64 = tpu.memref_squeeze %dma_wait3A_63 : memref<1x1x40x128xi32, #tpu.memory_space<hbm>> -> memref<40x128xi32, #tpu.memory_space<hbm>>
      tpu.wait_dma2 semaphore(%run_scoped3A_49 : memref<!tpu.dma_semaphore, #tpu.memory_space<semaphore_mem>>) src(%dma_wait3A_64 : memref<40x128xi32, #tpu.memory_space<hbm>>) dst(%arg7 : memref<40x128xi32, #tpu.memory_space<vmem>>)
      tpu.yield
    }) : () -> ()
    %run_scoped3A_9 = arith.constant 0 : i32
    "tpu.region"() ({
      %run_scoped3A_49 = tpu.sem_alloc : memref<!tpu.dma_semaphore, #tpu.memory_space<semaphore_mem>>
      %dma_start3A_50 = arith.constant 0 : i32
      %dma_start3A_51 = arith.constant 0 : i32
      %dma_start3A_52 = tpu.memref_slice %arg4[%add3A, %run_scoped3A_9, %dma_start3A_50, %dma_start3A_51] : memref<32x2x40x128xi32, #tpu.memory_space<hbm>> -> memref<1x1x40x128xi32, #tpu.memory_space<hbm>>
      %dma_start3A_53 = tpu.memref_squeeze %dma_start3A_52 : memref<1x1x40x128xi32, #tpu.memory_space<hbm>> -> memref<40x128xi32, #tpu.memory_space<hbm>>
      %dma_start3A_54 = arith.constant 0 : i32
      %dma_start3A_55 = arith.constant 0 : i32
      %dma_start3A_56 = tpu.memref_slice %arg4[%add3A, %run_scoped3A_9, %dma_start3A_54, %dma_start3A_55] : memref<32x2x40x128xi32, #tpu.memory_space<hbm>> -> memref<1x1x40x128xi32, #tpu.memory_space<hbm>>
      %dma_start3A_57 = tpu.memref_squeeze %dma_start3A_56 : memref<1x1x40x128xi32, #tpu.memory_space<hbm>> -> memref<40x128xi32, #tpu.memory_space<hbm>>
      tpu.enqueue_dma source(%dma_start3A_57 : memref<40x128xi32, #tpu.memory_space<hbm>>) target(%arg8 : memref<40x128xi32, #tpu.memory_space<vmem>>) target_semaphore(%run_scoped3A_49 : memref<!tpu.dma_semaphore, #tpu.memory_space<semaphore_mem>>)
      %dma_wait3A = arith.constant 0 : i32
      %dma_wait3A_58 = arith.constant 0 : i32
      %dma_wait3A_59 = tpu.memref_slice %arg4[%add3A, %run_scoped3A_9, %dma_wait3A, %dma_wait3A_58] : memref<32x2x40x128xi32, #tpu.memory_space<hbm>> -> memref<1x1x40x128xi32, #tpu.memory_space<hbm>>
      %dma_wait3A_60 = tpu.memref_squeeze %dma_wait3A_59 : memref<1x1x40x128xi32, #tpu.memory_space<hbm>> -> memref<40x128xi32, #tpu.memory_space<hbm>>
      %dma_wait3A_61 = arith.constant 0 : i32
      %dma_wait3A_62 = arith.constant 0 : i32
      %dma_wait3A_63 = tpu.memref_slice %arg4[%add3A, %run_scoped3A_9, %dma_wait3A_61, %dma_wait3A_62] : memref<32x2x40x128xi32, #tpu.memory_space<hbm>> -> memref<1x1x40x128xi32, #tpu.memory_space<hbm>>
      %dma_wait3A_64 = tpu.memref_squeeze %dma_wait3A_63 : memref<1x1x40x128xi32, #tpu.memory_space<hbm>> -> memref<40x128xi32, #tpu.memory_space<hbm>>
      tpu.wait_dma2 semaphore(%run_scoped3A_49 : memref<!tpu.dma_semaphore, #tpu.memory_space<semaphore_mem>>) src(%dma_wait3A_64 : memref<40x128xi32, #tpu.memory_space<hbm>>) dst(%arg8 : memref<40x128xi32, #tpu.memory_space<vmem>>)
      tpu.yield
    }) : () -> ()
    %dma_start3A = arith.constant 0 : i32
    %dma_start3A_10 = arith.constant 0 : i32
    %dma_start3A_11 = tpu.memref_slice %arg7[%dma_start3A, %dma_start3A_10] : memref<40x128xi32, #tpu.memory_space<vmem>> -> memref<1x128xi32, #tpu.memory_space<vmem>>
    %dma_start3A_12 = tpu.memref_squeeze %dma_start3A_11 : memref<1x128xi32, #tpu.memory_space<vmem>> -> memref<128xi32, #tpu.memory_space<vmem>>
    %dma_start3A_13 = arith.constant 0 : i32
    %dma_start3A_14 = arith.constant 0 : i32
    %dma_start3A_15 = tpu.memref_slice %arg2[%dma_start3A_13, %dma_start3A_14] : memref<40000x128xf32, #tpu.memory_space<hbm>> -> memref<40000x128xf32, #tpu.memory_space<hbm>>
    tpu.enqueue_indirect_dma source(%dma_start3A_15 : memref<40000x128xf32, #tpu.memory_space<hbm>>) target(%arg9 : memref<128x128xf32, #tpu.memory_space<vmem>>) offsets(%dma_start3A_12 : memref<128xi32, #tpu.memory_space<vmem>>) semaphore(%arg12 : memref<!tpu.dma_semaphore, #tpu.memory_space<semaphore_mem>>)
    %while3A = arith.constant 0 : i32
    %while3A_16 = arith.constant 0 : i32
    %while3A_17 = arith.subi %select_n3A, %while3A_16 : i32
    %while3A_18 = arith.addi %while3A_16, %while3A_17 : i32
    %while3A_19 = arith.constant 1 : i32
    %while3A_20 = arith.divsi %while3A_17, %while3A_19 : i32
    %while3A_21 = arith.muli %while3A_20, %while3A_19 : i32
    %while3A_22 = arith.addi %while3A_16, %while3A_21 : i32
    %while3A_23 = arith.constant 1 : i32
    scf.for %while3A_49 = %while3A_16 to %while3A_22 step %while3A_23  : i32 {
      %mul3A_50 = arith.constant 2 : i32
      %mul3A_51 = arith.muli %mul3A_50, %while3A_49 : i32
      %add3A_52 = arith.constant 1 : i32
      %add3A_53 = arith.addi %mul3A_51, %add3A_52 : i32
      %dma_start3A_54 = arith.constant 0 : i32
      %dma_start3A_55 = tpu.memref_slice %arg7[%add3A_53, %dma_start3A_54] : memref<40x128xi32, #tpu.memory_space<vmem>> -> memref<1x128xi32, #tpu.memory_space<vmem>>
      %dma_start3A_56 = tpu.memref_squeeze %dma_start3A_55 : memref<1x128xi32, #tpu.memory_space<vmem>> -> memref<128xi32, #tpu.memory_space<vmem>>
      %dma_start3A_57 = arith.constant 0 : i32
      %dma_start3A_58 = arith.constant 0 : i32
      %dma_start3A_59 = tpu.memref_slice %arg2[%dma_start3A_57, %dma_start3A_58] : memref<40000x128xf32, #tpu.memory_space<hbm>> -> memref<40000x128xf32, #tpu.memory_space<hbm>>
      tpu.enqueue_indirect_dma source(%dma_start3A_59 : memref<40000x128xf32, #tpu.memory_space<hbm>>) target(%arg10 : memref<128x128xf32, #tpu.memory_space<vmem>>) offsets(%dma_start3A_56 : memref<128xi32, #tpu.memory_space<vmem>>) semaphore(%arg13 : memref<!tpu.dma_semaphore, #tpu.memory_space<semaphore_mem>>)
      %dma_wait3A = arith.constant 0 : i32
      %dma_wait3A_60 = tpu.memref_slice %arg7[%mul3A_51, %dma_wait3A] : memref<40x128xi32, #tpu.memory_space<vmem>> -> memref<1x128xi32, #tpu.memory_space<vmem>>
      %dma_wait3A_61 = tpu.memref_squeeze %dma_wait3A_60 : memref<1x128xi32, #tpu.memory_space<vmem>> -> memref<128xi32, #tpu.memory_space<vmem>>
      %dma_wait3A_62 = arith.constant 0 : i32
      %dma_wait3A_63 = arith.constant 0 : i32
      %dma_wait3A_64 = tpu.memref_slice %arg2[%dma_wait3A_62, %dma_wait3A_63] : memref<40000x128xf32, #tpu.memory_space<hbm>> -> memref<40000x128xf32, #tpu.memory_space<hbm>>
      tpu.wait_indirect_dma semaphore(%arg12 : memref<!tpu.dma_semaphore, #tpu.memory_space<semaphore_mem>>) src(%dma_wait3A_64 : memref<40000x128xf32, #tpu.memory_space<hbm>>) dst(%arg9 : memref<128x128xf32, #tpu.memory_space<vmem>>)
      "tpu.region"() ({
        %run_scoped3A_78 = tpu.sem_alloc : memref<!tpu.dma_semaphore, #tpu.memory_space<semaphore_mem>>
        %dma_start3A_79 = arith.constant 0 : i32
        %dma_start3A_80 = tpu.memref_slice %arg8[%mul3A_51, %dma_start3A_79] : memref<40x128xi32, #tpu.memory_space<vmem>> -> memref<1x128xi32, #tpu.memory_space<vmem>>
        %dma_start3A_81 = tpu.memref_squeeze %dma_start3A_80 : memref<1x128xi32, #tpu.memory_space<vmem>> -> memref<128xi32, #tpu.memory_space<vmem>>
        %dma_start3A_82 = arith.constant 0 : i32
        %dma_start3A_83 = arith.constant 0 : i32
        %dma_start3A_84 = tpu.memref_slice %arg11[%dma_start3A_82, %dma_start3A_83] : memref<10112x128xf32, #tpu.memory_space<vmem_shared>> -> memref<10112x128xf32, #tpu.memory_space<vmem_shared>>
        tpu.enqueue_indirect_dma source(%arg9 : memref<128x128xf32, #tpu.memory_space<vmem>>) target(%dma_start3A_84 : memref<10112x128xf32, #tpu.memory_space<vmem_shared>>) offsets(%dma_start3A_81 : memref<128xi32, #tpu.memory_space<vmem>>) semaphore(%run_scoped3A_78 : memref<!tpu.dma_semaphore, #tpu.memory_space<semaphore_mem>>) {add = true}
        %dma_wait3A_85 = arith.constant 0 : i32
        %dma_wait3A_86 = tpu.memref_slice %arg8[%mul3A_51, %dma_wait3A_85] : memref<40x128xi32, #tpu.memory_space<vmem>> -> memref<1x128xi32, #tpu.memory_space<vmem>>
        %dma_wait3A_87 = tpu.memref_squeeze %dma_wait3A_86 : memref<1x128xi32, #tpu.memory_space<vmem>> -> memref<128xi32, #tpu.memory_space<vmem>>
        %dma_wait3A_88 = arith.constant 0 : i32
        %dma_wait3A_89 = arith.constant 0 : i32
        %dma_wait3A_90 = tpu.memref_slice %arg11[%dma_wait3A_88, %dma_wait3A_89] : memref<10112x128xf32, #tpu.memory_space<vmem_shared>> -> memref<10112x128xf32, #tpu.memory_space<vmem_shared>>
        tpu.wait_indirect_dma semaphore(%run_scoped3A_78 : memref<!tpu.dma_semaphore, #tpu.memory_space<semaphore_mem>>) src(%arg9 : memref<128x128xf32, #tpu.memory_space<vmem>>) dst(%dma_wait3A_90 : memref<10112x128xf32, #tpu.memory_space<vmem_shared>>)
        tpu.yield
      }) : () -> ()
      %add3A_65 = arith.constant 2 : i32
      %add3A_66 = arith.addi %mul3A_51, %add3A_65 : i32
      %lt3A = arith.cmpi slt, %add3A_66, %mul3A_4 : i32
      %convert_element_type3A = arith.extui %lt3A : i1 to i32
      %cond3A = arith.constant 0 : i32
      %cond3A_67 = arith.cmpi ne, %convert_element_type3A, %cond3A : i32
      scf.if %cond3A_67 {
        %add3A_78 = arith.constant 2 : i32
        %add3A_79 = arith.addi %mul3A_51, %add3A_78 : i32
        %dma_start3A_80 = arith.constant 0 : i32
        %dma_start3A_81 = tpu.memref_slice %arg7[%add3A_79, %dma_start3A_80] : memref<40x128xi32, #tpu.memory_space<vmem>> -> memref<1x128xi32, #tpu.memory_space<vmem>>
        %dma_start3A_82 = tpu.memref_squeeze %dma_start3A_81 : memref<1x128xi32, #tpu.memory_space<vmem>> -> memref<128xi32, #tpu.memory_space<vmem>>
        %dma_start3A_83 = arith.constant 0 : i32
        %dma_start3A_84 = arith.constant 0 : i32
        %dma_start3A_85 = tpu.memref_slice %arg2[%dma_start3A_83, %dma_start3A_84] : memref<40000x128xf32, #tpu.memory_space<hbm>> -> memref<40000x128xf32, #tpu.memory_space<hbm>>
        tpu.enqueue_indirect_dma source(%dma_start3A_85 : memref<40000x128xf32, #tpu.memory_space<hbm>>) target(%arg9 : memref<128x128xf32, #tpu.memory_space<vmem>>) offsets(%dma_start3A_82 : memref<128xi32, #tpu.memory_space<vmem>>) semaphore(%arg12 : memref<!tpu.dma_semaphore, #tpu.memory_space<semaphore_mem>>)
      } else {
      }
      %add3A_68 = arith.constant 1 : i32
      %add3A_69 = arith.addi %mul3A_51, %add3A_68 : i32
      %dma_wait3A_70 = arith.constant 0 : i32
      %dma_wait3A_71 = tpu.memref_slice %arg7[%add3A_69, %dma_wait3A_70] : memref<40x128xi32, #tpu.memory_space<vmem>> -> memref<1x128xi32, #tpu.memory_space<vmem>>
      %dma_wait3A_72 = tpu.memref_squeeze %dma_wait3A_71 : memref<1x128xi32, #tpu.memory_space<vmem>> -> memref<128xi32, #tpu.memory_space<vmem>>
      %dma_wait3A_73 = arith.constant 0 : i32
      %dma_wait3A_74 = arith.constant 0 : i32
      %dma_wait3A_75 = tpu.memref_slice %arg2[%dma_wait3A_73, %dma_wait3A_74] : memref<40000x128xf32, #tpu.memory_space<hbm>> -> memref<40000x128xf32, #tpu.memory_space<hbm>>
      tpu.wait_indirect_dma semaphore(%arg13 : memref<!tpu.dma_semaphore, #tpu.memory_space<semaphore_mem>>) src(%dma_wait3A_75 : memref<40000x128xf32, #tpu.memory_space<hbm>>) dst(%arg10 : memref<128x128xf32, #tpu.memory_space<vmem>>)
      %add3A_76 = arith.constant 1 : i32
      %add3A_77 = arith.addi %mul3A_51, %add3A_76 : i32
      "tpu.region"() ({
        %run_scoped3A_78 = tpu.sem_alloc : memref<!tpu.dma_semaphore, #tpu.memory_space<semaphore_mem>>
        %dma_start3A_79 = arith.constant 0 : i32
        %dma_start3A_80 = tpu.memref_slice %arg8[%add3A_77, %dma_start3A_79] : memref<40x128xi32, #tpu.memory_space<vmem>> -> memref<1x128xi32, #tpu.memory_space<vmem>>
        %dma_start3A_81 = tpu.memref_squeeze %dma_start3A_80 : memref<1x128xi32, #tpu.memory_space<vmem>> -> memref<128xi32, #tpu.memory_space<vmem>>
        %dma_start3A_82 = arith.constant 0 : i32
        %dma_start3A_83 = arith.constant 0 : i32
        %dma_start3A_84 = tpu.memref_slice %arg11[%dma_start3A_82, %dma_start3A_83] : memref<10112x128xf32, #tpu.memory_space<vmem_shared>> -> memref<10112x128xf32, #tpu.memory_space<vmem_shared>>
        tpu.enqueue_indirect_dma source(%arg10 : memref<128x128xf32, #tpu.memory_space<vmem>>) target(%dma_start3A_84 : memref<10112x128xf32, #tpu.memory_space<vmem_shared>>) offsets(%dma_start3A_81 : memref<128xi32, #tpu.memory_space<vmem>>) semaphore(%run_scoped3A_78 : memref<!tpu.dma_semaphore, #tpu.memory_space<semaphore_mem>>) {add = true}
        %dma_wait3A_85 = arith.constant 0 : i32
        %dma_wait3A_86 = tpu.memref_slice %arg8[%add3A_77, %dma_wait3A_85] : memref<40x128xi32, #tpu.memory_space<vmem>> -> memref<1x128xi32, #tpu.memory_space<vmem>>
        %dma_wait3A_87 = tpu.memref_squeeze %dma_wait3A_86 : memref<1x128xi32, #tpu.memory_space<vmem>> -> memref<128xi32, #tpu.memory_space<vmem>>
        %dma_wait3A_88 = arith.constant 0 : i32
        %dma_wait3A_89 = arith.constant 0 : i32
        %dma_wait3A_90 = tpu.memref_slice %arg11[%dma_wait3A_88, %dma_wait3A_89] : memref<10112x128xf32, #tpu.memory_space<vmem_shared>> -> memref<10112x128xf32, #tpu.memory_space<vmem_shared>>
        tpu.wait_indirect_dma semaphore(%run_scoped3A_78 : memref<!tpu.dma_semaphore, #tpu.memory_space<semaphore_mem>>) src(%arg10 : memref<128x128xf32, #tpu.memory_space<vmem>>) dst(%dma_wait3A_90 : memref<10112x128xf32, #tpu.memory_space<vmem_shared>>)
        tpu.yield
      }) : () -> ()
    }
    %while3A_24 = arith.constant 1 : i32
    scf.for %while3A_49 = %while3A_22 to %while3A_18 step %while3A_24  : i32 {
      %mul3A_50 = arith.constant 2 : i32
      %mul3A_51 = arith.muli %mul3A_50, %while3A_49 : i32
      %add3A_52 = arith.constant 1 : i32
      %add3A_53 = arith.addi %mul3A_51, %add3A_52 : i32
      %dma_start3A_54 = arith.constant 0 : i32
      %dma_start3A_55 = tpu.memref_slice %arg7[%add3A_53, %dma_start3A_54] : memref<40x128xi32, #tpu.memory_space<vmem>> -> memref<1x128xi32, #tpu.memory_space<vmem>>
      %dma_start3A_56 = tpu.memref_squeeze %dma_start3A_55 : memref<1x128xi32, #tpu.memory_space<vmem>> -> memref<128xi32, #tpu.memory_space<vmem>>
      %dma_start3A_57 = arith.constant 0 : i32
      %dma_start3A_58 = arith.constant 0 : i32
      %dma_start3A_59 = tpu.memref_slice %arg2[%dma_start3A_57, %dma_start3A_58] : memref<40000x128xf32, #tpu.memory_space<hbm>> -> memref<40000x128xf32, #tpu.memory_space<hbm>>
      tpu.enqueue_indirect_dma source(%dma_start3A_59 : memref<40000x128xf32, #tpu.memory_space<hbm>>) target(%arg10 : memref<128x128xf32, #tpu.memory_space<vmem>>) offsets(%dma_start3A_56 : memref<128xi32, #tpu.memory_space<vmem>>) semaphore(%arg13 : memref<!tpu.dma_semaphore, #tpu.memory_space<semaphore_mem>>)
      %dma_wait3A = arith.constant 0 : i32
      %dma_wait3A_60 = tpu.memref_slice %arg7[%mul3A_51, %dma_wait3A] : memref<40x128xi32, #tpu.memory_space<vmem>> -> memref<1x128xi32, #tpu.memory_space<vmem>>
      %dma_wait3A_61 = tpu.memref_squeeze %dma_wait3A_60 : memref<1x128xi32, #tpu.memory_space<vmem>> -> memref<128xi32, #tpu.memory_space<vmem>>
      %dma_wait3A_62 = arith.constant 0 : i32
      %dma_wait3A_63 = arith.constant 0 : i32
      %dma_wait3A_64 = tpu.memref_slice %arg2[%dma_wait3A_62, %dma_wait3A_63] : memref<40000x128xf32, #tpu.memory_space<hbm>> -> memref<40000x128xf32, #tpu.memory_space<hbm>>
      tpu.wait_indirect_dma semaphore(%arg12 : memref<!tpu.dma_semaphore, #tpu.memory_space<semaphore_mem>>) src(%dma_wait3A_64 : memref<40000x128xf32, #tpu.memory_space<hbm>>) dst(%arg9 : memref<128x128xf32, #tpu.memory_space<vmem>>)
      "tpu.region"() ({
        %run_scoped3A_78 = tpu.sem_alloc : memref<!tpu.dma_semaphore, #tpu.memory_space<semaphore_mem>>
        %dma_start3A_79 = arith.constant 0 : i32
        %dma_start3A_80 = tpu.memref_slice %arg8[%mul3A_51, %dma_start3A_79] : memref<40x128xi32, #tpu.memory_space<vmem>> -> memref<1x128xi32, #tpu.memory_space<vmem>>
        %dma_start3A_81 = tpu.memref_squeeze %dma_start3A_80 : memref<1x128xi32, #tpu.memory_space<vmem>> -> memref<128xi32, #tpu.memory_space<vmem>>
        %dma_start3A_82 = arith.constant 0 : i32
        %dma_start3A_83 = arith.constant 0 : i32
        %dma_start3A_84 = tpu.memref_slice %arg11[%dma_start3A_82, %dma_start3A_83] : memref<10112x128xf32, #tpu.memory_space<vmem_shared>> -> memref<10112x128xf32, #tpu.memory_space<vmem_shared>>
        tpu.enqueue_indirect_dma source(%arg9 : memref<128x128xf32, #tpu.memory_space<vmem>>) target(%dma_start3A_84 : memref<10112x128xf32, #tpu.memory_space<vmem_shared>>) offsets(%dma_start3A_81 : memref<128xi32, #tpu.memory_space<vmem>>) semaphore(%run_scoped3A_78 : memref<!tpu.dma_semaphore, #tpu.memory_space<semaphore_mem>>) {add = true}
        %dma_wait3A_85 = arith.constant 0 : i32
        %dma_wait3A_86 = tpu.memref_slice %arg8[%mul3A_51, %dma_wait3A_85] : memref<40x128xi32, #tpu.memory_space<vmem>> -> memref<1x128xi32, #tpu.memory_space<vmem>>
        %dma_wait3A_87 = tpu.memref_squeeze %dma_wait3A_86 : memref<1x128xi32, #tpu.memory_space<vmem>> -> memref<128xi32, #tpu.memory_space<vmem>>
        %dma_wait3A_88 = arith.constant 0 : i32
        %dma_wait3A_89 = arith.constant 0 : i32
        %dma_wait3A_90 = tpu.memref_slice %arg11[%dma_wait3A_88, %dma_wait3A_89] : memref<10112x128xf32, #tpu.memory_space<vmem_shared>> -> memref<10112x128xf32, #tpu.memory_space<vmem_shared>>
        tpu.wait_indirect_dma semaphore(%run_scoped3A_78 : memref<!tpu.dma_semaphore, #tpu.memory_space<semaphore_mem>>) src(%arg9 : memref<128x128xf32, #tpu.memory_space<vmem>>) dst(%dma_wait3A_90 : memref<10112x128xf32, #tpu.memory_space<vmem_shared>>)
        tpu.yield
      }) : () -> ()
      %add3A_65 = arith.constant 2 : i32
      %add3A_66 = arith.addi %mul3A_51, %add3A_65 : i32
      %lt3A = arith.cmpi slt, %add3A_66, %mul3A_4 : i32
      %convert_element_type3A = arith.extui %lt3A : i1 to i32
      %cond3A = arith.constant 0 : i32
      %cond3A_67 = arith.cmpi ne, %convert_element_type3A, %cond3A : i32
      scf.if %cond3A_67 {
        %add3A_78 = arith.constant 2 : i32
        %add3A_79 = arith.addi %mul3A_51, %add3A_78 : i32
        %dma_start3A_80 = arith.constant 0 : i32
        %dma_start3A_81 = tpu.memref_slice %arg7[%add3A_79, %dma_start3A_80] : memref<40x128xi32, #tpu.memory_space<vmem>> -> memref<1x128xi32, #tpu.memory_space<vmem>>
        %dma_start3A_82 = tpu.memref_squeeze %dma_start3A_81 : memref<1x128xi32, #tpu.memory_space<vmem>> -> memref<128xi32, #tpu.memory_space<vmem>>
        %dma_start3A_83 = arith.constant 0 : i32
        %dma_start3A_84 = arith.constant 0 : i32
        %dma_start3A_85 = tpu.memref_slice %arg2[%dma_start3A_83, %dma_start3A_84] : memref<40000x128xf32, #tpu.memory_space<hbm>> -> memref<40000x128xf32, #tpu.memory_space<hbm>>
        tpu.enqueue_indirect_dma source(%dma_start3A_85 : memref<40000x128xf32, #tpu.memory_space<hbm>>) target(%arg9 : memref<128x128xf32, #tpu.memory_space<vmem>>) offsets(%dma_start3A_82 : memref<128xi32, #tpu.memory_space<vmem>>) semaphore(%arg12 : memref<!tpu.dma_semaphore, #tpu.memory_space<semaphore_mem>>)
      } else {
      }
      %add3A_68 = arith.constant 1 : i32
      %add3A_69 = arith.addi %mul3A_51, %add3A_68 : i32
      %dma_wait3A_70 = arith.constant 0 : i32
      %dma_wait3A_71 = tpu.memref_slice %arg7[%add3A_69, %dma_wait3A_70] : memref<40x128xi32, #tpu.memory_space<vmem>> -> memref<1x128xi32, #tpu.memory_space<vmem>>
      %dma_wait3A_72 = tpu.memref_squeeze %dma_wait3A_71 : memref<1x128xi32, #tpu.memory_space<vmem>> -> memref<128xi32, #tpu.memory_space<vmem>>
      %dma_wait3A_73 = arith.constant 0 : i32
      %dma_wait3A_74 = arith.constant 0 : i32
      %dma_wait3A_75 = tpu.memref_slice %arg2[%dma_wait3A_73, %dma_wait3A_74] : memref<40000x128xf32, #tpu.memory_space<hbm>> -> memref<40000x128xf32, #tpu.memory_space<hbm>>
      tpu.wait_indirect_dma semaphore(%arg13 : memref<!tpu.dma_semaphore, #tpu.memory_space<semaphore_mem>>) src(%dma_wait3A_75 : memref<40000x128xf32, #tpu.memory_space<hbm>>) dst(%arg10 : memref<128x128xf32, #tpu.memory_space<vmem>>)
      %add3A_76 = arith.constant 1 : i32
      %add3A_77 = arith.addi %mul3A_51, %add3A_76 : i32
      "tpu.region"() ({
        %run_scoped3A_78 = tpu.sem_alloc : memref<!tpu.dma_semaphore, #tpu.memory_space<semaphore_mem>>
        %dma_start3A_79 = arith.constant 0 : i32
        %dma_start3A_80 = tpu.memref_slice %arg8[%add3A_77, %dma_start3A_79] : memref<40x128xi32, #tpu.memory_space<vmem>> -> memref<1x128xi32, #tpu.memory_space<vmem>>
        %dma_start3A_81 = tpu.memref_squeeze %dma_start3A_80 : memref<1x128xi32, #tpu.memory_space<vmem>> -> memref<128xi32, #tpu.memory_space<vmem>>
        %dma_start3A_82 = arith.constant 0 : i32
        %dma_start3A_83 = arith.constant 0 : i32
        %dma_start3A_84 = tpu.memref_slice %arg11[%dma_start3A_82, %dma_start3A_83] : memref<10112x128xf32, #tpu.memory_space<vmem_shared>> -> memref<10112x128xf32, #tpu.memory_space<vmem_shared>>
        tpu.enqueue_indirect_dma source(%arg10 : memref<128x128xf32, #tpu.memory_space<vmem>>) target(%dma_start3A_84 : memref<10112x128xf32, #tpu.memory_space<vmem_shared>>) offsets(%dma_start3A_81 : memref<128xi32, #tpu.memory_space<vmem>>) semaphore(%run_scoped3A_78 : memref<!tpu.dma_semaphore, #tpu.memory_space<semaphore_mem>>) {add = true}
        %dma_wait3A_85 = arith.constant 0 : i32
        %dma_wait3A_86 = tpu.memref_slice %arg8[%add3A_77, %dma_wait3A_85] : memref<40x128xi32, #tpu.memory_space<vmem>> -> memref<1x128xi32, #tpu.memory_space<vmem>>
        %dma_wait3A_87 = tpu.memref_squeeze %dma_wait3A_86 : memref<1x128xi32, #tpu.memory_space<vmem>> -> memref<128xi32, #tpu.memory_space<vmem>>
        %dma_wait3A_88 = arith.constant 0 : i32
        %dma_wait3A_89 = arith.constant 0 : i32
        %dma_wait3A_90 = tpu.memref_slice %arg11[%dma_wait3A_88, %dma_wait3A_89] : memref<10112x128xf32, #tpu.memory_space<vmem_shared>> -> memref<10112x128xf32, #tpu.memory_space<vmem_shared>>
        tpu.wait_indirect_dma semaphore(%run_scoped3A_78 : memref<!tpu.dma_semaphore, #tpu.memory_space<semaphore_mem>>) src(%arg10 : memref<128x128xf32, #tpu.memory_space<vmem>>) dst(%dma_wait3A_90 : memref<10112x128xf32, #tpu.memory_space<vmem_shared>>)
        tpu.yield
      }) : () -> ()
    }
    %run_scoped3A_25 = arith.constant 1 : i32
    "tpu.region"() ({
      %run_scoped3A_49 = tpu.sem_alloc : memref<!tpu.dma_semaphore, #tpu.memory_space<semaphore_mem>>
      %dma_start3A_50 = arith.constant 0 : i32
      %dma_start3A_51 = arith.constant 0 : i32
      %dma_start3A_52 = tpu.memref_slice %arg3[%add3A, %run_scoped3A_25, %dma_start3A_50, %dma_start3A_51] : memref<32x2x40x128xi32, #tpu.memory_space<hbm>> -> memref<1x1x40x128xi32, #tpu.memory_space<hbm>>
      %dma_start3A_53 = tpu.memref_squeeze %dma_start3A_52 : memref<1x1x40x128xi32, #tpu.memory_space<hbm>> -> memref<40x128xi32, #tpu.memory_space<hbm>>
      %dma_start3A_54 = arith.constant 0 : i32
      %dma_start3A_55 = arith.constant 0 : i32
      %dma_start3A_56 = tpu.memref_slice %arg3[%add3A, %run_scoped3A_25, %dma_start3A_54, %dma_start3A_55] : memref<32x2x40x128xi32, #tpu.memory_space<hbm>> -> memref<1x1x40x128xi32, #tpu.memory_space<hbm>>
      %dma_start3A_57 = tpu.memref_squeeze %dma_start3A_56 : memref<1x1x40x128xi32, #tpu.memory_space<hbm>> -> memref<40x128xi32, #tpu.memory_space<hbm>>
      tpu.enqueue_dma source(%dma_start3A_57 : memref<40x128xi32, #tpu.memory_space<hbm>>) target(%arg7 : memref<40x128xi32, #tpu.memory_space<vmem>>) target_semaphore(%run_scoped3A_49 : memref<!tpu.dma_semaphore, #tpu.memory_space<semaphore_mem>>)
      %dma_wait3A = arith.constant 0 : i32
      %dma_wait3A_58 = arith.constant 0 : i32
      %dma_wait3A_59 = tpu.memref_slice %arg3[%add3A, %run_scoped3A_25, %dma_wait3A, %dma_wait3A_58] : memref<32x2x40x128xi32, #tpu.memory_space<hbm>> -> memref<1x1x40x128xi32, #tpu.memory_space<hbm>>
      %dma_wait3A_60 = tpu.memref_squeeze %dma_wait3A_59 : memref<1x1x40x128xi32, #tpu.memory_space<hbm>> -> memref<40x128xi32, #tpu.memory_space<hbm>>
      %dma_wait3A_61 = arith.constant 0 : i32
      %dma_wait3A_62 = arith.constant 0 : i32
      %dma_wait3A_63 = tpu.memref_slice %arg3[%add3A, %run_scoped3A_25, %dma_wait3A_61, %dma_wait3A_62] : memref<32x2x40x128xi32, #tpu.memory_space<hbm>> -> memref<1x1x40x128xi32, #tpu.memory_space<hbm>>
      %dma_wait3A_64 = tpu.memref_squeeze %dma_wait3A_63 : memref<1x1x40x128xi32, #tpu.memory_space<hbm>> -> memref<40x128xi32, #tpu.memory_space<hbm>>
      tpu.wait_dma2 semaphore(%run_scoped3A_49 : memref<!tpu.dma_semaphore, #tpu.memory_space<semaphore_mem>>) src(%dma_wait3A_64 : memref<40x128xi32, #tpu.memory_space<hbm>>) dst(%arg7 : memref<40x128xi32, #tpu.memory_space<vmem>>)
      tpu.yield
    }) : () -> ()
    %run_scoped3A_26 = arith.constant 1 : i32
    "tpu.region"() ({
      %run_scoped3A_49 = tpu.sem_alloc : memref<!tpu.dma_semaphore, #tpu.memory_space<semaphore_mem>>
      %dma_start3A_50 = arith.constant 0 : i32
      %dma_start3A_51 = arith.constant 0 : i32
      %dma_start3A_52 = tpu.memref_slice %arg4[%add3A, %run_scoped3A_26, %dma_start3A_50, %dma_start3A_51] : memref<32x2x40x128xi32, #tpu.memory_space<hbm>> -> memref<1x1x40x128xi32, #tpu.memory_space<hbm>>
      %dma_start3A_53 = tpu.memref_squeeze %dma_start3A_52 : memref<1x1x40x128xi32, #tpu.memory_space<hbm>> -> memref<40x128xi32, #tpu.memory_space<hbm>>
      %dma_start3A_54 = arith.constant 0 : i32
      %dma_start3A_55 = arith.constant 0 : i32
      %dma_start3A_56 = tpu.memref_slice %arg4[%add3A, %run_scoped3A_26, %dma_start3A_54, %dma_start3A_55] : memref<32x2x40x128xi32, #tpu.memory_space<hbm>> -> memref<1x1x40x128xi32, #tpu.memory_space<hbm>>
      %dma_start3A_57 = tpu.memref_squeeze %dma_start3A_56 : memref<1x1x40x128xi32, #tpu.memory_space<hbm>> -> memref<40x128xi32, #tpu.memory_space<hbm>>
      tpu.enqueue_dma source(%dma_start3A_57 : memref<40x128xi32, #tpu.memory_space<hbm>>) target(%arg8 : memref<40x128xi32, #tpu.memory_space<vmem>>) target_semaphore(%run_scoped3A_49 : memref<!tpu.dma_semaphore, #tpu.memory_space<semaphore_mem>>)
      %dma_wait3A = arith.constant 0 : i32
      %dma_wait3A_58 = arith.constant 0 : i32
      %dma_wait3A_59 = tpu.memref_slice %arg4[%add3A, %run_scoped3A_26, %dma_wait3A, %dma_wait3A_58] : memref<32x2x40x128xi32, #tpu.memory_space<hbm>> -> memref<1x1x40x128xi32, #tpu.memory_space<hbm>>
      %dma_wait3A_60 = tpu.memref_squeeze %dma_wait3A_59 : memref<1x1x40x128xi32, #tpu.memory_space<hbm>> -> memref<40x128xi32, #tpu.memory_space<hbm>>
      %dma_wait3A_61 = arith.constant 0 : i32
      %dma_wait3A_62 = arith.constant 0 : i32
      %dma_wait3A_63 = tpu.memref_slice %arg4[%add3A, %run_scoped3A_26, %dma_wait3A_61, %dma_wait3A_62] : memref<32x2x40x128xi32, #tpu.memory_space<hbm>> -> memref<1x1x40x128xi32, #tpu.memory_space<hbm>>
      %dma_wait3A_64 = tpu.memref_squeeze %dma_wait3A_63 : memref<1x1x40x128xi32, #tpu.memory_space<hbm>> -> memref<40x128xi32, #tpu.memory_space<hbm>>
      tpu.wait_dma2 semaphore(%run_scoped3A_49 : memref<!tpu.dma_semaphore, #tpu.memory_space<semaphore_mem>>) src(%dma_wait3A_64 : memref<40x128xi32, #tpu.memory_space<hbm>>) dst(%arg8 : memref<40x128xi32, #tpu.memory_space<vmem>>)
      tpu.yield
    }) : () -> ()
    %dma_start3A_27 = arith.constant 0 : i32
    %dma_start3A_28 = arith.constant 0 : i32
    %dma_start3A_29 = tpu.memref_slice %arg7[%dma_start3A_27, %dma_start3A_28] : memref<40x128xi32, #tpu.memory_space<vmem>> -> memref<1x128xi32, #tpu.memory_space<vmem>>
    %dma_start3A_30 = tpu.memref_squeeze %dma_start3A_29 : memref<1x128xi32, #tpu.memory_space<vmem>> -> memref<128xi32, #tpu.memory_space<vmem>>
    %dma_start3A_31 = arith.constant 0 : i32
    %dma_start3A_32 = arith.constant 0 : i32
    %dma_start3A_33 = tpu.memref_slice %arg2[%dma_start3A_31, %dma_start3A_32] : memref<40000x128xf32, #tpu.memory_space<hbm>> -> memref<40000x128xf32, #tpu.memory_space<hbm>>
    tpu.enqueue_indirect_dma source(%dma_start3A_33 : memref<40000x128xf32, #tpu.memory_space<hbm>>) target(%arg9 : memref<128x128xf32, #tpu.memory_space<vmem>>) offsets(%dma_start3A_30 : memref<128xi32, #tpu.memory_space<vmem>>) semaphore(%arg12 : memref<!tpu.dma_semaphore, #tpu.memory_space<semaphore_mem>>)
    %while3A_34 = arith.constant 0 : i32
    %while3A_35 = arith.constant 0 : i32
    %while3A_36 = arith.subi %select_n3A, %while3A_35 : i32
    %while3A_37 = arith.addi %while3A_35, %while3A_36 : i32
    %while3A_38 = arith.constant 1 : i32
    %while3A_39 = arith.divsi %while3A_36, %while3A_38 : i32
    %while3A_40 = arith.muli %while3A_39, %while3A_38 : i32
    %while3A_41 = arith.addi %while3A_35, %while3A_40 : i32
    %while3A_42 = arith.constant 1 : i32
    scf.for %while3A_49 = %while3A_35 to %while3A_41 step %while3A_42  : i32 {
      %mul3A_50 = arith.constant 2 : i32
      %mul3A_51 = arith.muli %mul3A_50, %while3A_49 : i32
      %add3A_52 = arith.constant 1 : i32
      %add3A_53 = arith.addi %mul3A_51, %add3A_52 : i32
      %dma_start3A_54 = arith.constant 0 : i32
      %dma_start3A_55 = tpu.memref_slice %arg7[%add3A_53, %dma_start3A_54] : memref<40x128xi32, #tpu.memory_space<vmem>> -> memref<1x128xi32, #tpu.memory_space<vmem>>
      %dma_start3A_56 = tpu.memref_squeeze %dma_start3A_55 : memref<1x128xi32, #tpu.memory_space<vmem>> -> memref<128xi32, #tpu.memory_space<vmem>>
      %dma_start3A_57 = arith.constant 0 : i32
      %dma_start3A_58 = arith.constant 0 : i32
      %dma_start3A_59 = tpu.memref_slice %arg2[%dma_start3A_57, %dma_start3A_58] : memref<40000x128xf32, #tpu.memory_space<hbm>> -> memref<40000x128xf32, #tpu.memory_space<hbm>>
      tpu.enqueue_indirect_dma source(%dma_start3A_59 : memref<40000x128xf32, #tpu.memory_space<hbm>>) target(%arg10 : memref<128x128xf32, #tpu.memory_space<vmem>>) offsets(%dma_start3A_56 : memref<128xi32, #tpu.memory_space<vmem>>) semaphore(%arg13 : memref<!tpu.dma_semaphore, #tpu.memory_space<semaphore_mem>>)
      %dma_wait3A = arith.constant 0 : i32
      %dma_wait3A_60 = tpu.memref_slice %arg7[%mul3A_51, %dma_wait3A] : memref<40x128xi32, #tpu.memory_space<vmem>> -> memref<1x128xi32, #tpu.memory_space<vmem>>
      %dma_wait3A_61 = tpu.memref_squeeze %dma_wait3A_60 : memref<1x128xi32, #tpu.memory_space<vmem>> -> memref<128xi32, #tpu.memory_space<vmem>>
      %dma_wait3A_62 = arith.constant 0 : i32
      %dma_wait3A_63 = arith.constant 0 : i32
      %dma_wait3A_64 = tpu.memref_slice %arg2[%dma_wait3A_62, %dma_wait3A_63] : memref<40000x128xf32, #tpu.memory_space<hbm>> -> memref<40000x128xf32, #tpu.memory_space<hbm>>
      tpu.wait_indirect_dma semaphore(%arg12 : memref<!tpu.dma_semaphore, #tpu.memory_space<semaphore_mem>>) src(%dma_wait3A_64 : memref<40000x128xf32, #tpu.memory_space<hbm>>) dst(%arg9 : memref<128x128xf32, #tpu.memory_space<vmem>>)
      "tpu.region"() ({
        %run_scoped3A_78 = tpu.sem_alloc : memref<!tpu.dma_semaphore, #tpu.memory_space<semaphore_mem>>
        %dma_start3A_79 = arith.constant 0 : i32
        %dma_start3A_80 = tpu.memref_slice %arg8[%mul3A_51, %dma_start3A_79] : memref<40x128xi32, #tpu.memory_space<vmem>> -> memref<1x128xi32, #tpu.memory_space<vmem>>
        %dma_start3A_81 = tpu.memref_squeeze %dma_start3A_80 : memref<1x128xi32, #tpu.memory_space<vmem>> -> memref<128xi32, #tpu.memory_space<vmem>>
        %dma_start3A_82 = arith.constant 0 : i32
        %dma_start3A_83 = arith.constant 0 : i32
        %dma_start3A_84 = tpu.memref_slice %arg11[%dma_start3A_82, %dma_start3A_83] : memref<10112x128xf32, #tpu.memory_space<vmem_shared>> -> memref<10112x128xf32, #tpu.memory_space<vmem_shared>>
        tpu.enqueue_indirect_dma source(%arg9 : memref<128x128xf32, #tpu.memory_space<vmem>>) target(%dma_start3A_84 : memref<10112x128xf32, #tpu.memory_space<vmem_shared>>) offsets(%dma_start3A_81 : memref<128xi32, #tpu.memory_space<vmem>>) semaphore(%run_scoped3A_78 : memref<!tpu.dma_semaphore, #tpu.memory_space<semaphore_mem>>) {add = true}
        %dma_wait3A_85 = arith.constant 0 : i32
        %dma_wait3A_86 = tpu.memref_slice %arg8[%mul3A_51, %dma_wait3A_85] : memref<40x128xi32, #tpu.memory_space<vmem>> -> memref<1x128xi32, #tpu.memory_space<vmem>>
        %dma_wait3A_87 = tpu.memref_squeeze %dma_wait3A_86 : memref<1x128xi32, #tpu.memory_space<vmem>> -> memref<128xi32, #tpu.memory_space<vmem>>
        %dma_wait3A_88 = arith.constant 0 : i32
        %dma_wait3A_89 = arith.constant 0 : i32
        %dma_wait3A_90 = tpu.memref_slice %arg11[%dma_wait3A_88, %dma_wait3A_89] : memref<10112x128xf32, #tpu.memory_space<vmem_shared>> -> memref<10112x128xf32, #tpu.memory_space<vmem_shared>>
        tpu.wait_indirect_dma semaphore(%run_scoped3A_78 : memref<!tpu.dma_semaphore, #tpu.memory_space<semaphore_mem>>) src(%arg9 : memref<128x128xf32, #tpu.memory_space<vmem>>) dst(%dma_wait3A_90 : memref<10112x128xf32, #tpu.memory_space<vmem_shared>>)
        tpu.yield
      }) : () -> ()
      %add3A_65 = arith.constant 2 : i32
      %add3A_66 = arith.addi %mul3A_51, %add3A_65 : i32
      %lt3A = arith.cmpi slt, %add3A_66, %mul3A_4 : i32
      %convert_element_type3A = arith.extui %lt3A : i1 to i32
      %cond3A = arith.constant 0 : i32
      %cond3A_67 = arith.cmpi ne, %convert_element_type3A, %cond3A : i32
      scf.if %cond3A_67 {
        %add3A_78 = arith.constant 2 : i32
        %add3A_79 = arith.addi %mul3A_51, %add3A_78 : i32
        %dma_start3A_80 = arith.constant 0 : i32
        %dma_start3A_81 = tpu.memref_slice %arg7[%add3A_79, %dma_start3A_80] : memref<40x128xi32, #tpu.memory_space<vmem>> -> memref<1x128xi32, #tpu.memory_space<vmem>>
        %dma_start3A_82 = tpu.memref_squeeze %dma_start3A_81 : memref<1x128xi32, #tpu.memory_space<vmem>> -> memref<128xi32, #tpu.memory_space<vmem>>
        %dma_start3A_83 = arith.constant 0 : i32
        %dma_start3A_84 = arith.constant 0 : i32
        %dma_start3A_85 = tpu.memref_slice %arg2[%dma_start3A_83, %dma_start3A_84] : memref<40000x128xf32, #tpu.memory_space<hbm>> -> memref<40000x128xf32, #tpu.memory_space<hbm>>
        tpu.enqueue_indirect_dma source(%dma_start3A_85 : memref<40000x128xf32, #tpu.memory_space<hbm>>) target(%arg9 : memref<128x128xf32, #tpu.memory_space<vmem>>) offsets(%dma_start3A_82 : memref<128xi32, #tpu.memory_space<vmem>>) semaphore(%arg12 : memref<!tpu.dma_semaphore, #tpu.memory_space<semaphore_mem>>)
      } else {
      }
      %add3A_68 = arith.constant 1 : i32
      %add3A_69 = arith.addi %mul3A_51, %add3A_68 : i32
      %dma_wait3A_70 = arith.constant 0 : i32
      %dma_wait3A_71 = tpu.memref_slice %arg7[%add3A_69, %dma_wait3A_70] : memref<40x128xi32, #tpu.memory_space<vmem>> -> memref<1x128xi32, #tpu.memory_space<vmem>>
      %dma_wait3A_72 = tpu.memref_squeeze %dma_wait3A_71 : memref<1x128xi32, #tpu.memory_space<vmem>> -> memref<128xi32, #tpu.memory_space<vmem>>
      %dma_wait3A_73 = arith.constant 0 : i32
      %dma_wait3A_74 = arith.constant 0 : i32
      %dma_wait3A_75 = tpu.memref_slice %arg2[%dma_wait3A_73, %dma_wait3A_74] : memref<40000x128xf32, #tpu.memory_space<hbm>> -> memref<40000x128xf32, #tpu.memory_space<hbm>>
      tpu.wait_indirect_dma semaphore(%arg13 : memref<!tpu.dma_semaphore, #tpu.memory_space<semaphore_mem>>) src(%dma_wait3A_75 : memref<40000x128xf32, #tpu.memory_space<hbm>>) dst(%arg10 : memref<128x128xf32, #tpu.memory_space<vmem>>)
      %add3A_76 = arith.constant 1 : i32
      %add3A_77 = arith.addi %mul3A_51, %add3A_76 : i32
      "tpu.region"() ({
        %run_scoped3A_78 = tpu.sem_alloc : memref<!tpu.dma_semaphore, #tpu.memory_space<semaphore_mem>>
        %dma_start3A_79 = arith.constant 0 : i32
        %dma_start3A_80 = tpu.memref_slice %arg8[%add3A_77, %dma_start3A_79] : memref<40x128xi32, #tpu.memory_space<vmem>> -> memref<1x128xi32, #tpu.memory_space<vmem>>
        %dma_start3A_81 = tpu.memref_squeeze %dma_start3A_80 : memref<1x128xi32, #tpu.memory_space<vmem>> -> memref<128xi32, #tpu.memory_space<vmem>>
        %dma_start3A_82 = arith.constant 0 : i32
        %dma_start3A_83 = arith.constant 0 : i32
        %dma_start3A_84 = tpu.memref_slice %arg11[%dma_start3A_82, %dma_start3A_83] : memref<10112x128xf32, #tpu.memory_space<vmem_shared>> -> memref<10112x128xf32, #tpu.memory_space<vmem_shared>>
        tpu.enqueue_indirect_dma source(%arg10 : memref<128x128xf32, #tpu.memory_space<vmem>>) target(%dma_start3A_84 : memref<10112x128xf32, #tpu.memory_space<vmem_shared>>) offsets(%dma_start3A_81 : memref<128xi32, #tpu.memory_space<vmem>>) semaphore(%run_scoped3A_78 : memref<!tpu.dma_semaphore, #tpu.memory_space<semaphore_mem>>) {add = true}
        %dma_wait3A_85 = arith.constant 0 : i32
        %dma_wait3A_86 = tpu.memref_slice %arg8[%add3A_77, %dma_wait3A_85] : memref<40x128xi32, #tpu.memory_space<vmem>> -> memref<1x128xi32, #tpu.memory_space<vmem>>
        %dma_wait3A_87 = tpu.memref_squeeze %dma_wait3A_86 : memref<1x128xi32, #tpu.memory_space<vmem>> -> memref<128xi32, #tpu.memory_space<vmem>>
        %dma_wait3A_88 = arith.constant 0 : i32
        %dma_wait3A_89 = arith.constant 0 : i32
        %dma_wait3A_90 = tpu.memref_slice %arg11[%dma_wait3A_88, %dma_wait3A_89] : memref<10112x128xf32, #tpu.memory_space<vmem_shared>> -> memref<10112x128xf32, #tpu.memory_space<vmem_shared>>
        tpu.wait_indirect_dma semaphore(%run_scoped3A_78 : memref<!tpu.dma_semaphore, #tpu.memory_space<semaphore_mem>>) src(%arg10 : memref<128x128xf32, #tpu.memory_space<vmem>>) dst(%dma_wait3A_90 : memref<10112x128xf32, #tpu.memory_space<vmem_shared>>)
        tpu.yield
      }) : () -> ()
    }
    %while3A_43 = arith.constant 1 : i32
    scf.for %while3A_49 = %while3A_41 to %while3A_37 step %while3A_43  : i32 {
      %mul3A_50 = arith.constant 2 : i32
      %mul3A_51 = arith.muli %mul3A_50, %while3A_49 : i32
      %add3A_52 = arith.constant 1 : i32
      %add3A_53 = arith.addi %mul3A_51, %add3A_52 : i32
      %dma_start3A_54 = arith.constant 0 : i32
      %dma_start3A_55 = tpu.memref_slice %arg7[%add3A_53, %dma_start3A_54] : memref<40x128xi32, #tpu.memory_space<vmem>> -> memref<1x128xi32, #tpu.memory_space<vmem>>
      %dma_start3A_56 = tpu.memref_squeeze %dma_start3A_55 : memref<1x128xi32, #tpu.memory_space<vmem>> -> memref<128xi32, #tpu.memory_space<vmem>>
      %dma_start3A_57 = arith.constant 0 : i32
      %dma_start3A_58 = arith.constant 0 : i32
      %dma_start3A_59 = tpu.memref_slice %arg2[%dma_start3A_57, %dma_start3A_58] : memref<40000x128xf32, #tpu.memory_space<hbm>> -> memref<40000x128xf32, #tpu.memory_space<hbm>>
      tpu.enqueue_indirect_dma source(%dma_start3A_59 : memref<40000x128xf32, #tpu.memory_space<hbm>>) target(%arg10 : memref<128x128xf32, #tpu.memory_space<vmem>>) offsets(%dma_start3A_56 : memref<128xi32, #tpu.memory_space<vmem>>) semaphore(%arg13 : memref<!tpu.dma_semaphore, #tpu.memory_space<semaphore_mem>>)
      %dma_wait3A = arith.constant 0 : i32
      %dma_wait3A_60 = tpu.memref_slice %arg7[%mul3A_51, %dma_wait3A] : memref<40x128xi32, #tpu.memory_space<vmem>> -> memref<1x128xi32, #tpu.memory_space<vmem>>
      %dma_wait3A_61 = tpu.memref_squeeze %dma_wait3A_60 : memref<1x128xi32, #tpu.memory_space<vmem>> -> memref<128xi32, #tpu.memory_space<vmem>>
      %dma_wait3A_62 = arith.constant 0 : i32
      %dma_wait3A_63 = arith.constant 0 : i32
      %dma_wait3A_64 = tpu.memref_slice %arg2[%dma_wait3A_62, %dma_wait3A_63] : memref<40000x128xf32, #tpu.memory_space<hbm>> -> memref<40000x128xf32, #tpu.memory_space<hbm>>
      tpu.wait_indirect_dma semaphore(%arg12 : memref<!tpu.dma_semaphore, #tpu.memory_space<semaphore_mem>>) src(%dma_wait3A_64 : memref<40000x128xf32, #tpu.memory_space<hbm>>) dst(%arg9 : memref<128x128xf32, #tpu.memory_space<vmem>>)
      "tpu.region"() ({
        %run_scoped3A_78 = tpu.sem_alloc : memref<!tpu.dma_semaphore, #tpu.memory_space<semaphore_mem>>
        %dma_start3A_79 = arith.constant 0 : i32
        %dma_start3A_80 = tpu.memref_slice %arg8[%mul3A_51, %dma_start3A_79] : memref<40x128xi32, #tpu.memory_space<vmem>> -> memref<1x128xi32, #tpu.memory_space<vmem>>
        %dma_start3A_81 = tpu.memref_squeeze %dma_start3A_80 : memref<1x128xi32, #tpu.memory_space<vmem>> -> memref<128xi32, #tpu.memory_space<vmem>>
        %dma_start3A_82 = arith.constant 0 : i32
        %dma_start3A_83 = arith.constant 0 : i32
        %dma_start3A_84 = tpu.memref_slice %arg11[%dma_start3A_82, %dma_start3A_83] : memref<10112x128xf32, #tpu.memory_space<vmem_shared>> -> memref<10112x128xf32, #tpu.memory_space<vmem_shared>>
        tpu.enqueue_indirect_dma source(%arg9 : memref<128x128xf32, #tpu.memory_space<vmem>>) target(%dma_start3A_84 : memref<10112x128xf32, #tpu.memory_space<vmem_shared>>) offsets(%dma_start3A_81 : memref<128xi32, #tpu.memory_space<vmem>>) semaphore(%run_scoped3A_78 : memref<!tpu.dma_semaphore, #tpu.memory_space<semaphore_mem>>) {add = true}
        %dma_wait3A_85 = arith.constant 0 : i32
        %dma_wait3A_86 = tpu.memref_slice %arg8[%mul3A_51, %dma_wait3A_85] : memref<40x128xi32, #tpu.memory_space<vmem>> -> memref<1x128xi32, #tpu.memory_space<vmem>>
        %dma_wait3A_87 = tpu.memref_squeeze %dma_wait3A_86 : memref<1x128xi32, #tpu.memory_space<vmem>> -> memref<128xi32, #tpu.memory_space<vmem>>
        %dma_wait3A_88 = arith.constant 0 : i32
        %dma_wait3A_89 = arith.constant 0 : i32
        %dma_wait3A_90 = tpu.memref_slice %arg11[%dma_wait3A_88, %dma_wait3A_89] : memref<10112x128xf32, #tpu.memory_space<vmem_shared>> -> memref<10112x128xf32, #tpu.memory_space<vmem_shared>>
        tpu.wait_indirect_dma semaphore(%run_scoped3A_78 : memref<!tpu.dma_semaphore, #tpu.memory_space<semaphore_mem>>) src(%arg9 : memref<128x128xf32, #tpu.memory_space<vmem>>) dst(%dma_wait3A_90 : memref<10112x128xf32, #tpu.memory_space<vmem_shared>>)
        tpu.yield
      }) : () -> ()
      %add3A_65 = arith.constant 2 : i32
      %add3A_66 = arith.addi %mul3A_51, %add3A_65 : i32
      %lt3A = arith.cmpi slt, %add3A_66, %mul3A_4 : i32
      %convert_element_type3A = arith.extui %lt3A : i1 to i32
      %cond3A = arith.constant 0 : i32
      %cond3A_67 = arith.cmpi ne, %convert_element_type3A, %cond3A : i32
      scf.if %cond3A_67 {
        %add3A_78 = arith.constant 2 : i32
        %add3A_79 = arith.addi %mul3A_51, %add3A_78 : i32
        %dma_start3A_80 = arith.constant 0 : i32
        %dma_start3A_81 = tpu.memref_slice %arg7[%add3A_79, %dma_start3A_80] : memref<40x128xi32, #tpu.memory_space<vmem>> -> memref<1x128xi32, #tpu.memory_space<vmem>>
        %dma_start3A_82 = tpu.memref_squeeze %dma_start3A_81 : memref<1x128xi32, #tpu.memory_space<vmem>> -> memref<128xi32, #tpu.memory_space<vmem>>
        %dma_start3A_83 = arith.constant 0 : i32
        %dma_start3A_84 = arith.constant 0 : i32
        %dma_start3A_85 = tpu.memref_slice %arg2[%dma_start3A_83, %dma_start3A_84] : memref<40000x128xf32, #tpu.memory_space<hbm>> -> memref<40000x128xf32, #tpu.memory_space<hbm>>
        tpu.enqueue_indirect_dma source(%dma_start3A_85 : memref<40000x128xf32, #tpu.memory_space<hbm>>) target(%arg9 : memref<128x128xf32, #tpu.memory_space<vmem>>) offsets(%dma_start3A_82 : memref<128xi32, #tpu.memory_space<vmem>>) semaphore(%arg12 : memref<!tpu.dma_semaphore, #tpu.memory_space<semaphore_mem>>)
      } else {
      }
      %add3A_68 = arith.constant 1 : i32
      %add3A_69 = arith.addi %mul3A_51, %add3A_68 : i32
      %dma_wait3A_70 = arith.constant 0 : i32
      %dma_wait3A_71 = tpu.memref_slice %arg7[%add3A_69, %dma_wait3A_70] : memref<40x128xi32, #tpu.memory_space<vmem>> -> memref<1x128xi32, #tpu.memory_space<vmem>>
      %dma_wait3A_72 = tpu.memref_squeeze %dma_wait3A_71 : memref<1x128xi32, #tpu.memory_space<vmem>> -> memref<128xi32, #tpu.memory_space<vmem>>
      %dma_wait3A_73 = arith.constant 0 : i32
      %dma_wait3A_74 = arith.constant 0 : i32
      %dma_wait3A_75 = tpu.memref_slice %arg2[%dma_wait3A_73, %dma_wait3A_74] : memref<40000x128xf32, #tpu.memory_space<hbm>> -> memref<40000x128xf32, #tpu.memory_space<hbm>>
      tpu.wait_indirect_dma semaphore(%arg13 : memref<!tpu.dma_semaphore, #tpu.memory_space<semaphore_mem>>) src(%dma_wait3A_75 : memref<40000x128xf32, #tpu.memory_space<hbm>>) dst(%arg10 : memref<128x128xf32, #tpu.memory_space<vmem>>)
      %add3A_76 = arith.constant 1 : i32
      %add3A_77 = arith.addi %mul3A_51, %add3A_76 : i32
      "tpu.region"() ({
        %run_scoped3A_78 = tpu.sem_alloc : memref<!tpu.dma_semaphore, #tpu.memory_space<semaphore_mem>>
        %dma_start3A_79 = arith.constant 0 : i32
        %dma_start3A_80 = tpu.memref_slice %arg8[%add3A_77, %dma_start3A_79] : memref<40x128xi32, #tpu.memory_space<vmem>> -> memref<1x128xi32, #tpu.memory_space<vmem>>
        %dma_start3A_81 = tpu.memref_squeeze %dma_start3A_80 : memref<1x128xi32, #tpu.memory_space<vmem>> -> memref<128xi32, #tpu.memory_space<vmem>>
        %dma_start3A_82 = arith.constant 0 : i32
        %dma_start3A_83 = arith.constant 0 : i32
        %dma_start3A_84 = tpu.memref_slice %arg11[%dma_start3A_82, %dma_start3A_83] : memref<10112x128xf32, #tpu.memory_space<vmem_shared>> -> memref<10112x128xf32, #tpu.memory_space<vmem_shared>>
        tpu.enqueue_indirect_dma source(%arg10 : memref<128x128xf32, #tpu.memory_space<vmem>>) target(%dma_start3A_84 : memref<10112x128xf32, #tpu.memory_space<vmem_shared>>) offsets(%dma_start3A_81 : memref<128xi32, #tpu.memory_space<vmem>>) semaphore(%run_scoped3A_78 : memref<!tpu.dma_semaphore, #tpu.memory_space<semaphore_mem>>) {add = true}
        %dma_wait3A_85 = arith.constant 0 : i32
        %dma_wait3A_86 = tpu.memref_slice %arg8[%add3A_77, %dma_wait3A_85] : memref<40x128xi32, #tpu.memory_space<vmem>> -> memref<1x128xi32, #tpu.memory_space<vmem>>
        %dma_wait3A_87 = tpu.memref_squeeze %dma_wait3A_86 : memref<1x128xi32, #tpu.memory_space<vmem>> -> memref<128xi32, #tpu.memory_space<vmem>>
        %dma_wait3A_88 = arith.constant 0 : i32
        %dma_wait3A_89 = arith.constant 0 : i32
        %dma_wait3A_90 = tpu.memref_slice %arg11[%dma_wait3A_88, %dma_wait3A_89] : memref<10112x128xf32, #tpu.memory_space<vmem_shared>> -> memref<10112x128xf32, #tpu.memory_space<vmem_shared>>
        tpu.wait_indirect_dma semaphore(%run_scoped3A_78 : memref<!tpu.dma_semaphore, #tpu.memory_space<semaphore_mem>>) src(%arg10 : memref<128x128xf32, #tpu.memory_space<vmem>>) dst(%dma_wait3A_90 : memref<10112x128xf32, #tpu.memory_space<vmem_shared>>)
        tpu.yield
      }) : () -> ()
    }
    %barrier3A_44 = arith.constant 0 : index
    tpu.barrier barrier_id(%barrier3A_44)
    %mul3A_45 = arith.constant 632 : i32
    %mul3A_46 = arith.muli %arg1, %mul3A_45 : i32
    %mul3A_47 = arith.constant 632 : i32
    %mul3A_48 = arith.muli %arg1, %mul3A_47 : i32
    "tpu.region"() ({
      %run_scoped3A_49 = tpu.sem_alloc : memref<!tpu.dma_semaphore, #tpu.memory_space<semaphore_mem>>
      %dma_start3A_50 = arith.constant 0 : i32
      %dma_start3A_51 = tpu.memref_slice %arg6[%arg0, %mul3A_48, %dma_start3A_50] : memref<2x10112x128xf32, #tpu.memory_space<hbm>> -> memref<1x632x128xf32, #tpu.memory_space<hbm>>
      %dma_start3A_52 = tpu.memref_squeeze %dma_start3A_51 : memref<1x632x128xf32, #tpu.memory_space<hbm>> -> memref<632x128xf32, #tpu.memory_space<hbm>>
      %dma_start3A_53 = arith.constant 0 : i32
      %dma_start3A_54 = tpu.memref_slice %arg11[%mul3A_46, %dma_start3A_53] : memref<10112x128xf32, #tpu.memory_space<vmem_shared>> -> memref<632x128xf32, #tpu.memory_space<vmem_shared>>
      tpu.enqueue_dma source(%dma_start3A_54 : memref<632x128xf32, #tpu.memory_space<vmem_shared>>) target(%dma_start3A_52 : memref<632x128xf32, #tpu.memory_space<hbm>>) target_semaphore(%run_scoped3A_49 : memref<!tpu.dma_semaphore, #tpu.memory_space<semaphore_mem>>)
      %dma_wait3A = arith.constant 0 : i32
      %dma_wait3A_55 = tpu.memref_slice %arg6[%arg0, %mul3A_48, %dma_wait3A] : memref<2x10112x128xf32, #tpu.memory_space<hbm>> -> memref<1x632x128xf32, #tpu.memory_space<hbm>>
      %dma_wait3A_56 = tpu.memref_squeeze %dma_wait3A_55 : memref<1x632x128xf32, #tpu.memory_space<hbm>> -> memref<632x128xf32, #tpu.memory_space<hbm>>
      %dma_wait3A_57 = arith.constant 0 : i32
      %dma_wait3A_58 = tpu.memref_slice %arg11[%mul3A_46, %dma_wait3A_57] : memref<10112x128xf32, #tpu.memory_space<vmem_shared>> -> memref<632x128xf32, #tpu.memory_space<vmem_shared>>
      tpu.wait_dma2 semaphore(%run_scoped3A_49 : memref<!tpu.dma_semaphore, #tpu.memory_space<semaphore_mem>>) src(%dma_wait3A_58 : memref<632x128xf32, #tpu.memory_space<vmem_shared>>) dst(%dma_wait3A_56 : memref<632x128xf32, #tpu.memory_space<hbm>>)
      tpu.yield
    }) : () -> ()
    return
  }
}

#map = affine_map<(d0, d1) -> (0, 0)>
#map1 = affine_map<(d0, d1) -> (0, 0, 0, 0)>
#map2 = affine_map<(d0, d1) -> (0, 0, 0)>
module attributes {stable_mosaic.version = 14 : i64} {
  func.func @k(%arg0: i32, %arg1: i32, %arg2: memref<40000x128xf32, #tpu.memory_space<hbm>>, %arg3: memref<32x2x40x128xi32, #tpu.memory_space<hbm>>, %arg4: memref<32x2x40x128xi32, #tpu.memory_space<hbm>>, %arg5: memref<10112x128xf32, #tpu.memory_space<hbm>>, %arg6: memref<2x10112x128xf32, #tpu.memory_space<hbm>>, %arg7: memref<40x128xi32, #tpu.memory_space<vmem>>, %arg8: memref<40x128xi32, #tpu.memory_space<vmem>>, %arg9: memref<128x128xf32, #tpu.memory_space<vmem>>, %arg10: memref<128x128xf32, #tpu.memory_space<vmem>>, %arg11: memref<10112x128xf32, #tpu.memory_space<vmem_shared>>, %arg12: memref<!tpu.dma_semaphore, #tpu.memory_space<semaphore_mem>>, %arg13: memref<!tpu.dma_semaphore, #tpu.memory_space<semaphore_mem>>) attributes {dimension_semantics = [#tpu.dimension_semantics<core_parallel>, #tpu.dimension_semantics<subcore_parallel>], iteration_bounds = array<i64: 2, 16>, scalar_prefetch = 0 : i64, scratch_operands = 7 : i64, tpu.core_type = #tpu.core_type<sc_vector_subcore>, window_params = [{transform_indices = #map}, {transform_indices = #map1}, {transform_indices = #map1}, {transform_indices = #map}, {transform_indices = #map2}]} {
    %mul3A = arith.constant 16 : i32
    %mul3A_0 = arith.muli %arg0, %mul3A : i32
    %add3A = arith.addi %mul3A_0, %arg1 : i32
    %eq3A = arith.constant 0 : i32
    %eq3A_1 = arith.cmpi eq, %arg0, %eq3A : i32
    %jit3A = arith.constant 20 : i32
    %jit3A_2 = arith.constant 20 : i32
    %select_n3A = arith.select %eq3A_1, %jit3A, %jit3A_2 : i32
    %mul3A_3 = arith.constant 2 : i32
    %mul3A_4 = arith.muli %mul3A_3, %select_n3A : i32
    %mul3A_5 = arith.constant 632 : i32
    %mul3A_6 = arith.muli %arg1, %mul3A_5 : i32
    %mul3A_7 = arith.constant 632 : i32
    %mul3A_8 = arith.muli %arg1, %mul3A_7 : i32
    "tpu.region"() ({
      %run_scoped3A_49 = tpu.sem_alloc : memref<!tpu.dma_semaphore, #tpu.memory_space<semaphore_mem>>
      %dma_start3A_50 = arith.constant 0 : i32
      %dma_start3A_51 = tpu.memref_slice %arg11[%mul3A_8, %dma_start3A_50] : memref<10112x128xf32, #tpu.memory_space<vmem_shared>> -> memref<632x128xf32, #tpu.memory_space<vmem_shared>>
      %dma_start3A_52 = arith.constant 0 : i32
      %dma_start3A_53 = tpu.memref_slice %arg5[%mul3A_6, %dma_start3A_52] : memref<10112x128xf32, #tpu.memory_space<hbm>> -> memref<632x128xf32, #tpu.memory_space<hbm>>
      tpu.enqueue_dma source(%dma_start3A_53 : memref<632x128xf32, #tpu.memory_space<hbm>>) target(%dma_start3A_51 : memref<632x128xf32, #tpu.memory_space<vmem_shared>>) target_semaphore(%run_scoped3A_49 : memref<!tpu.dma_semaphore, #tpu.memory_space<semaphore_mem>>)
      %dma_wait3A = arith.constant 0 : i32
      %dma_wait3A_54 = tpu.memref_slice %arg11[%mul3A_8, %dma_wait3A] : memref<10112x128xf32, #tpu.memory_space<vmem_shared>> -> memref<632x128xf32, #tpu.memory_space<vmem_shared>>
      %dma_wait3A_55 = arith.constant 0 : i32
      %dma_wait3A_56 = tpu.memref_slice %arg5[%mul3A_6, %dma_wait3A_55] : memref<10112x128xf32, #tpu.memory_space<hbm>> -> memref<632x128xf32, #tpu.memory_space<hbm>>
      tpu.wait_dma2 semaphore(%run_scoped3A_49 : memref<!tpu.dma_semaphore, #tpu.memory_space<semaphore_mem>>) src(%dma_wait3A_56 : memref<632x128xf32, #tpu.memory_space<hbm>>) dst(%dma_wait3A_54 : memref<632x128xf32, #tpu.memory_space<vmem_shared>>)
      tpu.yield
    }) : () -> ()
    %barrier3A = arith.constant 0 : index
    tpu.barrier barrier_id(%barrier3A)
    %run_scoped3A = arith.constant 0 : i32
    "tpu.region"() ({
      %run_scoped3A_49 = tpu.sem_alloc : memref<!tpu.dma_semaphore, #tpu.memory_space<semaphore_mem>>
      %dma_start3A_50 = arith.constant 0 : i32
      %dma_start3A_51 = arith.constant 0 : i32
      %dma_start3A_52 = tpu.memref_slice %arg3[%add3A, %run_scoped3A, %dma_start3A_50, %dma_start3A_51] : memref<32x2x40x128xi32, #tpu.memory_space<hbm>> -> memref<1x1x40x128xi32, #tpu.memory_space<hbm>>
      %dma_start3A_53 = tpu.memref_squeeze %dma_start3A_52 : memref<1x1x40x128xi32, #tpu.memory_space<hbm>> -> memref<40x128xi32, #tpu.memory_space<hbm>>
      %dma_start3A_54 = arith.constant 0 : i32
      %dma_start3A_55 = arith.constant 0 : i32
      %dma_start3A_56 = tpu.memref_slice %arg3[%add3A, %run_scoped3A, %dma_start3A_54, %dma_start3A_55] : memref<32x2x40x128xi32, #tpu.memory_space<hbm>> -> memref<1x1x40x128xi32, #tpu.memory_space<hbm>>
      %dma_start3A_57 = tpu.memref_squeeze %dma_start3A_56 : memref<1x1x40x128xi32, #tpu.memory_space<hbm>> -> memref<40x128xi32, #tpu.memory_space<hbm>>
      tpu.enqueue_dma source(%dma_start3A_57 : memref<40x128xi32, #tpu.memory_space<hbm>>) target(%arg7 : memref<40x128xi32, #tpu.memory_space<vmem>>) target_semaphore(%run_scoped3A_49 : memref<!tpu.dma_semaphore, #tpu.memory_space<semaphore_mem>>)
      %dma_wait3A = arith.constant 0 : i32
      %dma_wait3A_58 = arith.constant 0 : i32
      %dma_wait3A_59 = tpu.memref_slice %arg3[%add3A, %run_scoped3A, %dma_wait3A, %dma_wait3A_58] : memref<32x2x40x128xi32, #tpu.memory_space<hbm>> -> memref<1x1x40x128xi32, #tpu.memory_space<hbm>>
      %dma_wait3A_60 = tpu.memref_squeeze %dma_wait3A_59 : memref<1x1x40x128xi32, #tpu.memory_space<hbm>> -> memref<40x128xi32, #tpu.memory_space<hbm>>
      %dma_wait3A_61 = arith.constant 0 : i32
      %dma_wait3A_62 = arith.constant 0 : i32
      %dma_wait3A_63 = tpu.memref_slice %arg3[%add3A, %run_scoped3A, %dma_wait3A_61, %dma_wait3A_62] : memref<32x2x40x128xi32, #tpu.memory_space<hbm>> -> memref<1x1x40x128xi32, #tpu.memory_space<hbm>>
      %dma_wait3A_64 = tpu.memref_squeeze %dma_wait3A_63 : memref<1x1x40x128xi32, #tpu.memory_space<hbm>> -> memref<40x128xi32, #tpu.memory_space<hbm>>
      tpu.wait_dma2 semaphore(%run_scoped3A_49 : memref<!tpu.dma_semaphore, #tpu.memory_space<semaphore_mem>>) src(%dma_wait3A_64 : memref<40x128xi32, #tpu.memory_space<hbm>>) dst(%arg7 : memref<40x128xi32, #tpu.memory_space<vmem>>)
      tpu.yield
    }) : () -> ()
    %run_scoped3A_9 = arith.constant 0 : i32
    "tpu.region"() ({
      %run_scoped3A_49 = tpu.sem_alloc : memref<!tpu.dma_semaphore, #tpu.memory_space<semaphore_mem>>
      %dma_start3A_50 = arith.constant 0 : i32
      %dma_start3A_51 = arith.constant 0 : i32
      %dma_start3A_52 = tpu.memref_slice %arg4[%add3A, %run_scoped3A_9, %dma_start3A_50, %dma_start3A_51] : memref<32x2x40x128xi32, #tpu.memory_space<hbm>> -> memref<1x1x40x128xi32, #tpu.memory_space<hbm>>
      %dma_start3A_53 = tpu.memref_squeeze %dma_start3A_52 : memref<1x1x40x128xi32, #tpu.memory_space<hbm>> -> memref<40x128xi32, #tpu.memory_space<hbm>>
      %dma_start3A_54 = arith.constant 0 : i32
      %dma_start3A_55 = arith.constant 0 : i32
      %dma_start3A_56 = tpu.memref_slice %arg4[%add3A, %run_scoped3A_9, %dma_start3A_54, %dma_start3A_55] : memref<32x2x40x128xi32, #tpu.memory_space<hbm>> -> memref<1x1x40x128xi32, #tpu.memory_space<hbm>>
      %dma_start3A_57 = tpu.memref_squeeze %dma_start3A_56 : memref<1x1x40x128xi32, #tpu.memory_space<hbm>> -> memref<40x128xi32, #tpu.memory_space<hbm>>
      tpu.enqueue_dma source(%dma_start3A_57 : memref<40x128xi32, #tpu.memory_space<hbm>>) target(%arg8 : memref<40x128xi32, #tpu.memory_space<vmem>>) target_semaphore(%run_scoped3A_49 : memref<!tpu.dma_semaphore, #tpu.memory_space<semaphore_mem>>)
      %dma_wait3A = arith.constant 0 : i32
      %dma_wait3A_58 = arith.constant 0 : i32
      %dma_wait3A_59 = tpu.memref_slice %arg4[%add3A, %run_scoped3A_9, %dma_wait3A, %dma_wait3A_58] : memref<32x2x40x128xi32, #tpu.memory_space<hbm>> -> memref<1x1x40x128xi32, #tpu.memory_space<hbm>>
      %dma_wait3A_60 = tpu.memref_squeeze %dma_wait3A_59 : memref<1x1x40x128xi32, #tpu.memory_space<hbm>> -> memref<40x128xi32, #tpu.memory_space<hbm>>
      %dma_wait3A_61 = arith.constant 0 : i32
      %dma_wait3A_62 = arith.constant 0 : i32
      %dma_wait3A_63 = tpu.memref_slice %arg4[%add3A, %run_scoped3A_9, %dma_wait3A_61, %dma_wait3A_62] : memref<32x2x40x128xi32, #tpu.memory_space<hbm>> -> memref<1x1x40x128xi32, #tpu.memory_space<hbm>>
      %dma_wait3A_64 = tpu.memref_squeeze %dma_wait3A_63 : memref<1x1x40x128xi32, #tpu.memory_space<hbm>> -> memref<40x128xi32, #tpu.memory_space<hbm>>
      tpu.wait_dma2 semaphore(%run_scoped3A_49 : memref<!tpu.dma_semaphore, #tpu.memory_space<semaphore_mem>>) src(%dma_wait3A_64 : memref<40x128xi32, #tpu.memory_space<hbm>>) dst(%arg8 : memref<40x128xi32, #tpu.memory_space<vmem>>)
      tpu.yield
    }) : () -> ()
    %dma_start3A = arith.constant 0 : i32
    %dma_start3A_10 = arith.constant 0 : i32
    %dma_start3A_11 = tpu.memref_slice %arg7[%dma_start3A, %dma_start3A_10] : memref<40x128xi32, #tpu.memory_space<vmem>> -> memref<1x128xi32, #tpu.memory_space<vmem>>
    %dma_start3A_12 = tpu.memref_squeeze %dma_start3A_11 : memref<1x128xi32, #tpu.memory_space<vmem>> -> memref<128xi32, #tpu.memory_space<vmem>>
    %dma_start3A_13 = arith.constant 0 : i32
    %dma_start3A_14 = arith.constant 0 : i32
    %dma_start3A_15 = tpu.memref_slice %arg2[%dma_start3A_13, %dma_start3A_14] : memref<40000x128xf32, #tpu.memory_space<hbm>> -> memref<40000x128xf32, #tpu.memory_space<hbm>>
    tpu.enqueue_indirect_dma source(%dma_start3A_15 : memref<40000x128xf32, #tpu.memory_space<hbm>>) target(%arg9 : memref<128x128xf32, #tpu.memory_space<vmem>>) offsets(%dma_start3A_12 : memref<128xi32, #tpu.memory_space<vmem>>) semaphore(%arg12 : memref<!tpu.dma_semaphore, #tpu.memory_space<semaphore_mem>>)
    %while3A = arith.constant 0 : i32
    %while3A_16 = arith.constant 0 : i32
    %while3A_17 = arith.subi %select_n3A, %while3A_16 : i32
    %while3A_18 = arith.addi %while3A_16, %while3A_17 : i32
    %while3A_19 = arith.constant 1 : i32
    %while3A_20 = arith.divsi %while3A_17, %while3A_19 : i32
    %while3A_21 = arith.muli %while3A_20, %while3A_19 : i32
    %while3A_22 = arith.addi %while3A_16, %while3A_21 : i32
    %while3A_23 = arith.constant 1 : i32
    scf.for %while3A_49 = %while3A_16 to %while3A_22 step %while3A_23  : i32 {
      %mul3A_50 = arith.constant 2 : i32
      %mul3A_51 = arith.muli %mul3A_50, %while3A_49 : i32
      %add3A_52 = arith.constant 1 : i32
      %add3A_53 = arith.addi %mul3A_51, %add3A_52 : i32
      %dma_start3A_54 = arith.constant 0 : i32
      %dma_start3A_55 = tpu.memref_slice %arg7[%add3A_53, %dma_start3A_54] : memref<40x128xi32, #tpu.memory_space<vmem>> -> memref<1x128xi32, #tpu.memory_space<vmem>>
      %dma_start3A_56 = tpu.memref_squeeze %dma_start3A_55 : memref<1x128xi32, #tpu.memory_space<vmem>> -> memref<128xi32, #tpu.memory_space<vmem>>
      %dma_start3A_57 = arith.constant 0 : i32
      %dma_start3A_58 = arith.constant 0 : i32
      %dma_start3A_59 = tpu.memref_slice %arg2[%dma_start3A_57, %dma_start3A_58] : memref<40000x128xf32, #tpu.memory_space<hbm>> -> memref<40000x128xf32, #tpu.memory_space<hbm>>
      tpu.enqueue_indirect_dma source(%dma_start3A_59 : memref<40000x128xf32, #tpu.memory_space<hbm>>) target(%arg10 : memref<128x128xf32, #tpu.memory_space<vmem>>) offsets(%dma_start3A_56 : memref<128xi32, #tpu.memory_space<vmem>>) semaphore(%arg13 : memref<!tpu.dma_semaphore, #tpu.memory_space<semaphore_mem>>)
      %dma_wait3A = arith.constant 0 : i32
      %dma_wait3A_60 = tpu.memref_slice %arg7[%mul3A_51, %dma_wait3A] : memref<40x128xi32, #tpu.memory_space<vmem>> -> memref<1x128xi32, #tpu.memory_space<vmem>>
      %dma_wait3A_61 = tpu.memref_squeeze %dma_wait3A_60 : memref<1x128xi32, #tpu.memory_space<vmem>> -> memref<128xi32, #tpu.memory_space<vmem>>
      %dma_wait3A_62 = arith.constant 0 : i32
      %dma_wait3A_63 = arith.constant 0 : i32
      %dma_wait3A_64 = tpu.memref_slice %arg2[%dma_wait3A_62, %dma_wait3A_63] : memref<40000x128xf32, #tpu.memory_space<hbm>> -> memref<40000x128xf32, #tpu.memory_space<hbm>>
      tpu.wait_indirect_dma semaphore(%arg12 : memref<!tpu.dma_semaphore, #tpu.memory_space<semaphore_mem>>) src(%dma_wait3A_64 : memref<40000x128xf32, #tpu.memory_space<hbm>>) dst(%arg9 : memref<128x128xf32, #tpu.memory_space<vmem>>)
      "tpu.region"() ({
        %run_scoped3A_78 = tpu.sem_alloc : memref<!tpu.dma_semaphore, #tpu.memory_space<semaphore_mem>>
        %dma_start3A_79 = arith.constant 0 : i32
        %dma_start3A_80 = tpu.memref_slice %arg8[%mul3A_51, %dma_start3A_79] : memref<40x128xi32, #tpu.memory_space<vmem>> -> memref<1x128xi32, #tpu.memory_space<vmem>>
        %dma_start3A_81 = tpu.memref_squeeze %dma_start3A_80 : memref<1x128xi32, #tpu.memory_space<vmem>> -> memref<128xi32, #tpu.memory_space<vmem>>
        %dma_start3A_82 = arith.constant 0 : i32
        %dma_start3A_83 = arith.constant 0 : i32
        %dma_start3A_84 = tpu.memref_slice %arg11[%dma_start3A_82, %dma_start3A_83] : memref<10112x128xf32, #tpu.memory_space<vmem_shared>> -> memref<10112x128xf32, #tpu.memory_space<vmem_shared>>
        tpu.enqueue_indirect_dma source(%arg9 : memref<128x128xf32, #tpu.memory_space<vmem>>) target(%dma_start3A_84 : memref<10112x128xf32, #tpu.memory_space<vmem_shared>>) offsets(%dma_start3A_81 : memref<128xi32, #tpu.memory_space<vmem>>) semaphore(%run_scoped3A_78 : memref<!tpu.dma_semaphore, #tpu.memory_space<semaphore_mem>>) {add = true}
        %dma_wait3A_85 = arith.constant 0 : i32
        %dma_wait3A_86 = tpu.memref_slice %arg8[%mul3A_51, %dma_wait3A_85] : memref<40x128xi32, #tpu.memory_space<vmem>> -> memref<1x128xi32, #tpu.memory_space<vmem>>
        %dma_wait3A_87 = tpu.memref_squeeze %dma_wait3A_86 : memref<1x128xi32, #tpu.memory_space<vmem>> -> memref<128xi32, #tpu.memory_space<vmem>>
        %dma_wait3A_88 = arith.constant 0 : i32
        %dma_wait3A_89 = arith.constant 0 : i32
        %dma_wait3A_90 = tpu.memref_slice %arg11[%dma_wait3A_88, %dma_wait3A_89] : memref<10112x128xf32, #tpu.memory_space<vmem_shared>> -> memref<10112x128xf32, #tpu.memory_space<vmem_shared>>
        tpu.wait_indirect_dma semaphore(%run_scoped3A_78 : memref<!tpu.dma_semaphore, #tpu.memory_space<semaphore_mem>>) src(%arg9 : memref<128x128xf32, #tpu.memory_space<vmem>>) dst(%dma_wait3A_90 : memref<10112x128xf32, #tpu.memory_space<vmem_shared>>)
        tpu.yield
      }) : () -> ()
      %add3A_65 = arith.constant 2 : i32
      %add3A_66 = arith.addi %mul3A_51, %add3A_65 : i32
      %lt3A = arith.cmpi slt, %add3A_66, %mul3A_4 : i32
      %convert_element_type3A = arith.extui %lt3A : i1 to i32
      %cond3A = arith.constant 0 : i32
      %cond3A_67 = arith.cmpi ne, %convert_element_type3A, %cond3A : i32
      scf.if %cond3A_67 {
        %add3A_78 = arith.constant 2 : i32
        %add3A_79 = arith.addi %mul3A_51, %add3A_78 : i32
        %dma_start3A_80 = arith.constant 0 : i32
        %dma_start3A_81 = tpu.memref_slice %arg7[%add3A_79, %dma_start3A_80] : memref<40x128xi32, #tpu.memory_space<vmem>> -> memref<1x128xi32, #tpu.memory_space<vmem>>
        %dma_start3A_82 = tpu.memref_squeeze %dma_start3A_81 : memref<1x128xi32, #tpu.memory_space<vmem>> -> memref<128xi32, #tpu.memory_space<vmem>>
        %dma_start3A_83 = arith.constant 0 : i32
        %dma_start3A_84 = arith.constant 0 : i32
        %dma_start3A_85 = tpu.memref_slice %arg2[%dma_start3A_83, %dma_start3A_84] : memref<40000x128xf32, #tpu.memory_space<hbm>> -> memref<40000x128xf32, #tpu.memory_space<hbm>>
        tpu.enqueue_indirect_dma source(%dma_start3A_85 : memref<40000x128xf32, #tpu.memory_space<hbm>>) target(%arg9 : memref<128x128xf32, #tpu.memory_space<vmem>>) offsets(%dma_start3A_82 : memref<128xi32, #tpu.memory_space<vmem>>) semaphore(%arg12 : memref<!tpu.dma_semaphore, #tpu.memory_space<semaphore_mem>>)
      } else {
      }
      %add3A_68 = arith.constant 1 : i32
      %add3A_69 = arith.addi %mul3A_51, %add3A_68 : i32
      %dma_wait3A_70 = arith.constant 0 : i32
      %dma_wait3A_71 = tpu.memref_slice %arg7[%add3A_69, %dma_wait3A_70] : memref<40x128xi32, #tpu.memory_space<vmem>> -> memref<1x128xi32, #tpu.memory_space<vmem>>
      %dma_wait3A_72 = tpu.memref_squeeze %dma_wait3A_71 : memref<1x128xi32, #tpu.memory_space<vmem>> -> memref<128xi32, #tpu.memory_space<vmem>>
      %dma_wait3A_73 = arith.constant 0 : i32
      %dma_wait3A_74 = arith.constant 0 : i32
      %dma_wait3A_75 = tpu.memref_slice %arg2[%dma_wait3A_73, %dma_wait3A_74] : memref<40000x128xf32, #tpu.memory_space<hbm>> -> memref<40000x128xf32, #tpu.memory_space<hbm>>
      tpu.wait_indirect_dma semaphore(%arg13 : memref<!tpu.dma_semaphore, #tpu.memory_space<semaphore_mem>>) src(%dma_wait3A_75 : memref<40000x128xf32, #tpu.memory_space<hbm>>) dst(%arg10 : memref<128x128xf32, #tpu.memory_space<vmem>>)
      %add3A_76 = arith.constant 1 : i32
      %add3A_77 = arith.addi %mul3A_51, %add3A_76 : i32
      "tpu.region"() ({
        %run_scoped3A_78 = tpu.sem_alloc : memref<!tpu.dma_semaphore, #tpu.memory_space<semaphore_mem>>
        %dma_start3A_79 = arith.constant 0 : i32
        %dma_start3A_80 = tpu.memref_slice %arg8[%add3A_77, %dma_start3A_79] : memref<40x128xi32, #tpu.memory_space<vmem>> -> memref<1x128xi32, #tpu.memory_space<vmem>>
        %dma_start3A_81 = tpu.memref_squeeze %dma_start3A_80 : memref<1x128xi32, #tpu.memory_space<vmem>> -> memref<128xi32, #tpu.memory_space<vmem>>
        %dma_start3A_82 = arith.constant 0 : i32
        %dma_start3A_83 = arith.constant 0 : i32
        %dma_start3A_84 = tpu.memref_slice %arg11[%dma_start3A_82, %dma_start3A_83] : memref<10112x128xf32, #tpu.memory_space<vmem_shared>> -> memref<10112x128xf32, #tpu.memory_space<vmem_shared>>
        tpu.enqueue_indirect_dma source(%arg10 : memref<128x128xf32, #tpu.memory_space<vmem>>) target(%dma_start3A_84 : memref<10112x128xf32, #tpu.memory_space<vmem_shared>>) offsets(%dma_start3A_81 : memref<128xi32, #tpu.memory_space<vmem>>) semaphore(%run_scoped3A_78 : memref<!tpu.dma_semaphore, #tpu.memory_space<semaphore_mem>>) {add = true}
        %dma_wait3A_85 = arith.constant 0 : i32
        %dma_wait3A_86 = tpu.memref_slice %arg8[%add3A_77, %dma_wait3A_85] : memref<40x128xi32, #tpu.memory_space<vmem>> -> memref<1x128xi32, #tpu.memory_space<vmem>>
        %dma_wait3A_87 = tpu.memref_squeeze %dma_wait3A_86 : memref<1x128xi32, #tpu.memory_space<vmem>> -> memref<128xi32, #tpu.memory_space<vmem>>
        %dma_wait3A_88 = arith.constant 0 : i32
        %dma_wait3A_89 = arith.constant 0 : i32
        %dma_wait3A_90 = tpu.memref_slice %arg11[%dma_wait3A_88, %dma_wait3A_89] : memref<10112x128xf32, #tpu.memory_space<vmem_shared>> -> memref<10112x128xf32, #tpu.memory_space<vmem_shared>>
        tpu.wait_indirect_dma semaphore(%run_scoped3A_78 : memref<!tpu.dma_semaphore, #tpu.memory_space<semaphore_mem>>) src(%arg10 : memref<128x128xf32, #tpu.memory_space<vmem>>) dst(%dma_wait3A_90 : memref<10112x128xf32, #tpu.memory_space<vmem_shared>>)
        tpu.yield
      }) : () -> ()
    }
    %while3A_24 = arith.constant 1 : i32
    scf.for %while3A_49 = %while3A_22 to %while3A_18 step %while3A_24  : i32 {
      %mul3A_50 = arith.constant 2 : i32
      %mul3A_51 = arith.muli %mul3A_50, %while3A_49 : i32
      %add3A_52 = arith.constant 1 : i32
      %add3A_53 = arith.addi %mul3A_51, %add3A_52 : i32
      %dma_start3A_54 = arith.constant 0 : i32
      %dma_start3A_55 = tpu.memref_slice %arg7[%add3A_53, %dma_start3A_54] : memref<40x128xi32, #tpu.memory_space<vmem>> -> memref<1x128xi32, #tpu.memory_space<vmem>>
      %dma_start3A_56 = tpu.memref_squeeze %dma_start3A_55 : memref<1x128xi32, #tpu.memory_space<vmem>> -> memref<128xi32, #tpu.memory_space<vmem>>
      %dma_start3A_57 = arith.constant 0 : i32
      %dma_start3A_58 = arith.constant 0 : i32
      %dma_start3A_59 = tpu.memref_slice %arg2[%dma_start3A_57, %dma_start3A_58] : memref<40000x128xf32, #tpu.memory_space<hbm>> -> memref<40000x128xf32, #tpu.memory_space<hbm>>
      tpu.enqueue_indirect_dma source(%dma_start3A_59 : memref<40000x128xf32, #tpu.memory_space<hbm>>) target(%arg10 : memref<128x128xf32, #tpu.memory_space<vmem>>) offsets(%dma_start3A_56 : memref<128xi32, #tpu.memory_space<vmem>>) semaphore(%arg13 : memref<!tpu.dma_semaphore, #tpu.memory_space<semaphore_mem>>)
      %dma_wait3A = arith.constant 0 : i32
      %dma_wait3A_60 = tpu.memref_slice %arg7[%mul3A_51, %dma_wait3A] : memref<40x128xi32, #tpu.memory_space<vmem>> -> memref<1x128xi32, #tpu.memory_space<vmem>>
      %dma_wait3A_61 = tpu.memref_squeeze %dma_wait3A_60 : memref<1x128xi32, #tpu.memory_space<vmem>> -> memref<128xi32, #tpu.memory_space<vmem>>
      %dma_wait3A_62 = arith.constant 0 : i32
      %dma_wait3A_63 = arith.constant 0 : i32
      %dma_wait3A_64 = tpu.memref_slice %arg2[%dma_wait3A_62, %dma_wait3A_63] : memref<40000x128xf32, #tpu.memory_space<hbm>> -> memref<40000x128xf32, #tpu.memory_space<hbm>>
      tpu.wait_indirect_dma semaphore(%arg12 : memref<!tpu.dma_semaphore, #tpu.memory_space<semaphore_mem>>) src(%dma_wait3A_64 : memref<40000x128xf32, #tpu.memory_space<hbm>>) dst(%arg9 : memref<128x128xf32, #tpu.memory_space<vmem>>)
      "tpu.region"() ({
        %run_scoped3A_78 = tpu.sem_alloc : memref<!tpu.dma_semaphore, #tpu.memory_space<semaphore_mem>>
        %dma_start3A_79 = arith.constant 0 : i32
        %dma_start3A_80 = tpu.memref_slice %arg8[%mul3A_51, %dma_start3A_79] : memref<40x128xi32, #tpu.memory_space<vmem>> -> memref<1x128xi32, #tpu.memory_space<vmem>>
        %dma_start3A_81 = tpu.memref_squeeze %dma_start3A_80 : memref<1x128xi32, #tpu.memory_space<vmem>> -> memref<128xi32, #tpu.memory_space<vmem>>
        %dma_start3A_82 = arith.constant 0 : i32
        %dma_start3A_83 = arith.constant 0 : i32
        %dma_start3A_84 = tpu.memref_slice %arg11[%dma_start3A_82, %dma_start3A_83] : memref<10112x128xf32, #tpu.memory_space<vmem_shared>> -> memref<10112x128xf32, #tpu.memory_space<vmem_shared>>
        tpu.enqueue_indirect_dma source(%arg9 : memref<128x128xf32, #tpu.memory_space<vmem>>) target(%dma_start3A_84 : memref<10112x128xf32, #tpu.memory_space<vmem_shared>>) offsets(%dma_start3A_81 : memref<128xi32, #tpu.memory_space<vmem>>) semaphore(%run_scoped3A_78 : memref<!tpu.dma_semaphore, #tpu.memory_space<semaphore_mem>>) {add = true}
        %dma_wait3A_85 = arith.constant 0 : i32
        %dma_wait3A_86 = tpu.memref_slice %arg8[%mul3A_51, %dma_wait3A_85] : memref<40x128xi32, #tpu.memory_space<vmem>> -> memref<1x128xi32, #tpu.memory_space<vmem>>
        %dma_wait3A_87 = tpu.memref_squeeze %dma_wait3A_86 : memref<1x128xi32, #tpu.memory_space<vmem>> -> memref<128xi32, #tpu.memory_space<vmem>>
        %dma_wait3A_88 = arith.constant 0 : i32
        %dma_wait3A_89 = arith.constant 0 : i32
        %dma_wait3A_90 = tpu.memref_slice %arg11[%dma_wait3A_88, %dma_wait3A_89] : memref<10112x128xf32, #tpu.memory_space<vmem_shared>> -> memref<10112x128xf32, #tpu.memory_space<vmem_shared>>
        tpu.wait_indirect_dma semaphore(%run_scoped3A_78 : memref<!tpu.dma_semaphore, #tpu.memory_space<semaphore_mem>>) src(%arg9 : memref<128x128xf32, #tpu.memory_space<vmem>>) dst(%dma_wait3A_90 : memref<10112x128xf32, #tpu.memory_space<vmem_shared>>)
        tpu.yield
      }) : () -> ()
      %add3A_65 = arith.constant 2 : i32
      %add3A_66 = arith.addi %mul3A_51, %add3A_65 : i32
      %lt3A = arith.cmpi slt, %add3A_66, %mul3A_4 : i32
      %convert_element_type3A = arith.extui %lt3A : i1 to i32
      %cond3A = arith.constant 0 : i32
      %cond3A_67 = arith.cmpi ne, %convert_element_type3A, %cond3A : i32
      scf.if %cond3A_67 {
        %add3A_78 = arith.constant 2 : i32
        %add3A_79 = arith.addi %mul3A_51, %add3A_78 : i32
        %dma_start3A_80 = arith.constant 0 : i32
        %dma_start3A_81 = tpu.memref_slice %arg7[%add3A_79, %dma_start3A_80] : memref<40x128xi32, #tpu.memory_space<vmem>> -> memref<1x128xi32, #tpu.memory_space<vmem>>
        %dma_start3A_82 = tpu.memref_squeeze %dma_start3A_81 : memref<1x128xi32, #tpu.memory_space<vmem>> -> memref<128xi32, #tpu.memory_space<vmem>>
        %dma_start3A_83 = arith.constant 0 : i32
        %dma_start3A_84 = arith.constant 0 : i32
        %dma_start3A_85 = tpu.memref_slice %arg2[%dma_start3A_83, %dma_start3A_84] : memref<40000x128xf32, #tpu.memory_space<hbm>> -> memref<40000x128xf32, #tpu.memory_space<hbm>>
        tpu.enqueue_indirect_dma source(%dma_start3A_85 : memref<40000x128xf32, #tpu.memory_space<hbm>>) target(%arg9 : memref<128x128xf32, #tpu.memory_space<vmem>>) offsets(%dma_start3A_82 : memref<128xi32, #tpu.memory_space<vmem>>) semaphore(%arg12 : memref<!tpu.dma_semaphore, #tpu.memory_space<semaphore_mem>>)
      } else {
      }
      %add3A_68 = arith.constant 1 : i32
      %add3A_69 = arith.addi %mul3A_51, %add3A_68 : i32
      %dma_wait3A_70 = arith.constant 0 : i32
      %dma_wait3A_71 = tpu.memref_slice %arg7[%add3A_69, %dma_wait3A_70] : memref<40x128xi32, #tpu.memory_space<vmem>> -> memref<1x128xi32, #tpu.memory_space<vmem>>
      %dma_wait3A_72 = tpu.memref_squeeze %dma_wait3A_71 : memref<1x128xi32, #tpu.memory_space<vmem>> -> memref<128xi32, #tpu.memory_space<vmem>>
      %dma_wait3A_73 = arith.constant 0 : i32
      %dma_wait3A_74 = arith.constant 0 : i32
      %dma_wait3A_75 = tpu.memref_slice %arg2[%dma_wait3A_73, %dma_wait3A_74] : memref<40000x128xf32, #tpu.memory_space<hbm>> -> memref<40000x128xf32, #tpu.memory_space<hbm>>
      tpu.wait_indirect_dma semaphore(%arg13 : memref<!tpu.dma_semaphore, #tpu.memory_space<semaphore_mem>>) src(%dma_wait3A_75 : memref<40000x128xf32, #tpu.memory_space<hbm>>) dst(%arg10 : memref<128x128xf32, #tpu.memory_space<vmem>>)
      %add3A_76 = arith.constant 1 : i32
      %add3A_77 = arith.addi %mul3A_51, %add3A_76 : i32
      "tpu.region"() ({
        %run_scoped3A_78 = tpu.sem_alloc : memref<!tpu.dma_semaphore, #tpu.memory_space<semaphore_mem>>
        %dma_start3A_79 = arith.constant 0 : i32
        %dma_start3A_80 = tpu.memref_slice %arg8[%add3A_77, %dma_start3A_79] : memref<40x128xi32, #tpu.memory_space<vmem>> -> memref<1x128xi32, #tpu.memory_space<vmem>>
        %dma_start3A_81 = tpu.memref_squeeze %dma_start3A_80 : memref<1x128xi32, #tpu.memory_space<vmem>> -> memref<128xi32, #tpu.memory_space<vmem>>
        %dma_start3A_82 = arith.constant 0 : i32
        %dma_start3A_83 = arith.constant 0 : i32
        %dma_start3A_84 = tpu.memref_slice %arg11[%dma_start3A_82, %dma_start3A_83] : memref<10112x128xf32, #tpu.memory_space<vmem_shared>> -> memref<10112x128xf32, #tpu.memory_space<vmem_shared>>
        tpu.enqueue_indirect_dma source(%arg10 : memref<128x128xf32, #tpu.memory_space<vmem>>) target(%dma_start3A_84 : memref<10112x128xf32, #tpu.memory_space<vmem_shared>>) offsets(%dma_start3A_81 : memref<128xi32, #tpu.memory_space<vmem>>) semaphore(%run_scoped3A_78 : memref<!tpu.dma_semaphore, #tpu.memory_space<semaphore_mem>>) {add = true}
        %dma_wait3A_85 = arith.constant 0 : i32
        %dma_wait3A_86 = tpu.memref_slice %arg8[%add3A_77, %dma_wait3A_85] : memref<40x128xi32, #tpu.memory_space<vmem>> -> memref<1x128xi32, #tpu.memory_space<vmem>>
        %dma_wait3A_87 = tpu.memref_squeeze %dma_wait3A_86 : memref<1x128xi32, #tpu.memory_space<vmem>> -> memref<128xi32, #tpu.memory_space<vmem>>
        %dma_wait3A_88 = arith.constant 0 : i32
        %dma_wait3A_89 = arith.constant 0 : i32
        %dma_wait3A_90 = tpu.memref_slice %arg11[%dma_wait3A_88, %dma_wait3A_89] : memref<10112x128xf32, #tpu.memory_space<vmem_shared>> -> memref<10112x128xf32, #tpu.memory_space<vmem_shared>>
        tpu.wait_indirect_dma semaphore(%run_scoped3A_78 : memref<!tpu.dma_semaphore, #tpu.memory_space<semaphore_mem>>) src(%arg10 : memref<128x128xf32, #tpu.memory_space<vmem>>) dst(%dma_wait3A_90 : memref<10112x128xf32, #tpu.memory_space<vmem_shared>>)
        tpu.yield
      }) : () -> ()
    }
    %run_scoped3A_25 = arith.constant 1 : i32
    "tpu.region"() ({
      %run_scoped3A_49 = tpu.sem_alloc : memref<!tpu.dma_semaphore, #tpu.memory_space<semaphore_mem>>
      %dma_start3A_50 = arith.constant 0 : i32
      %dma_start3A_51 = arith.constant 0 : i32
      %dma_start3A_52 = tpu.memref_slice %arg3[%add3A, %run_scoped3A_25, %dma_start3A_50, %dma_start3A_51] : memref<32x2x40x128xi32, #tpu.memory_space<hbm>> -> memref<1x1x40x128xi32, #tpu.memory_space<hbm>>
      %dma_start3A_53 = tpu.memref_squeeze %dma_start3A_52 : memref<1x1x40x128xi32, #tpu.memory_space<hbm>> -> memref<40x128xi32, #tpu.memory_space<hbm>>
      %dma_start3A_54 = arith.constant 0 : i32
      %dma_start3A_55 = arith.constant 0 : i32
      %dma_start3A_56 = tpu.memref_slice %arg3[%add3A, %run_scoped3A_25, %dma_start3A_54, %dma_start3A_55] : memref<32x2x40x128xi32, #tpu.memory_space<hbm>> -> memref<1x1x40x128xi32, #tpu.memory_space<hbm>>
      %dma_start3A_57 = tpu.memref_squeeze %dma_start3A_56 : memref<1x1x40x128xi32, #tpu.memory_space<hbm>> -> memref<40x128xi32, #tpu.memory_space<hbm>>
      tpu.enqueue_dma source(%dma_start3A_57 : memref<40x128xi32, #tpu.memory_space<hbm>>) target(%arg7 : memref<40x128xi32, #tpu.memory_space<vmem>>) target_semaphore(%run_scoped3A_49 : memref<!tpu.dma_semaphore, #tpu.memory_space<semaphore_mem>>)
      %dma_wait3A = arith.constant 0 : i32
      %dma_wait3A_58 = arith.constant 0 : i32
      %dma_wait3A_59 = tpu.memref_slice %arg3[%add3A, %run_scoped3A_25, %dma_wait3A, %dma_wait3A_58] : memref<32x2x40x128xi32, #tpu.memory_space<hbm>> -> memref<1x1x40x128xi32, #tpu.memory_space<hbm>>
      %dma_wait3A_60 = tpu.memref_squeeze %dma_wait3A_59 : memref<1x1x40x128xi32, #tpu.memory_space<hbm>> -> memref<40x128xi32, #tpu.memory_space<hbm>>
      %dma_wait3A_61 = arith.constant 0 : i32
      %dma_wait3A_62 = arith.constant 0 : i32
      %dma_wait3A_63 = tpu.memref_slice %arg3[%add3A, %run_scoped3A_25, %dma_wait3A_61, %dma_wait3A_62] : memref<32x2x40x128xi32, #tpu.memory_space<hbm>> -> memref<1x1x40x128xi32, #tpu.memory_space<hbm>>
      %dma_wait3A_64 = tpu.memref_squeeze %dma_wait3A_63 : memref<1x1x40x128xi32, #tpu.memory_space<hbm>> -> memref<40x128xi32, #tpu.memory_space<hbm>>
      tpu.wait_dma2 semaphore(%run_scoped3A_49 : memref<!tpu.dma_semaphore, #tpu.memory_space<semaphore_mem>>) src(%dma_wait3A_64 : memref<40x128xi32, #tpu.memory_space<hbm>>) dst(%arg7 : memref<40x128xi32, #tpu.memory_space<vmem>>)
      tpu.yield
    }) : () -> ()
    %run_scoped3A_26 = arith.constant 1 : i32
    "tpu.region"() ({
      %run_scoped3A_49 = tpu.sem_alloc : memref<!tpu.dma_semaphore, #tpu.memory_space<semaphore_mem>>
      %dma_start3A_50 = arith.constant 0 : i32
      %dma_start3A_51 = arith.constant 0 : i32
      %dma_start3A_52 = tpu.memref_slice %arg4[%add3A, %run_scoped3A_26, %dma_start3A_50, %dma_start3A_51] : memref<32x2x40x128xi32, #tpu.memory_space<hbm>> -> memref<1x1x40x128xi32, #tpu.memory_space<hbm>>
      %dma_start3A_53 = tpu.memref_squeeze %dma_start3A_52 : memref<1x1x40x128xi32, #tpu.memory_space<hbm>> -> memref<40x128xi32, #tpu.memory_space<hbm>>
      %dma_start3A_54 = arith.constant 0 : i32
      %dma_start3A_55 = arith.constant 0 : i32
      %dma_start3A_56 = tpu.memref_slice %arg4[%add3A, %run_scoped3A_26, %dma_start3A_54, %dma_start3A_55] : memref<32x2x40x128xi32, #tpu.memory_space<hbm>> -> memref<1x1x40x128xi32, #tpu.memory_space<hbm>>
      %dma_start3A_57 = tpu.memref_squeeze %dma_start3A_56 : memref<1x1x40x128xi32, #tpu.memory_space<hbm>> -> memref<40x128xi32, #tpu.memory_space<hbm>>
      tpu.enqueue_dma source(%dma_start3A_57 : memref<40x128xi32, #tpu.memory_space<hbm>>) target(%arg8 : memref<40x128xi32, #tpu.memory_space<vmem>>) target_semaphore(%run_scoped3A_49 : memref<!tpu.dma_semaphore, #tpu.memory_space<semaphore_mem>>)
      %dma_wait3A = arith.constant 0 : i32
      %dma_wait3A_58 = arith.constant 0 : i32
      %dma_wait3A_59 = tpu.memref_slice %arg4[%add3A, %run_scoped3A_26, %dma_wait3A, %dma_wait3A_58] : memref<32x2x40x128xi32, #tpu.memory_space<hbm>> -> memref<1x1x40x128xi32, #tpu.memory_space<hbm>>
      %dma_wait3A_60 = tpu.memref_squeeze %dma_wait3A_59 : memref<1x1x40x128xi32, #tpu.memory_space<hbm>> -> memref<40x128xi32, #tpu.memory_space<hbm>>
      %dma_wait3A_61 = arith.constant 0 : i32
      %dma_wait3A_62 = arith.constant 0 : i32
      %dma_wait3A_63 = tpu.memref_slice %arg4[%add3A, %run_scoped3A_26, %dma_wait3A_61, %dma_wait3A_62] : memref<32x2x40x128xi32, #tpu.memory_space<hbm>> -> memref<1x1x40x128xi32, #tpu.memory_space<hbm>>
      %dma_wait3A_64 = tpu.memref_squeeze %dma_wait3A_63 : memref<1x1x40x128xi32, #tpu.memory_space<hbm>> -> memref<40x128xi32, #tpu.memory_space<hbm>>
      tpu.wait_dma2 semaphore(%run_scoped3A_49 : memref<!tpu.dma_semaphore, #tpu.memory_space<semaphore_mem>>) src(%dma_wait3A_64 : memref<40x128xi32, #tpu.memory_space<hbm>>) dst(%arg8 : memref<40x128xi32, #tpu.memory_space<vmem>>)
      tpu.yield
    }) : () -> ()
    %dma_start3A_27 = arith.constant 0 : i32
    %dma_start3A_28 = arith.constant 0 : i32
    %dma_start3A_29 = tpu.memref_slice %arg7[%dma_start3A_27, %dma_start3A_28] : memref<40x128xi32, #tpu.memory_space<vmem>> -> memref<1x128xi32, #tpu.memory_space<vmem>>
    %dma_start3A_30 = tpu.memref_squeeze %dma_start3A_29 : memref<1x128xi32, #tpu.memory_space<vmem>> -> memref<128xi32, #tpu.memory_space<vmem>>
    %dma_start3A_31 = arith.constant 0 : i32
    %dma_start3A_32 = arith.constant 0 : i32
    %dma_start3A_33 = tpu.memref_slice %arg2[%dma_start3A_31, %dma_start3A_32] : memref<40000x128xf32, #tpu.memory_space<hbm>> -> memref<40000x128xf32, #tpu.memory_space<hbm>>
    tpu.enqueue_indirect_dma source(%dma_start3A_33 : memref<40000x128xf32, #tpu.memory_space<hbm>>) target(%arg9 : memref<128x128xf32, #tpu.memory_space<vmem>>) offsets(%dma_start3A_30 : memref<128xi32, #tpu.memory_space<vmem>>) semaphore(%arg12 : memref<!tpu.dma_semaphore, #tpu.memory_space<semaphore_mem>>)
    %while3A_34 = arith.constant 0 : i32
    %while3A_35 = arith.constant 0 : i32
    %while3A_36 = arith.subi %select_n3A, %while3A_35 : i32
    %while3A_37 = arith.addi %while3A_35, %while3A_36 : i32
    %while3A_38 = arith.constant 1 : i32
    %while3A_39 = arith.divsi %while3A_36, %while3A_38 : i32
    %while3A_40 = arith.muli %while3A_39, %while3A_38 : i32
    %while3A_41 = arith.addi %while3A_35, %while3A_40 : i32
    %while3A_42 = arith.constant 1 : i32
    scf.for %while3A_49 = %while3A_35 to %while3A_41 step %while3A_42  : i32 {
      %mul3A_50 = arith.constant 2 : i32
      %mul3A_51 = arith.muli %mul3A_50, %while3A_49 : i32
      %add3A_52 = arith.constant 1 : i32
      %add3A_53 = arith.addi %mul3A_51, %add3A_52 : i32
      %dma_start3A_54 = arith.constant 0 : i32
      %dma_start3A_55 = tpu.memref_slice %arg7[%add3A_53, %dma_start3A_54] : memref<40x128xi32, #tpu.memory_space<vmem>> -> memref<1x128xi32, #tpu.memory_space<vmem>>
      %dma_start3A_56 = tpu.memref_squeeze %dma_start3A_55 : memref<1x128xi32, #tpu.memory_space<vmem>> -> memref<128xi32, #tpu.memory_space<vmem>>
      %dma_start3A_57 = arith.constant 0 : i32
      %dma_start3A_58 = arith.constant 0 : i32
      %dma_start3A_59 = tpu.memref_slice %arg2[%dma_start3A_57, %dma_start3A_58] : memref<40000x128xf32, #tpu.memory_space<hbm>> -> memref<40000x128xf32, #tpu.memory_space<hbm>>
      tpu.enqueue_indirect_dma source(%dma_start3A_59 : memref<40000x128xf32, #tpu.memory_space<hbm>>) target(%arg10 : memref<128x128xf32, #tpu.memory_space<vmem>>) offsets(%dma_start3A_56 : memref<128xi32, #tpu.memory_space<vmem>>) semaphore(%arg13 : memref<!tpu.dma_semaphore, #tpu.memory_space<semaphore_mem>>)
      %dma_wait3A = arith.constant 0 : i32
      %dma_wait3A_60 = tpu.memref_slice %arg7[%mul3A_51, %dma_wait3A] : memref<40x128xi32, #tpu.memory_space<vmem>> -> memref<1x128xi32, #tpu.memory_space<vmem>>
      %dma_wait3A_61 = tpu.memref_squeeze %dma_wait3A_60 : memref<1x128xi32, #tpu.memory_space<vmem>> -> memref<128xi32, #tpu.memory_space<vmem>>
      %dma_wait3A_62 = arith.constant 0 : i32
      %dma_wait3A_63 = arith.constant 0 : i32
      %dma_wait3A_64 = tpu.memref_slice %arg2[%dma_wait3A_62, %dma_wait3A_63] : memref<40000x128xf32, #tpu.memory_space<hbm>> -> memref<40000x128xf32, #tpu.memory_space<hbm>>
      tpu.wait_indirect_dma semaphore(%arg12 : memref<!tpu.dma_semaphore, #tpu.memory_space<semaphore_mem>>) src(%dma_wait3A_64 : memref<40000x128xf32, #tpu.memory_space<hbm>>) dst(%arg9 : memref<128x128xf32, #tpu.memory_space<vmem>>)
      "tpu.region"() ({
        %run_scoped3A_78 = tpu.sem_alloc : memref<!tpu.dma_semaphore, #tpu.memory_space<semaphore_mem>>
        %dma_start3A_79 = arith.constant 0 : i32
        %dma_start3A_80 = tpu.memref_slice %arg8[%mul3A_51, %dma_start3A_79] : memref<40x128xi32, #tpu.memory_space<vmem>> -> memref<1x128xi32, #tpu.memory_space<vmem>>
        %dma_start3A_81 = tpu.memref_squeeze %dma_start3A_80 : memref<1x128xi32, #tpu.memory_space<vmem>> -> memref<128xi32, #tpu.memory_space<vmem>>
        %dma_start3A_82 = arith.constant 0 : i32
        %dma_start3A_83 = arith.constant 0 : i32
        %dma_start3A_84 = tpu.memref_slice %arg11[%dma_start3A_82, %dma_start3A_83] : memref<10112x128xf32, #tpu.memory_space<vmem_shared>> -> memref<10112x128xf32, #tpu.memory_space<vmem_shared>>
        tpu.enqueue_indirect_dma source(%arg9 : memref<128x128xf32, #tpu.memory_space<vmem>>) target(%dma_start3A_84 : memref<10112x128xf32, #tpu.memory_space<vmem_shared>>) offsets(%dma_start3A_81 : memref<128xi32, #tpu.memory_space<vmem>>) semaphore(%run_scoped3A_78 : memref<!tpu.dma_semaphore, #tpu.memory_space<semaphore_mem>>) {add = true}
        %dma_wait3A_85 = arith.constant 0 : i32
        %dma_wait3A_86 = tpu.memref_slice %arg8[%mul3A_51, %dma_wait3A_85] : memref<40x128xi32, #tpu.memory_space<vmem>> -> memref<1x128xi32, #tpu.memory_space<vmem>>
        %dma_wait3A_87 = tpu.memref_squeeze %dma_wait3A_86 : memref<1x128xi32, #tpu.memory_space<vmem>> -> memref<128xi32, #tpu.memory_space<vmem>>
        %dma_wait3A_88 = arith.constant 0 : i32
        %dma_wait3A_89 = arith.constant 0 : i32
        %dma_wait3A_90 = tpu.memref_slice %arg11[%dma_wait3A_88, %dma_wait3A_89] : memref<10112x128xf32, #tpu.memory_space<vmem_shared>> -> memref<10112x128xf32, #tpu.memory_space<vmem_shared>>
        tpu.wait_indirect_dma semaphore(%run_scoped3A_78 : memref<!tpu.dma_semaphore, #tpu.memory_space<semaphore_mem>>) src(%arg9 : memref<128x128xf32, #tpu.memory_space<vmem>>) dst(%dma_wait3A_90 : memref<10112x128xf32, #tpu.memory_space<vmem_shared>>)
        tpu.yield
      }) : () -> ()
      %add3A_65 = arith.constant 2 : i32
      %add3A_66 = arith.addi %mul3A_51, %add3A_65 : i32
      %lt3A = arith.cmpi slt, %add3A_66, %mul3A_4 : i32
      %convert_element_type3A = arith.extui %lt3A : i1 to i32
      %cond3A = arith.constant 0 : i32
      %cond3A_67 = arith.cmpi ne, %convert_element_type3A, %cond3A : i32
      scf.if %cond3A_67 {
        %add3A_78 = arith.constant 2 : i32
        %add3A_79 = arith.addi %mul3A_51, %add3A_78 : i32
        %dma_start3A_80 = arith.constant 0 : i32
        %dma_start3A_81 = tpu.memref_slice %arg7[%add3A_79, %dma_start3A_80] : memref<40x128xi32, #tpu.memory_space<vmem>> -> memref<1x128xi32, #tpu.memory_space<vmem>>
        %dma_start3A_82 = tpu.memref_squeeze %dma_start3A_81 : memref<1x128xi32, #tpu.memory_space<vmem>> -> memref<128xi32, #tpu.memory_space<vmem>>
        %dma_start3A_83 = arith.constant 0 : i32
        %dma_start3A_84 = arith.constant 0 : i32
        %dma_start3A_85 = tpu.memref_slice %arg2[%dma_start3A_83, %dma_start3A_84] : memref<40000x128xf32, #tpu.memory_space<hbm>> -> memref<40000x128xf32, #tpu.memory_space<hbm>>
        tpu.enqueue_indirect_dma source(%dma_start3A_85 : memref<40000x128xf32, #tpu.memory_space<hbm>>) target(%arg9 : memref<128x128xf32, #tpu.memory_space<vmem>>) offsets(%dma_start3A_82 : memref<128xi32, #tpu.memory_space<vmem>>) semaphore(%arg12 : memref<!tpu.dma_semaphore, #tpu.memory_space<semaphore_mem>>)
      } else {
      }
      %add3A_68 = arith.constant 1 : i32
      %add3A_69 = arith.addi %mul3A_51, %add3A_68 : i32
      %dma_wait3A_70 = arith.constant 0 : i32
      %dma_wait3A_71 = tpu.memref_slice %arg7[%add3A_69, %dma_wait3A_70] : memref<40x128xi32, #tpu.memory_space<vmem>> -> memref<1x128xi32, #tpu.memory_space<vmem>>
      %dma_wait3A_72 = tpu.memref_squeeze %dma_wait3A_71 : memref<1x128xi32, #tpu.memory_space<vmem>> -> memref<128xi32, #tpu.memory_space<vmem>>
      %dma_wait3A_73 = arith.constant 0 : i32
      %dma_wait3A_74 = arith.constant 0 : i32
      %dma_wait3A_75 = tpu.memref_slice %arg2[%dma_wait3A_73, %dma_wait3A_74] : memref<40000x128xf32, #tpu.memory_space<hbm>> -> memref<40000x128xf32, #tpu.memory_space<hbm>>
      tpu.wait_indirect_dma semaphore(%arg13 : memref<!tpu.dma_semaphore, #tpu.memory_space<semaphore_mem>>) src(%dma_wait3A_75 : memref<40000x128xf32, #tpu.memory_space<hbm>>) dst(%arg10 : memref<128x128xf32, #tpu.memory_space<vmem>>)
      %add3A_76 = arith.constant 1 : i32
      %add3A_77 = arith.addi %mul3A_51, %add3A_76 : i32
      "tpu.region"() ({
        %run_scoped3A_78 = tpu.sem_alloc : memref<!tpu.dma_semaphore, #tpu.memory_space<semaphore_mem>>
        %dma_start3A_79 = arith.constant 0 : i32
        %dma_start3A_80 = tpu.memref_slice %arg8[%add3A_77, %dma_start3A_79] : memref<40x128xi32, #tpu.memory_space<vmem>> -> memref<1x128xi32, #tpu.memory_space<vmem>>
        %dma_start3A_81 = tpu.memref_squeeze %dma_start3A_80 : memref<1x128xi32, #tpu.memory_space<vmem>> -> memref<128xi32, #tpu.memory_space<vmem>>
        %dma_start3A_82 = arith.constant 0 : i32
        %dma_start3A_83 = arith.constant 0 : i32
        %dma_start3A_84 = tpu.memref_slice %arg11[%dma_start3A_82, %dma_start3A_83] : memref<10112x128xf32, #tpu.memory_space<vmem_shared>> -> memref<10112x128xf32, #tpu.memory_space<vmem_shared>>
        tpu.enqueue_indirect_dma source(%arg10 : memref<128x128xf32, #tpu.memory_space<vmem>>) target(%dma_start3A_84 : memref<10112x128xf32, #tpu.memory_space<vmem_shared>>) offsets(%dma_start3A_81 : memref<128xi32, #tpu.memory_space<vmem>>) semaphore(%run_scoped3A_78 : memref<!tpu.dma_semaphore, #tpu.memory_space<semaphore_mem>>) {add = true}
        %dma_wait3A_85 = arith.constant 0 : i32
        %dma_wait3A_86 = tpu.memref_slice %arg8[%add3A_77, %dma_wait3A_85] : memref<40x128xi32, #tpu.memory_space<vmem>> -> memref<1x128xi32, #tpu.memory_space<vmem>>
        %dma_wait3A_87 = tpu.memref_squeeze %dma_wait3A_86 : memref<1x128xi32, #tpu.memory_space<vmem>> -> memref<128xi32, #tpu.memory_space<vmem>>
        %dma_wait3A_88 = arith.constant 0 : i32
        %dma_wait3A_89 = arith.constant 0 : i32
        %dma_wait3A_90 = tpu.memref_slice %arg11[%dma_wait3A_88, %dma_wait3A_89] : memref<10112x128xf32, #tpu.memory_space<vmem_shared>> -> memref<10112x128xf32, #tpu.memory_space<vmem_shared>>
        tpu.wait_indirect_dma semaphore(%run_scoped3A_78 : memref<!tpu.dma_semaphore, #tpu.memory_space<semaphore_mem>>) src(%arg10 : memref<128x128xf32, #tpu.memory_space<vmem>>) dst(%dma_wait3A_90 : memref<10112x128xf32, #tpu.memory_space<vmem_shared>>)
        tpu.yield
      }) : () -> ()
    }
    %while3A_43 = arith.constant 1 : i32
    scf.for %while3A_49 = %while3A_41 to %while3A_37 step %while3A_43  : i32 {
      %mul3A_50 = arith.constant 2 : i32
      %mul3A_51 = arith.muli %mul3A_50, %while3A_49 : i32
      %add3A_52 = arith.constant 1 : i32
      %add3A_53 = arith.addi %mul3A_51, %add3A_52 : i32
      %dma_start3A_54 = arith.constant 0 : i32
      %dma_start3A_55 = tpu.memref_slice %arg7[%add3A_53, %dma_start3A_54] : memref<40x128xi32, #tpu.memory_space<vmem>> -> memref<1x128xi32, #tpu.memory_space<vmem>>
      %dma_start3A_56 = tpu.memref_squeeze %dma_start3A_55 : memref<1x128xi32, #tpu.memory_space<vmem>> -> memref<128xi32, #tpu.memory_space<vmem>>
      %dma_start3A_57 = arith.constant 0 : i32
      %dma_start3A_58 = arith.constant 0 : i32
      %dma_start3A_59 = tpu.memref_slice %arg2[%dma_start3A_57, %dma_start3A_58] : memref<40000x128xf32, #tpu.memory_space<hbm>> -> memref<40000x128xf32, #tpu.memory_space<hbm>>
      tpu.enqueue_indirect_dma source(%dma_start3A_59 : memref<40000x128xf32, #tpu.memory_space<hbm>>) target(%arg10 : memref<128x128xf32, #tpu.memory_space<vmem>>) offsets(%dma_start3A_56 : memref<128xi32, #tpu.memory_space<vmem>>) semaphore(%arg13 : memref<!tpu.dma_semaphore, #tpu.memory_space<semaphore_mem>>)
      %dma_wait3A = arith.constant 0 : i32
      %dma_wait3A_60 = tpu.memref_slice %arg7[%mul3A_51, %dma_wait3A] : memref<40x128xi32, #tpu.memory_space<vmem>> -> memref<1x128xi32, #tpu.memory_space<vmem>>
      %dma_wait3A_61 = tpu.memref_squeeze %dma_wait3A_60 : memref<1x128xi32, #tpu.memory_space<vmem>> -> memref<128xi32, #tpu.memory_space<vmem>>
      %dma_wait3A_62 = arith.constant 0 : i32
      %dma_wait3A_63 = arith.constant 0 : i32
      %dma_wait3A_64 = tpu.memref_slice %arg2[%dma_wait3A_62, %dma_wait3A_63] : memref<40000x128xf32, #tpu.memory_space<hbm>> -> memref<40000x128xf32, #tpu.memory_space<hbm>>
      tpu.wait_indirect_dma semaphore(%arg12 : memref<!tpu.dma_semaphore, #tpu.memory_space<semaphore_mem>>) src(%dma_wait3A_64 : memref<40000x128xf32, #tpu.memory_space<hbm>>) dst(%arg9 : memref<128x128xf32, #tpu.memory_space<vmem>>)
      "tpu.region"() ({
        %run_scoped3A_78 = tpu.sem_alloc : memref<!tpu.dma_semaphore, #tpu.memory_space<semaphore_mem>>
        %dma_start3A_79 = arith.constant 0 : i32
        %dma_start3A_80 = tpu.memref_slice %arg8[%mul3A_51, %dma_start3A_79] : memref<40x128xi32, #tpu.memory_space<vmem>> -> memref<1x128xi32, #tpu.memory_space<vmem>>
        %dma_start3A_81 = tpu.memref_squeeze %dma_start3A_80 : memref<1x128xi32, #tpu.memory_space<vmem>> -> memref<128xi32, #tpu.memory_space<vmem>>
        %dma_start3A_82 = arith.constant 0 : i32
        %dma_start3A_83 = arith.constant 0 : i32
        %dma_start3A_84 = tpu.memref_slice %arg11[%dma_start3A_82, %dma_start3A_83] : memref<10112x128xf32, #tpu.memory_space<vmem_shared>> -> memref<10112x128xf32, #tpu.memory_space<vmem_shared>>
        tpu.enqueue_indirect_dma source(%arg9 : memref<128x128xf32, #tpu.memory_space<vmem>>) target(%dma_start3A_84 : memref<10112x128xf32, #tpu.memory_space<vmem_shared>>) offsets(%dma_start3A_81 : memref<128xi32, #tpu.memory_space<vmem>>) semaphore(%run_scoped3A_78 : memref<!tpu.dma_semaphore, #tpu.memory_space<semaphore_mem>>) {add = true}
        %dma_wait3A_85 = arith.constant 0 : i32
        %dma_wait3A_86 = tpu.memref_slice %arg8[%mul3A_51, %dma_wait3A_85] : memref<40x128xi32, #tpu.memory_space<vmem>> -> memref<1x128xi32, #tpu.memory_space<vmem>>
        %dma_wait3A_87 = tpu.memref_squeeze %dma_wait3A_86 : memref<1x128xi32, #tpu.memory_space<vmem>> -> memref<128xi32, #tpu.memory_space<vmem>>
        %dma_wait3A_88 = arith.constant 0 : i32
        %dma_wait3A_89 = arith.constant 0 : i32
        %dma_wait3A_90 = tpu.memref_slice %arg11[%dma_wait3A_88, %dma_wait3A_89] : memref<10112x128xf32, #tpu.memory_space<vmem_shared>> -> memref<10112x128xf32, #tpu.memory_space<vmem_shared>>
        tpu.wait_indirect_dma semaphore(%run_scoped3A_78 : memref<!tpu.dma_semaphore, #tpu.memory_space<semaphore_mem>>) src(%arg9 : memref<128x128xf32, #tpu.memory_space<vmem>>) dst(%dma_wait3A_90 : memref<10112x128xf32, #tpu.memory_space<vmem_shared>>)
        tpu.yield
      }) : () -> ()
      %add3A_65 = arith.constant 2 : i32
      %add3A_66 = arith.addi %mul3A_51, %add3A_65 : i32
      %lt3A = arith.cmpi slt, %add3A_66, %mul3A_4 : i32
      %convert_element_type3A = arith.extui %lt3A : i1 to i32
      %cond3A = arith.constant 0 : i32
      %cond3A_67 = arith.cmpi ne, %convert_element_type3A, %cond3A : i32
      scf.if %cond3A_67 {
        %add3A_78 = arith.constant 2 : i32
        %add3A_79 = arith.addi %mul3A_51, %add3A_78 : i32
        %dma_start3A_80 = arith.constant 0 : i32
        %dma_start3A_81 = tpu.memref_slice %arg7[%add3A_79, %dma_start3A_80] : memref<40x128xi32, #tpu.memory_space<vmem>> -> memref<1x128xi32, #tpu.memory_space<vmem>>
        %dma_start3A_82 = tpu.memref_squeeze %dma_start3A_81 : memref<1x128xi32, #tpu.memory_space<vmem>> -> memref<128xi32, #tpu.memory_space<vmem>>
        %dma_start3A_83 = arith.constant 0 : i32
        %dma_start3A_84 = arith.constant 0 : i32
        %dma_start3A_85 = tpu.memref_slice %arg2[%dma_start3A_83, %dma_start3A_84] : memref<40000x128xf32, #tpu.memory_space<hbm>> -> memref<40000x128xf32, #tpu.memory_space<hbm>>
        tpu.enqueue_indirect_dma source(%dma_start3A_85 : memref<40000x128xf32, #tpu.memory_space<hbm>>) target(%arg9 : memref<128x128xf32, #tpu.memory_space<vmem>>) offsets(%dma_start3A_82 : memref<128xi32, #tpu.memory_space<vmem>>) semaphore(%arg12 : memref<!tpu.dma_semaphore, #tpu.memory_space<semaphore_mem>>)
      } else {
      }
      %add3A_68 = arith.constant 1 : i32
      %add3A_69 = arith.addi %mul3A_51, %add3A_68 : i32
      %dma_wait3A_70 = arith.constant 0 : i32
      %dma_wait3A_71 = tpu.memref_slice %arg7[%add3A_69, %dma_wait3A_70] : memref<40x128xi32, #tpu.memory_space<vmem>> -> memref<1x128xi32, #tpu.memory_space<vmem>>
      %dma_wait3A_72 = tpu.memref_squeeze %dma_wait3A_71 : memref<1x128xi32, #tpu.memory_space<vmem>> -> memref<128xi32, #tpu.memory_space<vmem>>
      %dma_wait3A_73 = arith.constant 0 : i32
      %dma_wait3A_74 = arith.constant 0 : i32
      %dma_wait3A_75 = tpu.memref_slice %arg2[%dma_wait3A_73, %dma_wait3A_74] : memref<40000x128xf32, #tpu.memory_space<hbm>> -> memref<40000x128xf32, #tpu.memory_space<hbm>>
      tpu.wait_indirect_dma semaphore(%arg13 : memref<!tpu.dma_semaphore, #tpu.memory_space<semaphore_mem>>) src(%dma_wait3A_75 : memref<40000x128xf32, #tpu.memory_space<hbm>>) dst(%arg10 : memref<128x128xf32, #tpu.memory_space<vmem>>)
      %add3A_76 = arith.constant 1 : i32
      %add3A_77 = arith.addi %mul3A_51, %add3A_76 : i32
      "tpu.region"() ({
        %run_scoped3A_78 = tpu.sem_alloc : memref<!tpu.dma_semaphore, #tpu.memory_space<semaphore_mem>>
        %dma_start3A_79 = arith.constant 0 : i32
        %dma_start3A_80 = tpu.memref_slice %arg8[%add3A_77, %dma_start3A_79] : memref<40x128xi32, #tpu.memory_space<vmem>> -> memref<1x128xi32, #tpu.memory_space<vmem>>
        %dma_start3A_81 = tpu.memref_squeeze %dma_start3A_80 : memref<1x128xi32, #tpu.memory_space<vmem>> -> memref<128xi32, #tpu.memory_space<vmem>>
        %dma_start3A_82 = arith.constant 0 : i32
        %dma_start3A_83 = arith.constant 0 : i32
        %dma_start3A_84 = tpu.memref_slice %arg11[%dma_start3A_82, %dma_start3A_83] : memref<10112x128xf32, #tpu.memory_space<vmem_shared>> -> memref<10112x128xf32, #tpu.memory_space<vmem_shared>>
        tpu.enqueue_indirect_dma source(%arg10 : memref<128x128xf32, #tpu.memory_space<vmem>>) target(%dma_start3A_84 : memref<10112x128xf32, #tpu.memory_space<vmem_shared>>) offsets(%dma_start3A_81 : memref<128xi32, #tpu.memory_space<vmem>>) semaphore(%run_scoped3A_78 : memref<!tpu.dma_semaphore, #tpu.memory_space<semaphore_mem>>) {add = true}
        %dma_wait3A_85 = arith.constant 0 : i32
        %dma_wait3A_86 = tpu.memref_slice %arg8[%add3A_77, %dma_wait3A_85] : memref<40x128xi32, #tpu.memory_space<vmem>> -> memref<1x128xi32, #tpu.memory_space<vmem>>
        %dma_wait3A_87 = tpu.memref_squeeze %dma_wait3A_86 : memref<1x128xi32, #tpu.memory_space<vmem>> -> memref<128xi32, #tpu.memory_space<vmem>>
        %dma_wait3A_88 = arith.constant 0 : i32
        %dma_wait3A_89 = arith.constant 0 : i32
        %dma_wait3A_90 = tpu.memref_slice %arg11[%dma_wait3A_88, %dma_wait3A_89] : memref<10112x128xf32, #tpu.memory_space<vmem_shared>> -> memref<10112x128xf32, #tpu.memory_space<vmem_shared>>
        tpu.wait_indirect_dma semaphore(%run_scoped3A_78 : memref<!tpu.dma_semaphore, #tpu.memory_space<semaphore_mem>>) src(%arg10 : memref<128x128xf32, #tpu.memory_space<vmem>>) dst(%dma_wait3A_90 : memref<10112x128xf32, #tpu.memory_space<vmem_shared>>)
        tpu.yield
      }) : () -> ()
    }
    %barrier3A_44 = arith.constant 0 : index
    tpu.barrier barrier_id(%barrier3A_44)
    %mul3A_45 = arith.constant 632 : i32
    %mul3A_46 = arith.muli %arg1, %mul3A_45 : i32
    %mul3A_47 = arith.constant 632 : i32
    %mul3A_48 = arith.muli %arg1, %mul3A_47 : i32
    "tpu.region"() ({
      %run_scoped3A_49 = tpu.sem_alloc : memref<!tpu.dma_semaphore, #tpu.memory_space<semaphore_mem>>
      %dma_start3A_50 = arith.constant 0 : i32
      %dma_start3A_51 = tpu.memref_slice %arg6[%arg0, %mul3A_48, %dma_start3A_50] : memref<2x10112x128xf32, #tpu.memory_space<hbm>> -> memref<1x632x128xf32, #tpu.memory_space<hbm>>
      %dma_start3A_52 = tpu.memref_squeeze %dma_start3A_51 : memref<1x632x128xf32, #tpu.memory_space<hbm>> -> memref<632x128xf32, #tpu.memory_space<hbm>>
      %dma_start3A_53 = arith.constant 0 : i32
      %dma_start3A_54 = tpu.memref_slice %arg11[%mul3A_46, %dma_start3A_53] : memref<10112x128xf32, #tpu.memory_space<vmem_shared>> -> memref<632x128xf32, #tpu.memory_space<vmem_shared>>
      tpu.enqueue_dma source(%dma_start3A_54 : memref<632x128xf32, #tpu.memory_space<vmem_shared>>) target(%dma_start3A_52 : memref<632x128xf32, #tpu.memory_space<hbm>>) target_semaphore(%run_scoped3A_49 : memref<!tpu.dma_semaphore, #tpu.memory_space<semaphore_mem>>)
      %dma_wait3A = arith.constant 0 : i32
      %dma_wait3A_55 = tpu.memref_slice %arg6[%arg0, %mul3A_48, %dma_wait3A] : memref<2x10112x128xf32, #tpu.memory_space<hbm>> -> memref<1x632x128xf32, #tpu.memory_space<hbm>>
      %dma_wait3A_56 = tpu.memref_squeeze %dma_wait3A_55 : memref<1x632x128xf32, #tpu.memory_space<hbm>> -> memref<632x128xf32, #tpu.memory_space<hbm>>
      %dma_wait3A_57 = arith.constant 0 : i32
      %dma_wait3A_58 = tpu.memref_slice %arg11[%mul3A_46, %dma_wait3A_57] : memref<10112x128xf32, #tpu.memory_space<vmem_shared>> -> memref<632x128xf32, #tpu.memory_space<vmem_shared>>
      tpu.wait_dma2 semaphore(%run_scoped3A_49 : memref<!tpu.dma_semaphore, #tpu.memory_space<semaphore_mem>>) src(%dma_wait3A_58 : memref<632x128xf32, #tpu.memory_space<vmem_shared>>) dst(%dma_wait3A_56 : memref<632x128xf32, #tpu.memory_space<hbm>>)
      tpu.yield
    }) : () -> ()
    return
  }
}

#map = affine_map<(d0, d1) -> (0, 0)>
#map1 = affine_map<(d0, d1) -> (0, 0, 0, 0)>
#map2 = affine_map<(d0, d1) -> (0, 0, 0)>
module attributes {stable_mosaic.version = 14 : i64} {
  func.func @k(%arg0: i32, %arg1: i32, %arg2: memref<40000x128xf32, #tpu.memory_space<hbm>>, %arg3: memref<32x2x40x128xi32, #tpu.memory_space<hbm>>, %arg4: memref<32x2x40x128xi32, #tpu.memory_space<hbm>>, %arg5: memref<10112x128xf32, #tpu.memory_space<hbm>>, %arg6: memref<2x10112x128xf32, #tpu.memory_space<hbm>>, %arg7: memref<40x128xi32, #tpu.memory_space<vmem>>, %arg8: memref<40x128xi32, #tpu.memory_space<vmem>>, %arg9: memref<128x128xf32, #tpu.memory_space<vmem>>, %arg10: memref<128x128xf32, #tpu.memory_space<vmem>>, %arg11: memref<10112x128xf32, #tpu.memory_space<vmem_shared>>, %arg12: memref<!tpu.dma_semaphore, #tpu.memory_space<semaphore_mem>>, %arg13: memref<!tpu.dma_semaphore, #tpu.memory_space<semaphore_mem>>) attributes {dimension_semantics = [#tpu.dimension_semantics<core_parallel>, #tpu.dimension_semantics<subcore_parallel>], iteration_bounds = array<i64: 2, 16>, scalar_prefetch = 0 : i64, scratch_operands = 7 : i64, tpu.core_type = #tpu.core_type<sc_vector_subcore>, window_params = [{transform_indices = #map}, {transform_indices = #map1}, {transform_indices = #map1}, {transform_indices = #map}, {transform_indices = #map2}]} {
    %mul3A = arith.constant 16 : i32
    %mul3A_0 = arith.muli %arg0, %mul3A : i32
    %add3A = arith.addi %mul3A_0, %arg1 : i32
    %eq3A = arith.constant 0 : i32
    %eq3A_1 = arith.cmpi eq, %arg0, %eq3A : i32
    %jit3A = arith.constant 20 : i32
    %jit3A_2 = arith.constant 20 : i32
    %select_n3A = arith.select %eq3A_1, %jit3A, %jit3A_2 : i32
    %mul3A_3 = arith.constant 2 : i32
    %mul3A_4 = arith.muli %mul3A_3, %select_n3A : i32
    %mul3A_5 = arith.constant 632 : i32
    %mul3A_6 = arith.muli %arg1, %mul3A_5 : i32
    %mul3A_7 = arith.constant 632 : i32
    %mul3A_8 = arith.muli %arg1, %mul3A_7 : i32
    "tpu.region"() ({
      %run_scoped3A_49 = tpu.sem_alloc : memref<!tpu.dma_semaphore, #tpu.memory_space<semaphore_mem>>
      %dma_start3A_50 = arith.constant 0 : i32
      %dma_start3A_51 = tpu.memref_slice %arg11[%mul3A_8, %dma_start3A_50] : memref<10112x128xf32, #tpu.memory_space<vmem_shared>> -> memref<632x128xf32, #tpu.memory_space<vmem_shared>>
      %dma_start3A_52 = arith.constant 0 : i32
      %dma_start3A_53 = tpu.memref_slice %arg5[%mul3A_6, %dma_start3A_52] : memref<10112x128xf32, #tpu.memory_space<hbm>> -> memref<632x128xf32, #tpu.memory_space<hbm>>
      tpu.enqueue_dma source(%dma_start3A_53 : memref<632x128xf32, #tpu.memory_space<hbm>>) target(%dma_start3A_51 : memref<632x128xf32, #tpu.memory_space<vmem_shared>>) target_semaphore(%run_scoped3A_49 : memref<!tpu.dma_semaphore, #tpu.memory_space<semaphore_mem>>)
      %dma_wait3A = arith.constant 0 : i32
      %dma_wait3A_54 = tpu.memref_slice %arg11[%mul3A_8, %dma_wait3A] : memref<10112x128xf32, #tpu.memory_space<vmem_shared>> -> memref<632x128xf32, #tpu.memory_space<vmem_shared>>
      %dma_wait3A_55 = arith.constant 0 : i32
      %dma_wait3A_56 = tpu.memref_slice %arg5[%mul3A_6, %dma_wait3A_55] : memref<10112x128xf32, #tpu.memory_space<hbm>> -> memref<632x128xf32, #tpu.memory_space<hbm>>
      tpu.wait_dma2 semaphore(%run_scoped3A_49 : memref<!tpu.dma_semaphore, #tpu.memory_space<semaphore_mem>>) src(%dma_wait3A_56 : memref<632x128xf32, #tpu.memory_space<hbm>>) dst(%dma_wait3A_54 : memref<632x128xf32, #tpu.memory_space<vmem_shared>>)
      tpu.yield
    }) : () -> ()
    %barrier3A = arith.constant 0 : index
    tpu.barrier barrier_id(%barrier3A)
    %run_scoped3A = arith.constant 0 : i32
    "tpu.region"() ({
      %run_scoped3A_49 = tpu.sem_alloc : memref<!tpu.dma_semaphore, #tpu.memory_space<semaphore_mem>>
      %dma_start3A_50 = arith.constant 0 : i32
      %dma_start3A_51 = arith.constant 0 : i32
      %dma_start3A_52 = tpu.memref_slice %arg3[%add3A, %run_scoped3A, %dma_start3A_50, %dma_start3A_51] : memref<32x2x40x128xi32, #tpu.memory_space<hbm>> -> memref<1x1x40x128xi32, #tpu.memory_space<hbm>>
      %dma_start3A_53 = tpu.memref_squeeze %dma_start3A_52 : memref<1x1x40x128xi32, #tpu.memory_space<hbm>> -> memref<40x128xi32, #tpu.memory_space<hbm>>
      %dma_start3A_54 = arith.constant 0 : i32
      %dma_start3A_55 = arith.constant 0 : i32
      %dma_start3A_56 = tpu.memref_slice %arg3[%add3A, %run_scoped3A, %dma_start3A_54, %dma_start3A_55] : memref<32x2x40x128xi32, #tpu.memory_space<hbm>> -> memref<1x1x40x128xi32, #tpu.memory_space<hbm>>
      %dma_start3A_57 = tpu.memref_squeeze %dma_start3A_56 : memref<1x1x40x128xi32, #tpu.memory_space<hbm>> -> memref<40x128xi32, #tpu.memory_space<hbm>>
      tpu.enqueue_dma source(%dma_start3A_57 : memref<40x128xi32, #tpu.memory_space<hbm>>) target(%arg7 : memref<40x128xi32, #tpu.memory_space<vmem>>) target_semaphore(%run_scoped3A_49 : memref<!tpu.dma_semaphore, #tpu.memory_space<semaphore_mem>>)
      %dma_wait3A = arith.constant 0 : i32
      %dma_wait3A_58 = arith.constant 0 : i32
      %dma_wait3A_59 = tpu.memref_slice %arg3[%add3A, %run_scoped3A, %dma_wait3A, %dma_wait3A_58] : memref<32x2x40x128xi32, #tpu.memory_space<hbm>> -> memref<1x1x40x128xi32, #tpu.memory_space<hbm>>
      %dma_wait3A_60 = tpu.memref_squeeze %dma_wait3A_59 : memref<1x1x40x128xi32, #tpu.memory_space<hbm>> -> memref<40x128xi32, #tpu.memory_space<hbm>>
      %dma_wait3A_61 = arith.constant 0 : i32
      %dma_wait3A_62 = arith.constant 0 : i32
      %dma_wait3A_63 = tpu.memref_slice %arg3[%add3A, %run_scoped3A, %dma_wait3A_61, %dma_wait3A_62] : memref<32x2x40x128xi32, #tpu.memory_space<hbm>> -> memref<1x1x40x128xi32, #tpu.memory_space<hbm>>
      %dma_wait3A_64 = tpu.memref_squeeze %dma_wait3A_63 : memref<1x1x40x128xi32, #tpu.memory_space<hbm>> -> memref<40x128xi32, #tpu.memory_space<hbm>>
      tpu.wait_dma2 semaphore(%run_scoped3A_49 : memref<!tpu.dma_semaphore, #tpu.memory_space<semaphore_mem>>) src(%dma_wait3A_64 : memref<40x128xi32, #tpu.memory_space<hbm>>) dst(%arg7 : memref<40x128xi32, #tpu.memory_space<vmem>>)
      tpu.yield
    }) : () -> ()
    %run_scoped3A_9 = arith.constant 0 : i32
    "tpu.region"() ({
      %run_scoped3A_49 = tpu.sem_alloc : memref<!tpu.dma_semaphore, #tpu.memory_space<semaphore_mem>>
      %dma_start3A_50 = arith.constant 0 : i32
      %dma_start3A_51 = arith.constant 0 : i32
      %dma_start3A_52 = tpu.memref_slice %arg4[%add3A, %run_scoped3A_9, %dma_start3A_50, %dma_start3A_51] : memref<32x2x40x128xi32, #tpu.memory_space<hbm>> -> memref<1x1x40x128xi32, #tpu.memory_space<hbm>>
      %dma_start3A_53 = tpu.memref_squeeze %dma_start3A_52 : memref<1x1x40x128xi32, #tpu.memory_space<hbm>> -> memref<40x128xi32, #tpu.memory_space<hbm>>
      %dma_start3A_54 = arith.constant 0 : i32
      %dma_start3A_55 = arith.constant 0 : i32
      %dma_start3A_56 = tpu.memref_slice %arg4[%add3A, %run_scoped3A_9, %dma_start3A_54, %dma_start3A_55] : memref<32x2x40x128xi32, #tpu.memory_space<hbm>> -> memref<1x1x40x128xi32, #tpu.memory_space<hbm>>
      %dma_start3A_57 = tpu.memref_squeeze %dma_start3A_56 : memref<1x1x40x128xi32, #tpu.memory_space<hbm>> -> memref<40x128xi32, #tpu.memory_space<hbm>>
      tpu.enqueue_dma source(%dma_start3A_57 : memref<40x128xi32, #tpu.memory_space<hbm>>) target(%arg8 : memref<40x128xi32, #tpu.memory_space<vmem>>) target_semaphore(%run_scoped3A_49 : memref<!tpu.dma_semaphore, #tpu.memory_space<semaphore_mem>>)
      %dma_wait3A = arith.constant 0 : i32
      %dma_wait3A_58 = arith.constant 0 : i32
      %dma_wait3A_59 = tpu.memref_slice %arg4[%add3A, %run_scoped3A_9, %dma_wait3A, %dma_wait3A_58] : memref<32x2x40x128xi32, #tpu.memory_space<hbm>> -> memref<1x1x40x128xi32, #tpu.memory_space<hbm>>
      %dma_wait3A_60 = tpu.memref_squeeze %dma_wait3A_59 : memref<1x1x40x128xi32, #tpu.memory_space<hbm>> -> memref<40x128xi32, #tpu.memory_space<hbm>>
      %dma_wait3A_61 = arith.constant 0 : i32
      %dma_wait3A_62 = arith.constant 0 : i32
      %dma_wait3A_63 = tpu.memref_slice %arg4[%add3A, %run_scoped3A_9, %dma_wait3A_61, %dma_wait3A_62] : memref<32x2x40x128xi32, #tpu.memory_space<hbm>> -> memref<1x1x40x128xi32, #tpu.memory_space<hbm>>
      %dma_wait3A_64 = tpu.memref_squeeze %dma_wait3A_63 : memref<1x1x40x128xi32, #tpu.memory_space<hbm>> -> memref<40x128xi32, #tpu.memory_space<hbm>>
      tpu.wait_dma2 semaphore(%run_scoped3A_49 : memref<!tpu.dma_semaphore, #tpu.memory_space<semaphore_mem>>) src(%dma_wait3A_64 : memref<40x128xi32, #tpu.memory_space<hbm>>) dst(%arg8 : memref<40x128xi32, #tpu.memory_space<vmem>>)
      tpu.yield
    }) : () -> ()
    %dma_start3A = arith.constant 0 : i32
    %dma_start3A_10 = arith.constant 0 : i32
    %dma_start3A_11 = tpu.memref_slice %arg7[%dma_start3A, %dma_start3A_10] : memref<40x128xi32, #tpu.memory_space<vmem>> -> memref<1x128xi32, #tpu.memory_space<vmem>>
    %dma_start3A_12 = tpu.memref_squeeze %dma_start3A_11 : memref<1x128xi32, #tpu.memory_space<vmem>> -> memref<128xi32, #tpu.memory_space<vmem>>
    %dma_start3A_13 = arith.constant 0 : i32
    %dma_start3A_14 = arith.constant 0 : i32
    %dma_start3A_15 = tpu.memref_slice %arg2[%dma_start3A_13, %dma_start3A_14] : memref<40000x128xf32, #tpu.memory_space<hbm>> -> memref<40000x128xf32, #tpu.memory_space<hbm>>
    tpu.enqueue_indirect_dma source(%dma_start3A_15 : memref<40000x128xf32, #tpu.memory_space<hbm>>) target(%arg9 : memref<128x128xf32, #tpu.memory_space<vmem>>) offsets(%dma_start3A_12 : memref<128xi32, #tpu.memory_space<vmem>>) semaphore(%arg12 : memref<!tpu.dma_semaphore, #tpu.memory_space<semaphore_mem>>)
    %while3A = arith.constant 0 : i32
    %while3A_16 = arith.constant 0 : i32
    %while3A_17 = arith.subi %select_n3A, %while3A_16 : i32
    %while3A_18 = arith.addi %while3A_16, %while3A_17 : i32
    %while3A_19 = arith.constant 1 : i32
    %while3A_20 = arith.divsi %while3A_17, %while3A_19 : i32
    %while3A_21 = arith.muli %while3A_20, %while3A_19 : i32
    %while3A_22 = arith.addi %while3A_16, %while3A_21 : i32
    %while3A_23 = arith.constant 1 : i32
    scf.for %while3A_49 = %while3A_16 to %while3A_22 step %while3A_23  : i32 {
      %mul3A_50 = arith.constant 2 : i32
      %mul3A_51 = arith.muli %mul3A_50, %while3A_49 : i32
      %add3A_52 = arith.constant 1 : i32
      %add3A_53 = arith.addi %mul3A_51, %add3A_52 : i32
      %dma_start3A_54 = arith.constant 0 : i32
      %dma_start3A_55 = tpu.memref_slice %arg7[%add3A_53, %dma_start3A_54] : memref<40x128xi32, #tpu.memory_space<vmem>> -> memref<1x128xi32, #tpu.memory_space<vmem>>
      %dma_start3A_56 = tpu.memref_squeeze %dma_start3A_55 : memref<1x128xi32, #tpu.memory_space<vmem>> -> memref<128xi32, #tpu.memory_space<vmem>>
      %dma_start3A_57 = arith.constant 0 : i32
      %dma_start3A_58 = arith.constant 0 : i32
      %dma_start3A_59 = tpu.memref_slice %arg2[%dma_start3A_57, %dma_start3A_58] : memref<40000x128xf32, #tpu.memory_space<hbm>> -> memref<40000x128xf32, #tpu.memory_space<hbm>>
      tpu.enqueue_indirect_dma source(%dma_start3A_59 : memref<40000x128xf32, #tpu.memory_space<hbm>>) target(%arg10 : memref<128x128xf32, #tpu.memory_space<vmem>>) offsets(%dma_start3A_56 : memref<128xi32, #tpu.memory_space<vmem>>) semaphore(%arg13 : memref<!tpu.dma_semaphore, #tpu.memory_space<semaphore_mem>>)
      %dma_wait3A = arith.constant 0 : i32
      %dma_wait3A_60 = tpu.memref_slice %arg7[%mul3A_51, %dma_wait3A] : memref<40x128xi32, #tpu.memory_space<vmem>> -> memref<1x128xi32, #tpu.memory_space<vmem>>
      %dma_wait3A_61 = tpu.memref_squeeze %dma_wait3A_60 : memref<1x128xi32, #tpu.memory_space<vmem>> -> memref<128xi32, #tpu.memory_space<vmem>>
      %dma_wait3A_62 = arith.constant 0 : i32
      %dma_wait3A_63 = arith.constant 0 : i32
      %dma_wait3A_64 = tpu.memref_slice %arg2[%dma_wait3A_62, %dma_wait3A_63] : memref<40000x128xf32, #tpu.memory_space<hbm>> -> memref<40000x128xf32, #tpu.memory_space<hbm>>
      tpu.wait_indirect_dma semaphore(%arg12 : memref<!tpu.dma_semaphore, #tpu.memory_space<semaphore_mem>>) src(%dma_wait3A_64 : memref<40000x128xf32, #tpu.memory_space<hbm>>) dst(%arg9 : memref<128x128xf32, #tpu.memory_space<vmem>>)
      "tpu.region"() ({
        %run_scoped3A_78 = tpu.sem_alloc : memref<!tpu.dma_semaphore, #tpu.memory_space<semaphore_mem>>
        %dma_start3A_79 = arith.constant 0 : i32
        %dma_start3A_80 = tpu.memref_slice %arg8[%mul3A_51, %dma_start3A_79] : memref<40x128xi32, #tpu.memory_space<vmem>> -> memref<1x128xi32, #tpu.memory_space<vmem>>
        %dma_start3A_81 = tpu.memref_squeeze %dma_start3A_80 : memref<1x128xi32, #tpu.memory_space<vmem>> -> memref<128xi32, #tpu.memory_space<vmem>>
        %dma_start3A_82 = arith.constant 0 : i32
        %dma_start3A_83 = arith.constant 0 : i32
        %dma_start3A_84 = tpu.memref_slice %arg11[%dma_start3A_82, %dma_start3A_83] : memref<10112x128xf32, #tpu.memory_space<vmem_shared>> -> memref<10112x128xf32, #tpu.memory_space<vmem_shared>>
        tpu.enqueue_indirect_dma source(%arg9 : memref<128x128xf32, #tpu.memory_space<vmem>>) target(%dma_start3A_84 : memref<10112x128xf32, #tpu.memory_space<vmem_shared>>) offsets(%dma_start3A_81 : memref<128xi32, #tpu.memory_space<vmem>>) semaphore(%run_scoped3A_78 : memref<!tpu.dma_semaphore, #tpu.memory_space<semaphore_mem>>) {add = true}
        %dma_wait3A_85 = arith.constant 0 : i32
        %dma_wait3A_86 = tpu.memref_slice %arg8[%mul3A_51, %dma_wait3A_85] : memref<40x128xi32, #tpu.memory_space<vmem>> -> memref<1x128xi32, #tpu.memory_space<vmem>>
        %dma_wait3A_87 = tpu.memref_squeeze %dma_wait3A_86 : memref<1x128xi32, #tpu.memory_space<vmem>> -> memref<128xi32, #tpu.memory_space<vmem>>
        %dma_wait3A_88 = arith.constant 0 : i32
        %dma_wait3A_89 = arith.constant 0 : i32
        %dma_wait3A_90 = tpu.memref_slice %arg11[%dma_wait3A_88, %dma_wait3A_89] : memref<10112x128xf32, #tpu.memory_space<vmem_shared>> -> memref<10112x128xf32, #tpu.memory_space<vmem_shared>>
        tpu.wait_indirect_dma semaphore(%run_scoped3A_78 : memref<!tpu.dma_semaphore, #tpu.memory_space<semaphore_mem>>) src(%arg9 : memref<128x128xf32, #tpu.memory_space<vmem>>) dst(%dma_wait3A_90 : memref<10112x128xf32, #tpu.memory_space<vmem_shared>>)
        tpu.yield
      }) : () -> ()
      %add3A_65 = arith.constant 2 : i32
      %add3A_66 = arith.addi %mul3A_51, %add3A_65 : i32
      %lt3A = arith.cmpi slt, %add3A_66, %mul3A_4 : i32
      %convert_element_type3A = arith.extui %lt3A : i1 to i32
      %cond3A = arith.constant 0 : i32
      %cond3A_67 = arith.cmpi ne, %convert_element_type3A, %cond3A : i32
      scf.if %cond3A_67 {
        %add3A_78 = arith.constant 2 : i32
        %add3A_79 = arith.addi %mul3A_51, %add3A_78 : i32
        %dma_start3A_80 = arith.constant 0 : i32
        %dma_start3A_81 = tpu.memref_slice %arg7[%add3A_79, %dma_start3A_80] : memref<40x128xi32, #tpu.memory_space<vmem>> -> memref<1x128xi32, #tpu.memory_space<vmem>>
        %dma_start3A_82 = tpu.memref_squeeze %dma_start3A_81 : memref<1x128xi32, #tpu.memory_space<vmem>> -> memref<128xi32, #tpu.memory_space<vmem>>
        %dma_start3A_83 = arith.constant 0 : i32
        %dma_start3A_84 = arith.constant 0 : i32
        %dma_start3A_85 = tpu.memref_slice %arg2[%dma_start3A_83, %dma_start3A_84] : memref<40000x128xf32, #tpu.memory_space<hbm>> -> memref<40000x128xf32, #tpu.memory_space<hbm>>
        tpu.enqueue_indirect_dma source(%dma_start3A_85 : memref<40000x128xf32, #tpu.memory_space<hbm>>) target(%arg9 : memref<128x128xf32, #tpu.memory_space<vmem>>) offsets(%dma_start3A_82 : memref<128xi32, #tpu.memory_space<vmem>>) semaphore(%arg12 : memref<!tpu.dma_semaphore, #tpu.memory_space<semaphore_mem>>)
      } else {
      }
      %add3A_68 = arith.constant 1 : i32
      %add3A_69 = arith.addi %mul3A_51, %add3A_68 : i32
      %dma_wait3A_70 = arith.constant 0 : i32
      %dma_wait3A_71 = tpu.memref_slice %arg7[%add3A_69, %dma_wait3A_70] : memref<40x128xi32, #tpu.memory_space<vmem>> -> memref<1x128xi32, #tpu.memory_space<vmem>>
      %dma_wait3A_72 = tpu.memref_squeeze %dma_wait3A_71 : memref<1x128xi32, #tpu.memory_space<vmem>> -> memref<128xi32, #tpu.memory_space<vmem>>
      %dma_wait3A_73 = arith.constant 0 : i32
      %dma_wait3A_74 = arith.constant 0 : i32
      %dma_wait3A_75 = tpu.memref_slice %arg2[%dma_wait3A_73, %dma_wait3A_74] : memref<40000x128xf32, #tpu.memory_space<hbm>> -> memref<40000x128xf32, #tpu.memory_space<hbm>>
      tpu.wait_indirect_dma semaphore(%arg13 : memref<!tpu.dma_semaphore, #tpu.memory_space<semaphore_mem>>) src(%dma_wait3A_75 : memref<40000x128xf32, #tpu.memory_space<hbm>>) dst(%arg10 : memref<128x128xf32, #tpu.memory_space<vmem>>)
      %add3A_76 = arith.constant 1 : i32
      %add3A_77 = arith.addi %mul3A_51, %add3A_76 : i32
      "tpu.region"() ({
        %run_scoped3A_78 = tpu.sem_alloc : memref<!tpu.dma_semaphore, #tpu.memory_space<semaphore_mem>>
        %dma_start3A_79 = arith.constant 0 : i32
        %dma_start3A_80 = tpu.memref_slice %arg8[%add3A_77, %dma_start3A_79] : memref<40x128xi32, #tpu.memory_space<vmem>> -> memref<1x128xi32, #tpu.memory_space<vmem>>
        %dma_start3A_81 = tpu.memref_squeeze %dma_start3A_80 : memref<1x128xi32, #tpu.memory_space<vmem>> -> memref<128xi32, #tpu.memory_space<vmem>>
        %dma_start3A_82 = arith.constant 0 : i32
        %dma_start3A_83 = arith.constant 0 : i32
        %dma_start3A_84 = tpu.memref_slice %arg11[%dma_start3A_82, %dma_start3A_83] : memref<10112x128xf32, #tpu.memory_space<vmem_shared>> -> memref<10112x128xf32, #tpu.memory_space<vmem_shared>>
        tpu.enqueue_indirect_dma source(%arg10 : memref<128x128xf32, #tpu.memory_space<vmem>>) target(%dma_start3A_84 : memref<10112x128xf32, #tpu.memory_space<vmem_shared>>) offsets(%dma_start3A_81 : memref<128xi32, #tpu.memory_space<vmem>>) semaphore(%run_scoped3A_78 : memref<!tpu.dma_semaphore, #tpu.memory_space<semaphore_mem>>) {add = true}
        %dma_wait3A_85 = arith.constant 0 : i32
        %dma_wait3A_86 = tpu.memref_slice %arg8[%add3A_77, %dma_wait3A_85] : memref<40x128xi32, #tpu.memory_space<vmem>> -> memref<1x128xi32, #tpu.memory_space<vmem>>
        %dma_wait3A_87 = tpu.memref_squeeze %dma_wait3A_86 : memref<1x128xi32, #tpu.memory_space<vmem>> -> memref<128xi32, #tpu.memory_space<vmem>>
        %dma_wait3A_88 = arith.constant 0 : i32
        %dma_wait3A_89 = arith.constant 0 : i32
        %dma_wait3A_90 = tpu.memref_slice %arg11[%dma_wait3A_88, %dma_wait3A_89] : memref<10112x128xf32, #tpu.memory_space<vmem_shared>> -> memref<10112x128xf32, #tpu.memory_space<vmem_shared>>
        tpu.wait_indirect_dma semaphore(%run_scoped3A_78 : memref<!tpu.dma_semaphore, #tpu.memory_space<semaphore_mem>>) src(%arg10 : memref<128x128xf32, #tpu.memory_space<vmem>>) dst(%dma_wait3A_90 : memref<10112x128xf32, #tpu.memory_space<vmem_shared>>)
        tpu.yield
      }) : () -> ()
    }
    %while3A_24 = arith.constant 1 : i32
    scf.for %while3A_49 = %while3A_22 to %while3A_18 step %while3A_24  : i32 {
      %mul3A_50 = arith.constant 2 : i32
      %mul3A_51 = arith.muli %mul3A_50, %while3A_49 : i32
      %add3A_52 = arith.constant 1 : i32
      %add3A_53 = arith.addi %mul3A_51, %add3A_52 : i32
      %dma_start3A_54 = arith.constant 0 : i32
      %dma_start3A_55 = tpu.memref_slice %arg7[%add3A_53, %dma_start3A_54] : memref<40x128xi32, #tpu.memory_space<vmem>> -> memref<1x128xi32, #tpu.memory_space<vmem>>
      %dma_start3A_56 = tpu.memref_squeeze %dma_start3A_55 : memref<1x128xi32, #tpu.memory_space<vmem>> -> memref<128xi32, #tpu.memory_space<vmem>>
      %dma_start3A_57 = arith.constant 0 : i32
      %dma_start3A_58 = arith.constant 0 : i32
      %dma_start3A_59 = tpu.memref_slice %arg2[%dma_start3A_57, %dma_start3A_58] : memref<40000x128xf32, #tpu.memory_space<hbm>> -> memref<40000x128xf32, #tpu.memory_space<hbm>>
      tpu.enqueue_indirect_dma source(%dma_start3A_59 : memref<40000x128xf32, #tpu.memory_space<hbm>>) target(%arg10 : memref<128x128xf32, #tpu.memory_space<vmem>>) offsets(%dma_start3A_56 : memref<128xi32, #tpu.memory_space<vmem>>) semaphore(%arg13 : memref<!tpu.dma_semaphore, #tpu.memory_space<semaphore_mem>>)
      %dma_wait3A = arith.constant 0 : i32
      %dma_wait3A_60 = tpu.memref_slice %arg7[%mul3A_51, %dma_wait3A] : memref<40x128xi32, #tpu.memory_space<vmem>> -> memref<1x128xi32, #tpu.memory_space<vmem>>
      %dma_wait3A_61 = tpu.memref_squeeze %dma_wait3A_60 : memref<1x128xi32, #tpu.memory_space<vmem>> -> memref<128xi32, #tpu.memory_space<vmem>>
      %dma_wait3A_62 = arith.constant 0 : i32
      %dma_wait3A_63 = arith.constant 0 : i32
      %dma_wait3A_64 = tpu.memref_slice %arg2[%dma_wait3A_62, %dma_wait3A_63] : memref<40000x128xf32, #tpu.memory_space<hbm>> -> memref<40000x128xf32, #tpu.memory_space<hbm>>
      tpu.wait_indirect_dma semaphore(%arg12 : memref<!tpu.dma_semaphore, #tpu.memory_space<semaphore_mem>>) src(%dma_wait3A_64 : memref<40000x128xf32, #tpu.memory_space<hbm>>) dst(%arg9 : memref<128x128xf32, #tpu.memory_space<vmem>>)
      "tpu.region"() ({
        %run_scoped3A_78 = tpu.sem_alloc : memref<!tpu.dma_semaphore, #tpu.memory_space<semaphore_mem>>
        %dma_start3A_79 = arith.constant 0 : i32
        %dma_start3A_80 = tpu.memref_slice %arg8[%mul3A_51, %dma_start3A_79] : memref<40x128xi32, #tpu.memory_space<vmem>> -> memref<1x128xi32, #tpu.memory_space<vmem>>
        %dma_start3A_81 = tpu.memref_squeeze %dma_start3A_80 : memref<1x128xi32, #tpu.memory_space<vmem>> -> memref<128xi32, #tpu.memory_space<vmem>>
        %dma_start3A_82 = arith.constant 0 : i32
        %dma_start3A_83 = arith.constant 0 : i32
        %dma_start3A_84 = tpu.memref_slice %arg11[%dma_start3A_82, %dma_start3A_83] : memref<10112x128xf32, #tpu.memory_space<vmem_shared>> -> memref<10112x128xf32, #tpu.memory_space<vmem_shared>>
        tpu.enqueue_indirect_dma source(%arg9 : memref<128x128xf32, #tpu.memory_space<vmem>>) target(%dma_start3A_84 : memref<10112x128xf32, #tpu.memory_space<vmem_shared>>) offsets(%dma_start3A_81 : memref<128xi32, #tpu.memory_space<vmem>>) semaphore(%run_scoped3A_78 : memref<!tpu.dma_semaphore, #tpu.memory_space<semaphore_mem>>) {add = true}
        %dma_wait3A_85 = arith.constant 0 : i32
        %dma_wait3A_86 = tpu.memref_slice %arg8[%mul3A_51, %dma_wait3A_85] : memref<40x128xi32, #tpu.memory_space<vmem>> -> memref<1x128xi32, #tpu.memory_space<vmem>>
        %dma_wait3A_87 = tpu.memref_squeeze %dma_wait3A_86 : memref<1x128xi32, #tpu.memory_space<vmem>> -> memref<128xi32, #tpu.memory_space<vmem>>
        %dma_wait3A_88 = arith.constant 0 : i32
        %dma_wait3A_89 = arith.constant 0 : i32
        %dma_wait3A_90 = tpu.memref_slice %arg11[%dma_wait3A_88, %dma_wait3A_89] : memref<10112x128xf32, #tpu.memory_space<vmem_shared>> -> memref<10112x128xf32, #tpu.memory_space<vmem_shared>>
        tpu.wait_indirect_dma semaphore(%run_scoped3A_78 : memref<!tpu.dma_semaphore, #tpu.memory_space<semaphore_mem>>) src(%arg9 : memref<128x128xf32, #tpu.memory_space<vmem>>) dst(%dma_wait3A_90 : memref<10112x128xf32, #tpu.memory_space<vmem_shared>>)
        tpu.yield
      }) : () -> ()
      %add3A_65 = arith.constant 2 : i32
      %add3A_66 = arith.addi %mul3A_51, %add3A_65 : i32
      %lt3A = arith.cmpi slt, %add3A_66, %mul3A_4 : i32
      %convert_element_type3A = arith.extui %lt3A : i1 to i32
      %cond3A = arith.constant 0 : i32
      %cond3A_67 = arith.cmpi ne, %convert_element_type3A, %cond3A : i32
      scf.if %cond3A_67 {
        %add3A_78 = arith.constant 2 : i32
        %add3A_79 = arith.addi %mul3A_51, %add3A_78 : i32
        %dma_start3A_80 = arith.constant 0 : i32
        %dma_start3A_81 = tpu.memref_slice %arg7[%add3A_79, %dma_start3A_80] : memref<40x128xi32, #tpu.memory_space<vmem>> -> memref<1x128xi32, #tpu.memory_space<vmem>>
        %dma_start3A_82 = tpu.memref_squeeze %dma_start3A_81 : memref<1x128xi32, #tpu.memory_space<vmem>> -> memref<128xi32, #tpu.memory_space<vmem>>
        %dma_start3A_83 = arith.constant 0 : i32
        %dma_start3A_84 = arith.constant 0 : i32
        %dma_start3A_85 = tpu.memref_slice %arg2[%dma_start3A_83, %dma_start3A_84] : memref<40000x128xf32, #tpu.memory_space<hbm>> -> memref<40000x128xf32, #tpu.memory_space<hbm>>
        tpu.enqueue_indirect_dma source(%dma_start3A_85 : memref<40000x128xf32, #tpu.memory_space<hbm>>) target(%arg9 : memref<128x128xf32, #tpu.memory_space<vmem>>) offsets(%dma_start3A_82 : memref<128xi32, #tpu.memory_space<vmem>>) semaphore(%arg12 : memref<!tpu.dma_semaphore, #tpu.memory_space<semaphore_mem>>)
      } else {
      }
      %add3A_68 = arith.constant 1 : i32
      %add3A_69 = arith.addi %mul3A_51, %add3A_68 : i32
      %dma_wait3A_70 = arith.constant 0 : i32
      %dma_wait3A_71 = tpu.memref_slice %arg7[%add3A_69, %dma_wait3A_70] : memref<40x128xi32, #tpu.memory_space<vmem>> -> memref<1x128xi32, #tpu.memory_space<vmem>>
      %dma_wait3A_72 = tpu.memref_squeeze %dma_wait3A_71 : memref<1x128xi32, #tpu.memory_space<vmem>> -> memref<128xi32, #tpu.memory_space<vmem>>
      %dma_wait3A_73 = arith.constant 0 : i32
      %dma_wait3A_74 = arith.constant 0 : i32
      %dma_wait3A_75 = tpu.memref_slice %arg2[%dma_wait3A_73, %dma_wait3A_74] : memref<40000x128xf32, #tpu.memory_space<hbm>> -> memref<40000x128xf32, #tpu.memory_space<hbm>>
      tpu.wait_indirect_dma semaphore(%arg13 : memref<!tpu.dma_semaphore, #tpu.memory_space<semaphore_mem>>) src(%dma_wait3A_75 : memref<40000x128xf32, #tpu.memory_space<hbm>>) dst(%arg10 : memref<128x128xf32, #tpu.memory_space<vmem>>)
      %add3A_76 = arith.constant 1 : i32
      %add3A_77 = arith.addi %mul3A_51, %add3A_76 : i32
      "tpu.region"() ({
        %run_scoped3A_78 = tpu.sem_alloc : memref<!tpu.dma_semaphore, #tpu.memory_space<semaphore_mem>>
        %dma_start3A_79 = arith.constant 0 : i32
        %dma_start3A_80 = tpu.memref_slice %arg8[%add3A_77, %dma_start3A_79] : memref<40x128xi32, #tpu.memory_space<vmem>> -> memref<1x128xi32, #tpu.memory_space<vmem>>
        %dma_start3A_81 = tpu.memref_squeeze %dma_start3A_80 : memref<1x128xi32, #tpu.memory_space<vmem>> -> memref<128xi32, #tpu.memory_space<vmem>>
        %dma_start3A_82 = arith.constant 0 : i32
        %dma_start3A_83 = arith.constant 0 : i32
        %dma_start3A_84 = tpu.memref_slice %arg11[%dma_start3A_82, %dma_start3A_83] : memref<10112x128xf32, #tpu.memory_space<vmem_shared>> -> memref<10112x128xf32, #tpu.memory_space<vmem_shared>>
        tpu.enqueue_indirect_dma source(%arg10 : memref<128x128xf32, #tpu.memory_space<vmem>>) target(%dma_start3A_84 : memref<10112x128xf32, #tpu.memory_space<vmem_shared>>) offsets(%dma_start3A_81 : memref<128xi32, #tpu.memory_space<vmem>>) semaphore(%run_scoped3A_78 : memref<!tpu.dma_semaphore, #tpu.memory_space<semaphore_mem>>) {add = true}
        %dma_wait3A_85 = arith.constant 0 : i32
        %dma_wait3A_86 = tpu.memref_slice %arg8[%add3A_77, %dma_wait3A_85] : memref<40x128xi32, #tpu.memory_space<vmem>> -> memref<1x128xi32, #tpu.memory_space<vmem>>
        %dma_wait3A_87 = tpu.memref_squeeze %dma_wait3A_86 : memref<1x128xi32, #tpu.memory_space<vmem>> -> memref<128xi32, #tpu.memory_space<vmem>>
        %dma_wait3A_88 = arith.constant 0 : i32
        %dma_wait3A_89 = arith.constant 0 : i32
        %dma_wait3A_90 = tpu.memref_slice %arg11[%dma_wait3A_88, %dma_wait3A_89] : memref<10112x128xf32, #tpu.memory_space<vmem_shared>> -> memref<10112x128xf32, #tpu.memory_space<vmem_shared>>
        tpu.wait_indirect_dma semaphore(%run_scoped3A_78 : memref<!tpu.dma_semaphore, #tpu.memory_space<semaphore_mem>>) src(%arg10 : memref<128x128xf32, #tpu.memory_space<vmem>>) dst(%dma_wait3A_90 : memref<10112x128xf32, #tpu.memory_space<vmem_shared>>)
        tpu.yield
      }) : () -> ()
    }
    %run_scoped3A_25 = arith.constant 1 : i32
    "tpu.region"() ({
      %run_scoped3A_49 = tpu.sem_alloc : memref<!tpu.dma_semaphore, #tpu.memory_space<semaphore_mem>>
      %dma_start3A_50 = arith.constant 0 : i32
      %dma_start3A_51 = arith.constant 0 : i32
      %dma_start3A_52 = tpu.memref_slice %arg3[%add3A, %run_scoped3A_25, %dma_start3A_50, %dma_start3A_51] : memref<32x2x40x128xi32, #tpu.memory_space<hbm>> -> memref<1x1x40x128xi32, #tpu.memory_space<hbm>>
      %dma_start3A_53 = tpu.memref_squeeze %dma_start3A_52 : memref<1x1x40x128xi32, #tpu.memory_space<hbm>> -> memref<40x128xi32, #tpu.memory_space<hbm>>
      %dma_start3A_54 = arith.constant 0 : i32
      %dma_start3A_55 = arith.constant 0 : i32
      %dma_start3A_56 = tpu.memref_slice %arg3[%add3A, %run_scoped3A_25, %dma_start3A_54, %dma_start3A_55] : memref<32x2x40x128xi32, #tpu.memory_space<hbm>> -> memref<1x1x40x128xi32, #tpu.memory_space<hbm>>
      %dma_start3A_57 = tpu.memref_squeeze %dma_start3A_56 : memref<1x1x40x128xi32, #tpu.memory_space<hbm>> -> memref<40x128xi32, #tpu.memory_space<hbm>>
      tpu.enqueue_dma source(%dma_start3A_57 : memref<40x128xi32, #tpu.memory_space<hbm>>) target(%arg7 : memref<40x128xi32, #tpu.memory_space<vmem>>) target_semaphore(%run_scoped3A_49 : memref<!tpu.dma_semaphore, #tpu.memory_space<semaphore_mem>>)
      %dma_wait3A = arith.constant 0 : i32
      %dma_wait3A_58 = arith.constant 0 : i32
      %dma_wait3A_59 = tpu.memref_slice %arg3[%add3A, %run_scoped3A_25, %dma_wait3A, %dma_wait3A_58] : memref<32x2x40x128xi32, #tpu.memory_space<hbm>> -> memref<1x1x40x128xi32, #tpu.memory_space<hbm>>
      %dma_wait3A_60 = tpu.memref_squeeze %dma_wait3A_59 : memref<1x1x40x128xi32, #tpu.memory_space<hbm>> -> memref<40x128xi32, #tpu.memory_space<hbm>>
      %dma_wait3A_61 = arith.constant 0 : i32
      %dma_wait3A_62 = arith.constant 0 : i32
      %dma_wait3A_63 = tpu.memref_slice %arg3[%add3A, %run_scoped3A_25, %dma_wait3A_61, %dma_wait3A_62] : memref<32x2x40x128xi32, #tpu.memory_space<hbm>> -> memref<1x1x40x128xi32, #tpu.memory_space<hbm>>
      %dma_wait3A_64 = tpu.memref_squeeze %dma_wait3A_63 : memref<1x1x40x128xi32, #tpu.memory_space<hbm>> -> memref<40x128xi32, #tpu.memory_space<hbm>>
      tpu.wait_dma2 semaphore(%run_scoped3A_49 : memref<!tpu.dma_semaphore, #tpu.memory_space<semaphore_mem>>) src(%dma_wait3A_64 : memref<40x128xi32, #tpu.memory_space<hbm>>) dst(%arg7 : memref<40x128xi32, #tpu.memory_space<vmem>>)
      tpu.yield
    }) : () -> ()
    %run_scoped3A_26 = arith.constant 1 : i32
    "tpu.region"() ({
      %run_scoped3A_49 = tpu.sem_alloc : memref<!tpu.dma_semaphore, #tpu.memory_space<semaphore_mem>>
      %dma_start3A_50 = arith.constant 0 : i32
      %dma_start3A_51 = arith.constant 0 : i32
      %dma_start3A_52 = tpu.memref_slice %arg4[%add3A, %run_scoped3A_26, %dma_start3A_50, %dma_start3A_51] : memref<32x2x40x128xi32, #tpu.memory_space<hbm>> -> memref<1x1x40x128xi32, #tpu.memory_space<hbm>>
      %dma_start3A_53 = tpu.memref_squeeze %dma_start3A_52 : memref<1x1x40x128xi32, #tpu.memory_space<hbm>> -> memref<40x128xi32, #tpu.memory_space<hbm>>
      %dma_start3A_54 = arith.constant 0 : i32
      %dma_start3A_55 = arith.constant 0 : i32
      %dma_start3A_56 = tpu.memref_slice %arg4[%add3A, %run_scoped3A_26, %dma_start3A_54, %dma_start3A_55] : memref<32x2x40x128xi32, #tpu.memory_space<hbm>> -> memref<1x1x40x128xi32, #tpu.memory_space<hbm>>
      %dma_start3A_57 = tpu.memref_squeeze %dma_start3A_56 : memref<1x1x40x128xi32, #tpu.memory_space<hbm>> -> memref<40x128xi32, #tpu.memory_space<hbm>>
      tpu.enqueue_dma source(%dma_start3A_57 : memref<40x128xi32, #tpu.memory_space<hbm>>) target(%arg8 : memref<40x128xi32, #tpu.memory_space<vmem>>) target_semaphore(%run_scoped3A_49 : memref<!tpu.dma_semaphore, #tpu.memory_space<semaphore_mem>>)
      %dma_wait3A = arith.constant 0 : i32
      %dma_wait3A_58 = arith.constant 0 : i32
      %dma_wait3A_59 = tpu.memref_slice %arg4[%add3A, %run_scoped3A_26, %dma_wait3A, %dma_wait3A_58] : memref<32x2x40x128xi32, #tpu.memory_space<hbm>> -> memref<1x1x40x128xi32, #tpu.memory_space<hbm>>
      %dma_wait3A_60 = tpu.memref_squeeze %dma_wait3A_59 : memref<1x1x40x128xi32, #tpu.memory_space<hbm>> -> memref<40x128xi32, #tpu.memory_space<hbm>>
      %dma_wait3A_61 = arith.constant 0 : i32
      %dma_wait3A_62 = arith.constant 0 : i32
      %dma_wait3A_63 = tpu.memref_slice %arg4[%add3A, %run_scoped3A_26, %dma_wait3A_61, %dma_wait3A_62] : memref<32x2x40x128xi32, #tpu.memory_space<hbm>> -> memref<1x1x40x128xi32, #tpu.memory_space<hbm>>
      %dma_wait3A_64 = tpu.memref_squeeze %dma_wait3A_63 : memref<1x1x40x128xi32, #tpu.memory_space<hbm>> -> memref<40x128xi32, #tpu.memory_space<hbm>>
      tpu.wait_dma2 semaphore(%run_scoped3A_49 : memref<!tpu.dma_semaphore, #tpu.memory_space<semaphore_mem>>) src(%dma_wait3A_64 : memref<40x128xi32, #tpu.memory_space<hbm>>) dst(%arg8 : memref<40x128xi32, #tpu.memory_space<vmem>>)
      tpu.yield
    }) : () -> ()
    %dma_start3A_27 = arith.constant 0 : i32
    %dma_start3A_28 = arith.constant 0 : i32
    %dma_start3A_29 = tpu.memref_slice %arg7[%dma_start3A_27, %dma_start3A_28] : memref<40x128xi32, #tpu.memory_space<vmem>> -> memref<1x128xi32, #tpu.memory_space<vmem>>
    %dma_start3A_30 = tpu.memref_squeeze %dma_start3A_29 : memref<1x128xi32, #tpu.memory_space<vmem>> -> memref<128xi32, #tpu.memory_space<vmem>>
    %dma_start3A_31 = arith.constant 0 : i32
    %dma_start3A_32 = arith.constant 0 : i32
    %dma_start3A_33 = tpu.memref_slice %arg2[%dma_start3A_31, %dma_start3A_32] : memref<40000x128xf32, #tpu.memory_space<hbm>> -> memref<40000x128xf32, #tpu.memory_space<hbm>>
    tpu.enqueue_indirect_dma source(%dma_start3A_33 : memref<40000x128xf32, #tpu.memory_space<hbm>>) target(%arg9 : memref<128x128xf32, #tpu.memory_space<vmem>>) offsets(%dma_start3A_30 : memref<128xi32, #tpu.memory_space<vmem>>) semaphore(%arg12 : memref<!tpu.dma_semaphore, #tpu.memory_space<semaphore_mem>>)
    %while3A_34 = arith.constant 0 : i32
    %while3A_35 = arith.constant 0 : i32
    %while3A_36 = arith.subi %select_n3A, %while3A_35 : i32
    %while3A_37 = arith.addi %while3A_35, %while3A_36 : i32
    %while3A_38 = arith.constant 1 : i32
    %while3A_39 = arith.divsi %while3A_36, %while3A_38 : i32
    %while3A_40 = arith.muli %while3A_39, %while3A_38 : i32
    %while3A_41 = arith.addi %while3A_35, %while3A_40 : i32
    %while3A_42 = arith.constant 1 : i32
    scf.for %while3A_49 = %while3A_35 to %while3A_41 step %while3A_42  : i32 {
      %mul3A_50 = arith.constant 2 : i32
      %mul3A_51 = arith.muli %mul3A_50, %while3A_49 : i32
      %add3A_52 = arith.constant 1 : i32
      %add3A_53 = arith.addi %mul3A_51, %add3A_52 : i32
      %dma_start3A_54 = arith.constant 0 : i32
      %dma_start3A_55 = tpu.memref_slice %arg7[%add3A_53, %dma_start3A_54] : memref<40x128xi32, #tpu.memory_space<vmem>> -> memref<1x128xi32, #tpu.memory_space<vmem>>
      %dma_start3A_56 = tpu.memref_squeeze %dma_start3A_55 : memref<1x128xi32, #tpu.memory_space<vmem>> -> memref<128xi32, #tpu.memory_space<vmem>>
      %dma_start3A_57 = arith.constant 0 : i32
      %dma_start3A_58 = arith.constant 0 : i32
      %dma_start3A_59 = tpu.memref_slice %arg2[%dma_start3A_57, %dma_start3A_58] : memref<40000x128xf32, #tpu.memory_space<hbm>> -> memref<40000x128xf32, #tpu.memory_space<hbm>>
      tpu.enqueue_indirect_dma source(%dma_start3A_59 : memref<40000x128xf32, #tpu.memory_space<hbm>>) target(%arg10 : memref<128x128xf32, #tpu.memory_space<vmem>>) offsets(%dma_start3A_56 : memref<128xi32, #tpu.memory_space<vmem>>) semaphore(%arg13 : memref<!tpu.dma_semaphore, #tpu.memory_space<semaphore_mem>>)
      %dma_wait3A = arith.constant 0 : i32
      %dma_wait3A_60 = tpu.memref_slice %arg7[%mul3A_51, %dma_wait3A] : memref<40x128xi32, #tpu.memory_space<vmem>> -> memref<1x128xi32, #tpu.memory_space<vmem>>
      %dma_wait3A_61 = tpu.memref_squeeze %dma_wait3A_60 : memref<1x128xi32, #tpu.memory_space<vmem>> -> memref<128xi32, #tpu.memory_space<vmem>>
      %dma_wait3A_62 = arith.constant 0 : i32
      %dma_wait3A_63 = arith.constant 0 : i32
      %dma_wait3A_64 = tpu.memref_slice %arg2[%dma_wait3A_62, %dma_wait3A_63] : memref<40000x128xf32, #tpu.memory_space<hbm>> -> memref<40000x128xf32, #tpu.memory_space<hbm>>
      tpu.wait_indirect_dma semaphore(%arg12 : memref<!tpu.dma_semaphore, #tpu.memory_space<semaphore_mem>>) src(%dma_wait3A_64 : memref<40000x128xf32, #tpu.memory_space<hbm>>) dst(%arg9 : memref<128x128xf32, #tpu.memory_space<vmem>>)
      "tpu.region"() ({
        %run_scoped3A_78 = tpu.sem_alloc : memref<!tpu.dma_semaphore, #tpu.memory_space<semaphore_mem>>
        %dma_start3A_79 = arith.constant 0 : i32
        %dma_start3A_80 = tpu.memref_slice %arg8[%mul3A_51, %dma_start3A_79] : memref<40x128xi32, #tpu.memory_space<vmem>> -> memref<1x128xi32, #tpu.memory_space<vmem>>
        %dma_start3A_81 = tpu.memref_squeeze %dma_start3A_80 : memref<1x128xi32, #tpu.memory_space<vmem>> -> memref<128xi32, #tpu.memory_space<vmem>>
        %dma_start3A_82 = arith.constant 0 : i32
        %dma_start3A_83 = arith.constant 0 : i32
        %dma_start3A_84 = tpu.memref_slice %arg11[%dma_start3A_82, %dma_start3A_83] : memref<10112x128xf32, #tpu.memory_space<vmem_shared>> -> memref<10112x128xf32, #tpu.memory_space<vmem_shared>>
        tpu.enqueue_indirect_dma source(%arg9 : memref<128x128xf32, #tpu.memory_space<vmem>>) target(%dma_start3A_84 : memref<10112x128xf32, #tpu.memory_space<vmem_shared>>) offsets(%dma_start3A_81 : memref<128xi32, #tpu.memory_space<vmem>>) semaphore(%run_scoped3A_78 : memref<!tpu.dma_semaphore, #tpu.memory_space<semaphore_mem>>) {add = true}
        %dma_wait3A_85 = arith.constant 0 : i32
        %dma_wait3A_86 = tpu.memref_slice %arg8[%mul3A_51, %dma_wait3A_85] : memref<40x128xi32, #tpu.memory_space<vmem>> -> memref<1x128xi32, #tpu.memory_space<vmem>>
        %dma_wait3A_87 = tpu.memref_squeeze %dma_wait3A_86 : memref<1x128xi32, #tpu.memory_space<vmem>> -> memref<128xi32, #tpu.memory_space<vmem>>
        %dma_wait3A_88 = arith.constant 0 : i32
        %dma_wait3A_89 = arith.constant 0 : i32
        %dma_wait3A_90 = tpu.memref_slice %arg11[%dma_wait3A_88, %dma_wait3A_89] : memref<10112x128xf32, #tpu.memory_space<vmem_shared>> -> memref<10112x128xf32, #tpu.memory_space<vmem_shared>>
        tpu.wait_indirect_dma semaphore(%run_scoped3A_78 : memref<!tpu.dma_semaphore, #tpu.memory_space<semaphore_mem>>) src(%arg9 : memref<128x128xf32, #tpu.memory_space<vmem>>) dst(%dma_wait3A_90 : memref<10112x128xf32, #tpu.memory_space<vmem_shared>>)
        tpu.yield
      }) : () -> ()
      %add3A_65 = arith.constant 2 : i32
      %add3A_66 = arith.addi %mul3A_51, %add3A_65 : i32
      %lt3A = arith.cmpi slt, %add3A_66, %mul3A_4 : i32
      %convert_element_type3A = arith.extui %lt3A : i1 to i32
      %cond3A = arith.constant 0 : i32
      %cond3A_67 = arith.cmpi ne, %convert_element_type3A, %cond3A : i32
      scf.if %cond3A_67 {
        %add3A_78 = arith.constant 2 : i32
        %add3A_79 = arith.addi %mul3A_51, %add3A_78 : i32
        %dma_start3A_80 = arith.constant 0 : i32
        %dma_start3A_81 = tpu.memref_slice %arg7[%add3A_79, %dma_start3A_80] : memref<40x128xi32, #tpu.memory_space<vmem>> -> memref<1x128xi32, #tpu.memory_space<vmem>>
        %dma_start3A_82 = tpu.memref_squeeze %dma_start3A_81 : memref<1x128xi32, #tpu.memory_space<vmem>> -> memref<128xi32, #tpu.memory_space<vmem>>
        %dma_start3A_83 = arith.constant 0 : i32
        %dma_start3A_84 = arith.constant 0 : i32
        %dma_start3A_85 = tpu.memref_slice %arg2[%dma_start3A_83, %dma_start3A_84] : memref<40000x128xf32, #tpu.memory_space<hbm>> -> memref<40000x128xf32, #tpu.memory_space<hbm>>
        tpu.enqueue_indirect_dma source(%dma_start3A_85 : memref<40000x128xf32, #tpu.memory_space<hbm>>) target(%arg9 : memref<128x128xf32, #tpu.memory_space<vmem>>) offsets(%dma_start3A_82 : memref<128xi32, #tpu.memory_space<vmem>>) semaphore(%arg12 : memref<!tpu.dma_semaphore, #tpu.memory_space<semaphore_mem>>)
      } else {
      }
      %add3A_68 = arith.constant 1 : i32
      %add3A_69 = arith.addi %mul3A_51, %add3A_68 : i32
      %dma_wait3A_70 = arith.constant 0 : i32
      %dma_wait3A_71 = tpu.memref_slice %arg7[%add3A_69, %dma_wait3A_70] : memref<40x128xi32, #tpu.memory_space<vmem>> -> memref<1x128xi32, #tpu.memory_space<vmem>>
      %dma_wait3A_72 = tpu.memref_squeeze %dma_wait3A_71 : memref<1x128xi32, #tpu.memory_space<vmem>> -> memref<128xi32, #tpu.memory_space<vmem>>
      %dma_wait3A_73 = arith.constant 0 : i32
      %dma_wait3A_74 = arith.constant 0 : i32
      %dma_wait3A_75 = tpu.memref_slice %arg2[%dma_wait3A_73, %dma_wait3A_74] : memref<40000x128xf32, #tpu.memory_space<hbm>> -> memref<40000x128xf32, #tpu.memory_space<hbm>>
      tpu.wait_indirect_dma semaphore(%arg13 : memref<!tpu.dma_semaphore, #tpu.memory_space<semaphore_mem>>) src(%dma_wait3A_75 : memref<40000x128xf32, #tpu.memory_space<hbm>>) dst(%arg10 : memref<128x128xf32, #tpu.memory_space<vmem>>)
      %add3A_76 = arith.constant 1 : i32
      %add3A_77 = arith.addi %mul3A_51, %add3A_76 : i32
      "tpu.region"() ({
        %run_scoped3A_78 = tpu.sem_alloc : memref<!tpu.dma_semaphore, #tpu.memory_space<semaphore_mem>>
        %dma_start3A_79 = arith.constant 0 : i32
        %dma_start3A_80 = tpu.memref_slice %arg8[%add3A_77, %dma_start3A_79] : memref<40x128xi32, #tpu.memory_space<vmem>> -> memref<1x128xi32, #tpu.memory_space<vmem>>
        %dma_start3A_81 = tpu.memref_squeeze %dma_start3A_80 : memref<1x128xi32, #tpu.memory_space<vmem>> -> memref<128xi32, #tpu.memory_space<vmem>>
        %dma_start3A_82 = arith.constant 0 : i32
        %dma_start3A_83 = arith.constant 0 : i32
        %dma_start3A_84 = tpu.memref_slice %arg11[%dma_start3A_82, %dma_start3A_83] : memref<10112x128xf32, #tpu.memory_space<vmem_shared>> -> memref<10112x128xf32, #tpu.memory_space<vmem_shared>>
        tpu.enqueue_indirect_dma source(%arg10 : memref<128x128xf32, #tpu.memory_space<vmem>>) target(%dma_start3A_84 : memref<10112x128xf32, #tpu.memory_space<vmem_shared>>) offsets(%dma_start3A_81 : memref<128xi32, #tpu.memory_space<vmem>>) semaphore(%run_scoped3A_78 : memref<!tpu.dma_semaphore, #tpu.memory_space<semaphore_mem>>) {add = true}
        %dma_wait3A_85 = arith.constant 0 : i32
        %dma_wait3A_86 = tpu.memref_slice %arg8[%add3A_77, %dma_wait3A_85] : memref<40x128xi32, #tpu.memory_space<vmem>> -> memref<1x128xi32, #tpu.memory_space<vmem>>
        %dma_wait3A_87 = tpu.memref_squeeze %dma_wait3A_86 : memref<1x128xi32, #tpu.memory_space<vmem>> -> memref<128xi32, #tpu.memory_space<vmem>>
        %dma_wait3A_88 = arith.constant 0 : i32
        %dma_wait3A_89 = arith.constant 0 : i32
        %dma_wait3A_90 = tpu.memref_slice %arg11[%dma_wait3A_88, %dma_wait3A_89] : memref<10112x128xf32, #tpu.memory_space<vmem_shared>> -> memref<10112x128xf32, #tpu.memory_space<vmem_shared>>
        tpu.wait_indirect_dma semaphore(%run_scoped3A_78 : memref<!tpu.dma_semaphore, #tpu.memory_space<semaphore_mem>>) src(%arg10 : memref<128x128xf32, #tpu.memory_space<vmem>>) dst(%dma_wait3A_90 : memref<10112x128xf32, #tpu.memory_space<vmem_shared>>)
        tpu.yield
      }) : () -> ()
    }
    %while3A_43 = arith.constant 1 : i32
    scf.for %while3A_49 = %while3A_41 to %while3A_37 step %while3A_43  : i32 {
      %mul3A_50 = arith.constant 2 : i32
      %mul3A_51 = arith.muli %mul3A_50, %while3A_49 : i32
      %add3A_52 = arith.constant 1 : i32
      %add3A_53 = arith.addi %mul3A_51, %add3A_52 : i32
      %dma_start3A_54 = arith.constant 0 : i32
      %dma_start3A_55 = tpu.memref_slice %arg7[%add3A_53, %dma_start3A_54] : memref<40x128xi32, #tpu.memory_space<vmem>> -> memref<1x128xi32, #tpu.memory_space<vmem>>
      %dma_start3A_56 = tpu.memref_squeeze %dma_start3A_55 : memref<1x128xi32, #tpu.memory_space<vmem>> -> memref<128xi32, #tpu.memory_space<vmem>>
      %dma_start3A_57 = arith.constant 0 : i32
      %dma_start3A_58 = arith.constant 0 : i32
      %dma_start3A_59 = tpu.memref_slice %arg2[%dma_start3A_57, %dma_start3A_58] : memref<40000x128xf32, #tpu.memory_space<hbm>> -> memref<40000x128xf32, #tpu.memory_space<hbm>>
      tpu.enqueue_indirect_dma source(%dma_start3A_59 : memref<40000x128xf32, #tpu.memory_space<hbm>>) target(%arg10 : memref<128x128xf32, #tpu.memory_space<vmem>>) offsets(%dma_start3A_56 : memref<128xi32, #tpu.memory_space<vmem>>) semaphore(%arg13 : memref<!tpu.dma_semaphore, #tpu.memory_space<semaphore_mem>>)
      %dma_wait3A = arith.constant 0 : i32
      %dma_wait3A_60 = tpu.memref_slice %arg7[%mul3A_51, %dma_wait3A] : memref<40x128xi32, #tpu.memory_space<vmem>> -> memref<1x128xi32, #tpu.memory_space<vmem>>
      %dma_wait3A_61 = tpu.memref_squeeze %dma_wait3A_60 : memref<1x128xi32, #tpu.memory_space<vmem>> -> memref<128xi32, #tpu.memory_space<vmem>>
      %dma_wait3A_62 = arith.constant 0 : i32
      %dma_wait3A_63 = arith.constant 0 : i32
      %dma_wait3A_64 = tpu.memref_slice %arg2[%dma_wait3A_62, %dma_wait3A_63] : memref<40000x128xf32, #tpu.memory_space<hbm>> -> memref<40000x128xf32, #tpu.memory_space<hbm>>
      tpu.wait_indirect_dma semaphore(%arg12 : memref<!tpu.dma_semaphore, #tpu.memory_space<semaphore_mem>>) src(%dma_wait3A_64 : memref<40000x128xf32, #tpu.memory_space<hbm>>) dst(%arg9 : memref<128x128xf32, #tpu.memory_space<vmem>>)
      "tpu.region"() ({
        %run_scoped3A_78 = tpu.sem_alloc : memref<!tpu.dma_semaphore, #tpu.memory_space<semaphore_mem>>
        %dma_start3A_79 = arith.constant 0 : i32
        %dma_start3A_80 = tpu.memref_slice %arg8[%mul3A_51, %dma_start3A_79] : memref<40x128xi32, #tpu.memory_space<vmem>> -> memref<1x128xi32, #tpu.memory_space<vmem>>
        %dma_start3A_81 = tpu.memref_squeeze %dma_start3A_80 : memref<1x128xi32, #tpu.memory_space<vmem>> -> memref<128xi32, #tpu.memory_space<vmem>>
        %dma_start3A_82 = arith.constant 0 : i32
        %dma_start3A_83 = arith.constant 0 : i32
        %dma_start3A_84 = tpu.memref_slice %arg11[%dma_start3A_82, %dma_start3A_83] : memref<10112x128xf32, #tpu.memory_space<vmem_shared>> -> memref<10112x128xf32, #tpu.memory_space<vmem_shared>>
        tpu.enqueue_indirect_dma source(%arg9 : memref<128x128xf32, #tpu.memory_space<vmem>>) target(%dma_start3A_84 : memref<10112x128xf32, #tpu.memory_space<vmem_shared>>) offsets(%dma_start3A_81 : memref<128xi32, #tpu.memory_space<vmem>>) semaphore(%run_scoped3A_78 : memref<!tpu.dma_semaphore, #tpu.memory_space<semaphore_mem>>) {add = true}
        %dma_wait3A_85 = arith.constant 0 : i32
        %dma_wait3A_86 = tpu.memref_slice %arg8[%mul3A_51, %dma_wait3A_85] : memref<40x128xi32, #tpu.memory_space<vmem>> -> memref<1x128xi32, #tpu.memory_space<vmem>>
        %dma_wait3A_87 = tpu.memref_squeeze %dma_wait3A_86 : memref<1x128xi32, #tpu.memory_space<vmem>> -> memref<128xi32, #tpu.memory_space<vmem>>
        %dma_wait3A_88 = arith.constant 0 : i32
        %dma_wait3A_89 = arith.constant 0 : i32
        %dma_wait3A_90 = tpu.memref_slice %arg11[%dma_wait3A_88, %dma_wait3A_89] : memref<10112x128xf32, #tpu.memory_space<vmem_shared>> -> memref<10112x128xf32, #tpu.memory_space<vmem_shared>>
        tpu.wait_indirect_dma semaphore(%run_scoped3A_78 : memref<!tpu.dma_semaphore, #tpu.memory_space<semaphore_mem>>) src(%arg9 : memref<128x128xf32, #tpu.memory_space<vmem>>) dst(%dma_wait3A_90 : memref<10112x128xf32, #tpu.memory_space<vmem_shared>>)
        tpu.yield
      }) : () -> ()
      %add3A_65 = arith.constant 2 : i32
      %add3A_66 = arith.addi %mul3A_51, %add3A_65 : i32
      %lt3A = arith.cmpi slt, %add3A_66, %mul3A_4 : i32
      %convert_element_type3A = arith.extui %lt3A : i1 to i32
      %cond3A = arith.constant 0 : i32
      %cond3A_67 = arith.cmpi ne, %convert_element_type3A, %cond3A : i32
      scf.if %cond3A_67 {
        %add3A_78 = arith.constant 2 : i32
        %add3A_79 = arith.addi %mul3A_51, %add3A_78 : i32
        %dma_start3A_80 = arith.constant 0 : i32
        %dma_start3A_81 = tpu.memref_slice %arg7[%add3A_79, %dma_start3A_80] : memref<40x128xi32, #tpu.memory_space<vmem>> -> memref<1x128xi32, #tpu.memory_space<vmem>>
        %dma_start3A_82 = tpu.memref_squeeze %dma_start3A_81 : memref<1x128xi32, #tpu.memory_space<vmem>> -> memref<128xi32, #tpu.memory_space<vmem>>
        %dma_start3A_83 = arith.constant 0 : i32
        %dma_start3A_84 = arith.constant 0 : i32
        %dma_start3A_85 = tpu.memref_slice %arg2[%dma_start3A_83, %dma_start3A_84] : memref<40000x128xf32, #tpu.memory_space<hbm>> -> memref<40000x128xf32, #tpu.memory_space<hbm>>
        tpu.enqueue_indirect_dma source(%dma_start3A_85 : memref<40000x128xf32, #tpu.memory_space<hbm>>) target(%arg9 : memref<128x128xf32, #tpu.memory_space<vmem>>) offsets(%dma_start3A_82 : memref<128xi32, #tpu.memory_space<vmem>>) semaphore(%arg12 : memref<!tpu.dma_semaphore, #tpu.memory_space<semaphore_mem>>)
      } else {
      }
      %add3A_68 = arith.constant 1 : i32
      %add3A_69 = arith.addi %mul3A_51, %add3A_68 : i32
      %dma_wait3A_70 = arith.constant 0 : i32
      %dma_wait3A_71 = tpu.memref_slice %arg7[%add3A_69, %dma_wait3A_70] : memref<40x128xi32, #tpu.memory_space<vmem>> -> memref<1x128xi32, #tpu.memory_space<vmem>>
      %dma_wait3A_72 = tpu.memref_squeeze %dma_wait3A_71 : memref<1x128xi32, #tpu.memory_space<vmem>> -> memref<128xi32, #tpu.memory_space<vmem>>
      %dma_wait3A_73 = arith.constant 0 : i32
      %dma_wait3A_74 = arith.constant 0 : i32
      %dma_wait3A_75 = tpu.memref_slice %arg2[%dma_wait3A_73, %dma_wait3A_74] : memref<40000x128xf32, #tpu.memory_space<hbm>> -> memref<40000x128xf32, #tpu.memory_space<hbm>>
      tpu.wait_indirect_dma semaphore(%arg13 : memref<!tpu.dma_semaphore, #tpu.memory_space<semaphore_mem>>) src(%dma_wait3A_75 : memref<40000x128xf32, #tpu.memory_space<hbm>>) dst(%arg10 : memref<128x128xf32, #tpu.memory_space<vmem>>)
      %add3A_76 = arith.constant 1 : i32
      %add3A_77 = arith.addi %mul3A_51, %add3A_76 : i32
      "tpu.region"() ({
        %run_scoped3A_78 = tpu.sem_alloc : memref<!tpu.dma_semaphore, #tpu.memory_space<semaphore_mem>>
        %dma_start3A_79 = arith.constant 0 : i32
        %dma_start3A_80 = tpu.memref_slice %arg8[%add3A_77, %dma_start3A_79] : memref<40x128xi32, #tpu.memory_space<vmem>> -> memref<1x128xi32, #tpu.memory_space<vmem>>
        %dma_start3A_81 = tpu.memref_squeeze %dma_start3A_80 : memref<1x128xi32, #tpu.memory_space<vmem>> -> memref<128xi32, #tpu.memory_space<vmem>>
        %dma_start3A_82 = arith.constant 0 : i32
        %dma_start3A_83 = arith.constant 0 : i32
        %dma_start3A_84 = tpu.memref_slice %arg11[%dma_start3A_82, %dma_start3A_83] : memref<10112x128xf32, #tpu.memory_space<vmem_shared>> -> memref<10112x128xf32, #tpu.memory_space<vmem_shared>>
        tpu.enqueue_indirect_dma source(%arg10 : memref<128x128xf32, #tpu.memory_space<vmem>>) target(%dma_start3A_84 : memref<10112x128xf32, #tpu.memory_space<vmem_shared>>) offsets(%dma_start3A_81 : memref<128xi32, #tpu.memory_space<vmem>>) semaphore(%run_scoped3A_78 : memref<!tpu.dma_semaphore, #tpu.memory_space<semaphore_mem>>) {add = true}
        %dma_wait3A_85 = arith.constant 0 : i32
        %dma_wait3A_86 = tpu.memref_slice %arg8[%add3A_77, %dma_wait3A_85] : memref<40x128xi32, #tpu.memory_space<vmem>> -> memref<1x128xi32, #tpu.memory_space<vmem>>
        %dma_wait3A_87 = tpu.memref_squeeze %dma_wait3A_86 : memref<1x128xi32, #tpu.memory_space<vmem>> -> memref<128xi32, #tpu.memory_space<vmem>>
        %dma_wait3A_88 = arith.constant 0 : i32
        %dma_wait3A_89 = arith.constant 0 : i32
        %dma_wait3A_90 = tpu.memref_slice %arg11[%dma_wait3A_88, %dma_wait3A_89] : memref<10112x128xf32, #tpu.memory_space<vmem_shared>> -> memref<10112x128xf32, #tpu.memory_space<vmem_shared>>
        tpu.wait_indirect_dma semaphore(%run_scoped3A_78 : memref<!tpu.dma_semaphore, #tpu.memory_space<semaphore_mem>>) src(%arg10 : memref<128x128xf32, #tpu.memory_space<vmem>>) dst(%dma_wait3A_90 : memref<10112x128xf32, #tpu.memory_space<vmem_shared>>)
        tpu.yield
      }) : () -> ()
    }
    %barrier3A_44 = arith.constant 0 : index
    tpu.barrier barrier_id(%barrier3A_44)
    %mul3A_45 = arith.constant 632 : i32
    %mul3A_46 = arith.muli %arg1, %mul3A_45 : i32
    %mul3A_47 = arith.constant 632 : i32
    %mul3A_48 = arith.muli %arg1, %mul3A_47 : i32
    "tpu.region"() ({
      %run_scoped3A_49 = tpu.sem_alloc : memref<!tpu.dma_semaphore, #tpu.memory_space<semaphore_mem>>
      %dma_start3A_50 = arith.constant 0 : i32
      %dma_start3A_51 = tpu.memref_slice %arg6[%arg0, %mul3A_48, %dma_start3A_50] : memref<2x10112x128xf32, #tpu.memory_space<hbm>> -> memref<1x632x128xf32, #tpu.memory_space<hbm>>
      %dma_start3A_52 = tpu.memref_squeeze %dma_start3A_51 : memref<1x632x128xf32, #tpu.memory_space<hbm>> -> memref<632x128xf32, #tpu.memory_space<hbm>>
      %dma_start3A_53 = arith.constant 0 : i32
      %dma_start3A_54 = tpu.memref_slice %arg11[%mul3A_46, %dma_start3A_53] : memref<10112x128xf32, #tpu.memory_space<vmem_shared>> -> memref<632x128xf32, #tpu.memory_space<vmem_shared>>
      tpu.enqueue_dma source(%dma_start3A_54 : memref<632x128xf32, #tpu.memory_space<vmem_shared>>) target(%dma_start3A_52 : memref<632x128xf32, #tpu.memory_space<hbm>>) target_semaphore(%run_scoped3A_49 : memref<!tpu.dma_semaphore, #tpu.memory_space<semaphore_mem>>)
      %dma_wait3A = arith.constant 0 : i32
      %dma_wait3A_55 = tpu.memref_slice %arg6[%arg0, %mul3A_48, %dma_wait3A] : memref<2x10112x128xf32, #tpu.memory_space<hbm>> -> memref<1x632x128xf32, #tpu.memory_space<hbm>>
      %dma_wait3A_56 = tpu.memref_squeeze %dma_wait3A_55 : memref<1x632x128xf32, #tpu.memory_space<hbm>> -> memref<632x128xf32, #tpu.memory_space<hbm>>
      %dma_wait3A_57 = arith.constant 0 : i32
      %dma_wait3A_58 = tpu.memref_slice %arg11[%mul3A_46, %dma_wait3A_57] : memref<10112x128xf32, #tpu.memory_space<vmem_shared>> -> memref<632x128xf32, #tpu.memory_space<vmem_shared>>
      tpu.wait_dma2 semaphore(%run_scoped3A_49 : memref<!tpu.dma_semaphore, #tpu.memory_space<semaphore_mem>>) src(%dma_wait3A_58 : memref<632x128xf32, #tpu.memory_space<vmem_shared>>) dst(%dma_wait3A_56 : memref<632x128xf32, #tpu.memory_space<hbm>>)
      tpu.yield
    }) : () -> ()
    return
  }
}

#map = affine_map<(d0, d1) -> (0, 0)>
#map1 = affine_map<(d0, d1) -> (0, 0, 0, 0)>
#map2 = affine_map<(d0, d1) -> (0, 0, 0)>
module attributes {stable_mosaic.version = 14 : i64} {
  func.func @k(%arg0: i32, %arg1: i32, %arg2: memref<40000x128xf32, #tpu.memory_space<hbm>>, %arg3: memref<32x2x40x128xi32, #tpu.memory_space<hbm>>, %arg4: memref<32x2x40x128xi32, #tpu.memory_space<hbm>>, %arg5: memref<10112x128xf32, #tpu.memory_space<hbm>>, %arg6: memref<2x10112x128xf32, #tpu.memory_space<hbm>>, %arg7: memref<40x128xi32, #tpu.memory_space<vmem>>, %arg8: memref<40x128xi32, #tpu.memory_space<vmem>>, %arg9: memref<128x128xf32, #tpu.memory_space<vmem>>, %arg10: memref<128x128xf32, #tpu.memory_space<vmem>>, %arg11: memref<10112x128xf32, #tpu.memory_space<vmem_shared>>, %arg12: memref<!tpu.dma_semaphore, #tpu.memory_space<semaphore_mem>>, %arg13: memref<!tpu.dma_semaphore, #tpu.memory_space<semaphore_mem>>) attributes {dimension_semantics = [#tpu.dimension_semantics<core_parallel>, #tpu.dimension_semantics<subcore_parallel>], iteration_bounds = array<i64: 2, 16>, scalar_prefetch = 0 : i64, scratch_operands = 7 : i64, tpu.core_type = #tpu.core_type<sc_vector_subcore>, window_params = [{transform_indices = #map}, {transform_indices = #map1}, {transform_indices = #map1}, {transform_indices = #map}, {transform_indices = #map2}]} {
    %mul3A = arith.constant 16 : i32
    %mul3A_0 = arith.muli %arg0, %mul3A : i32
    %add3A = arith.addi %mul3A_0, %arg1 : i32
    %eq3A = arith.constant 0 : i32
    %eq3A_1 = arith.cmpi eq, %arg0, %eq3A : i32
    %jit3A = arith.constant 20 : i32
    %jit3A_2 = arith.constant 20 : i32
    %select_n3A = arith.select %eq3A_1, %jit3A, %jit3A_2 : i32
    %mul3A_3 = arith.constant 2 : i32
    %mul3A_4 = arith.muli %mul3A_3, %select_n3A : i32
    %mul3A_5 = arith.constant 632 : i32
    %mul3A_6 = arith.muli %arg1, %mul3A_5 : i32
    %mul3A_7 = arith.constant 632 : i32
    %mul3A_8 = arith.muli %arg1, %mul3A_7 : i32
    "tpu.region"() ({
      %run_scoped3A_49 = tpu.sem_alloc : memref<!tpu.dma_semaphore, #tpu.memory_space<semaphore_mem>>
      %dma_start3A_50 = arith.constant 0 : i32
      %dma_start3A_51 = tpu.memref_slice %arg11[%mul3A_8, %dma_start3A_50] : memref<10112x128xf32, #tpu.memory_space<vmem_shared>> -> memref<632x128xf32, #tpu.memory_space<vmem_shared>>
      %dma_start3A_52 = arith.constant 0 : i32
      %dma_start3A_53 = tpu.memref_slice %arg5[%mul3A_6, %dma_start3A_52] : memref<10112x128xf32, #tpu.memory_space<hbm>> -> memref<632x128xf32, #tpu.memory_space<hbm>>
      tpu.enqueue_dma source(%dma_start3A_53 : memref<632x128xf32, #tpu.memory_space<hbm>>) target(%dma_start3A_51 : memref<632x128xf32, #tpu.memory_space<vmem_shared>>) target_semaphore(%run_scoped3A_49 : memref<!tpu.dma_semaphore, #tpu.memory_space<semaphore_mem>>)
      %dma_wait3A = arith.constant 0 : i32
      %dma_wait3A_54 = tpu.memref_slice %arg11[%mul3A_8, %dma_wait3A] : memref<10112x128xf32, #tpu.memory_space<vmem_shared>> -> memref<632x128xf32, #tpu.memory_space<vmem_shared>>
      %dma_wait3A_55 = arith.constant 0 : i32
      %dma_wait3A_56 = tpu.memref_slice %arg5[%mul3A_6, %dma_wait3A_55] : memref<10112x128xf32, #tpu.memory_space<hbm>> -> memref<632x128xf32, #tpu.memory_space<hbm>>
      tpu.wait_dma2 semaphore(%run_scoped3A_49 : memref<!tpu.dma_semaphore, #tpu.memory_space<semaphore_mem>>) src(%dma_wait3A_56 : memref<632x128xf32, #tpu.memory_space<hbm>>) dst(%dma_wait3A_54 : memref<632x128xf32, #tpu.memory_space<vmem_shared>>)
      tpu.yield
    }) : () -> ()
    %barrier3A = arith.constant 0 : index
    tpu.barrier barrier_id(%barrier3A)
    %run_scoped3A = arith.constant 0 : i32
    "tpu.region"() ({
      %run_scoped3A_49 = tpu.sem_alloc : memref<!tpu.dma_semaphore, #tpu.memory_space<semaphore_mem>>
      %dma_start3A_50 = arith.constant 0 : i32
      %dma_start3A_51 = arith.constant 0 : i32
      %dma_start3A_52 = tpu.memref_slice %arg3[%add3A, %run_scoped3A, %dma_start3A_50, %dma_start3A_51] : memref<32x2x40x128xi32, #tpu.memory_space<hbm>> -> memref<1x1x40x128xi32, #tpu.memory_space<hbm>>
      %dma_start3A_53 = tpu.memref_squeeze %dma_start3A_52 : memref<1x1x40x128xi32, #tpu.memory_space<hbm>> -> memref<40x128xi32, #tpu.memory_space<hbm>>
      %dma_start3A_54 = arith.constant 0 : i32
      %dma_start3A_55 = arith.constant 0 : i32
      %dma_start3A_56 = tpu.memref_slice %arg3[%add3A, %run_scoped3A, %dma_start3A_54, %dma_start3A_55] : memref<32x2x40x128xi32, #tpu.memory_space<hbm>> -> memref<1x1x40x128xi32, #tpu.memory_space<hbm>>
      %dma_start3A_57 = tpu.memref_squeeze %dma_start3A_56 : memref<1x1x40x128xi32, #tpu.memory_space<hbm>> -> memref<40x128xi32, #tpu.memory_space<hbm>>
      tpu.enqueue_dma source(%dma_start3A_57 : memref<40x128xi32, #tpu.memory_space<hbm>>) target(%arg7 : memref<40x128xi32, #tpu.memory_space<vmem>>) target_semaphore(%run_scoped3A_49 : memref<!tpu.dma_semaphore, #tpu.memory_space<semaphore_mem>>)
      %dma_wait3A = arith.constant 0 : i32
      %dma_wait3A_58 = arith.constant 0 : i32
      %dma_wait3A_59 = tpu.memref_slice %arg3[%add3A, %run_scoped3A, %dma_wait3A, %dma_wait3A_58] : memref<32x2x40x128xi32, #tpu.memory_space<hbm>> -> memref<1x1x40x128xi32, #tpu.memory_space<hbm>>
      %dma_wait3A_60 = tpu.memref_squeeze %dma_wait3A_59 : memref<1x1x40x128xi32, #tpu.memory_space<hbm>> -> memref<40x128xi32, #tpu.memory_space<hbm>>
      %dma_wait3A_61 = arith.constant 0 : i32
      %dma_wait3A_62 = arith.constant 0 : i32
      %dma_wait3A_63 = tpu.memref_slice %arg3[%add3A, %run_scoped3A, %dma_wait3A_61, %dma_wait3A_62] : memref<32x2x40x128xi32, #tpu.memory_space<hbm>> -> memref<1x1x40x128xi32, #tpu.memory_space<hbm>>
      %dma_wait3A_64 = tpu.memref_squeeze %dma_wait3A_63 : memref<1x1x40x128xi32, #tpu.memory_space<hbm>> -> memref<40x128xi32, #tpu.memory_space<hbm>>
      tpu.wait_dma2 semaphore(%run_scoped3A_49 : memref<!tpu.dma_semaphore, #tpu.memory_space<semaphore_mem>>) src(%dma_wait3A_64 : memref<40x128xi32, #tpu.memory_space<hbm>>) dst(%arg7 : memref<40x128xi32, #tpu.memory_space<vmem>>)
      tpu.yield
    }) : () -> ()
    %run_scoped3A_9 = arith.constant 0 : i32
    "tpu.region"() ({
      %run_scoped3A_49 = tpu.sem_alloc : memref<!tpu.dma_semaphore, #tpu.memory_space<semaphore_mem>>
      %dma_start3A_50 = arith.constant 0 : i32
      %dma_start3A_51 = arith.constant 0 : i32
      %dma_start3A_52 = tpu.memref_slice %arg4[%add3A, %run_scoped3A_9, %dma_start3A_50, %dma_start3A_51] : memref<32x2x40x128xi32, #tpu.memory_space<hbm>> -> memref<1x1x40x128xi32, #tpu.memory_space<hbm>>
      %dma_start3A_53 = tpu.memref_squeeze %dma_start3A_52 : memref<1x1x40x128xi32, #tpu.memory_space<hbm>> -> memref<40x128xi32, #tpu.memory_space<hbm>>
      %dma_start3A_54 = arith.constant 0 : i32
      %dma_start3A_55 = arith.constant 0 : i32
      %dma_start3A_56 = tpu.memref_slice %arg4[%add3A, %run_scoped3A_9, %dma_start3A_54, %dma_start3A_55] : memref<32x2x40x128xi32, #tpu.memory_space<hbm>> -> memref<1x1x40x128xi32, #tpu.memory_space<hbm>>
      %dma_start3A_57 = tpu.memref_squeeze %dma_start3A_56 : memref<1x1x40x128xi32, #tpu.memory_space<hbm>> -> memref<40x128xi32, #tpu.memory_space<hbm>>
      tpu.enqueue_dma source(%dma_start3A_57 : memref<40x128xi32, #tpu.memory_space<hbm>>) target(%arg8 : memref<40x128xi32, #tpu.memory_space<vmem>>) target_semaphore(%run_scoped3A_49 : memref<!tpu.dma_semaphore, #tpu.memory_space<semaphore_mem>>)
      %dma_wait3A = arith.constant 0 : i32
      %dma_wait3A_58 = arith.constant 0 : i32
      %dma_wait3A_59 = tpu.memref_slice %arg4[%add3A, %run_scoped3A_9, %dma_wait3A, %dma_wait3A_58] : memref<32x2x40x128xi32, #tpu.memory_space<hbm>> -> memref<1x1x40x128xi32, #tpu.memory_space<hbm>>
      %dma_wait3A_60 = tpu.memref_squeeze %dma_wait3A_59 : memref<1x1x40x128xi32, #tpu.memory_space<hbm>> -> memref<40x128xi32, #tpu.memory_space<hbm>>
      %dma_wait3A_61 = arith.constant 0 : i32
      %dma_wait3A_62 = arith.constant 0 : i32
      %dma_wait3A_63 = tpu.memref_slice %arg4[%add3A, %run_scoped3A_9, %dma_wait3A_61, %dma_wait3A_62] : memref<32x2x40x128xi32, #tpu.memory_space<hbm>> -> memref<1x1x40x128xi32, #tpu.memory_space<hbm>>
      %dma_wait3A_64 = tpu.memref_squeeze %dma_wait3A_63 : memref<1x1x40x128xi32, #tpu.memory_space<hbm>> -> memref<40x128xi32, #tpu.memory_space<hbm>>
      tpu.wait_dma2 semaphore(%run_scoped3A_49 : memref<!tpu.dma_semaphore, #tpu.memory_space<semaphore_mem>>) src(%dma_wait3A_64 : memref<40x128xi32, #tpu.memory_space<hbm>>) dst(%arg8 : memref<40x128xi32, #tpu.memory_space<vmem>>)
      tpu.yield
    }) : () -> ()
    %dma_start3A = arith.constant 0 : i32
    %dma_start3A_10 = arith.constant 0 : i32
    %dma_start3A_11 = tpu.memref_slice %arg7[%dma_start3A, %dma_start3A_10] : memref<40x128xi32, #tpu.memory_space<vmem>> -> memref<1x128xi32, #tpu.memory_space<vmem>>
    %dma_start3A_12 = tpu.memref_squeeze %dma_start3A_11 : memref<1x128xi32, #tpu.memory_space<vmem>> -> memref<128xi32, #tpu.memory_space<vmem>>
    %dma_start3A_13 = arith.constant 0 : i32
    %dma_start3A_14 = arith.constant 0 : i32
    %dma_start3A_15 = tpu.memref_slice %arg2[%dma_start3A_13, %dma_start3A_14] : memref<40000x128xf32, #tpu.memory_space<hbm>> -> memref<40000x128xf32, #tpu.memory_space<hbm>>
    tpu.enqueue_indirect_dma source(%dma_start3A_15 : memref<40000x128xf32, #tpu.memory_space<hbm>>) target(%arg9 : memref<128x128xf32, #tpu.memory_space<vmem>>) offsets(%dma_start3A_12 : memref<128xi32, #tpu.memory_space<vmem>>) semaphore(%arg12 : memref<!tpu.dma_semaphore, #tpu.memory_space<semaphore_mem>>)
    %while3A = arith.constant 0 : i32
    %while3A_16 = arith.constant 0 : i32
    %while3A_17 = arith.subi %select_n3A, %while3A_16 : i32
    %while3A_18 = arith.addi %while3A_16, %while3A_17 : i32
    %while3A_19 = arith.constant 1 : i32
    %while3A_20 = arith.divsi %while3A_17, %while3A_19 : i32
    %while3A_21 = arith.muli %while3A_20, %while3A_19 : i32
    %while3A_22 = arith.addi %while3A_16, %while3A_21 : i32
    %while3A_23 = arith.constant 1 : i32
    scf.for %while3A_49 = %while3A_16 to %while3A_22 step %while3A_23  : i32 {
      %mul3A_50 = arith.constant 2 : i32
      %mul3A_51 = arith.muli %mul3A_50, %while3A_49 : i32
      %add3A_52 = arith.constant 1 : i32
      %add3A_53 = arith.addi %mul3A_51, %add3A_52 : i32
      %dma_start3A_54 = arith.constant 0 : i32
      %dma_start3A_55 = tpu.memref_slice %arg7[%add3A_53, %dma_start3A_54] : memref<40x128xi32, #tpu.memory_space<vmem>> -> memref<1x128xi32, #tpu.memory_space<vmem>>
      %dma_start3A_56 = tpu.memref_squeeze %dma_start3A_55 : memref<1x128xi32, #tpu.memory_space<vmem>> -> memref<128xi32, #tpu.memory_space<vmem>>
      %dma_start3A_57 = arith.constant 0 : i32
      %dma_start3A_58 = arith.constant 0 : i32
      %dma_start3A_59 = tpu.memref_slice %arg2[%dma_start3A_57, %dma_start3A_58] : memref<40000x128xf32, #tpu.memory_space<hbm>> -> memref<40000x128xf32, #tpu.memory_space<hbm>>
      tpu.enqueue_indirect_dma source(%dma_start3A_59 : memref<40000x128xf32, #tpu.memory_space<hbm>>) target(%arg10 : memref<128x128xf32, #tpu.memory_space<vmem>>) offsets(%dma_start3A_56 : memref<128xi32, #tpu.memory_space<vmem>>) semaphore(%arg13 : memref<!tpu.dma_semaphore, #tpu.memory_space<semaphore_mem>>)
      %dma_wait3A = arith.constant 0 : i32
      %dma_wait3A_60 = tpu.memref_slice %arg7[%mul3A_51, %dma_wait3A] : memref<40x128xi32, #tpu.memory_space<vmem>> -> memref<1x128xi32, #tpu.memory_space<vmem>>
      %dma_wait3A_61 = tpu.memref_squeeze %dma_wait3A_60 : memref<1x128xi32, #tpu.memory_space<vmem>> -> memref<128xi32, #tpu.memory_space<vmem>>
      %dma_wait3A_62 = arith.constant 0 : i32
      %dma_wait3A_63 = arith.constant 0 : i32
      %dma_wait3A_64 = tpu.memref_slice %arg2[%dma_wait3A_62, %dma_wait3A_63] : memref<40000x128xf32, #tpu.memory_space<hbm>> -> memref<40000x128xf32, #tpu.memory_space<hbm>>
      tpu.wait_indirect_dma semaphore(%arg12 : memref<!tpu.dma_semaphore, #tpu.memory_space<semaphore_mem>>) src(%dma_wait3A_64 : memref<40000x128xf32, #tpu.memory_space<hbm>>) dst(%arg9 : memref<128x128xf32, #tpu.memory_space<vmem>>)
      "tpu.region"() ({
        %run_scoped3A_78 = tpu.sem_alloc : memref<!tpu.dma_semaphore, #tpu.memory_space<semaphore_mem>>
        %dma_start3A_79 = arith.constant 0 : i32
        %dma_start3A_80 = tpu.memref_slice %arg8[%mul3A_51, %dma_start3A_79] : memref<40x128xi32, #tpu.memory_space<vmem>> -> memref<1x128xi32, #tpu.memory_space<vmem>>
        %dma_start3A_81 = tpu.memref_squeeze %dma_start3A_80 : memref<1x128xi32, #tpu.memory_space<vmem>> -> memref<128xi32, #tpu.memory_space<vmem>>
        %dma_start3A_82 = arith.constant 0 : i32
        %dma_start3A_83 = arith.constant 0 : i32
        %dma_start3A_84 = tpu.memref_slice %arg11[%dma_start3A_82, %dma_start3A_83] : memref<10112x128xf32, #tpu.memory_space<vmem_shared>> -> memref<10112x128xf32, #tpu.memory_space<vmem_shared>>
        tpu.enqueue_indirect_dma source(%arg9 : memref<128x128xf32, #tpu.memory_space<vmem>>) target(%dma_start3A_84 : memref<10112x128xf32, #tpu.memory_space<vmem_shared>>) offsets(%dma_start3A_81 : memref<128xi32, #tpu.memory_space<vmem>>) semaphore(%run_scoped3A_78 : memref<!tpu.dma_semaphore, #tpu.memory_space<semaphore_mem>>) {add = true}
        %dma_wait3A_85 = arith.constant 0 : i32
        %dma_wait3A_86 = tpu.memref_slice %arg8[%mul3A_51, %dma_wait3A_85] : memref<40x128xi32, #tpu.memory_space<vmem>> -> memref<1x128xi32, #tpu.memory_space<vmem>>
        %dma_wait3A_87 = tpu.memref_squeeze %dma_wait3A_86 : memref<1x128xi32, #tpu.memory_space<vmem>> -> memref<128xi32, #tpu.memory_space<vmem>>
        %dma_wait3A_88 = arith.constant 0 : i32
        %dma_wait3A_89 = arith.constant 0 : i32
        %dma_wait3A_90 = tpu.memref_slice %arg11[%dma_wait3A_88, %dma_wait3A_89] : memref<10112x128xf32, #tpu.memory_space<vmem_shared>> -> memref<10112x128xf32, #tpu.memory_space<vmem_shared>>
        tpu.wait_indirect_dma semaphore(%run_scoped3A_78 : memref<!tpu.dma_semaphore, #tpu.memory_space<semaphore_mem>>) src(%arg9 : memref<128x128xf32, #tpu.memory_space<vmem>>) dst(%dma_wait3A_90 : memref<10112x128xf32, #tpu.memory_space<vmem_shared>>)
        tpu.yield
      }) : () -> ()
      %add3A_65 = arith.constant 2 : i32
      %add3A_66 = arith.addi %mul3A_51, %add3A_65 : i32
      %lt3A = arith.cmpi slt, %add3A_66, %mul3A_4 : i32
      %convert_element_type3A = arith.extui %lt3A : i1 to i32
      %cond3A = arith.constant 0 : i32
      %cond3A_67 = arith.cmpi ne, %convert_element_type3A, %cond3A : i32
      scf.if %cond3A_67 {
        %add3A_78 = arith.constant 2 : i32
        %add3A_79 = arith.addi %mul3A_51, %add3A_78 : i32
        %dma_start3A_80 = arith.constant 0 : i32
        %dma_start3A_81 = tpu.memref_slice %arg7[%add3A_79, %dma_start3A_80] : memref<40x128xi32, #tpu.memory_space<vmem>> -> memref<1x128xi32, #tpu.memory_space<vmem>>
        %dma_start3A_82 = tpu.memref_squeeze %dma_start3A_81 : memref<1x128xi32, #tpu.memory_space<vmem>> -> memref<128xi32, #tpu.memory_space<vmem>>
        %dma_start3A_83 = arith.constant 0 : i32
        %dma_start3A_84 = arith.constant 0 : i32
        %dma_start3A_85 = tpu.memref_slice %arg2[%dma_start3A_83, %dma_start3A_84] : memref<40000x128xf32, #tpu.memory_space<hbm>> -> memref<40000x128xf32, #tpu.memory_space<hbm>>
        tpu.enqueue_indirect_dma source(%dma_start3A_85 : memref<40000x128xf32, #tpu.memory_space<hbm>>) target(%arg9 : memref<128x128xf32, #tpu.memory_space<vmem>>) offsets(%dma_start3A_82 : memref<128xi32, #tpu.memory_space<vmem>>) semaphore(%arg12 : memref<!tpu.dma_semaphore, #tpu.memory_space<semaphore_mem>>)
      } else {
      }
      %add3A_68 = arith.constant 1 : i32
      %add3A_69 = arith.addi %mul3A_51, %add3A_68 : i32
      %dma_wait3A_70 = arith.constant 0 : i32
      %dma_wait3A_71 = tpu.memref_slice %arg7[%add3A_69, %dma_wait3A_70] : memref<40x128xi32, #tpu.memory_space<vmem>> -> memref<1x128xi32, #tpu.memory_space<vmem>>
      %dma_wait3A_72 = tpu.memref_squeeze %dma_wait3A_71 : memref<1x128xi32, #tpu.memory_space<vmem>> -> memref<128xi32, #tpu.memory_space<vmem>>
      %dma_wait3A_73 = arith.constant 0 : i32
      %dma_wait3A_74 = arith.constant 0 : i32
      %dma_wait3A_75 = tpu.memref_slice %arg2[%dma_wait3A_73, %dma_wait3A_74] : memref<40000x128xf32, #tpu.memory_space<hbm>> -> memref<40000x128xf32, #tpu.memory_space<hbm>>
      tpu.wait_indirect_dma semaphore(%arg13 : memref<!tpu.dma_semaphore, #tpu.memory_space<semaphore_mem>>) src(%dma_wait3A_75 : memref<40000x128xf32, #tpu.memory_space<hbm>>) dst(%arg10 : memref<128x128xf32, #tpu.memory_space<vmem>>)
      %add3A_76 = arith.constant 1 : i32
      %add3A_77 = arith.addi %mul3A_51, %add3A_76 : i32
      "tpu.region"() ({
        %run_scoped3A_78 = tpu.sem_alloc : memref<!tpu.dma_semaphore, #tpu.memory_space<semaphore_mem>>
        %dma_start3A_79 = arith.constant 0 : i32
        %dma_start3A_80 = tpu.memref_slice %arg8[%add3A_77, %dma_start3A_79] : memref<40x128xi32, #tpu.memory_space<vmem>> -> memref<1x128xi32, #tpu.memory_space<vmem>>
        %dma_start3A_81 = tpu.memref_squeeze %dma_start3A_80 : memref<1x128xi32, #tpu.memory_space<vmem>> -> memref<128xi32, #tpu.memory_space<vmem>>
        %dma_start3A_82 = arith.constant 0 : i32
        %dma_start3A_83 = arith.constant 0 : i32
        %dma_start3A_84 = tpu.memref_slice %arg11[%dma_start3A_82, %dma_start3A_83] : memref<10112x128xf32, #tpu.memory_space<vmem_shared>> -> memref<10112x128xf32, #tpu.memory_space<vmem_shared>>
        tpu.enqueue_indirect_dma source(%arg10 : memref<128x128xf32, #tpu.memory_space<vmem>>) target(%dma_start3A_84 : memref<10112x128xf32, #tpu.memory_space<vmem_shared>>) offsets(%dma_start3A_81 : memref<128xi32, #tpu.memory_space<vmem>>) semaphore(%run_scoped3A_78 : memref<!tpu.dma_semaphore, #tpu.memory_space<semaphore_mem>>) {add = true}
        %dma_wait3A_85 = arith.constant 0 : i32
        %dma_wait3A_86 = tpu.memref_slice %arg8[%add3A_77, %dma_wait3A_85] : memref<40x128xi32, #tpu.memory_space<vmem>> -> memref<1x128xi32, #tpu.memory_space<vmem>>
        %dma_wait3A_87 = tpu.memref_squeeze %dma_wait3A_86 : memref<1x128xi32, #tpu.memory_space<vmem>> -> memref<128xi32, #tpu.memory_space<vmem>>
        %dma_wait3A_88 = arith.constant 0 : i32
        %dma_wait3A_89 = arith.constant 0 : i32
        %dma_wait3A_90 = tpu.memref_slice %arg11[%dma_wait3A_88, %dma_wait3A_89] : memref<10112x128xf32, #tpu.memory_space<vmem_shared>> -> memref<10112x128xf32, #tpu.memory_space<vmem_shared>>
        tpu.wait_indirect_dma semaphore(%run_scoped3A_78 : memref<!tpu.dma_semaphore, #tpu.memory_space<semaphore_mem>>) src(%arg10 : memref<128x128xf32, #tpu.memory_space<vmem>>) dst(%dma_wait3A_90 : memref<10112x128xf32, #tpu.memory_space<vmem_shared>>)
        tpu.yield
      }) : () -> ()
    }
    %while3A_24 = arith.constant 1 : i32
    scf.for %while3A_49 = %while3A_22 to %while3A_18 step %while3A_24  : i32 {
      %mul3A_50 = arith.constant 2 : i32
      %mul3A_51 = arith.muli %mul3A_50, %while3A_49 : i32
      %add3A_52 = arith.constant 1 : i32
      %add3A_53 = arith.addi %mul3A_51, %add3A_52 : i32
      %dma_start3A_54 = arith.constant 0 : i32
      %dma_start3A_55 = tpu.memref_slice %arg7[%add3A_53, %dma_start3A_54] : memref<40x128xi32, #tpu.memory_space<vmem>> -> memref<1x128xi32, #tpu.memory_space<vmem>>
      %dma_start3A_56 = tpu.memref_squeeze %dma_start3A_55 : memref<1x128xi32, #tpu.memory_space<vmem>> -> memref<128xi32, #tpu.memory_space<vmem>>
      %dma_start3A_57 = arith.constant 0 : i32
      %dma_start3A_58 = arith.constant 0 : i32
      %dma_start3A_59 = tpu.memref_slice %arg2[%dma_start3A_57, %dma_start3A_58] : memref<40000x128xf32, #tpu.memory_space<hbm>> -> memref<40000x128xf32, #tpu.memory_space<hbm>>
      tpu.enqueue_indirect_dma source(%dma_start3A_59 : memref<40000x128xf32, #tpu.memory_space<hbm>>) target(%arg10 : memref<128x128xf32, #tpu.memory_space<vmem>>) offsets(%dma_start3A_56 : memref<128xi32, #tpu.memory_space<vmem>>) semaphore(%arg13 : memref<!tpu.dma_semaphore, #tpu.memory_space<semaphore_mem>>)
      %dma_wait3A = arith.constant 0 : i32
      %dma_wait3A_60 = tpu.memref_slice %arg7[%mul3A_51, %dma_wait3A] : memref<40x128xi32, #tpu.memory_space<vmem>> -> memref<1x128xi32, #tpu.memory_space<vmem>>
      %dma_wait3A_61 = tpu.memref_squeeze %dma_wait3A_60 : memref<1x128xi32, #tpu.memory_space<vmem>> -> memref<128xi32, #tpu.memory_space<vmem>>
      %dma_wait3A_62 = arith.constant 0 : i32
      %dma_wait3A_63 = arith.constant 0 : i32
      %dma_wait3A_64 = tpu.memref_slice %arg2[%dma_wait3A_62, %dma_wait3A_63] : memref<40000x128xf32, #tpu.memory_space<hbm>> -> memref<40000x128xf32, #tpu.memory_space<hbm>>
      tpu.wait_indirect_dma semaphore(%arg12 : memref<!tpu.dma_semaphore, #tpu.memory_space<semaphore_mem>>) src(%dma_wait3A_64 : memref<40000x128xf32, #tpu.memory_space<hbm>>) dst(%arg9 : memref<128x128xf32, #tpu.memory_space<vmem>>)
      "tpu.region"() ({
        %run_scoped3A_78 = tpu.sem_alloc : memref<!tpu.dma_semaphore, #tpu.memory_space<semaphore_mem>>
        %dma_start3A_79 = arith.constant 0 : i32
        %dma_start3A_80 = tpu.memref_slice %arg8[%mul3A_51, %dma_start3A_79] : memref<40x128xi32, #tpu.memory_space<vmem>> -> memref<1x128xi32, #tpu.memory_space<vmem>>
        %dma_start3A_81 = tpu.memref_squeeze %dma_start3A_80 : memref<1x128xi32, #tpu.memory_space<vmem>> -> memref<128xi32, #tpu.memory_space<vmem>>
        %dma_start3A_82 = arith.constant 0 : i32
        %dma_start3A_83 = arith.constant 0 : i32
        %dma_start3A_84 = tpu.memref_slice %arg11[%dma_start3A_82, %dma_start3A_83] : memref<10112x128xf32, #tpu.memory_space<vmem_shared>> -> memref<10112x128xf32, #tpu.memory_space<vmem_shared>>
        tpu.enqueue_indirect_dma source(%arg9 : memref<128x128xf32, #tpu.memory_space<vmem>>) target(%dma_start3A_84 : memref<10112x128xf32, #tpu.memory_space<vmem_shared>>) offsets(%dma_start3A_81 : memref<128xi32, #tpu.memory_space<vmem>>) semaphore(%run_scoped3A_78 : memref<!tpu.dma_semaphore, #tpu.memory_space<semaphore_mem>>) {add = true}
        %dma_wait3A_85 = arith.constant 0 : i32
        %dma_wait3A_86 = tpu.memref_slice %arg8[%mul3A_51, %dma_wait3A_85] : memref<40x128xi32, #tpu.memory_space<vmem>> -> memref<1x128xi32, #tpu.memory_space<vmem>>
        %dma_wait3A_87 = tpu.memref_squeeze %dma_wait3A_86 : memref<1x128xi32, #tpu.memory_space<vmem>> -> memref<128xi32, #tpu.memory_space<vmem>>
        %dma_wait3A_88 = arith.constant 0 : i32
        %dma_wait3A_89 = arith.constant 0 : i32
        %dma_wait3A_90 = tpu.memref_slice %arg11[%dma_wait3A_88, %dma_wait3A_89] : memref<10112x128xf32, #tpu.memory_space<vmem_shared>> -> memref<10112x128xf32, #tpu.memory_space<vmem_shared>>
        tpu.wait_indirect_dma semaphore(%run_scoped3A_78 : memref<!tpu.dma_semaphore, #tpu.memory_space<semaphore_mem>>) src(%arg9 : memref<128x128xf32, #tpu.memory_space<vmem>>) dst(%dma_wait3A_90 : memref<10112x128xf32, #tpu.memory_space<vmem_shared>>)
        tpu.yield
      }) : () -> ()
      %add3A_65 = arith.constant 2 : i32
      %add3A_66 = arith.addi %mul3A_51, %add3A_65 : i32
      %lt3A = arith.cmpi slt, %add3A_66, %mul3A_4 : i32
      %convert_element_type3A = arith.extui %lt3A : i1 to i32
      %cond3A = arith.constant 0 : i32
      %cond3A_67 = arith.cmpi ne, %convert_element_type3A, %cond3A : i32
      scf.if %cond3A_67 {
        %add3A_78 = arith.constant 2 : i32
        %add3A_79 = arith.addi %mul3A_51, %add3A_78 : i32
        %dma_start3A_80 = arith.constant 0 : i32
        %dma_start3A_81 = tpu.memref_slice %arg7[%add3A_79, %dma_start3A_80] : memref<40x128xi32, #tpu.memory_space<vmem>> -> memref<1x128xi32, #tpu.memory_space<vmem>>
        %dma_start3A_82 = tpu.memref_squeeze %dma_start3A_81 : memref<1x128xi32, #tpu.memory_space<vmem>> -> memref<128xi32, #tpu.memory_space<vmem>>
        %dma_start3A_83 = arith.constant 0 : i32
        %dma_start3A_84 = arith.constant 0 : i32
        %dma_start3A_85 = tpu.memref_slice %arg2[%dma_start3A_83, %dma_start3A_84] : memref<40000x128xf32, #tpu.memory_space<hbm>> -> memref<40000x128xf32, #tpu.memory_space<hbm>>
        tpu.enqueue_indirect_dma source(%dma_start3A_85 : memref<40000x128xf32, #tpu.memory_space<hbm>>) target(%arg9 : memref<128x128xf32, #tpu.memory_space<vmem>>) offsets(%dma_start3A_82 : memref<128xi32, #tpu.memory_space<vmem>>) semaphore(%arg12 : memref<!tpu.dma_semaphore, #tpu.memory_space<semaphore_mem>>)
      } else {
      }
      %add3A_68 = arith.constant 1 : i32
      %add3A_69 = arith.addi %mul3A_51, %add3A_68 : i32
      %dma_wait3A_70 = arith.constant 0 : i32
      %dma_wait3A_71 = tpu.memref_slice %arg7[%add3A_69, %dma_wait3A_70] : memref<40x128xi32, #tpu.memory_space<vmem>> -> memref<1x128xi32, #tpu.memory_space<vmem>>
      %dma_wait3A_72 = tpu.memref_squeeze %dma_wait3A_71 : memref<1x128xi32, #tpu.memory_space<vmem>> -> memref<128xi32, #tpu.memory_space<vmem>>
      %dma_wait3A_73 = arith.constant 0 : i32
      %dma_wait3A_74 = arith.constant 0 : i32
      %dma_wait3A_75 = tpu.memref_slice %arg2[%dma_wait3A_73, %dma_wait3A_74] : memref<40000x128xf32, #tpu.memory_space<hbm>> -> memref<40000x128xf32, #tpu.memory_space<hbm>>
      tpu.wait_indirect_dma semaphore(%arg13 : memref<!tpu.dma_semaphore, #tpu.memory_space<semaphore_mem>>) src(%dma_wait3A_75 : memref<40000x128xf32, #tpu.memory_space<hbm>>) dst(%arg10 : memref<128x128xf32, #tpu.memory_space<vmem>>)
      %add3A_76 = arith.constant 1 : i32
      %add3A_77 = arith.addi %mul3A_51, %add3A_76 : i32
      "tpu.region"() ({
        %run_scoped3A_78 = tpu.sem_alloc : memref<!tpu.dma_semaphore, #tpu.memory_space<semaphore_mem>>
        %dma_start3A_79 = arith.constant 0 : i32
        %dma_start3A_80 = tpu.memref_slice %arg8[%add3A_77, %dma_start3A_79] : memref<40x128xi32, #tpu.memory_space<vmem>> -> memref<1x128xi32, #tpu.memory_space<vmem>>
        %dma_start3A_81 = tpu.memref_squeeze %dma_start3A_80 : memref<1x128xi32, #tpu.memory_space<vmem>> -> memref<128xi32, #tpu.memory_space<vmem>>
        %dma_start3A_82 = arith.constant 0 : i32
        %dma_start3A_83 = arith.constant 0 : i32
        %dma_start3A_84 = tpu.memref_slice %arg11[%dma_start3A_82, %dma_start3A_83] : memref<10112x128xf32, #tpu.memory_space<vmem_shared>> -> memref<10112x128xf32, #tpu.memory_space<vmem_shared>>
        tpu.enqueue_indirect_dma source(%arg10 : memref<128x128xf32, #tpu.memory_space<vmem>>) target(%dma_start3A_84 : memref<10112x128xf32, #tpu.memory_space<vmem_shared>>) offsets(%dma_start3A_81 : memref<128xi32, #tpu.memory_space<vmem>>) semaphore(%run_scoped3A_78 : memref<!tpu.dma_semaphore, #tpu.memory_space<semaphore_mem>>) {add = true}
        %dma_wait3A_85 = arith.constant 0 : i32
        %dma_wait3A_86 = tpu.memref_slice %arg8[%add3A_77, %dma_wait3A_85] : memref<40x128xi32, #tpu.memory_space<vmem>> -> memref<1x128xi32, #tpu.memory_space<vmem>>
        %dma_wait3A_87 = tpu.memref_squeeze %dma_wait3A_86 : memref<1x128xi32, #tpu.memory_space<vmem>> -> memref<128xi32, #tpu.memory_space<vmem>>
        %dma_wait3A_88 = arith.constant 0 : i32
        %dma_wait3A_89 = arith.constant 0 : i32
        %dma_wait3A_90 = tpu.memref_slice %arg11[%dma_wait3A_88, %dma_wait3A_89] : memref<10112x128xf32, #tpu.memory_space<vmem_shared>> -> memref<10112x128xf32, #tpu.memory_space<vmem_shared>>
        tpu.wait_indirect_dma semaphore(%run_scoped3A_78 : memref<!tpu.dma_semaphore, #tpu.memory_space<semaphore_mem>>) src(%arg10 : memref<128x128xf32, #tpu.memory_space<vmem>>) dst(%dma_wait3A_90 : memref<10112x128xf32, #tpu.memory_space<vmem_shared>>)
        tpu.yield
      }) : () -> ()
    }
    %run_scoped3A_25 = arith.constant 1 : i32
    "tpu.region"() ({
      %run_scoped3A_49 = tpu.sem_alloc : memref<!tpu.dma_semaphore, #tpu.memory_space<semaphore_mem>>
      %dma_start3A_50 = arith.constant 0 : i32
      %dma_start3A_51 = arith.constant 0 : i32
      %dma_start3A_52 = tpu.memref_slice %arg3[%add3A, %run_scoped3A_25, %dma_start3A_50, %dma_start3A_51] : memref<32x2x40x128xi32, #tpu.memory_space<hbm>> -> memref<1x1x40x128xi32, #tpu.memory_space<hbm>>
      %dma_start3A_53 = tpu.memref_squeeze %dma_start3A_52 : memref<1x1x40x128xi32, #tpu.memory_space<hbm>> -> memref<40x128xi32, #tpu.memory_space<hbm>>
      %dma_start3A_54 = arith.constant 0 : i32
      %dma_start3A_55 = arith.constant 0 : i32
      %dma_start3A_56 = tpu.memref_slice %arg3[%add3A, %run_scoped3A_25, %dma_start3A_54, %dma_start3A_55] : memref<32x2x40x128xi32, #tpu.memory_space<hbm>> -> memref<1x1x40x128xi32, #tpu.memory_space<hbm>>
      %dma_start3A_57 = tpu.memref_squeeze %dma_start3A_56 : memref<1x1x40x128xi32, #tpu.memory_space<hbm>> -> memref<40x128xi32, #tpu.memory_space<hbm>>
      tpu.enqueue_dma source(%dma_start3A_57 : memref<40x128xi32, #tpu.memory_space<hbm>>) target(%arg7 : memref<40x128xi32, #tpu.memory_space<vmem>>) target_semaphore(%run_scoped3A_49 : memref<!tpu.dma_semaphore, #tpu.memory_space<semaphore_mem>>)
      %dma_wait3A = arith.constant 0 : i32
      %dma_wait3A_58 = arith.constant 0 : i32
      %dma_wait3A_59 = tpu.memref_slice %arg3[%add3A, %run_scoped3A_25, %dma_wait3A, %dma_wait3A_58] : memref<32x2x40x128xi32, #tpu.memory_space<hbm>> -> memref<1x1x40x128xi32, #tpu.memory_space<hbm>>
      %dma_wait3A_60 = tpu.memref_squeeze %dma_wait3A_59 : memref<1x1x40x128xi32, #tpu.memory_space<hbm>> -> memref<40x128xi32, #tpu.memory_space<hbm>>
      %dma_wait3A_61 = arith.constant 0 : i32
      %dma_wait3A_62 = arith.constant 0 : i32
      %dma_wait3A_63 = tpu.memref_slice %arg3[%add3A, %run_scoped3A_25, %dma_wait3A_61, %dma_wait3A_62] : memref<32x2x40x128xi32, #tpu.memory_space<hbm>> -> memref<1x1x40x128xi32, #tpu.memory_space<hbm>>
      %dma_wait3A_64 = tpu.memref_squeeze %dma_wait3A_63 : memref<1x1x40x128xi32, #tpu.memory_space<hbm>> -> memref<40x128xi32, #tpu.memory_space<hbm>>
      tpu.wait_dma2 semaphore(%run_scoped3A_49 : memref<!tpu.dma_semaphore, #tpu.memory_space<semaphore_mem>>) src(%dma_wait3A_64 : memref<40x128xi32, #tpu.memory_space<hbm>>) dst(%arg7 : memref<40x128xi32, #tpu.memory_space<vmem>>)
      tpu.yield
    }) : () -> ()
    %run_scoped3A_26 = arith.constant 1 : i32
    "tpu.region"() ({
      %run_scoped3A_49 = tpu.sem_alloc : memref<!tpu.dma_semaphore, #tpu.memory_space<semaphore_mem>>
      %dma_start3A_50 = arith.constant 0 : i32
      %dma_start3A_51 = arith.constant 0 : i32
      %dma_start3A_52 = tpu.memref_slice %arg4[%add3A, %run_scoped3A_26, %dma_start3A_50, %dma_start3A_51] : memref<32x2x40x128xi32, #tpu.memory_space<hbm>> -> memref<1x1x40x128xi32, #tpu.memory_space<hbm>>
      %dma_start3A_53 = tpu.memref_squeeze %dma_start3A_52 : memref<1x1x40x128xi32, #tpu.memory_space<hbm>> -> memref<40x128xi32, #tpu.memory_space<hbm>>
      %dma_start3A_54 = arith.constant 0 : i32
      %dma_start3A_55 = arith.constant 0 : i32
      %dma_start3A_56 = tpu.memref_slice %arg4[%add3A, %run_scoped3A_26, %dma_start3A_54, %dma_start3A_55] : memref<32x2x40x128xi32, #tpu.memory_space<hbm>> -> memref<1x1x40x128xi32, #tpu.memory_space<hbm>>
      %dma_start3A_57 = tpu.memref_squeeze %dma_start3A_56 : memref<1x1x40x128xi32, #tpu.memory_space<hbm>> -> memref<40x128xi32, #tpu.memory_space<hbm>>
      tpu.enqueue_dma source(%dma_start3A_57 : memref<40x128xi32, #tpu.memory_space<hbm>>) target(%arg8 : memref<40x128xi32, #tpu.memory_space<vmem>>) target_semaphore(%run_scoped3A_49 : memref<!tpu.dma_semaphore, #tpu.memory_space<semaphore_mem>>)
      %dma_wait3A = arith.constant 0 : i32
      %dma_wait3A_58 = arith.constant 0 : i32
      %dma_wait3A_59 = tpu.memref_slice %arg4[%add3A, %run_scoped3A_26, %dma_wait3A, %dma_wait3A_58] : memref<32x2x40x128xi32, #tpu.memory_space<hbm>> -> memref<1x1x40x128xi32, #tpu.memory_space<hbm>>
      %dma_wait3A_60 = tpu.memref_squeeze %dma_wait3A_59 : memref<1x1x40x128xi32, #tpu.memory_space<hbm>> -> memref<40x128xi32, #tpu.memory_space<hbm>>
      %dma_wait3A_61 = arith.constant 0 : i32
      %dma_wait3A_62 = arith.constant 0 : i32
      %dma_wait3A_63 = tpu.memref_slice %arg4[%add3A, %run_scoped3A_26, %dma_wait3A_61, %dma_wait3A_62] : memref<32x2x40x128xi32, #tpu.memory_space<hbm>> -> memref<1x1x40x128xi32, #tpu.memory_space<hbm>>
      %dma_wait3A_64 = tpu.memref_squeeze %dma_wait3A_63 : memref<1x1x40x128xi32, #tpu.memory_space<hbm>> -> memref<40x128xi32, #tpu.memory_space<hbm>>
      tpu.wait_dma2 semaphore(%run_scoped3A_49 : memref<!tpu.dma_semaphore, #tpu.memory_space<semaphore_mem>>) src(%dma_wait3A_64 : memref<40x128xi32, #tpu.memory_space<hbm>>) dst(%arg8 : memref<40x128xi32, #tpu.memory_space<vmem>>)
      tpu.yield
    }) : () -> ()
    %dma_start3A_27 = arith.constant 0 : i32
    %dma_start3A_28 = arith.constant 0 : i32
    %dma_start3A_29 = tpu.memref_slice %arg7[%dma_start3A_27, %dma_start3A_28] : memref<40x128xi32, #tpu.memory_space<vmem>> -> memref<1x128xi32, #tpu.memory_space<vmem>>
    %dma_start3A_30 = tpu.memref_squeeze %dma_start3A_29 : memref<1x128xi32, #tpu.memory_space<vmem>> -> memref<128xi32, #tpu.memory_space<vmem>>
    %dma_start3A_31 = arith.constant 0 : i32
    %dma_start3A_32 = arith.constant 0 : i32
    %dma_start3A_33 = tpu.memref_slice %arg2[%dma_start3A_31, %dma_start3A_32] : memref<40000x128xf32, #tpu.memory_space<hbm>> -> memref<40000x128xf32, #tpu.memory_space<hbm>>
    tpu.enqueue_indirect_dma source(%dma_start3A_33 : memref<40000x128xf32, #tpu.memory_space<hbm>>) target(%arg9 : memref<128x128xf32, #tpu.memory_space<vmem>>) offsets(%dma_start3A_30 : memref<128xi32, #tpu.memory_space<vmem>>) semaphore(%arg12 : memref<!tpu.dma_semaphore, #tpu.memory_space<semaphore_mem>>)
    %while3A_34 = arith.constant 0 : i32
    %while3A_35 = arith.constant 0 : i32
    %while3A_36 = arith.subi %select_n3A, %while3A_35 : i32
    %while3A_37 = arith.addi %while3A_35, %while3A_36 : i32
    %while3A_38 = arith.constant 1 : i32
    %while3A_39 = arith.divsi %while3A_36, %while3A_38 : i32
    %while3A_40 = arith.muli %while3A_39, %while3A_38 : i32
    %while3A_41 = arith.addi %while3A_35, %while3A_40 : i32
    %while3A_42 = arith.constant 1 : i32
    scf.for %while3A_49 = %while3A_35 to %while3A_41 step %while3A_42  : i32 {
      %mul3A_50 = arith.constant 2 : i32
      %mul3A_51 = arith.muli %mul3A_50, %while3A_49 : i32
      %add3A_52 = arith.constant 1 : i32
      %add3A_53 = arith.addi %mul3A_51, %add3A_52 : i32
      %dma_start3A_54 = arith.constant 0 : i32
      %dma_start3A_55 = tpu.memref_slice %arg7[%add3A_53, %dma_start3A_54] : memref<40x128xi32, #tpu.memory_space<vmem>> -> memref<1x128xi32, #tpu.memory_space<vmem>>
      %dma_start3A_56 = tpu.memref_squeeze %dma_start3A_55 : memref<1x128xi32, #tpu.memory_space<vmem>> -> memref<128xi32, #tpu.memory_space<vmem>>
      %dma_start3A_57 = arith.constant 0 : i32
      %dma_start3A_58 = arith.constant 0 : i32
      %dma_start3A_59 = tpu.memref_slice %arg2[%dma_start3A_57, %dma_start3A_58] : memref<40000x128xf32, #tpu.memory_space<hbm>> -> memref<40000x128xf32, #tpu.memory_space<hbm>>
      tpu.enqueue_indirect_dma source(%dma_start3A_59 : memref<40000x128xf32, #tpu.memory_space<hbm>>) target(%arg10 : memref<128x128xf32, #tpu.memory_space<vmem>>) offsets(%dma_start3A_56 : memref<128xi32, #tpu.memory_space<vmem>>) semaphore(%arg13 : memref<!tpu.dma_semaphore, #tpu.memory_space<semaphore_mem>>)
      %dma_wait3A = arith.constant 0 : i32
      %dma_wait3A_60 = tpu.memref_slice %arg7[%mul3A_51, %dma_wait3A] : memref<40x128xi32, #tpu.memory_space<vmem>> -> memref<1x128xi32, #tpu.memory_space<vmem>>
      %dma_wait3A_61 = tpu.memref_squeeze %dma_wait3A_60 : memref<1x128xi32, #tpu.memory_space<vmem>> -> memref<128xi32, #tpu.memory_space<vmem>>
      %dma_wait3A_62 = arith.constant 0 : i32
      %dma_wait3A_63 = arith.constant 0 : i32
      %dma_wait3A_64 = tpu.memref_slice %arg2[%dma_wait3A_62, %dma_wait3A_63] : memref<40000x128xf32, #tpu.memory_space<hbm>> -> memref<40000x128xf32, #tpu.memory_space<hbm>>
      tpu.wait_indirect_dma semaphore(%arg12 : memref<!tpu.dma_semaphore, #tpu.memory_space<semaphore_mem>>) src(%dma_wait3A_64 : memref<40000x128xf32, #tpu.memory_space<hbm>>) dst(%arg9 : memref<128x128xf32, #tpu.memory_space<vmem>>)
      "tpu.region"() ({
        %run_scoped3A_78 = tpu.sem_alloc : memref<!tpu.dma_semaphore, #tpu.memory_space<semaphore_mem>>
        %dma_start3A_79 = arith.constant 0 : i32
        %dma_start3A_80 = tpu.memref_slice %arg8[%mul3A_51, %dma_start3A_79] : memref<40x128xi32, #tpu.memory_space<vmem>> -> memref<1x128xi32, #tpu.memory_space<vmem>>
        %dma_start3A_81 = tpu.memref_squeeze %dma_start3A_80 : memref<1x128xi32, #tpu.memory_space<vmem>> -> memref<128xi32, #tpu.memory_space<vmem>>
        %dma_start3A_82 = arith.constant 0 : i32
        %dma_start3A_83 = arith.constant 0 : i32
        %dma_start3A_84 = tpu.memref_slice %arg11[%dma_start3A_82, %dma_start3A_83] : memref<10112x128xf32, #tpu.memory_space<vmem_shared>> -> memref<10112x128xf32, #tpu.memory_space<vmem_shared>>
        tpu.enqueue_indirect_dma source(%arg9 : memref<128x128xf32, #tpu.memory_space<vmem>>) target(%dma_start3A_84 : memref<10112x128xf32, #tpu.memory_space<vmem_shared>>) offsets(%dma_start3A_81 : memref<128xi32, #tpu.memory_space<vmem>>) semaphore(%run_scoped3A_78 : memref<!tpu.dma_semaphore, #tpu.memory_space<semaphore_mem>>) {add = true}
        %dma_wait3A_85 = arith.constant 0 : i32
        %dma_wait3A_86 = tpu.memref_slice %arg8[%mul3A_51, %dma_wait3A_85] : memref<40x128xi32, #tpu.memory_space<vmem>> -> memref<1x128xi32, #tpu.memory_space<vmem>>
        %dma_wait3A_87 = tpu.memref_squeeze %dma_wait3A_86 : memref<1x128xi32, #tpu.memory_space<vmem>> -> memref<128xi32, #tpu.memory_space<vmem>>
        %dma_wait3A_88 = arith.constant 0 : i32
        %dma_wait3A_89 = arith.constant 0 : i32
        %dma_wait3A_90 = tpu.memref_slice %arg11[%dma_wait3A_88, %dma_wait3A_89] : memref<10112x128xf32, #tpu.memory_space<vmem_shared>> -> memref<10112x128xf32, #tpu.memory_space<vmem_shared>>
        tpu.wait_indirect_dma semaphore(%run_scoped3A_78 : memref<!tpu.dma_semaphore, #tpu.memory_space<semaphore_mem>>) src(%arg9 : memref<128x128xf32, #tpu.memory_space<vmem>>) dst(%dma_wait3A_90 : memref<10112x128xf32, #tpu.memory_space<vmem_shared>>)
        tpu.yield
      }) : () -> ()
      %add3A_65 = arith.constant 2 : i32
      %add3A_66 = arith.addi %mul3A_51, %add3A_65 : i32
      %lt3A = arith.cmpi slt, %add3A_66, %mul3A_4 : i32
      %convert_element_type3A = arith.extui %lt3A : i1 to i32
      %cond3A = arith.constant 0 : i32
      %cond3A_67 = arith.cmpi ne, %convert_element_type3A, %cond3A : i32
      scf.if %cond3A_67 {
        %add3A_78 = arith.constant 2 : i32
        %add3A_79 = arith.addi %mul3A_51, %add3A_78 : i32
        %dma_start3A_80 = arith.constant 0 : i32
        %dma_start3A_81 = tpu.memref_slice %arg7[%add3A_79, %dma_start3A_80] : memref<40x128xi32, #tpu.memory_space<vmem>> -> memref<1x128xi32, #tpu.memory_space<vmem>>
        %dma_start3A_82 = tpu.memref_squeeze %dma_start3A_81 : memref<1x128xi32, #tpu.memory_space<vmem>> -> memref<128xi32, #tpu.memory_space<vmem>>
        %dma_start3A_83 = arith.constant 0 : i32
        %dma_start3A_84 = arith.constant 0 : i32
        %dma_start3A_85 = tpu.memref_slice %arg2[%dma_start3A_83, %dma_start3A_84] : memref<40000x128xf32, #tpu.memory_space<hbm>> -> memref<40000x128xf32, #tpu.memory_space<hbm>>
        tpu.enqueue_indirect_dma source(%dma_start3A_85 : memref<40000x128xf32, #tpu.memory_space<hbm>>) target(%arg9 : memref<128x128xf32, #tpu.memory_space<vmem>>) offsets(%dma_start3A_82 : memref<128xi32, #tpu.memory_space<vmem>>) semaphore(%arg12 : memref<!tpu.dma_semaphore, #tpu.memory_space<semaphore_mem>>)
      } else {
      }
      %add3A_68 = arith.constant 1 : i32
      %add3A_69 = arith.addi %mul3A_51, %add3A_68 : i32
      %dma_wait3A_70 = arith.constant 0 : i32
      %dma_wait3A_71 = tpu.memref_slice %arg7[%add3A_69, %dma_wait3A_70] : memref<40x128xi32, #tpu.memory_space<vmem>> -> memref<1x128xi32, #tpu.memory_space<vmem>>
      %dma_wait3A_72 = tpu.memref_squeeze %dma_wait3A_71 : memref<1x128xi32, #tpu.memory_space<vmem>> -> memref<128xi32, #tpu.memory_space<vmem>>
      %dma_wait3A_73 = arith.constant 0 : i32
      %dma_wait3A_74 = arith.constant 0 : i32
      %dma_wait3A_75 = tpu.memref_slice %arg2[%dma_wait3A_73, %dma_wait3A_74] : memref<40000x128xf32, #tpu.memory_space<hbm>> -> memref<40000x128xf32, #tpu.memory_space<hbm>>
      tpu.wait_indirect_dma semaphore(%arg13 : memref<!tpu.dma_semaphore, #tpu.memory_space<semaphore_mem>>) src(%dma_wait3A_75 : memref<40000x128xf32, #tpu.memory_space<hbm>>) dst(%arg10 : memref<128x128xf32, #tpu.memory_space<vmem>>)
      %add3A_76 = arith.constant 1 : i32
      %add3A_77 = arith.addi %mul3A_51, %add3A_76 : i32
      "tpu.region"() ({
        %run_scoped3A_78 = tpu.sem_alloc : memref<!tpu.dma_semaphore, #tpu.memory_space<semaphore_mem>>
        %dma_start3A_79 = arith.constant 0 : i32
        %dma_start3A_80 = tpu.memref_slice %arg8[%add3A_77, %dma_start3A_79] : memref<40x128xi32, #tpu.memory_space<vmem>> -> memref<1x128xi32, #tpu.memory_space<vmem>>
        %dma_start3A_81 = tpu.memref_squeeze %dma_start3A_80 : memref<1x128xi32, #tpu.memory_space<vmem>> -> memref<128xi32, #tpu.memory_space<vmem>>
        %dma_start3A_82 = arith.constant 0 : i32
        %dma_start3A_83 = arith.constant 0 : i32
        %dma_start3A_84 = tpu.memref_slice %arg11[%dma_start3A_82, %dma_start3A_83] : memref<10112x128xf32, #tpu.memory_space<vmem_shared>> -> memref<10112x128xf32, #tpu.memory_space<vmem_shared>>
        tpu.enqueue_indirect_dma source(%arg10 : memref<128x128xf32, #tpu.memory_space<vmem>>) target(%dma_start3A_84 : memref<10112x128xf32, #tpu.memory_space<vmem_shared>>) offsets(%dma_start3A_81 : memref<128xi32, #tpu.memory_space<vmem>>) semaphore(%run_scoped3A_78 : memref<!tpu.dma_semaphore, #tpu.memory_space<semaphore_mem>>) {add = true}
        %dma_wait3A_85 = arith.constant 0 : i32
        %dma_wait3A_86 = tpu.memref_slice %arg8[%add3A_77, %dma_wait3A_85] : memref<40x128xi32, #tpu.memory_space<vmem>> -> memref<1x128xi32, #tpu.memory_space<vmem>>
        %dma_wait3A_87 = tpu.memref_squeeze %dma_wait3A_86 : memref<1x128xi32, #tpu.memory_space<vmem>> -> memref<128xi32, #tpu.memory_space<vmem>>
        %dma_wait3A_88 = arith.constant 0 : i32
        %dma_wait3A_89 = arith.constant 0 : i32
        %dma_wait3A_90 = tpu.memref_slice %arg11[%dma_wait3A_88, %dma_wait3A_89] : memref<10112x128xf32, #tpu.memory_space<vmem_shared>> -> memref<10112x128xf32, #tpu.memory_space<vmem_shared>>
        tpu.wait_indirect_dma semaphore(%run_scoped3A_78 : memref<!tpu.dma_semaphore, #tpu.memory_space<semaphore_mem>>) src(%arg10 : memref<128x128xf32, #tpu.memory_space<vmem>>) dst(%dma_wait3A_90 : memref<10112x128xf32, #tpu.memory_space<vmem_shared>>)
        tpu.yield
      }) : () -> ()
    }
    %while3A_43 = arith.constant 1 : i32
    scf.for %while3A_49 = %while3A_41 to %while3A_37 step %while3A_43  : i32 {
      %mul3A_50 = arith.constant 2 : i32
      %mul3A_51 = arith.muli %mul3A_50, %while3A_49 : i32
      %add3A_52 = arith.constant 1 : i32
      %add3A_53 = arith.addi %mul3A_51, %add3A_52 : i32
      %dma_start3A_54 = arith.constant 0 : i32
      %dma_start3A_55 = tpu.memref_slice %arg7[%add3A_53, %dma_start3A_54] : memref<40x128xi32, #tpu.memory_space<vmem>> -> memref<1x128xi32, #tpu.memory_space<vmem>>
      %dma_start3A_56 = tpu.memref_squeeze %dma_start3A_55 : memref<1x128xi32, #tpu.memory_space<vmem>> -> memref<128xi32, #tpu.memory_space<vmem>>
      %dma_start3A_57 = arith.constant 0 : i32
      %dma_start3A_58 = arith.constant 0 : i32
      %dma_start3A_59 = tpu.memref_slice %arg2[%dma_start3A_57, %dma_start3A_58] : memref<40000x128xf32, #tpu.memory_space<hbm>> -> memref<40000x128xf32, #tpu.memory_space<hbm>>
      tpu.enqueue_indirect_dma source(%dma_start3A_59 : memref<40000x128xf32, #tpu.memory_space<hbm>>) target(%arg10 : memref<128x128xf32, #tpu.memory_space<vmem>>) offsets(%dma_start3A_56 : memref<128xi32, #tpu.memory_space<vmem>>) semaphore(%arg13 : memref<!tpu.dma_semaphore, #tpu.memory_space<semaphore_mem>>)
      %dma_wait3A = arith.constant 0 : i32
      %dma_wait3A_60 = tpu.memref_slice %arg7[%mul3A_51, %dma_wait3A] : memref<40x128xi32, #tpu.memory_space<vmem>> -> memref<1x128xi32, #tpu.memory_space<vmem>>
      %dma_wait3A_61 = tpu.memref_squeeze %dma_wait3A_60 : memref<1x128xi32, #tpu.memory_space<vmem>> -> memref<128xi32, #tpu.memory_space<vmem>>
      %dma_wait3A_62 = arith.constant 0 : i32
      %dma_wait3A_63 = arith.constant 0 : i32
      %dma_wait3A_64 = tpu.memref_slice %arg2[%dma_wait3A_62, %dma_wait3A_63] : memref<40000x128xf32, #tpu.memory_space<hbm>> -> memref<40000x128xf32, #tpu.memory_space<hbm>>
      tpu.wait_indirect_dma semaphore(%arg12 : memref<!tpu.dma_semaphore, #tpu.memory_space<semaphore_mem>>) src(%dma_wait3A_64 : memref<40000x128xf32, #tpu.memory_space<hbm>>) dst(%arg9 : memref<128x128xf32, #tpu.memory_space<vmem>>)
      "tpu.region"() ({
        %run_scoped3A_78 = tpu.sem_alloc : memref<!tpu.dma_semaphore, #tpu.memory_space<semaphore_mem>>
        %dma_start3A_79 = arith.constant 0 : i32
        %dma_start3A_80 = tpu.memref_slice %arg8[%mul3A_51, %dma_start3A_79] : memref<40x128xi32, #tpu.memory_space<vmem>> -> memref<1x128xi32, #tpu.memory_space<vmem>>
        %dma_start3A_81 = tpu.memref_squeeze %dma_start3A_80 : memref<1x128xi32, #tpu.memory_space<vmem>> -> memref<128xi32, #tpu.memory_space<vmem>>
        %dma_start3A_82 = arith.constant 0 : i32
        %dma_start3A_83 = arith.constant 0 : i32
        %dma_start3A_84 = tpu.memref_slice %arg11[%dma_start3A_82, %dma_start3A_83] : memref<10112x128xf32, #tpu.memory_space<vmem_shared>> -> memref<10112x128xf32, #tpu.memory_space<vmem_shared>>
        tpu.enqueue_indirect_dma source(%arg9 : memref<128x128xf32, #tpu.memory_space<vmem>>) target(%dma_start3A_84 : memref<10112x128xf32, #tpu.memory_space<vmem_shared>>) offsets(%dma_start3A_81 : memref<128xi32, #tpu.memory_space<vmem>>) semaphore(%run_scoped3A_78 : memref<!tpu.dma_semaphore, #tpu.memory_space<semaphore_mem>>) {add = true}
        %dma_wait3A_85 = arith.constant 0 : i32
        %dma_wait3A_86 = tpu.memref_slice %arg8[%mul3A_51, %dma_wait3A_85] : memref<40x128xi32, #tpu.memory_space<vmem>> -> memref<1x128xi32, #tpu.memory_space<vmem>>
        %dma_wait3A_87 = tpu.memref_squeeze %dma_wait3A_86 : memref<1x128xi32, #tpu.memory_space<vmem>> -> memref<128xi32, #tpu.memory_space<vmem>>
        %dma_wait3A_88 = arith.constant 0 : i32
        %dma_wait3A_89 = arith.constant 0 : i32
        %dma_wait3A_90 = tpu.memref_slice %arg11[%dma_wait3A_88, %dma_wait3A_89] : memref<10112x128xf32, #tpu.memory_space<vmem_shared>> -> memref<10112x128xf32, #tpu.memory_space<vmem_shared>>
        tpu.wait_indirect_dma semaphore(%run_scoped3A_78 : memref<!tpu.dma_semaphore, #tpu.memory_space<semaphore_mem>>) src(%arg9 : memref<128x128xf32, #tpu.memory_space<vmem>>) dst(%dma_wait3A_90 : memref<10112x128xf32, #tpu.memory_space<vmem_shared>>)
        tpu.yield
      }) : () -> ()
      %add3A_65 = arith.constant 2 : i32
      %add3A_66 = arith.addi %mul3A_51, %add3A_65 : i32
      %lt3A = arith.cmpi slt, %add3A_66, %mul3A_4 : i32
      %convert_element_type3A = arith.extui %lt3A : i1 to i32
      %cond3A = arith.constant 0 : i32
      %cond3A_67 = arith.cmpi ne, %convert_element_type3A, %cond3A : i32
      scf.if %cond3A_67 {
        %add3A_78 = arith.constant 2 : i32
        %add3A_79 = arith.addi %mul3A_51, %add3A_78 : i32
        %dma_start3A_80 = arith.constant 0 : i32
        %dma_start3A_81 = tpu.memref_slice %arg7[%add3A_79, %dma_start3A_80] : memref<40x128xi32, #tpu.memory_space<vmem>> -> memref<1x128xi32, #tpu.memory_space<vmem>>
        %dma_start3A_82 = tpu.memref_squeeze %dma_start3A_81 : memref<1x128xi32, #tpu.memory_space<vmem>> -> memref<128xi32, #tpu.memory_space<vmem>>
        %dma_start3A_83 = arith.constant 0 : i32
        %dma_start3A_84 = arith.constant 0 : i32
        %dma_start3A_85 = tpu.memref_slice %arg2[%dma_start3A_83, %dma_start3A_84] : memref<40000x128xf32, #tpu.memory_space<hbm>> -> memref<40000x128xf32, #tpu.memory_space<hbm>>
        tpu.enqueue_indirect_dma source(%dma_start3A_85 : memref<40000x128xf32, #tpu.memory_space<hbm>>) target(%arg9 : memref<128x128xf32, #tpu.memory_space<vmem>>) offsets(%dma_start3A_82 : memref<128xi32, #tpu.memory_space<vmem>>) semaphore(%arg12 : memref<!tpu.dma_semaphore, #tpu.memory_space<semaphore_mem>>)
      } else {
      }
      %add3A_68 = arith.constant 1 : i32
      %add3A_69 = arith.addi %mul3A_51, %add3A_68 : i32
      %dma_wait3A_70 = arith.constant 0 : i32
      %dma_wait3A_71 = tpu.memref_slice %arg7[%add3A_69, %dma_wait3A_70] : memref<40x128xi32, #tpu.memory_space<vmem>> -> memref<1x128xi32, #tpu.memory_space<vmem>>
      %dma_wait3A_72 = tpu.memref_squeeze %dma_wait3A_71 : memref<1x128xi32, #tpu.memory_space<vmem>> -> memref<128xi32, #tpu.memory_space<vmem>>
      %dma_wait3A_73 = arith.constant 0 : i32
      %dma_wait3A_74 = arith.constant 0 : i32
      %dma_wait3A_75 = tpu.memref_slice %arg2[%dma_wait3A_73, %dma_wait3A_74] : memref<40000x128xf32, #tpu.memory_space<hbm>> -> memref<40000x128xf32, #tpu.memory_space<hbm>>
      tpu.wait_indirect_dma semaphore(%arg13 : memref<!tpu.dma_semaphore, #tpu.memory_space<semaphore_mem>>) src(%dma_wait3A_75 : memref<40000x128xf32, #tpu.memory_space<hbm>>) dst(%arg10 : memref<128x128xf32, #tpu.memory_space<vmem>>)
      %add3A_76 = arith.constant 1 : i32
      %add3A_77 = arith.addi %mul3A_51, %add3A_76 : i32
      "tpu.region"() ({
        %run_scoped3A_78 = tpu.sem_alloc : memref<!tpu.dma_semaphore, #tpu.memory_space<semaphore_mem>>
        %dma_start3A_79 = arith.constant 0 : i32
        %dma_start3A_80 = tpu.memref_slice %arg8[%add3A_77, %dma_start3A_79] : memref<40x128xi32, #tpu.memory_space<vmem>> -> memref<1x128xi32, #tpu.memory_space<vmem>>
        %dma_start3A_81 = tpu.memref_squeeze %dma_start3A_80 : memref<1x128xi32, #tpu.memory_space<vmem>> -> memref<128xi32, #tpu.memory_space<vmem>>
        %dma_start3A_82 = arith.constant 0 : i32
        %dma_start3A_83 = arith.constant 0 : i32
        %dma_start3A_84 = tpu.memref_slice %arg11[%dma_start3A_82, %dma_start3A_83] : memref<10112x128xf32, #tpu.memory_space<vmem_shared>> -> memref<10112x128xf32, #tpu.memory_space<vmem_shared>>
        tpu.enqueue_indirect_dma source(%arg10 : memref<128x128xf32, #tpu.memory_space<vmem>>) target(%dma_start3A_84 : memref<10112x128xf32, #tpu.memory_space<vmem_shared>>) offsets(%dma_start3A_81 : memref<128xi32, #tpu.memory_space<vmem>>) semaphore(%run_scoped3A_78 : memref<!tpu.dma_semaphore, #tpu.memory_space<semaphore_mem>>) {add = true}
        %dma_wait3A_85 = arith.constant 0 : i32
        %dma_wait3A_86 = tpu.memref_slice %arg8[%add3A_77, %dma_wait3A_85] : memref<40x128xi32, #tpu.memory_space<vmem>> -> memref<1x128xi32, #tpu.memory_space<vmem>>
        %dma_wait3A_87 = tpu.memref_squeeze %dma_wait3A_86 : memref<1x128xi32, #tpu.memory_space<vmem>> -> memref<128xi32, #tpu.memory_space<vmem>>
        %dma_wait3A_88 = arith.constant 0 : i32
        %dma_wait3A_89 = arith.constant 0 : i32
        %dma_wait3A_90 = tpu.memref_slice %arg11[%dma_wait3A_88, %dma_wait3A_89] : memref<10112x128xf32, #tpu.memory_space<vmem_shared>> -> memref<10112x128xf32, #tpu.memory_space<vmem_shared>>
        tpu.wait_indirect_dma semaphore(%run_scoped3A_78 : memref<!tpu.dma_semaphore, #tpu.memory_space<semaphore_mem>>) src(%arg10 : memref<128x128xf32, #tpu.memory_space<vmem>>) dst(%dma_wait3A_90 : memref<10112x128xf32, #tpu.memory_space<vmem_shared>>)
        tpu.yield
      }) : () -> ()
    }
    %barrier3A_44 = arith.constant 0 : index
    tpu.barrier barrier_id(%barrier3A_44)
    %mul3A_45 = arith.constant 632 : i32
    %mul3A_46 = arith.muli %arg1, %mul3A_45 : i32
    %mul3A_47 = arith.constant 632 : i32
    %mul3A_48 = arith.muli %arg1, %mul3A_47 : i32
    "tpu.region"() ({
      %run_scoped3A_49 = tpu.sem_alloc : memref<!tpu.dma_semaphore, #tpu.memory_space<semaphore_mem>>
      %dma_start3A_50 = arith.constant 0 : i32
      %dma_start3A_51 = tpu.memref_slice %arg6[%arg0, %mul3A_48, %dma_start3A_50] : memref<2x10112x128xf32, #tpu.memory_space<hbm>> -> memref<1x632x128xf32, #tpu.memory_space<hbm>>
      %dma_start3A_52 = tpu.memref_squeeze %dma_start3A_51 : memref<1x632x128xf32, #tpu.memory_space<hbm>> -> memref<632x128xf32, #tpu.memory_space<hbm>>
      %dma_start3A_53 = arith.constant 0 : i32
      %dma_start3A_54 = tpu.memref_slice %arg11[%mul3A_46, %dma_start3A_53] : memref<10112x128xf32, #tpu.memory_space<vmem_shared>> -> memref<632x128xf32, #tpu.memory_space<vmem_shared>>
      tpu.enqueue_dma source(%dma_start3A_54 : memref<632x128xf32, #tpu.memory_space<vmem_shared>>) target(%dma_start3A_52 : memref<632x128xf32, #tpu.memory_space<hbm>>) target_semaphore(%run_scoped3A_49 : memref<!tpu.dma_semaphore, #tpu.memory_space<semaphore_mem>>)
      %dma_wait3A = arith.constant 0 : i32
      %dma_wait3A_55 = tpu.memref_slice %arg6[%arg0, %mul3A_48, %dma_wait3A] : memref<2x10112x128xf32, #tpu.memory_space<hbm>> -> memref<1x632x128xf32, #tpu.memory_space<hbm>>
      %dma_wait3A_56 = tpu.memref_squeeze %dma_wait3A_55 : memref<1x632x128xf32, #tpu.memory_space<hbm>> -> memref<632x128xf32, #tpu.memory_space<hbm>>
      %dma_wait3A_57 = arith.constant 0 : i32
      %dma_wait3A_58 = tpu.memref_slice %arg11[%mul3A_46, %dma_wait3A_57] : memref<10112x128xf32, #tpu.memory_space<vmem_shared>> -> memref<632x128xf32, #tpu.memory_space<vmem_shared>>
      tpu.wait_dma2 semaphore(%run_scoped3A_49 : memref<!tpu.dma_semaphore, #tpu.memory_space<semaphore_mem>>) src(%dma_wait3A_58 : memref<632x128xf32, #tpu.memory_space<vmem_shared>>) dst(%dma_wait3A_56 : memref<632x128xf32, #tpu.memory_space<hbm>>)
      tpu.yield
    }) : () -> ()
    return
  }
}

#map = affine_map<(d0, d1) -> (0, 0)>
#map1 = affine_map<(d0, d1) -> (0, 0, 0, 0)>
#map2 = affine_map<(d0, d1) -> (0, 0, 0)>
module attributes {stable_mosaic.version = 14 : i64} {
  func.func @k(%arg0: i32, %arg1: i32, %arg2: memref<40000x128xf32, #tpu.memory_space<hbm>>, %arg3: memref<32x2x40x128xi32, #tpu.memory_space<hbm>>, %arg4: memref<32x2x40x128xi32, #tpu.memory_space<hbm>>, %arg5: memref<10112x128xf32, #tpu.memory_space<hbm>>, %arg6: memref<2x10112x128xf32, #tpu.memory_space<hbm>>, %arg7: memref<40x128xi32, #tpu.memory_space<vmem>>, %arg8: memref<40x128xi32, #tpu.memory_space<vmem>>, %arg9: memref<128x128xf32, #tpu.memory_space<vmem>>, %arg10: memref<128x128xf32, #tpu.memory_space<vmem>>, %arg11: memref<10112x128xf32, #tpu.memory_space<vmem_shared>>, %arg12: memref<!tpu.dma_semaphore, #tpu.memory_space<semaphore_mem>>, %arg13: memref<!tpu.dma_semaphore, #tpu.memory_space<semaphore_mem>>) attributes {dimension_semantics = [#tpu.dimension_semantics<core_parallel>, #tpu.dimension_semantics<subcore_parallel>], iteration_bounds = array<i64: 2, 16>, scalar_prefetch = 0 : i64, scratch_operands = 7 : i64, tpu.core_type = #tpu.core_type<sc_vector_subcore>, window_params = [{transform_indices = #map}, {transform_indices = #map1}, {transform_indices = #map1}, {transform_indices = #map}, {transform_indices = #map2}]} {
    %mul3A = arith.constant 16 : i32
    %mul3A_0 = arith.muli %arg0, %mul3A : i32
    %add3A = arith.addi %mul3A_0, %arg1 : i32
    %eq3A = arith.constant 0 : i32
    %eq3A_1 = arith.cmpi eq, %arg0, %eq3A : i32
    %jit3A = arith.constant 20 : i32
    %jit3A_2 = arith.constant 20 : i32
    %select_n3A = arith.select %eq3A_1, %jit3A, %jit3A_2 : i32
    %mul3A_3 = arith.constant 2 : i32
    %mul3A_4 = arith.muli %mul3A_3, %select_n3A : i32
    %mul3A_5 = arith.constant 632 : i32
    %mul3A_6 = arith.muli %arg1, %mul3A_5 : i32
    %mul3A_7 = arith.constant 632 : i32
    %mul3A_8 = arith.muli %arg1, %mul3A_7 : i32
    "tpu.region"() ({
      %run_scoped3A_49 = tpu.sem_alloc : memref<!tpu.dma_semaphore, #tpu.memory_space<semaphore_mem>>
      %dma_start3A_50 = arith.constant 0 : i32
      %dma_start3A_51 = tpu.memref_slice %arg11[%mul3A_8, %dma_start3A_50] : memref<10112x128xf32, #tpu.memory_space<vmem_shared>> -> memref<632x128xf32, #tpu.memory_space<vmem_shared>>
      %dma_start3A_52 = arith.constant 0 : i32
      %dma_start3A_53 = tpu.memref_slice %arg5[%mul3A_6, %dma_start3A_52] : memref<10112x128xf32, #tpu.memory_space<hbm>> -> memref<632x128xf32, #tpu.memory_space<hbm>>
      tpu.enqueue_dma source(%dma_start3A_53 : memref<632x128xf32, #tpu.memory_space<hbm>>) target(%dma_start3A_51 : memref<632x128xf32, #tpu.memory_space<vmem_shared>>) target_semaphore(%run_scoped3A_49 : memref<!tpu.dma_semaphore, #tpu.memory_space<semaphore_mem>>)
      %dma_wait3A = arith.constant 0 : i32
      %dma_wait3A_54 = tpu.memref_slice %arg11[%mul3A_8, %dma_wait3A] : memref<10112x128xf32, #tpu.memory_space<vmem_shared>> -> memref<632x128xf32, #tpu.memory_space<vmem_shared>>
      %dma_wait3A_55 = arith.constant 0 : i32
      %dma_wait3A_56 = tpu.memref_slice %arg5[%mul3A_6, %dma_wait3A_55] : memref<10112x128xf32, #tpu.memory_space<hbm>> -> memref<632x128xf32, #tpu.memory_space<hbm>>
      tpu.wait_dma2 semaphore(%run_scoped3A_49 : memref<!tpu.dma_semaphore, #tpu.memory_space<semaphore_mem>>) src(%dma_wait3A_56 : memref<632x128xf32, #tpu.memory_space<hbm>>) dst(%dma_wait3A_54 : memref<632x128xf32, #tpu.memory_space<vmem_shared>>)
      tpu.yield
    }) : () -> ()
    %barrier3A = arith.constant 0 : index
    tpu.barrier barrier_id(%barrier3A)
    %run_scoped3A = arith.constant 0 : i32
    "tpu.region"() ({
      %run_scoped3A_49 = tpu.sem_alloc : memref<!tpu.dma_semaphore, #tpu.memory_space<semaphore_mem>>
      %dma_start3A_50 = arith.constant 0 : i32
      %dma_start3A_51 = arith.constant 0 : i32
      %dma_start3A_52 = tpu.memref_slice %arg3[%add3A, %run_scoped3A, %dma_start3A_50, %dma_start3A_51] : memref<32x2x40x128xi32, #tpu.memory_space<hbm>> -> memref<1x1x40x128xi32, #tpu.memory_space<hbm>>
      %dma_start3A_53 = tpu.memref_squeeze %dma_start3A_52 : memref<1x1x40x128xi32, #tpu.memory_space<hbm>> -> memref<40x128xi32, #tpu.memory_space<hbm>>
      %dma_start3A_54 = arith.constant 0 : i32
      %dma_start3A_55 = arith.constant 0 : i32
      %dma_start3A_56 = tpu.memref_slice %arg3[%add3A, %run_scoped3A, %dma_start3A_54, %dma_start3A_55] : memref<32x2x40x128xi32, #tpu.memory_space<hbm>> -> memref<1x1x40x128xi32, #tpu.memory_space<hbm>>
      %dma_start3A_57 = tpu.memref_squeeze %dma_start3A_56 : memref<1x1x40x128xi32, #tpu.memory_space<hbm>> -> memref<40x128xi32, #tpu.memory_space<hbm>>
      tpu.enqueue_dma source(%dma_start3A_57 : memref<40x128xi32, #tpu.memory_space<hbm>>) target(%arg7 : memref<40x128xi32, #tpu.memory_space<vmem>>) target_semaphore(%run_scoped3A_49 : memref<!tpu.dma_semaphore, #tpu.memory_space<semaphore_mem>>)
      %dma_wait3A = arith.constant 0 : i32
      %dma_wait3A_58 = arith.constant 0 : i32
      %dma_wait3A_59 = tpu.memref_slice %arg3[%add3A, %run_scoped3A, %dma_wait3A, %dma_wait3A_58] : memref<32x2x40x128xi32, #tpu.memory_space<hbm>> -> memref<1x1x40x128xi32, #tpu.memory_space<hbm>>
      %dma_wait3A_60 = tpu.memref_squeeze %dma_wait3A_59 : memref<1x1x40x128xi32, #tpu.memory_space<hbm>> -> memref<40x128xi32, #tpu.memory_space<hbm>>
      %dma_wait3A_61 = arith.constant 0 : i32
      %dma_wait3A_62 = arith.constant 0 : i32
      %dma_wait3A_63 = tpu.memref_slice %arg3[%add3A, %run_scoped3A, %dma_wait3A_61, %dma_wait3A_62] : memref<32x2x40x128xi32, #tpu.memory_space<hbm>> -> memref<1x1x40x128xi32, #tpu.memory_space<hbm>>
      %dma_wait3A_64 = tpu.memref_squeeze %dma_wait3A_63 : memref<1x1x40x128xi32, #tpu.memory_space<hbm>> -> memref<40x128xi32, #tpu.memory_space<hbm>>
      tpu.wait_dma2 semaphore(%run_scoped3A_49 : memref<!tpu.dma_semaphore, #tpu.memory_space<semaphore_mem>>) src(%dma_wait3A_64 : memref<40x128xi32, #tpu.memory_space<hbm>>) dst(%arg7 : memref<40x128xi32, #tpu.memory_space<vmem>>)
      tpu.yield
    }) : () -> ()
    %run_scoped3A_9 = arith.constant 0 : i32
    "tpu.region"() ({
      %run_scoped3A_49 = tpu.sem_alloc : memref<!tpu.dma_semaphore, #tpu.memory_space<semaphore_mem>>
      %dma_start3A_50 = arith.constant 0 : i32
      %dma_start3A_51 = arith.constant 0 : i32
      %dma_start3A_52 = tpu.memref_slice %arg4[%add3A, %run_scoped3A_9, %dma_start3A_50, %dma_start3A_51] : memref<32x2x40x128xi32, #tpu.memory_space<hbm>> -> memref<1x1x40x128xi32, #tpu.memory_space<hbm>>
      %dma_start3A_53 = tpu.memref_squeeze %dma_start3A_52 : memref<1x1x40x128xi32, #tpu.memory_space<hbm>> -> memref<40x128xi32, #tpu.memory_space<hbm>>
      %dma_start3A_54 = arith.constant 0 : i32
      %dma_start3A_55 = arith.constant 0 : i32
      %dma_start3A_56 = tpu.memref_slice %arg4[%add3A, %run_scoped3A_9, %dma_start3A_54, %dma_start3A_55] : memref<32x2x40x128xi32, #tpu.memory_space<hbm>> -> memref<1x1x40x128xi32, #tpu.memory_space<hbm>>
      %dma_start3A_57 = tpu.memref_squeeze %dma_start3A_56 : memref<1x1x40x128xi32, #tpu.memory_space<hbm>> -> memref<40x128xi32, #tpu.memory_space<hbm>>
      tpu.enqueue_dma source(%dma_start3A_57 : memref<40x128xi32, #tpu.memory_space<hbm>>) target(%arg8 : memref<40x128xi32, #tpu.memory_space<vmem>>) target_semaphore(%run_scoped3A_49 : memref<!tpu.dma_semaphore, #tpu.memory_space<semaphore_mem>>)
      %dma_wait3A = arith.constant 0 : i32
      %dma_wait3A_58 = arith.constant 0 : i32
      %dma_wait3A_59 = tpu.memref_slice %arg4[%add3A, %run_scoped3A_9, %dma_wait3A, %dma_wait3A_58] : memref<32x2x40x128xi32, #tpu.memory_space<hbm>> -> memref<1x1x40x128xi32, #tpu.memory_space<hbm>>
      %dma_wait3A_60 = tpu.memref_squeeze %dma_wait3A_59 : memref<1x1x40x128xi32, #tpu.memory_space<hbm>> -> memref<40x128xi32, #tpu.memory_space<hbm>>
      %dma_wait3A_61 = arith.constant 0 : i32
      %dma_wait3A_62 = arith.constant 0 : i32
      %dma_wait3A_63 = tpu.memref_slice %arg4[%add3A, %run_scoped3A_9, %dma_wait3A_61, %dma_wait3A_62] : memref<32x2x40x128xi32, #tpu.memory_space<hbm>> -> memref<1x1x40x128xi32, #tpu.memory_space<hbm>>
      %dma_wait3A_64 = tpu.memref_squeeze %dma_wait3A_63 : memref<1x1x40x128xi32, #tpu.memory_space<hbm>> -> memref<40x128xi32, #tpu.memory_space<hbm>>
      tpu.wait_dma2 semaphore(%run_scoped3A_49 : memref<!tpu.dma_semaphore, #tpu.memory_space<semaphore_mem>>) src(%dma_wait3A_64 : memref<40x128xi32, #tpu.memory_space<hbm>>) dst(%arg8 : memref<40x128xi32, #tpu.memory_space<vmem>>)
      tpu.yield
    }) : () -> ()
    %dma_start3A = arith.constant 0 : i32
    %dma_start3A_10 = arith.constant 0 : i32
    %dma_start3A_11 = tpu.memref_slice %arg7[%dma_start3A, %dma_start3A_10] : memref<40x128xi32, #tpu.memory_space<vmem>> -> memref<1x128xi32, #tpu.memory_space<vmem>>
    %dma_start3A_12 = tpu.memref_squeeze %dma_start3A_11 : memref<1x128xi32, #tpu.memory_space<vmem>> -> memref<128xi32, #tpu.memory_space<vmem>>
    %dma_start3A_13 = arith.constant 0 : i32
    %dma_start3A_14 = arith.constant 0 : i32
    %dma_start3A_15 = tpu.memref_slice %arg2[%dma_start3A_13, %dma_start3A_14] : memref<40000x128xf32, #tpu.memory_space<hbm>> -> memref<40000x128xf32, #tpu.memory_space<hbm>>
    tpu.enqueue_indirect_dma source(%dma_start3A_15 : memref<40000x128xf32, #tpu.memory_space<hbm>>) target(%arg9 : memref<128x128xf32, #tpu.memory_space<vmem>>) offsets(%dma_start3A_12 : memref<128xi32, #tpu.memory_space<vmem>>) semaphore(%arg12 : memref<!tpu.dma_semaphore, #tpu.memory_space<semaphore_mem>>)
    %while3A = arith.constant 0 : i32
    %while3A_16 = arith.constant 0 : i32
    %while3A_17 = arith.subi %select_n3A, %while3A_16 : i32
    %while3A_18 = arith.addi %while3A_16, %while3A_17 : i32
    %while3A_19 = arith.constant 1 : i32
    %while3A_20 = arith.divsi %while3A_17, %while3A_19 : i32
    %while3A_21 = arith.muli %while3A_20, %while3A_19 : i32
    %while3A_22 = arith.addi %while3A_16, %while3A_21 : i32
    %while3A_23 = arith.constant 1 : i32
    scf.for %while3A_49 = %while3A_16 to %while3A_22 step %while3A_23  : i32 {
      %mul3A_50 = arith.constant 2 : i32
      %mul3A_51 = arith.muli %mul3A_50, %while3A_49 : i32
      %add3A_52 = arith.constant 1 : i32
      %add3A_53 = arith.addi %mul3A_51, %add3A_52 : i32
      %dma_start3A_54 = arith.constant 0 : i32
      %dma_start3A_55 = tpu.memref_slice %arg7[%add3A_53, %dma_start3A_54] : memref<40x128xi32, #tpu.memory_space<vmem>> -> memref<1x128xi32, #tpu.memory_space<vmem>>
      %dma_start3A_56 = tpu.memref_squeeze %dma_start3A_55 : memref<1x128xi32, #tpu.memory_space<vmem>> -> memref<128xi32, #tpu.memory_space<vmem>>
      %dma_start3A_57 = arith.constant 0 : i32
      %dma_start3A_58 = arith.constant 0 : i32
      %dma_start3A_59 = tpu.memref_slice %arg2[%dma_start3A_57, %dma_start3A_58] : memref<40000x128xf32, #tpu.memory_space<hbm>> -> memref<40000x128xf32, #tpu.memory_space<hbm>>
      tpu.enqueue_indirect_dma source(%dma_start3A_59 : memref<40000x128xf32, #tpu.memory_space<hbm>>) target(%arg10 : memref<128x128xf32, #tpu.memory_space<vmem>>) offsets(%dma_start3A_56 : memref<128xi32, #tpu.memory_space<vmem>>) semaphore(%arg13 : memref<!tpu.dma_semaphore, #tpu.memory_space<semaphore_mem>>)
      %dma_wait3A = arith.constant 0 : i32
      %dma_wait3A_60 = tpu.memref_slice %arg7[%mul3A_51, %dma_wait3A] : memref<40x128xi32, #tpu.memory_space<vmem>> -> memref<1x128xi32, #tpu.memory_space<vmem>>
      %dma_wait3A_61 = tpu.memref_squeeze %dma_wait3A_60 : memref<1x128xi32, #tpu.memory_space<vmem>> -> memref<128xi32, #tpu.memory_space<vmem>>
      %dma_wait3A_62 = arith.constant 0 : i32
      %dma_wait3A_63 = arith.constant 0 : i32
      %dma_wait3A_64 = tpu.memref_slice %arg2[%dma_wait3A_62, %dma_wait3A_63] : memref<40000x128xf32, #tpu.memory_space<hbm>> -> memref<40000x128xf32, #tpu.memory_space<hbm>>
      tpu.wait_indirect_dma semaphore(%arg12 : memref<!tpu.dma_semaphore, #tpu.memory_space<semaphore_mem>>) src(%dma_wait3A_64 : memref<40000x128xf32, #tpu.memory_space<hbm>>) dst(%arg9 : memref<128x128xf32, #tpu.memory_space<vmem>>)
      "tpu.region"() ({
        %run_scoped3A_78 = tpu.sem_alloc : memref<!tpu.dma_semaphore, #tpu.memory_space<semaphore_mem>>
        %dma_start3A_79 = arith.constant 0 : i32
        %dma_start3A_80 = tpu.memref_slice %arg8[%mul3A_51, %dma_start3A_79] : memref<40x128xi32, #tpu.memory_space<vmem>> -> memref<1x128xi32, #tpu.memory_space<vmem>>
        %dma_start3A_81 = tpu.memref_squeeze %dma_start3A_80 : memref<1x128xi32, #tpu.memory_space<vmem>> -> memref<128xi32, #tpu.memory_space<vmem>>
        %dma_start3A_82 = arith.constant 0 : i32
        %dma_start3A_83 = arith.constant 0 : i32
        %dma_start3A_84 = tpu.memref_slice %arg11[%dma_start3A_82, %dma_start3A_83] : memref<10112x128xf32, #tpu.memory_space<vmem_shared>> -> memref<10112x128xf32, #tpu.memory_space<vmem_shared>>
        tpu.enqueue_indirect_dma source(%arg9 : memref<128x128xf32, #tpu.memory_space<vmem>>) target(%dma_start3A_84 : memref<10112x128xf32, #tpu.memory_space<vmem_shared>>) offsets(%dma_start3A_81 : memref<128xi32, #tpu.memory_space<vmem>>) semaphore(%run_scoped3A_78 : memref<!tpu.dma_semaphore, #tpu.memory_space<semaphore_mem>>) {add = true}
        %dma_wait3A_85 = arith.constant 0 : i32
        %dma_wait3A_86 = tpu.memref_slice %arg8[%mul3A_51, %dma_wait3A_85] : memref<40x128xi32, #tpu.memory_space<vmem>> -> memref<1x128xi32, #tpu.memory_space<vmem>>
        %dma_wait3A_87 = tpu.memref_squeeze %dma_wait3A_86 : memref<1x128xi32, #tpu.memory_space<vmem>> -> memref<128xi32, #tpu.memory_space<vmem>>
        %dma_wait3A_88 = arith.constant 0 : i32
        %dma_wait3A_89 = arith.constant 0 : i32
        %dma_wait3A_90 = tpu.memref_slice %arg11[%dma_wait3A_88, %dma_wait3A_89] : memref<10112x128xf32, #tpu.memory_space<vmem_shared>> -> memref<10112x128xf32, #tpu.memory_space<vmem_shared>>
        tpu.wait_indirect_dma semaphore(%run_scoped3A_78 : memref<!tpu.dma_semaphore, #tpu.memory_space<semaphore_mem>>) src(%arg9 : memref<128x128xf32, #tpu.memory_space<vmem>>) dst(%dma_wait3A_90 : memref<10112x128xf32, #tpu.memory_space<vmem_shared>>)
        tpu.yield
      }) : () -> ()
      %add3A_65 = arith.constant 2 : i32
      %add3A_66 = arith.addi %mul3A_51, %add3A_65 : i32
      %lt3A = arith.cmpi slt, %add3A_66, %mul3A_4 : i32
      %convert_element_type3A = arith.extui %lt3A : i1 to i32
      %cond3A = arith.constant 0 : i32
      %cond3A_67 = arith.cmpi ne, %convert_element_type3A, %cond3A : i32
      scf.if %cond3A_67 {
        %add3A_78 = arith.constant 2 : i32
        %add3A_79 = arith.addi %mul3A_51, %add3A_78 : i32
        %dma_start3A_80 = arith.constant 0 : i32
        %dma_start3A_81 = tpu.memref_slice %arg7[%add3A_79, %dma_start3A_80] : memref<40x128xi32, #tpu.memory_space<vmem>> -> memref<1x128xi32, #tpu.memory_space<vmem>>
        %dma_start3A_82 = tpu.memref_squeeze %dma_start3A_81 : memref<1x128xi32, #tpu.memory_space<vmem>> -> memref<128xi32, #tpu.memory_space<vmem>>
        %dma_start3A_83 = arith.constant 0 : i32
        %dma_start3A_84 = arith.constant 0 : i32
        %dma_start3A_85 = tpu.memref_slice %arg2[%dma_start3A_83, %dma_start3A_84] : memref<40000x128xf32, #tpu.memory_space<hbm>> -> memref<40000x128xf32, #tpu.memory_space<hbm>>
        tpu.enqueue_indirect_dma source(%dma_start3A_85 : memref<40000x128xf32, #tpu.memory_space<hbm>>) target(%arg9 : memref<128x128xf32, #tpu.memory_space<vmem>>) offsets(%dma_start3A_82 : memref<128xi32, #tpu.memory_space<vmem>>) semaphore(%arg12 : memref<!tpu.dma_semaphore, #tpu.memory_space<semaphore_mem>>)
      } else {
      }
      %add3A_68 = arith.constant 1 : i32
      %add3A_69 = arith.addi %mul3A_51, %add3A_68 : i32
      %dma_wait3A_70 = arith.constant 0 : i32
      %dma_wait3A_71 = tpu.memref_slice %arg7[%add3A_69, %dma_wait3A_70] : memref<40x128xi32, #tpu.memory_space<vmem>> -> memref<1x128xi32, #tpu.memory_space<vmem>>
      %dma_wait3A_72 = tpu.memref_squeeze %dma_wait3A_71 : memref<1x128xi32, #tpu.memory_space<vmem>> -> memref<128xi32, #tpu.memory_space<vmem>>
      %dma_wait3A_73 = arith.constant 0 : i32
      %dma_wait3A_74 = arith.constant 0 : i32
      %dma_wait3A_75 = tpu.memref_slice %arg2[%dma_wait3A_73, %dma_wait3A_74] : memref<40000x128xf32, #tpu.memory_space<hbm>> -> memref<40000x128xf32, #tpu.memory_space<hbm>>
      tpu.wait_indirect_dma semaphore(%arg13 : memref<!tpu.dma_semaphore, #tpu.memory_space<semaphore_mem>>) src(%dma_wait3A_75 : memref<40000x128xf32, #tpu.memory_space<hbm>>) dst(%arg10 : memref<128x128xf32, #tpu.memory_space<vmem>>)
      %add3A_76 = arith.constant 1 : i32
      %add3A_77 = arith.addi %mul3A_51, %add3A_76 : i32
      "tpu.region"() ({
        %run_scoped3A_78 = tpu.sem_alloc : memref<!tpu.dma_semaphore, #tpu.memory_space<semaphore_mem>>
        %dma_start3A_79 = arith.constant 0 : i32
        %dma_start3A_80 = tpu.memref_slice %arg8[%add3A_77, %dma_start3A_79] : memref<40x128xi32, #tpu.memory_space<vmem>> -> memref<1x128xi32, #tpu.memory_space<vmem>>
        %dma_start3A_81 = tpu.memref_squeeze %dma_start3A_80 : memref<1x128xi32, #tpu.memory_space<vmem>> -> memref<128xi32, #tpu.memory_space<vmem>>
        %dma_start3A_82 = arith.constant 0 : i32
        %dma_start3A_83 = arith.constant 0 : i32
        %dma_start3A_84 = tpu.memref_slice %arg11[%dma_start3A_82, %dma_start3A_83] : memref<10112x128xf32, #tpu.memory_space<vmem_shared>> -> memref<10112x128xf32, #tpu.memory_space<vmem_shared>>
        tpu.enqueue_indirect_dma source(%arg10 : memref<128x128xf32, #tpu.memory_space<vmem>>) target(%dma_start3A_84 : memref<10112x128xf32, #tpu.memory_space<vmem_shared>>) offsets(%dma_start3A_81 : memref<128xi32, #tpu.memory_space<vmem>>) semaphore(%run_scoped3A_78 : memref<!tpu.dma_semaphore, #tpu.memory_space<semaphore_mem>>) {add = true}
        %dma_wait3A_85 = arith.constant 0 : i32
        %dma_wait3A_86 = tpu.memref_slice %arg8[%add3A_77, %dma_wait3A_85] : memref<40x128xi32, #tpu.memory_space<vmem>> -> memref<1x128xi32, #tpu.memory_space<vmem>>
        %dma_wait3A_87 = tpu.memref_squeeze %dma_wait3A_86 : memref<1x128xi32, #tpu.memory_space<vmem>> -> memref<128xi32, #tpu.memory_space<vmem>>
        %dma_wait3A_88 = arith.constant 0 : i32
        %dma_wait3A_89 = arith.constant 0 : i32
        %dma_wait3A_90 = tpu.memref_slice %arg11[%dma_wait3A_88, %dma_wait3A_89] : memref<10112x128xf32, #tpu.memory_space<vmem_shared>> -> memref<10112x128xf32, #tpu.memory_space<vmem_shared>>
        tpu.wait_indirect_dma semaphore(%run_scoped3A_78 : memref<!tpu.dma_semaphore, #tpu.memory_space<semaphore_mem>>) src(%arg10 : memref<128x128xf32, #tpu.memory_space<vmem>>) dst(%dma_wait3A_90 : memref<10112x128xf32, #tpu.memory_space<vmem_shared>>)
        tpu.yield
      }) : () -> ()
    }
    %while3A_24 = arith.constant 1 : i32
    scf.for %while3A_49 = %while3A_22 to %while3A_18 step %while3A_24  : i32 {
      %mul3A_50 = arith.constant 2 : i32
      %mul3A_51 = arith.muli %mul3A_50, %while3A_49 : i32
      %add3A_52 = arith.constant 1 : i32
      %add3A_53 = arith.addi %mul3A_51, %add3A_52 : i32
      %dma_start3A_54 = arith.constant 0 : i32
      %dma_start3A_55 = tpu.memref_slice %arg7[%add3A_53, %dma_start3A_54] : memref<40x128xi32, #tpu.memory_space<vmem>> -> memref<1x128xi32, #tpu.memory_space<vmem>>
      %dma_start3A_56 = tpu.memref_squeeze %dma_start3A_55 : memref<1x128xi32, #tpu.memory_space<vmem>> -> memref<128xi32, #tpu.memory_space<vmem>>
      %dma_start3A_57 = arith.constant 0 : i32
      %dma_start3A_58 = arith.constant 0 : i32
      %dma_start3A_59 = tpu.memref_slice %arg2[%dma_start3A_57, %dma_start3A_58] : memref<40000x128xf32, #tpu.memory_space<hbm>> -> memref<40000x128xf32, #tpu.memory_space<hbm>>
      tpu.enqueue_indirect_dma source(%dma_start3A_59 : memref<40000x128xf32, #tpu.memory_space<hbm>>) target(%arg10 : memref<128x128xf32, #tpu.memory_space<vmem>>) offsets(%dma_start3A_56 : memref<128xi32, #tpu.memory_space<vmem>>) semaphore(%arg13 : memref<!tpu.dma_semaphore, #tpu.memory_space<semaphore_mem>>)
      %dma_wait3A = arith.constant 0 : i32
      %dma_wait3A_60 = tpu.memref_slice %arg7[%mul3A_51, %dma_wait3A] : memref<40x128xi32, #tpu.memory_space<vmem>> -> memref<1x128xi32, #tpu.memory_space<vmem>>
      %dma_wait3A_61 = tpu.memref_squeeze %dma_wait3A_60 : memref<1x128xi32, #tpu.memory_space<vmem>> -> memref<128xi32, #tpu.memory_space<vmem>>
      %dma_wait3A_62 = arith.constant 0 : i32
      %dma_wait3A_63 = arith.constant 0 : i32
      %dma_wait3A_64 = tpu.memref_slice %arg2[%dma_wait3A_62, %dma_wait3A_63] : memref<40000x128xf32, #tpu.memory_space<hbm>> -> memref<40000x128xf32, #tpu.memory_space<hbm>>
      tpu.wait_indirect_dma semaphore(%arg12 : memref<!tpu.dma_semaphore, #tpu.memory_space<semaphore_mem>>) src(%dma_wait3A_64 : memref<40000x128xf32, #tpu.memory_space<hbm>>) dst(%arg9 : memref<128x128xf32, #tpu.memory_space<vmem>>)
      "tpu.region"() ({
        %run_scoped3A_78 = tpu.sem_alloc : memref<!tpu.dma_semaphore, #tpu.memory_space<semaphore_mem>>
        %dma_start3A_79 = arith.constant 0 : i32
        %dma_start3A_80 = tpu.memref_slice %arg8[%mul3A_51, %dma_start3A_79] : memref<40x128xi32, #tpu.memory_space<vmem>> -> memref<1x128xi32, #tpu.memory_space<vmem>>
        %dma_start3A_81 = tpu.memref_squeeze %dma_start3A_80 : memref<1x128xi32, #tpu.memory_space<vmem>> -> memref<128xi32, #tpu.memory_space<vmem>>
        %dma_start3A_82 = arith.constant 0 : i32
        %dma_start3A_83 = arith.constant 0 : i32
        %dma_start3A_84 = tpu.memref_slice %arg11[%dma_start3A_82, %dma_start3A_83] : memref<10112x128xf32, #tpu.memory_space<vmem_shared>> -> memref<10112x128xf32, #tpu.memory_space<vmem_shared>>
        tpu.enqueue_indirect_dma source(%arg9 : memref<128x128xf32, #tpu.memory_space<vmem>>) target(%dma_start3A_84 : memref<10112x128xf32, #tpu.memory_space<vmem_shared>>) offsets(%dma_start3A_81 : memref<128xi32, #tpu.memory_space<vmem>>) semaphore(%run_scoped3A_78 : memref<!tpu.dma_semaphore, #tpu.memory_space<semaphore_mem>>) {add = true}
        %dma_wait3A_85 = arith.constant 0 : i32
        %dma_wait3A_86 = tpu.memref_slice %arg8[%mul3A_51, %dma_wait3A_85] : memref<40x128xi32, #tpu.memory_space<vmem>> -> memref<1x128xi32, #tpu.memory_space<vmem>>
        %dma_wait3A_87 = tpu.memref_squeeze %dma_wait3A_86 : memref<1x128xi32, #tpu.memory_space<vmem>> -> memref<128xi32, #tpu.memory_space<vmem>>
        %dma_wait3A_88 = arith.constant 0 : i32
        %dma_wait3A_89 = arith.constant 0 : i32
        %dma_wait3A_90 = tpu.memref_slice %arg11[%dma_wait3A_88, %dma_wait3A_89] : memref<10112x128xf32, #tpu.memory_space<vmem_shared>> -> memref<10112x128xf32, #tpu.memory_space<vmem_shared>>
        tpu.wait_indirect_dma semaphore(%run_scoped3A_78 : memref<!tpu.dma_semaphore, #tpu.memory_space<semaphore_mem>>) src(%arg9 : memref<128x128xf32, #tpu.memory_space<vmem>>) dst(%dma_wait3A_90 : memref<10112x128xf32, #tpu.memory_space<vmem_shared>>)
        tpu.yield
      }) : () -> ()
      %add3A_65 = arith.constant 2 : i32
      %add3A_66 = arith.addi %mul3A_51, %add3A_65 : i32
      %lt3A = arith.cmpi slt, %add3A_66, %mul3A_4 : i32
      %convert_element_type3A = arith.extui %lt3A : i1 to i32
      %cond3A = arith.constant 0 : i32
      %cond3A_67 = arith.cmpi ne, %convert_element_type3A, %cond3A : i32
      scf.if %cond3A_67 {
        %add3A_78 = arith.constant 2 : i32
        %add3A_79 = arith.addi %mul3A_51, %add3A_78 : i32
        %dma_start3A_80 = arith.constant 0 : i32
        %dma_start3A_81 = tpu.memref_slice %arg7[%add3A_79, %dma_start3A_80] : memref<40x128xi32, #tpu.memory_space<vmem>> -> memref<1x128xi32, #tpu.memory_space<vmem>>
        %dma_start3A_82 = tpu.memref_squeeze %dma_start3A_81 : memref<1x128xi32, #tpu.memory_space<vmem>> -> memref<128xi32, #tpu.memory_space<vmem>>
        %dma_start3A_83 = arith.constant 0 : i32
        %dma_start3A_84 = arith.constant 0 : i32
        %dma_start3A_85 = tpu.memref_slice %arg2[%dma_start3A_83, %dma_start3A_84] : memref<40000x128xf32, #tpu.memory_space<hbm>> -> memref<40000x128xf32, #tpu.memory_space<hbm>>
        tpu.enqueue_indirect_dma source(%dma_start3A_85 : memref<40000x128xf32, #tpu.memory_space<hbm>>) target(%arg9 : memref<128x128xf32, #tpu.memory_space<vmem>>) offsets(%dma_start3A_82 : memref<128xi32, #tpu.memory_space<vmem>>) semaphore(%arg12 : memref<!tpu.dma_semaphore, #tpu.memory_space<semaphore_mem>>)
      } else {
      }
      %add3A_68 = arith.constant 1 : i32
      %add3A_69 = arith.addi %mul3A_51, %add3A_68 : i32
      %dma_wait3A_70 = arith.constant 0 : i32
      %dma_wait3A_71 = tpu.memref_slice %arg7[%add3A_69, %dma_wait3A_70] : memref<40x128xi32, #tpu.memory_space<vmem>> -> memref<1x128xi32, #tpu.memory_space<vmem>>
      %dma_wait3A_72 = tpu.memref_squeeze %dma_wait3A_71 : memref<1x128xi32, #tpu.memory_space<vmem>> -> memref<128xi32, #tpu.memory_space<vmem>>
      %dma_wait3A_73 = arith.constant 0 : i32
      %dma_wait3A_74 = arith.constant 0 : i32
      %dma_wait3A_75 = tpu.memref_slice %arg2[%dma_wait3A_73, %dma_wait3A_74] : memref<40000x128xf32, #tpu.memory_space<hbm>> -> memref<40000x128xf32, #tpu.memory_space<hbm>>
      tpu.wait_indirect_dma semaphore(%arg13 : memref<!tpu.dma_semaphore, #tpu.memory_space<semaphore_mem>>) src(%dma_wait3A_75 : memref<40000x128xf32, #tpu.memory_space<hbm>>) dst(%arg10 : memref<128x128xf32, #tpu.memory_space<vmem>>)
      %add3A_76 = arith.constant 1 : i32
      %add3A_77 = arith.addi %mul3A_51, %add3A_76 : i32
      "tpu.region"() ({
        %run_scoped3A_78 = tpu.sem_alloc : memref<!tpu.dma_semaphore, #tpu.memory_space<semaphore_mem>>
        %dma_start3A_79 = arith.constant 0 : i32
        %dma_start3A_80 = tpu.memref_slice %arg8[%add3A_77, %dma_start3A_79] : memref<40x128xi32, #tpu.memory_space<vmem>> -> memref<1x128xi32, #tpu.memory_space<vmem>>
        %dma_start3A_81 = tpu.memref_squeeze %dma_start3A_80 : memref<1x128xi32, #tpu.memory_space<vmem>> -> memref<128xi32, #tpu.memory_space<vmem>>
        %dma_start3A_82 = arith.constant 0 : i32
        %dma_start3A_83 = arith.constant 0 : i32
        %dma_start3A_84 = tpu.memref_slice %arg11[%dma_start3A_82, %dma_start3A_83] : memref<10112x128xf32, #tpu.memory_space<vmem_shared>> -> memref<10112x128xf32, #tpu.memory_space<vmem_shared>>
        tpu.enqueue_indirect_dma source(%arg10 : memref<128x128xf32, #tpu.memory_space<vmem>>) target(%dma_start3A_84 : memref<10112x128xf32, #tpu.memory_space<vmem_shared>>) offsets(%dma_start3A_81 : memref<128xi32, #tpu.memory_space<vmem>>) semaphore(%run_scoped3A_78 : memref<!tpu.dma_semaphore, #tpu.memory_space<semaphore_mem>>) {add = true}
        %dma_wait3A_85 = arith.constant 0 : i32
        %dma_wait3A_86 = tpu.memref_slice %arg8[%add3A_77, %dma_wait3A_85] : memref<40x128xi32, #tpu.memory_space<vmem>> -> memref<1x128xi32, #tpu.memory_space<vmem>>
        %dma_wait3A_87 = tpu.memref_squeeze %dma_wait3A_86 : memref<1x128xi32, #tpu.memory_space<vmem>> -> memref<128xi32, #tpu.memory_space<vmem>>
        %dma_wait3A_88 = arith.constant 0 : i32
        %dma_wait3A_89 = arith.constant 0 : i32
        %dma_wait3A_90 = tpu.memref_slice %arg11[%dma_wait3A_88, %dma_wait3A_89] : memref<10112x128xf32, #tpu.memory_space<vmem_shared>> -> memref<10112x128xf32, #tpu.memory_space<vmem_shared>>
        tpu.wait_indirect_dma semaphore(%run_scoped3A_78 : memref<!tpu.dma_semaphore, #tpu.memory_space<semaphore_mem>>) src(%arg10 : memref<128x128xf32, #tpu.memory_space<vmem>>) dst(%dma_wait3A_90 : memref<10112x128xf32, #tpu.memory_space<vmem_shared>>)
        tpu.yield
      }) : () -> ()
    }
    %run_scoped3A_25 = arith.constant 1 : i32
    "tpu.region"() ({
      %run_scoped3A_49 = tpu.sem_alloc : memref<!tpu.dma_semaphore, #tpu.memory_space<semaphore_mem>>
      %dma_start3A_50 = arith.constant 0 : i32
      %dma_start3A_51 = arith.constant 0 : i32
      %dma_start3A_52 = tpu.memref_slice %arg3[%add3A, %run_scoped3A_25, %dma_start3A_50, %dma_start3A_51] : memref<32x2x40x128xi32, #tpu.memory_space<hbm>> -> memref<1x1x40x128xi32, #tpu.memory_space<hbm>>
      %dma_start3A_53 = tpu.memref_squeeze %dma_start3A_52 : memref<1x1x40x128xi32, #tpu.memory_space<hbm>> -> memref<40x128xi32, #tpu.memory_space<hbm>>
      %dma_start3A_54 = arith.constant 0 : i32
      %dma_start3A_55 = arith.constant 0 : i32
      %dma_start3A_56 = tpu.memref_slice %arg3[%add3A, %run_scoped3A_25, %dma_start3A_54, %dma_start3A_55] : memref<32x2x40x128xi32, #tpu.memory_space<hbm>> -> memref<1x1x40x128xi32, #tpu.memory_space<hbm>>
      %dma_start3A_57 = tpu.memref_squeeze %dma_start3A_56 : memref<1x1x40x128xi32, #tpu.memory_space<hbm>> -> memref<40x128xi32, #tpu.memory_space<hbm>>
      tpu.enqueue_dma source(%dma_start3A_57 : memref<40x128xi32, #tpu.memory_space<hbm>>) target(%arg7 : memref<40x128xi32, #tpu.memory_space<vmem>>) target_semaphore(%run_scoped3A_49 : memref<!tpu.dma_semaphore, #tpu.memory_space<semaphore_mem>>)
      %dma_wait3A = arith.constant 0 : i32
      %dma_wait3A_58 = arith.constant 0 : i32
      %dma_wait3A_59 = tpu.memref_slice %arg3[%add3A, %run_scoped3A_25, %dma_wait3A, %dma_wait3A_58] : memref<32x2x40x128xi32, #tpu.memory_space<hbm>> -> memref<1x1x40x128xi32, #tpu.memory_space<hbm>>
      %dma_wait3A_60 = tpu.memref_squeeze %dma_wait3A_59 : memref<1x1x40x128xi32, #tpu.memory_space<hbm>> -> memref<40x128xi32, #tpu.memory_space<hbm>>
      %dma_wait3A_61 = arith.constant 0 : i32
      %dma_wait3A_62 = arith.constant 0 : i32
      %dma_wait3A_63 = tpu.memref_slice %arg3[%add3A, %run_scoped3A_25, %dma_wait3A_61, %dma_wait3A_62] : memref<32x2x40x128xi32, #tpu.memory_space<hbm>> -> memref<1x1x40x128xi32, #tpu.memory_space<hbm>>
      %dma_wait3A_64 = tpu.memref_squeeze %dma_wait3A_63 : memref<1x1x40x128xi32, #tpu.memory_space<hbm>> -> memref<40x128xi32, #tpu.memory_space<hbm>>
      tpu.wait_dma2 semaphore(%run_scoped3A_49 : memref<!tpu.dma_semaphore, #tpu.memory_space<semaphore_mem>>) src(%dma_wait3A_64 : memref<40x128xi32, #tpu.memory_space<hbm>>) dst(%arg7 : memref<40x128xi32, #tpu.memory_space<vmem>>)
      tpu.yield
    }) : () -> ()
    %run_scoped3A_26 = arith.constant 1 : i32
    "tpu.region"() ({
      %run_scoped3A_49 = tpu.sem_alloc : memref<!tpu.dma_semaphore, #tpu.memory_space<semaphore_mem>>
      %dma_start3A_50 = arith.constant 0 : i32
      %dma_start3A_51 = arith.constant 0 : i32
      %dma_start3A_52 = tpu.memref_slice %arg4[%add3A, %run_scoped3A_26, %dma_start3A_50, %dma_start3A_51] : memref<32x2x40x128xi32, #tpu.memory_space<hbm>> -> memref<1x1x40x128xi32, #tpu.memory_space<hbm>>
      %dma_start3A_53 = tpu.memref_squeeze %dma_start3A_52 : memref<1x1x40x128xi32, #tpu.memory_space<hbm>> -> memref<40x128xi32, #tpu.memory_space<hbm>>
      %dma_start3A_54 = arith.constant 0 : i32
      %dma_start3A_55 = arith.constant 0 : i32
      %dma_start3A_56 = tpu.memref_slice %arg4[%add3A, %run_scoped3A_26, %dma_start3A_54, %dma_start3A_55] : memref<32x2x40x128xi32, #tpu.memory_space<hbm>> -> memref<1x1x40x128xi32, #tpu.memory_space<hbm>>
      %dma_start3A_57 = tpu.memref_squeeze %dma_start3A_56 : memref<1x1x40x128xi32, #tpu.memory_space<hbm>> -> memref<40x128xi32, #tpu.memory_space<hbm>>
      tpu.enqueue_dma source(%dma_start3A_57 : memref<40x128xi32, #tpu.memory_space<hbm>>) target(%arg8 : memref<40x128xi32, #tpu.memory_space<vmem>>) target_semaphore(%run_scoped3A_49 : memref<!tpu.dma_semaphore, #tpu.memory_space<semaphore_mem>>)
      %dma_wait3A = arith.constant 0 : i32
      %dma_wait3A_58 = arith.constant 0 : i32
      %dma_wait3A_59 = tpu.memref_slice %arg4[%add3A, %run_scoped3A_26, %dma_wait3A, %dma_wait3A_58] : memref<32x2x40x128xi32, #tpu.memory_space<hbm>> -> memref<1x1x40x128xi32, #tpu.memory_space<hbm>>
      %dma_wait3A_60 = tpu.memref_squeeze %dma_wait3A_59 : memref<1x1x40x128xi32, #tpu.memory_space<hbm>> -> memref<40x128xi32, #tpu.memory_space<hbm>>
      %dma_wait3A_61 = arith.constant 0 : i32
      %dma_wait3A_62 = arith.constant 0 : i32
      %dma_wait3A_63 = tpu.memref_slice %arg4[%add3A, %run_scoped3A_26, %dma_wait3A_61, %dma_wait3A_62] : memref<32x2x40x128xi32, #tpu.memory_space<hbm>> -> memref<1x1x40x128xi32, #tpu.memory_space<hbm>>
      %dma_wait3A_64 = tpu.memref_squeeze %dma_wait3A_63 : memref<1x1x40x128xi32, #tpu.memory_space<hbm>> -> memref<40x128xi32, #tpu.memory_space<hbm>>
      tpu.wait_dma2 semaphore(%run_scoped3A_49 : memref<!tpu.dma_semaphore, #tpu.memory_space<semaphore_mem>>) src(%dma_wait3A_64 : memref<40x128xi32, #tpu.memory_space<hbm>>) dst(%arg8 : memref<40x128xi32, #tpu.memory_space<vmem>>)
      tpu.yield
    }) : () -> ()
    %dma_start3A_27 = arith.constant 0 : i32
    %dma_start3A_28 = arith.constant 0 : i32
    %dma_start3A_29 = tpu.memref_slice %arg7[%dma_start3A_27, %dma_start3A_28] : memref<40x128xi32, #tpu.memory_space<vmem>> -> memref<1x128xi32, #tpu.memory_space<vmem>>
    %dma_start3A_30 = tpu.memref_squeeze %dma_start3A_29 : memref<1x128xi32, #tpu.memory_space<vmem>> -> memref<128xi32, #tpu.memory_space<vmem>>
    %dma_start3A_31 = arith.constant 0 : i32
    %dma_start3A_32 = arith.constant 0 : i32
    %dma_start3A_33 = tpu.memref_slice %arg2[%dma_start3A_31, %dma_start3A_32] : memref<40000x128xf32, #tpu.memory_space<hbm>> -> memref<40000x128xf32, #tpu.memory_space<hbm>>
    tpu.enqueue_indirect_dma source(%dma_start3A_33 : memref<40000x128xf32, #tpu.memory_space<hbm>>) target(%arg9 : memref<128x128xf32, #tpu.memory_space<vmem>>) offsets(%dma_start3A_30 : memref<128xi32, #tpu.memory_space<vmem>>) semaphore(%arg12 : memref<!tpu.dma_semaphore, #tpu.memory_space<semaphore_mem>>)
    %while3A_34 = arith.constant 0 : i32
    %while3A_35 = arith.constant 0 : i32
    %while3A_36 = arith.subi %select_n3A, %while3A_35 : i32
    %while3A_37 = arith.addi %while3A_35, %while3A_36 : i32
    %while3A_38 = arith.constant 1 : i32
    %while3A_39 = arith.divsi %while3A_36, %while3A_38 : i32
    %while3A_40 = arith.muli %while3A_39, %while3A_38 : i32
    %while3A_41 = arith.addi %while3A_35, %while3A_40 : i32
    %while3A_42 = arith.constant 1 : i32
    scf.for %while3A_49 = %while3A_35 to %while3A_41 step %while3A_42  : i32 {
      %mul3A_50 = arith.constant 2 : i32
      %mul3A_51 = arith.muli %mul3A_50, %while3A_49 : i32
      %add3A_52 = arith.constant 1 : i32
      %add3A_53 = arith.addi %mul3A_51, %add3A_52 : i32
      %dma_start3A_54 = arith.constant 0 : i32
      %dma_start3A_55 = tpu.memref_slice %arg7[%add3A_53, %dma_start3A_54] : memref<40x128xi32, #tpu.memory_space<vmem>> -> memref<1x128xi32, #tpu.memory_space<vmem>>
      %dma_start3A_56 = tpu.memref_squeeze %dma_start3A_55 : memref<1x128xi32, #tpu.memory_space<vmem>> -> memref<128xi32, #tpu.memory_space<vmem>>
      %dma_start3A_57 = arith.constant 0 : i32
      %dma_start3A_58 = arith.constant 0 : i32
      %dma_start3A_59 = tpu.memref_slice %arg2[%dma_start3A_57, %dma_start3A_58] : memref<40000x128xf32, #tpu.memory_space<hbm>> -> memref<40000x128xf32, #tpu.memory_space<hbm>>
      tpu.enqueue_indirect_dma source(%dma_start3A_59 : memref<40000x128xf32, #tpu.memory_space<hbm>>) target(%arg10 : memref<128x128xf32, #tpu.memory_space<vmem>>) offsets(%dma_start3A_56 : memref<128xi32, #tpu.memory_space<vmem>>) semaphore(%arg13 : memref<!tpu.dma_semaphore, #tpu.memory_space<semaphore_mem>>)
      %dma_wait3A = arith.constant 0 : i32
      %dma_wait3A_60 = tpu.memref_slice %arg7[%mul3A_51, %dma_wait3A] : memref<40x128xi32, #tpu.memory_space<vmem>> -> memref<1x128xi32, #tpu.memory_space<vmem>>
      %dma_wait3A_61 = tpu.memref_squeeze %dma_wait3A_60 : memref<1x128xi32, #tpu.memory_space<vmem>> -> memref<128xi32, #tpu.memory_space<vmem>>
      %dma_wait3A_62 = arith.constant 0 : i32
      %dma_wait3A_63 = arith.constant 0 : i32
      %dma_wait3A_64 = tpu.memref_slice %arg2[%dma_wait3A_62, %dma_wait3A_63] : memref<40000x128xf32, #tpu.memory_space<hbm>> -> memref<40000x128xf32, #tpu.memory_space<hbm>>
      tpu.wait_indirect_dma semaphore(%arg12 : memref<!tpu.dma_semaphore, #tpu.memory_space<semaphore_mem>>) src(%dma_wait3A_64 : memref<40000x128xf32, #tpu.memory_space<hbm>>) dst(%arg9 : memref<128x128xf32, #tpu.memory_space<vmem>>)
      "tpu.region"() ({
        %run_scoped3A_78 = tpu.sem_alloc : memref<!tpu.dma_semaphore, #tpu.memory_space<semaphore_mem>>
        %dma_start3A_79 = arith.constant 0 : i32
        %dma_start3A_80 = tpu.memref_slice %arg8[%mul3A_51, %dma_start3A_79] : memref<40x128xi32, #tpu.memory_space<vmem>> -> memref<1x128xi32, #tpu.memory_space<vmem>>
        %dma_start3A_81 = tpu.memref_squeeze %dma_start3A_80 : memref<1x128xi32, #tpu.memory_space<vmem>> -> memref<128xi32, #tpu.memory_space<vmem>>
        %dma_start3A_82 = arith.constant 0 : i32
        %dma_start3A_83 = arith.constant 0 : i32
        %dma_start3A_84 = tpu.memref_slice %arg11[%dma_start3A_82, %dma_start3A_83] : memref<10112x128xf32, #tpu.memory_space<vmem_shared>> -> memref<10112x128xf32, #tpu.memory_space<vmem_shared>>
        tpu.enqueue_indirect_dma source(%arg9 : memref<128x128xf32, #tpu.memory_space<vmem>>) target(%dma_start3A_84 : memref<10112x128xf32, #tpu.memory_space<vmem_shared>>) offsets(%dma_start3A_81 : memref<128xi32, #tpu.memory_space<vmem>>) semaphore(%run_scoped3A_78 : memref<!tpu.dma_semaphore, #tpu.memory_space<semaphore_mem>>) {add = true}
        %dma_wait3A_85 = arith.constant 0 : i32
        %dma_wait3A_86 = tpu.memref_slice %arg8[%mul3A_51, %dma_wait3A_85] : memref<40x128xi32, #tpu.memory_space<vmem>> -> memref<1x128xi32, #tpu.memory_space<vmem>>
        %dma_wait3A_87 = tpu.memref_squeeze %dma_wait3A_86 : memref<1x128xi32, #tpu.memory_space<vmem>> -> memref<128xi32, #tpu.memory_space<vmem>>
        %dma_wait3A_88 = arith.constant 0 : i32
        %dma_wait3A_89 = arith.constant 0 : i32
        %dma_wait3A_90 = tpu.memref_slice %arg11[%dma_wait3A_88, %dma_wait3A_89] : memref<10112x128xf32, #tpu.memory_space<vmem_shared>> -> memref<10112x128xf32, #tpu.memory_space<vmem_shared>>
        tpu.wait_indirect_dma semaphore(%run_scoped3A_78 : memref<!tpu.dma_semaphore, #tpu.memory_space<semaphore_mem>>) src(%arg9 : memref<128x128xf32, #tpu.memory_space<vmem>>) dst(%dma_wait3A_90 : memref<10112x128xf32, #tpu.memory_space<vmem_shared>>)
        tpu.yield
      }) : () -> ()
      %add3A_65 = arith.constant 2 : i32
      %add3A_66 = arith.addi %mul3A_51, %add3A_65 : i32
      %lt3A = arith.cmpi slt, %add3A_66, %mul3A_4 : i32
      %convert_element_type3A = arith.extui %lt3A : i1 to i32
      %cond3A = arith.constant 0 : i32
      %cond3A_67 = arith.cmpi ne, %convert_element_type3A, %cond3A : i32
      scf.if %cond3A_67 {
        %add3A_78 = arith.constant 2 : i32
        %add3A_79 = arith.addi %mul3A_51, %add3A_78 : i32
        %dma_start3A_80 = arith.constant 0 : i32
        %dma_start3A_81 = tpu.memref_slice %arg7[%add3A_79, %dma_start3A_80] : memref<40x128xi32, #tpu.memory_space<vmem>> -> memref<1x128xi32, #tpu.memory_space<vmem>>
        %dma_start3A_82 = tpu.memref_squeeze %dma_start3A_81 : memref<1x128xi32, #tpu.memory_space<vmem>> -> memref<128xi32, #tpu.memory_space<vmem>>
        %dma_start3A_83 = arith.constant 0 : i32
        %dma_start3A_84 = arith.constant 0 : i32
        %dma_start3A_85 = tpu.memref_slice %arg2[%dma_start3A_83, %dma_start3A_84] : memref<40000x128xf32, #tpu.memory_space<hbm>> -> memref<40000x128xf32, #tpu.memory_space<hbm>>
        tpu.enqueue_indirect_dma source(%dma_start3A_85 : memref<40000x128xf32, #tpu.memory_space<hbm>>) target(%arg9 : memref<128x128xf32, #tpu.memory_space<vmem>>) offsets(%dma_start3A_82 : memref<128xi32, #tpu.memory_space<vmem>>) semaphore(%arg12 : memref<!tpu.dma_semaphore, #tpu.memory_space<semaphore_mem>>)
      } else {
      }
      %add3A_68 = arith.constant 1 : i32
      %add3A_69 = arith.addi %mul3A_51, %add3A_68 : i32
      %dma_wait3A_70 = arith.constant 0 : i32
      %dma_wait3A_71 = tpu.memref_slice %arg7[%add3A_69, %dma_wait3A_70] : memref<40x128xi32, #tpu.memory_space<vmem>> -> memref<1x128xi32, #tpu.memory_space<vmem>>
      %dma_wait3A_72 = tpu.memref_squeeze %dma_wait3A_71 : memref<1x128xi32, #tpu.memory_space<vmem>> -> memref<128xi32, #tpu.memory_space<vmem>>
      %dma_wait3A_73 = arith.constant 0 : i32
      %dma_wait3A_74 = arith.constant 0 : i32
      %dma_wait3A_75 = tpu.memref_slice %arg2[%dma_wait3A_73, %dma_wait3A_74] : memref<40000x128xf32, #tpu.memory_space<hbm>> -> memref<40000x128xf32, #tpu.memory_space<hbm>>
      tpu.wait_indirect_dma semaphore(%arg13 : memref<!tpu.dma_semaphore, #tpu.memory_space<semaphore_mem>>) src(%dma_wait3A_75 : memref<40000x128xf32, #tpu.memory_space<hbm>>) dst(%arg10 : memref<128x128xf32, #tpu.memory_space<vmem>>)
      %add3A_76 = arith.constant 1 : i32
      %add3A_77 = arith.addi %mul3A_51, %add3A_76 : i32
      "tpu.region"() ({
        %run_scoped3A_78 = tpu.sem_alloc : memref<!tpu.dma_semaphore, #tpu.memory_space<semaphore_mem>>
        %dma_start3A_79 = arith.constant 0 : i32
        %dma_start3A_80 = tpu.memref_slice %arg8[%add3A_77, %dma_start3A_79] : memref<40x128xi32, #tpu.memory_space<vmem>> -> memref<1x128xi32, #tpu.memory_space<vmem>>
        %dma_start3A_81 = tpu.memref_squeeze %dma_start3A_80 : memref<1x128xi32, #tpu.memory_space<vmem>> -> memref<128xi32, #tpu.memory_space<vmem>>
        %dma_start3A_82 = arith.constant 0 : i32
        %dma_start3A_83 = arith.constant 0 : i32
        %dma_start3A_84 = tpu.memref_slice %arg11[%dma_start3A_82, %dma_start3A_83] : memref<10112x128xf32, #tpu.memory_space<vmem_shared>> -> memref<10112x128xf32, #tpu.memory_space<vmem_shared>>
        tpu.enqueue_indirect_dma source(%arg10 : memref<128x128xf32, #tpu.memory_space<vmem>>) target(%dma_start3A_84 : memref<10112x128xf32, #tpu.memory_space<vmem_shared>>) offsets(%dma_start3A_81 : memref<128xi32, #tpu.memory_space<vmem>>) semaphore(%run_scoped3A_78 : memref<!tpu.dma_semaphore, #tpu.memory_space<semaphore_mem>>) {add = true}
        %dma_wait3A_85 = arith.constant 0 : i32
        %dma_wait3A_86 = tpu.memref_slice %arg8[%add3A_77, %dma_wait3A_85] : memref<40x128xi32, #tpu.memory_space<vmem>> -> memref<1x128xi32, #tpu.memory_space<vmem>>
        %dma_wait3A_87 = tpu.memref_squeeze %dma_wait3A_86 : memref<1x128xi32, #tpu.memory_space<vmem>> -> memref<128xi32, #tpu.memory_space<vmem>>
        %dma_wait3A_88 = arith.constant 0 : i32
        %dma_wait3A_89 = arith.constant 0 : i32
        %dma_wait3A_90 = tpu.memref_slice %arg11[%dma_wait3A_88, %dma_wait3A_89] : memref<10112x128xf32, #tpu.memory_space<vmem_shared>> -> memref<10112x128xf32, #tpu.memory_space<vmem_shared>>
        tpu.wait_indirect_dma semaphore(%run_scoped3A_78 : memref<!tpu.dma_semaphore, #tpu.memory_space<semaphore_mem>>) src(%arg10 : memref<128x128xf32, #tpu.memory_space<vmem>>) dst(%dma_wait3A_90 : memref<10112x128xf32, #tpu.memory_space<vmem_shared>>)
        tpu.yield
      }) : () -> ()
    }
    %while3A_43 = arith.constant 1 : i32
    scf.for %while3A_49 = %while3A_41 to %while3A_37 step %while3A_43  : i32 {
      %mul3A_50 = arith.constant 2 : i32
      %mul3A_51 = arith.muli %mul3A_50, %while3A_49 : i32
      %add3A_52 = arith.constant 1 : i32
      %add3A_53 = arith.addi %mul3A_51, %add3A_52 : i32
      %dma_start3A_54 = arith.constant 0 : i32
      %dma_start3A_55 = tpu.memref_slice %arg7[%add3A_53, %dma_start3A_54] : memref<40x128xi32, #tpu.memory_space<vmem>> -> memref<1x128xi32, #tpu.memory_space<vmem>>
      %dma_start3A_56 = tpu.memref_squeeze %dma_start3A_55 : memref<1x128xi32, #tpu.memory_space<vmem>> -> memref<128xi32, #tpu.memory_space<vmem>>
      %dma_start3A_57 = arith.constant 0 : i32
      %dma_start3A_58 = arith.constant 0 : i32
      %dma_start3A_59 = tpu.memref_slice %arg2[%dma_start3A_57, %dma_start3A_58] : memref<40000x128xf32, #tpu.memory_space<hbm>> -> memref<40000x128xf32, #tpu.memory_space<hbm>>
      tpu.enqueue_indirect_dma source(%dma_start3A_59 : memref<40000x128xf32, #tpu.memory_space<hbm>>) target(%arg10 : memref<128x128xf32, #tpu.memory_space<vmem>>) offsets(%dma_start3A_56 : memref<128xi32, #tpu.memory_space<vmem>>) semaphore(%arg13 : memref<!tpu.dma_semaphore, #tpu.memory_space<semaphore_mem>>)
      %dma_wait3A = arith.constant 0 : i32
      %dma_wait3A_60 = tpu.memref_slice %arg7[%mul3A_51, %dma_wait3A] : memref<40x128xi32, #tpu.memory_space<vmem>> -> memref<1x128xi32, #tpu.memory_space<vmem>>
      %dma_wait3A_61 = tpu.memref_squeeze %dma_wait3A_60 : memref<1x128xi32, #tpu.memory_space<vmem>> -> memref<128xi32, #tpu.memory_space<vmem>>
      %dma_wait3A_62 = arith.constant 0 : i32
      %dma_wait3A_63 = arith.constant 0 : i32
      %dma_wait3A_64 = tpu.memref_slice %arg2[%dma_wait3A_62, %dma_wait3A_63] : memref<40000x128xf32, #tpu.memory_space<hbm>> -> memref<40000x128xf32, #tpu.memory_space<hbm>>
      tpu.wait_indirect_dma semaphore(%arg12 : memref<!tpu.dma_semaphore, #tpu.memory_space<semaphore_mem>>) src(%dma_wait3A_64 : memref<40000x128xf32, #tpu.memory_space<hbm>>) dst(%arg9 : memref<128x128xf32, #tpu.memory_space<vmem>>)
      "tpu.region"() ({
        %run_scoped3A_78 = tpu.sem_alloc : memref<!tpu.dma_semaphore, #tpu.memory_space<semaphore_mem>>
        %dma_start3A_79 = arith.constant 0 : i32
        %dma_start3A_80 = tpu.memref_slice %arg8[%mul3A_51, %dma_start3A_79] : memref<40x128xi32, #tpu.memory_space<vmem>> -> memref<1x128xi32, #tpu.memory_space<vmem>>
        %dma_start3A_81 = tpu.memref_squeeze %dma_start3A_80 : memref<1x128xi32, #tpu.memory_space<vmem>> -> memref<128xi32, #tpu.memory_space<vmem>>
        %dma_start3A_82 = arith.constant 0 : i32
        %dma_start3A_83 = arith.constant 0 : i32
        %dma_start3A_84 = tpu.memref_slice %arg11[%dma_start3A_82, %dma_start3A_83] : memref<10112x128xf32, #tpu.memory_space<vmem_shared>> -> memref<10112x128xf32, #tpu.memory_space<vmem_shared>>
        tpu.enqueue_indirect_dma source(%arg9 : memref<128x128xf32, #tpu.memory_space<vmem>>) target(%dma_start3A_84 : memref<10112x128xf32, #tpu.memory_space<vmem_shared>>) offsets(%dma_start3A_81 : memref<128xi32, #tpu.memory_space<vmem>>) semaphore(%run_scoped3A_78 : memref<!tpu.dma_semaphore, #tpu.memory_space<semaphore_mem>>) {add = true}
        %dma_wait3A_85 = arith.constant 0 : i32
        %dma_wait3A_86 = tpu.memref_slice %arg8[%mul3A_51, %dma_wait3A_85] : memref<40x128xi32, #tpu.memory_space<vmem>> -> memref<1x128xi32, #tpu.memory_space<vmem>>
        %dma_wait3A_87 = tpu.memref_squeeze %dma_wait3A_86 : memref<1x128xi32, #tpu.memory_space<vmem>> -> memref<128xi32, #tpu.memory_space<vmem>>
        %dma_wait3A_88 = arith.constant 0 : i32
        %dma_wait3A_89 = arith.constant 0 : i32
        %dma_wait3A_90 = tpu.memref_slice %arg11[%dma_wait3A_88, %dma_wait3A_89] : memref<10112x128xf32, #tpu.memory_space<vmem_shared>> -> memref<10112x128xf32, #tpu.memory_space<vmem_shared>>
        tpu.wait_indirect_dma semaphore(%run_scoped3A_78 : memref<!tpu.dma_semaphore, #tpu.memory_space<semaphore_mem>>) src(%arg9 : memref<128x128xf32, #tpu.memory_space<vmem>>) dst(%dma_wait3A_90 : memref<10112x128xf32, #tpu.memory_space<vmem_shared>>)
        tpu.yield
      }) : () -> ()
      %add3A_65 = arith.constant 2 : i32
      %add3A_66 = arith.addi %mul3A_51, %add3A_65 : i32
      %lt3A = arith.cmpi slt, %add3A_66, %mul3A_4 : i32
      %convert_element_type3A = arith.extui %lt3A : i1 to i32
      %cond3A = arith.constant 0 : i32
      %cond3A_67 = arith.cmpi ne, %convert_element_type3A, %cond3A : i32
      scf.if %cond3A_67 {
        %add3A_78 = arith.constant 2 : i32
        %add3A_79 = arith.addi %mul3A_51, %add3A_78 : i32
        %dma_start3A_80 = arith.constant 0 : i32
        %dma_start3A_81 = tpu.memref_slice %arg7[%add3A_79, %dma_start3A_80] : memref<40x128xi32, #tpu.memory_space<vmem>> -> memref<1x128xi32, #tpu.memory_space<vmem>>
        %dma_start3A_82 = tpu.memref_squeeze %dma_start3A_81 : memref<1x128xi32, #tpu.memory_space<vmem>> -> memref<128xi32, #tpu.memory_space<vmem>>
        %dma_start3A_83 = arith.constant 0 : i32
        %dma_start3A_84 = arith.constant 0 : i32
        %dma_start3A_85 = tpu.memref_slice %arg2[%dma_start3A_83, %dma_start3A_84] : memref<40000x128xf32, #tpu.memory_space<hbm>> -> memref<40000x128xf32, #tpu.memory_space<hbm>>
        tpu.enqueue_indirect_dma source(%dma_start3A_85 : memref<40000x128xf32, #tpu.memory_space<hbm>>) target(%arg9 : memref<128x128xf32, #tpu.memory_space<vmem>>) offsets(%dma_start3A_82 : memref<128xi32, #tpu.memory_space<vmem>>) semaphore(%arg12 : memref<!tpu.dma_semaphore, #tpu.memory_space<semaphore_mem>>)
      } else {
      }
      %add3A_68 = arith.constant 1 : i32
      %add3A_69 = arith.addi %mul3A_51, %add3A_68 : i32
      %dma_wait3A_70 = arith.constant 0 : i32
      %dma_wait3A_71 = tpu.memref_slice %arg7[%add3A_69, %dma_wait3A_70] : memref<40x128xi32, #tpu.memory_space<vmem>> -> memref<1x128xi32, #tpu.memory_space<vmem>>
      %dma_wait3A_72 = tpu.memref_squeeze %dma_wait3A_71 : memref<1x128xi32, #tpu.memory_space<vmem>> -> memref<128xi32, #tpu.memory_space<vmem>>
      %dma_wait3A_73 = arith.constant 0 : i32
      %dma_wait3A_74 = arith.constant 0 : i32
      %dma_wait3A_75 = tpu.memref_slice %arg2[%dma_wait3A_73, %dma_wait3A_74] : memref<40000x128xf32, #tpu.memory_space<hbm>> -> memref<40000x128xf32, #tpu.memory_space<hbm>>
      tpu.wait_indirect_dma semaphore(%arg13 : memref<!tpu.dma_semaphore, #tpu.memory_space<semaphore_mem>>) src(%dma_wait3A_75 : memref<40000x128xf32, #tpu.memory_space<hbm>>) dst(%arg10 : memref<128x128xf32, #tpu.memory_space<vmem>>)
      %add3A_76 = arith.constant 1 : i32
      %add3A_77 = arith.addi %mul3A_51, %add3A_76 : i32
      "tpu.region"() ({
        %run_scoped3A_78 = tpu.sem_alloc : memref<!tpu.dma_semaphore, #tpu.memory_space<semaphore_mem>>
        %dma_start3A_79 = arith.constant 0 : i32
        %dma_start3A_80 = tpu.memref_slice %arg8[%add3A_77, %dma_start3A_79] : memref<40x128xi32, #tpu.memory_space<vmem>> -> memref<1x128xi32, #tpu.memory_space<vmem>>
        %dma_start3A_81 = tpu.memref_squeeze %dma_start3A_80 : memref<1x128xi32, #tpu.memory_space<vmem>> -> memref<128xi32, #tpu.memory_space<vmem>>
        %dma_start3A_82 = arith.constant 0 : i32
        %dma_start3A_83 = arith.constant 0 : i32
        %dma_start3A_84 = tpu.memref_slice %arg11[%dma_start3A_82, %dma_start3A_83] : memref<10112x128xf32, #tpu.memory_space<vmem_shared>> -> memref<10112x128xf32, #tpu.memory_space<vmem_shared>>
        tpu.enqueue_indirect_dma source(%arg10 : memref<128x128xf32, #tpu.memory_space<vmem>>) target(%dma_start3A_84 : memref<10112x128xf32, #tpu.memory_space<vmem_shared>>) offsets(%dma_start3A_81 : memref<128xi32, #tpu.memory_space<vmem>>) semaphore(%run_scoped3A_78 : memref<!tpu.dma_semaphore, #tpu.memory_space<semaphore_mem>>) {add = true}
        %dma_wait3A_85 = arith.constant 0 : i32
        %dma_wait3A_86 = tpu.memref_slice %arg8[%add3A_77, %dma_wait3A_85] : memref<40x128xi32, #tpu.memory_space<vmem>> -> memref<1x128xi32, #tpu.memory_space<vmem>>
        %dma_wait3A_87 = tpu.memref_squeeze %dma_wait3A_86 : memref<1x128xi32, #tpu.memory_space<vmem>> -> memref<128xi32, #tpu.memory_space<vmem>>
        %dma_wait3A_88 = arith.constant 0 : i32
        %dma_wait3A_89 = arith.constant 0 : i32
        %dma_wait3A_90 = tpu.memref_slice %arg11[%dma_wait3A_88, %dma_wait3A_89] : memref<10112x128xf32, #tpu.memory_space<vmem_shared>> -> memref<10112x128xf32, #tpu.memory_space<vmem_shared>>
        tpu.wait_indirect_dma semaphore(%run_scoped3A_78 : memref<!tpu.dma_semaphore, #tpu.memory_space<semaphore_mem>>) src(%arg10 : memref<128x128xf32, #tpu.memory_space<vmem>>) dst(%dma_wait3A_90 : memref<10112x128xf32, #tpu.memory_space<vmem_shared>>)
        tpu.yield
      }) : () -> ()
    }
    %barrier3A_44 = arith.constant 0 : index
    tpu.barrier barrier_id(%barrier3A_44)
    %mul3A_45 = arith.constant 632 : i32
    %mul3A_46 = arith.muli %arg1, %mul3A_45 : i32
    %mul3A_47 = arith.constant 632 : i32
    %mul3A_48 = arith.muli %arg1, %mul3A_47 : i32
    "tpu.region"() ({
      %run_scoped3A_49 = tpu.sem_alloc : memref<!tpu.dma_semaphore, #tpu.memory_space<semaphore_mem>>
      %dma_start3A_50 = arith.constant 0 : i32
      %dma_start3A_51 = tpu.memref_slice %arg6[%arg0, %mul3A_48, %dma_start3A_50] : memref<2x10112x128xf32, #tpu.memory_space<hbm>> -> memref<1x632x128xf32, #tpu.memory_space<hbm>>
      %dma_start3A_52 = tpu.memref_squeeze %dma_start3A_51 : memref<1x632x128xf32, #tpu.memory_space<hbm>> -> memref<632x128xf32, #tpu.memory_space<hbm>>
      %dma_start3A_53 = arith.constant 0 : i32
      %dma_start3A_54 = tpu.memref_slice %arg11[%mul3A_46, %dma_start3A_53] : memref<10112x128xf32, #tpu.memory_space<vmem_shared>> -> memref<632x128xf32, #tpu.memory_space<vmem_shared>>
      tpu.enqueue_dma source(%dma_start3A_54 : memref<632x128xf32, #tpu.memory_space<vmem_shared>>) target(%dma_start3A_52 : memref<632x128xf32, #tpu.memory_space<hbm>>) target_semaphore(%run_scoped3A_49 : memref<!tpu.dma_semaphore, #tpu.memory_space<semaphore_mem>>)
      %dma_wait3A = arith.constant 0 : i32
      %dma_wait3A_55 = tpu.memref_slice %arg6[%arg0, %mul3A_48, %dma_wait3A] : memref<2x10112x128xf32, #tpu.memory_space<hbm>> -> memref<1x632x128xf32, #tpu.memory_space<hbm>>
      %dma_wait3A_56 = tpu.memref_squeeze %dma_wait3A_55 : memref<1x632x128xf32, #tpu.memory_space<hbm>> -> memref<632x128xf32, #tpu.memory_space<hbm>>
      %dma_wait3A_57 = arith.constant 0 : i32
      %dma_wait3A_58 = tpu.memref_slice %arg11[%mul3A_46, %dma_wait3A_57] : memref<10112x128xf32, #tpu.memory_space<vmem_shared>> -> memref<632x128xf32, #tpu.memory_space<vmem_shared>>
      tpu.wait_dma2 semaphore(%run_scoped3A_49 : memref<!tpu.dma_semaphore, #tpu.memory_space<semaphore_mem>>) src(%dma_wait3A_58 : memref<632x128xf32, #tpu.memory_space<vmem_shared>>) dst(%dma_wait3A_56 : memref<632x128xf32, #tpu.memory_space<hbm>>)
      tpu.yield
    }) : () -> ()
    return
  }
}

module attributes {stable_mosaic.version = 14 : i64} {
  func.func @body(%arg0: i32, %arg1: memref<2000x128xf32, #tpu.memory_space<vmem>>, %arg2: memref<4x128x128xf32, #tpu.memory_space<vmem>>, %arg3: memref<4x128xf32, #tpu.memory_space<vmem>>, %arg4: memref<4x2000x128xf32, #tpu.memory_space<vmem>>) attributes {dimension_semantics = [#tpu.dimension_semantics<arbitrary>], iteration_bounds = array<i64: 5>, scalar_prefetch = 0 : i64, scratch_operands = 0 : i64, tpu.core_type = #tpu.core_type<tc>, window_params = [{transform_indices = @transform_0, window_bounds = array<i64: 2000, 128>}, {pipeline_mode = #tpu.pipeline_mode<synchronous>, transform_indices = @transform_1, window_bounds = array<i64: 4, 128, 128>}, {pipeline_mode = #tpu.pipeline_mode<synchronous>, transform_indices = @transform_2, window_bounds = array<i64: 4, 128>}, {transform_indices = @transform_3, window_bounds = array<i64: 4, 2000, 128>}]} {
    %get3A = arith.constant 0 : index
    %get3A_0 = arith.constant 0 : index
    %get3A_1 = vector.load %arg1[%get3A, %get3A_0] : memref<2000x128xf32, #tpu.memory_space<vmem>>, vector<2000x128xf32>
    %get3A_2 = arith.constant 0 : index
    %get3A_3 = arith.constant 0 : index
    %get3A_4 = arith.constant 0 : index
    %get3A_5 = vector.load %arg2[%get3A_2, %get3A_3, %get3A_4] : memref<4x128x128xf32, #tpu.memory_space<vmem>>, vector<1x128x128xf32>
    %get3A_6 = vector.shape_cast %get3A_5 : vector<1x128x128xf32> to vector<128x128xf32>
    %dot_general3A = arith.constant dense<0.000000e+00> : vector<2000x128xf32>
    %dot_general3A_7 = tpu.matmul %get3A_1, %get3A_6, %dot_general3A {dimension_numbers = #tpu.dot_dimension_numbers<[1], [1], [0], [0], [0, 0, 1, 0], [], []>, transpose_lhs_hint = false} : vector<2000x128xf32>, vector<128x128xf32>, vector<2000x128xf32> -> vector<2000x128xf32>
    %get3A_8 = arith.constant 0 : index
    %get3A_9 = arith.constant 0 : index
    %get3A_10 = vector.load %arg3[%get3A_8, %get3A_9] : memref<4x128xf32, #tpu.memory_space<vmem>>, vector<1x128xf32>
    %get3A_11 = vector.shape_cast %get3A_10 : vector<1x128xf32> to vector<128xf32>
    %broadcast_in_dim3A = vector.shape_cast %get3A_11 : vector<128xf32> to vector<1x128xf32>
    %add3A = vector.broadcast %broadcast_in_dim3A : vector<1x128xf32> to vector<2000x128xf32>
    %add3A_12 = arith.addf %dot_general3A_7, %add3A : vector<2000x128xf32>
    %swap3A = arith.constant 0 : index
    %swap3A_13 = arith.constant 0 : index
    %swap3A_14 = arith.constant 0 : index
    %swap3A_15 = vector.load %arg4[%swap3A, %swap3A_13, %swap3A_14] : memref<4x2000x128xf32, #tpu.memory_space<vmem>>, vector<1x2000x128xf32>
    %swap3A_16 = vector.shape_cast %swap3A_15 : vector<1x2000x128xf32> to vector<2000x128xf32>
    %swap3A_17 = vector.shape_cast %add3A_12 : vector<2000x128xf32> to vector<1x2000x128xf32>
    tpu.vector_store %arg4[%swap3A, %swap3A_13, %swap3A_14], %swap3A_17 {strides = array<i32>} : memref<4x2000x128xf32, #tpu.memory_space<vmem>>, vector<1x2000x128xf32>,
    %get3A_18 = arith.constant 1 : index
    %get3A_19 = arith.constant 0 : index
    %get3A_20 = arith.constant 0 : index
    %get3A_21 = vector.load %arg2[%get3A_18, %get3A_19, %get3A_20] : memref<4x128x128xf32, #tpu.memory_space<vmem>>, vector<1x128x128xf32>
    %get3A_22 = vector.shape_cast %get3A_21 : vector<1x128x128xf32> to vector<128x128xf32>
    %dot_general3A_23 = arith.constant dense<0.000000e+00> : vector<2000x128xf32>
    %dot_general3A_24 = tpu.matmul %get3A_1, %get3A_22, %dot_general3A_23 {dimension_numbers = #tpu.dot_dimension_numbers<[1], [1], [0], [0], [0, 0, 1, 0], [], []>, transpose_lhs_hint = false} : vector<2000x128xf32>, vector<128x128xf32>, vector<2000x128xf32> -> vector<2000x128xf32>
    %get3A_25 = arith.constant 1 : index
    %get3A_26 = arith.constant 0 : index
    %get3A_27 = vector.load %arg3[%get3A_25, %get3A_26] : memref<4x128xf32, #tpu.memory_space<vmem>>, vector<1x128xf32>
    %get3A_28 = vector.shape_cast %get3A_27 : vector<1x128xf32> to vector<128xf32>
    %broadcast_in_dim3A_29 = vector.shape_cast %get3A_28 : vector<128xf32> to vector<1x128xf32>
    %add3A_30 = vector.broadcast %broadcast_in_dim3A_29 : vector<1x128xf32> to vector<2000x128xf32>
    %add3A_31 = arith.addf %dot_general3A_24, %add3A_30 : vector<2000x128xf32>
    %swap3A_32 = arith.constant 1 : index
    %swap3A_33 = arith.constant 0 : index
    %swap3A_34 = arith.constant 0 : index
    %swap3A_35 = vector.load %arg4[%swap3A_32, %swap3A_33, %swap3A_34] : memref<4x2000x128xf32, #tpu.memory_space<vmem>>, vector<1x2000x128xf32>
    %swap3A_36 = vector.shape_cast %swap3A_35 : vector<1x2000x128xf32> to vector<2000x128xf32>
    %swap3A_37 = vector.shape_cast %add3A_31 : vector<2000x128xf32> to vector<1x2000x128xf32>
    tpu.vector_store %arg4[%swap3A_32, %swap3A_33, %swap3A_34], %swap3A_37 {strides = array<i32>} : memref<4x2000x128xf32, #tpu.memory_space<vmem>>, vector<1x2000x128xf32>,
    %get3A_38 = arith.constant 2 : index
    %get3A_39 = arith.constant 0 : index
    %get3A_40 = arith.constant 0 : index
    %get3A_41 = vector.load %arg2[%get3A_38, %get3A_39, %get3A_40] : memref<4x128x128xf32, #tpu.memory_space<vmem>>, vector<1x128x128xf32>
    %get3A_42 = vector.shape_cast %get3A_41 : vector<1x128x128xf32> to vector<128x128xf32>
    %dot_general3A_43 = arith.constant dense<0.000000e+00> : vector<2000x128xf32>
    %dot_general3A_44 = tpu.matmul %get3A_1, %get3A_42, %dot_general3A_43 {dimension_numbers = #tpu.dot_dimension_numbers<[1], [1], [0], [0], [0, 0, 1, 0], [], []>, transpose_lhs_hint = false} : vector<2000x128xf32>, vector<128x128xf32>, vector<2000x128xf32> -> vector<2000x128xf32>
    %get3A_45 = arith.constant 2 : index
    %get3A_46 = arith.constant 0 : index
    %get3A_47 = vector.load %arg3[%get3A_45, %get3A_46] : memref<4x128xf32, #tpu.memory_space<vmem>>, vector<1x128xf32>
    %get3A_48 = vector.shape_cast %get3A_47 : vector<1x128xf32> to vector<128xf32>
    %broadcast_in_dim3A_49 = vector.shape_cast %get3A_48 : vector<128xf32> to vector<1x128xf32>
    %add3A_50 = vector.broadcast %broadcast_in_dim3A_49 : vector<1x128xf32> to vector<2000x128xf32>
    %add3A_51 = arith.addf %dot_general3A_44, %add3A_50 : vector<2000x128xf32>
    %swap3A_52 = arith.constant 2 : index
    %swap3A_53 = arith.constant 0 : index
    %swap3A_54 = arith.constant 0 : index
    %swap3A_55 = vector.load %arg4[%swap3A_52, %swap3A_53, %swap3A_54] : memref<4x2000x128xf32, #tpu.memory_space<vmem>>, vector<1x2000x128xf32>
    %swap3A_56 = vector.shape_cast %swap3A_55 : vector<1x2000x128xf32> to vector<2000x128xf32>
    %swap3A_57 = vector.shape_cast %add3A_51 : vector<2000x128xf32> to vector<1x2000x128xf32>
    tpu.vector_store %arg4[%swap3A_52, %swap3A_53, %swap3A_54], %swap3A_57 {strides = array<i32>} : memref<4x2000x128xf32, #tpu.memory_space<vmem>>, vector<1x2000x128xf32>,
    %get3A_58 = arith.constant 3 : index
    %get3A_59 = arith.constant 0 : index
    %get3A_60 = arith.constant 0 : index
    %get3A_61 = vector.load %arg2[%get3A_58, %get3A_59, %get3A_60] : memref<4x128x128xf32, #tpu.memory_space<vmem>>, vector<1x128x128xf32>
    %get3A_62 = vector.shape_cast %get3A_61 : vector<1x128x128xf32> to vector<128x128xf32>
    %dot_general3A_63 = arith.constant dense<0.000000e+00> : vector<2000x128xf32>
    %dot_general3A_64 = tpu.matmul %get3A_1, %get3A_62, %dot_general3A_63 {dimension_numbers = #tpu.dot_dimension_numbers<[1], [1], [0], [0], [0, 0, 1, 0], [], []>, transpose_lhs_hint = false} : vector<2000x128xf32>, vector<128x128xf32>, vector<2000x128xf32> -> vector<2000x128xf32>
    %get3A_65 = arith.constant 3 : index
    %get3A_66 = arith.constant 0 : index
    %get3A_67 = vector.load %arg3[%get3A_65, %get3A_66] : memref<4x128xf32, #tpu.memory_space<vmem>>, vector<1x128xf32>
    %get3A_68 = vector.shape_cast %get3A_67 : vector<1x128xf32> to vector<128xf32>
    %broadcast_in_dim3A_69 = vector.shape_cast %get3A_68 : vector<128xf32> to vector<1x128xf32>
    %add3A_70 = vector.broadcast %broadcast_in_dim3A_69 : vector<1x128xf32> to vector<2000x128xf32>
    %add3A_71 = arith.addf %dot_general3A_64, %add3A_70 : vector<2000x128xf32>
    %swap3A_72 = arith.constant 3 : index
    %swap3A_73 = arith.constant 0 : index
    %swap3A_74 = arith.constant 0 : index
    %swap3A_75 = vector.load %arg4[%swap3A_72, %swap3A_73, %swap3A_74] : memref<4x2000x128xf32, #tpu.memory_space<vmem>>, vector<1x2000x128xf32>
    %swap3A_76 = vector.shape_cast %swap3A_75 : vector<1x2000x128xf32> to vector<2000x128xf32>
    %swap3A_77 = vector.shape_cast %add3A_71 : vector<2000x128xf32> to vector<1x2000x128xf32>
    tpu.vector_store %arg4[%swap3A_72, %swap3A_73, %swap3A_74], %swap3A_77 {strides = array<i32>} : memref<4x2000x128xf32, #tpu.memory_space<vmem>>, vector<1x2000x128xf32>,
    return
  }
  func.func @transform_0(%arg0: i32) -> (i32, i32) {
    %c0_i32 = arith.constant 0 : i32
    %c0_i32_0 = arith.constant 0 : i32
    return %arg0, %c0_i32 : i32, i32
  }
  func.func @transform_1(%arg0: i32) -> (i32, i32, i32) {
    %c0_i32 = arith.constant 0 : i32
    %c0_i32_0 = arith.constant 0 : i32
    %c0_i32_1 = arith.constant 0 : i32
    %c0_i32_2 = arith.constant 0 : i32
    return %c0_i32, %c0_i32_0, %c0_i32_1 : i32, i32, i32
  }
  func.func @transform_2(%arg0: i32) -> (i32, i32) {
    %c0_i32 = arith.constant 0 : i32
    %c0_i32_0 = arith.constant 0 : i32
    %c0_i32_1 = arith.constant 0 : i32
    return %c0_i32, %c0_i32_0 : i32, i32
  }
  func.func @transform_3(%arg0: i32) -> (i32, i32, i32) {
    %c0_i32 = arith.constant 0 : i32
    %c0_i32_0 = arith.constant 0 : i32
    %c0_i32_1 = arith.constant 0 : i32
    return %c0_i32, %arg0, %c0_i32_0 : i32, i32, i32
  }
}

module attributes {stable_mosaic.version = 14 : i64} {
  func.func @body(%arg0: i32, %arg1: memref<1x2000x128xf32, #tpu.memory_space<vmem>>, %arg2: memref<1x2000x128xf32, #tpu.memory_space<vmem>>, %arg3: memref<2000x128xf32, #tpu.memory_space<vmem>>, %arg4: memref<384x128xf32, #tpu.memory_space<vmem>>, %arg5: memref<384x128xf32, #tpu.memory_space<vmem>>, %arg6: memref<384xf32, #tpu.memory_space<vmem>>, %arg7: memref<384xf32, #tpu.memory_space<vmem>>, %arg8: memref<4x128x128xf32, #tpu.memory_space<vmem>>, %arg9: memref<4x128xf32, #tpu.memory_space<vmem>>, %arg10: memref<2000x128xf32, #tpu.memory_space<vmem>>, %arg11: memref<4x2000x128xf32, #tpu.memory_space<vmem>>) attributes {dimension_semantics = [#tpu.dimension_semantics<arbitrary>], iteration_bounds = array<i64: 5>, scalar_prefetch = 0 : i64, scratch_operands = 0 : i64, tpu.core_type = #tpu.core_type<tc>, window_params = [{transform_indices = @transform_0, window_bounds = array<i64: 1, 2000, 128>}, {transform_indices = @transform_1, window_bounds = array<i64: 1, 2000, 128>}, {transform_indices = @transform_2, window_bounds = array<i64: 2000, 128>}, {pipeline_mode = #tpu.pipeline_mode<synchronous>, transform_indices = @transform_3, window_bounds = array<i64: 384, 128>}, {pipeline_mode = #tpu.pipeline_mode<synchronous>, transform_indices = @transform_4, window_bounds = array<i64: 384, 128>}, {pipeline_mode = #tpu.pipeline_mode<synchronous>, transform_indices = @transform_5, window_bounds = array<i64: 384>}, {pipeline_mode = #tpu.pipeline_mode<synchronous>, transform_indices = @transform_6, window_bounds = array<i64: 384>}, {pipeline_mode = #tpu.pipeline_mode<synchronous>, transform_indices = @transform_7, window_bounds = array<i64: 4, 128, 128>}, {pipeline_mode = #tpu.pipeline_mode<synchronous>, transform_indices = @transform_8, window_bounds = array<i64: 4, 128>}, {transform_indices = @transform_9, window_bounds = array<i64: 2000, 128>}, {transform_indices = @transform_10, window_bounds = array<i64: 4, 2000, 128>}]} {
    %get3A = arith.constant 0 : index
    %get3A_0 = arith.constant 0 : index
    %get3A_1 = arith.constant 0 : index
    %get3A_2 = vector.load %arg1[%get3A, %get3A_0, %get3A_1] : memref<1x2000x128xf32, #tpu.memory_space<vmem>>, vector<1x2000x128xf32>
    %get3A_3 = vector.shape_cast %get3A_2 : vector<1x2000x128xf32> to vector<2000x128xf32>
    %get3A_4 = arith.constant 0 : index
    %get3A_5 = arith.constant 0 : index
    %get3A_6 = arith.constant 0 : index
    %get3A_7 = vector.load %arg2[%get3A_4, %get3A_5, %get3A_6] : memref<1x2000x128xf32, #tpu.memory_space<vmem>>, vector<1x2000x128xf32>
    %get3A_8 = vector.shape_cast %get3A_7 : vector<1x2000x128xf32> to vector<2000x128xf32>
    %add3A = arith.addf %get3A_3, %get3A_8 : vector<2000x128xf32>
    %get3A_9 = arith.constant 0 : index
    %get3A_10 = arith.constant 0 : index
    %get3A_11 = vector.load %arg3[%get3A_9, %get3A_10] : memref<2000x128xf32, #tpu.memory_space<vmem>>, vector<2000x128xf32>
    %get3A_12 = arith.constant 0 : index
    %get3A_13 = arith.constant 0 : index
    %get3A_14 = vector.load %arg4[%get3A_12, %get3A_13] : memref<384x128xf32, #tpu.memory_space<vmem>>, vector<384x128xf32>
    %dot_general3A = arith.constant dense<0.000000e+00> : vector<2000x384xf32>
    %dot_general3A_15 = tpu.matmul %add3A, %get3A_14, %dot_general3A {dimension_numbers = #tpu.dot_dimension_numbers<[1], [1], [0], [0], [0, 0, 1, 0], [], []>, transpose_lhs_hint = false} : vector<2000x128xf32>, vector<384x128xf32>, vector<2000x384xf32> -> vector<2000x384xf32>
    %get3A_16 = arith.constant 0 : index
    %get3A_17 = vector.load %arg6[%get3A_16] : memref<384xf32, #tpu.memory_space<vmem>>, vector<384xf32>
    %broadcast_in_dim3A = vector.shape_cast %get3A_17 : vector<384xf32> to vector<1x384xf32>
    %add3A_18 = vector.broadcast %broadcast_in_dim3A : vector<1x384xf32> to vector<2000x384xf32>
    %add3A_19 = arith.addf %dot_general3A_15, %add3A_18 : vector<2000x384xf32>
    %get3A_20 = arith.constant 0 : index
    %get3A_21 = arith.constant 0 : index
    %get3A_22 = vector.load %arg5[%get3A_20, %get3A_21] : memref<384x128xf32, #tpu.memory_space<vmem>>, vector<384x128xf32>
    %dot_general3A_23 = arith.constant dense<0.000000e+00> : vector<2000x384xf32>
    %dot_general3A_24 = tpu.matmul %get3A_11, %get3A_22, %dot_general3A_23 {dimension_numbers = #tpu.dot_dimension_numbers<[1], [1], [0], [0], [0, 0, 1, 0], [], []>, transpose_lhs_hint = false} : vector<2000x128xf32>, vector<384x128xf32>, vector<2000x384xf32> -> vector<2000x384xf32>
    %get3A_25 = arith.constant 0 : index
    %get3A_26 = vector.load %arg7[%get3A_25] : memref<384xf32, #tpu.memory_space<vmem>>, vector<384xf32>
    %broadcast_in_dim3A_27 = vector.shape_cast %get3A_26 : vector<384xf32> to vector<1x384xf32>
    %add3A_28 = vector.broadcast %broadcast_in_dim3A_27 : vector<1x384xf32> to vector<2000x384xf32>
    %add3A_29 = arith.addf %dot_general3A_24, %add3A_28 : vector<2000x384xf32>
    %slice3A = vector.extract_strided_slice %add3A_19 {offsets = [0, 0], sizes = [2000, 128], strides = [1, 1]} : vector<2000x384xf32> to vector<2000x128xf32>
    %slice3A_30 = vector.extract_strided_slice %add3A_29 {offsets = [0, 0], sizes = [2000, 128], strides = [1, 1]} : vector<2000x384xf32> to vector<2000x128xf32>
    %add3A_31 = arith.addf %slice3A, %slice3A_30 : vector<2000x128xf32>
    %logistic3A = arith.negf %add3A_31 : vector<2000x128xf32>
    %logistic3A_32 = math.exp %logistic3A : vector<2000x128xf32>
    %logistic3A_33 = arith.constant 1.000000e+00 : f32
    %logistic3A_34 = vector.broadcast %logistic3A_33 : f32 to vector<2000x128xf32>
    %logistic3A_35 = arith.addf %logistic3A_34, %logistic3A_32 : vector<2000x128xf32>
    %logistic3A_36 = arith.divf %logistic3A_34, %logistic3A_35 : vector<2000x128xf32>
    %slice3A_37 = vector.extract_strided_slice %add3A_19 {offsets = [0, 128], sizes = [2000, 128], strides = [1, 1]} : vector<2000x384xf32> to vector<2000x128xf32>
    %slice3A_38 = vector.extract_strided_slice %add3A_29 {offsets = [0, 128], sizes = [2000, 128], strides = [1, 1]} : vector<2000x384xf32> to vector<2000x128xf32>
    %add3A_39 = arith.addf %slice3A_37, %slice3A_38 : vector<2000x128xf32>
    %logistic3A_40 = arith.negf %add3A_39 : vector<2000x128xf32>
    %logistic3A_41 = math.exp %logistic3A_40 : vector<2000x128xf32>
    %logistic3A_42 = arith.constant 1.000000e+00 : f32
    %logistic3A_43 = vector.broadcast %logistic3A_42 : f32 to vector<2000x128xf32>
    %logistic3A_44 = arith.addf %logistic3A_43, %logistic3A_41 : vector<2000x128xf32>
    %logistic3A_45 = arith.divf %logistic3A_43, %logistic3A_44 : vector<2000x128xf32>
    %slice3A_46 = vector.extract_strided_slice %add3A_19 {offsets = [0, 256], sizes = [2000, 128], strides = [1, 1]} : vector<2000x384xf32> to vector<2000x128xf32>
    %slice3A_47 = vector.extract_strided_slice %add3A_29 {offsets = [0, 256], sizes = [2000, 128], strides = [1, 1]} : vector<2000x384xf32> to vector<2000x128xf32>
    %mul3A = arith.mulf %logistic3A_36, %slice3A_47 : vector<2000x128xf32>
    %add3A_48 = arith.addf %slice3A_46, %mul3A : vector<2000x128xf32>
    %tanh3A = math.tanh %add3A_48 : vector<2000x128xf32>
    %sub3A = arith.constant 1.000000e+00 : f32
    %sub3A_49 = vector.broadcast %sub3A : f32 to vector<2000x128xf32>
    %sub3A_50 = arith.subf %sub3A_49, %logistic3A_45 : vector<2000x128xf32>
    %mul3A_51 = arith.mulf %sub3A_50, %tanh3A : vector<2000x128xf32>
    %mul3A_52 = arith.mulf %logistic3A_45, %get3A_11 : vector<2000x128xf32>
    %add3A_53 = arith.addf %mul3A_51, %mul3A_52 : vector<2000x128xf32>
    %swap3A = arith.constant 0 : index
    %swap3A_54 = arith.constant 0 : index
    %swap3A_55 = vector.load %arg10[%swap3A, %swap3A_54] : memref<2000x128xf32, #tpu.memory_space<vmem>>, vector<2000x128xf32>
    tpu.vector_store %arg10[%swap3A, %swap3A_54], %add3A_53 {strides = array<i32>} : memref<2000x128xf32, #tpu.memory_space<vmem>>, vector<2000x128xf32>,
    %get3A_56 = arith.constant 0 : index
    %get3A_57 = arith.constant 0 : index
    %get3A_58 = arith.constant 0 : index
    %get3A_59 = vector.load %arg8[%get3A_56, %get3A_57, %get3A_58] : memref<4x128x128xf32, #tpu.memory_space<vmem>>, vector<1x128x128xf32>
    %get3A_60 = vector.shape_cast %get3A_59 : vector<1x128x128xf32> to vector<128x128xf32>
    %dot_general3A_61 = arith.constant dense<0.000000e+00> : vector<2000x128xf32>
    %dot_general3A_62 = tpu.matmul %add3A_53, %get3A_60, %dot_general3A_61 {dimension_numbers = #tpu.dot_dimension_numbers<[1], [1], [0], [0], [0, 0, 1, 0], [], []>, transpose_lhs_hint = false} : vector<2000x128xf32>, vector<128x128xf32>, vector<2000x128xf32> -> vector<2000x128xf32>
    %get3A_63 = arith.constant 0 : index
    %get3A_64 = arith.constant 0 : index
    %get3A_65 = vector.load %arg9[%get3A_63, %get3A_64] : memref<4x128xf32, #tpu.memory_space<vmem>>, vector<1x128xf32>
    %get3A_66 = vector.shape_cast %get3A_65 : vector<1x128xf32> to vector<128xf32>
    %broadcast_in_dim3A_67 = vector.shape_cast %get3A_66 : vector<128xf32> to vector<1x128xf32>
    %add3A_68 = vector.broadcast %broadcast_in_dim3A_67 : vector<1x128xf32> to vector<2000x128xf32>
    %add3A_69 = arith.addf %dot_general3A_62, %add3A_68 : vector<2000x128xf32>
    %swap3A_70 = arith.constant 0 : index
    %swap3A_71 = arith.constant 0 : index
    %swap3A_72 = arith.constant 0 : index
    %swap3A_73 = vector.load %arg11[%swap3A_70, %swap3A_71, %swap3A_72] : memref<4x2000x128xf32, #tpu.memory_space<vmem>>, vector<1x2000x128xf32>
    %swap3A_74 = vector.shape_cast %swap3A_73 : vector<1x2000x128xf32> to vector<2000x128xf32>
    %swap3A_75 = vector.shape_cast %add3A_69 : vector<2000x128xf32> to vector<1x2000x128xf32>
    tpu.vector_store %arg11[%swap3A_70, %swap3A_71, %swap3A_72], %swap3A_75 {strides = array<i32>} : memref<4x2000x128xf32, #tpu.memory_space<vmem>>, vector<1x2000x128xf32>,
    %get3A_76 = arith.constant 1 : index
    %get3A_77 = arith.constant 0 : index
    %get3A_78 = arith.constant 0 : index
    %get3A_79 = vector.load %arg8[%get3A_76, %get3A_77, %get3A_78] : memref<4x128x128xf32, #tpu.memory_space<vmem>>, vector<1x128x128xf32>
    %get3A_80 = vector.shape_cast %get3A_79 : vector<1x128x128xf32> to vector<128x128xf32>
    %dot_general3A_81 = arith.constant dense<0.000000e+00> : vector<2000x128xf32>
    %dot_general3A_82 = tpu.matmul %add3A_53, %get3A_80, %dot_general3A_81 {dimension_numbers = #tpu.dot_dimension_numbers<[1], [1], [0], [0], [0, 0, 1, 0], [], []>, transpose_lhs_hint = false} : vector<2000x128xf32>, vector<128x128xf32>, vector<2000x128xf32> -> vector<2000x128xf32>
    %get3A_83 = arith.constant 1 : index
    %get3A_84 = arith.constant 0 : index
    %get3A_85 = vector.load %arg9[%get3A_83, %get3A_84] : memref<4x128xf32, #tpu.memory_space<vmem>>, vector<1x128xf32>
    %get3A_86 = vector.shape_cast %get3A_85 : vector<1x128xf32> to vector<128xf32>
    %broadcast_in_dim3A_87 = vector.shape_cast %get3A_86 : vector<128xf32> to vector<1x128xf32>
    %add3A_88 = vector.broadcast %broadcast_in_dim3A_87 : vector<1x128xf32> to vector<2000x128xf32>
    %add3A_89 = arith.addf %dot_general3A_82, %add3A_88 : vector<2000x128xf32>
    %swap3A_90 = arith.constant 1 : index
    %swap3A_91 = arith.constant 0 : index
    %swap3A_92 = arith.constant 0 : index
    %swap3A_93 = vector.load %arg11[%swap3A_90, %swap3A_91, %swap3A_92] : memref<4x2000x128xf32, #tpu.memory_space<vmem>>, vector<1x2000x128xf32>
    %swap3A_94 = vector.shape_cast %swap3A_93 : vector<1x2000x128xf32> to vector<2000x128xf32>
    %swap3A_95 = vector.shape_cast %add3A_89 : vector<2000x128xf32> to vector<1x2000x128xf32>
    tpu.vector_store %arg11[%swap3A_90, %swap3A_91, %swap3A_92], %swap3A_95 {strides = array<i32>} : memref<4x2000x128xf32, #tpu.memory_space<vmem>>, vector<1x2000x128xf32>,
    %get3A_96 = arith.constant 2 : index
    %get3A_97 = arith.constant 0 : index
    %get3A_98 = arith.constant 0 : index
    %get3A_99 = vector.load %arg8[%get3A_96, %get3A_97, %get3A_98] : memref<4x128x128xf32, #tpu.memory_space<vmem>>, vector<1x128x128xf32>
    %get3A_100 = vector.shape_cast %get3A_99 : vector<1x128x128xf32> to vector<128x128xf32>
    %dot_general3A_101 = arith.constant dense<0.000000e+00> : vector<2000x128xf32>
    %dot_general3A_102 = tpu.matmul %add3A_53, %get3A_100, %dot_general3A_101 {dimension_numbers = #tpu.dot_dimension_numbers<[1], [1], [0], [0], [0, 0, 1, 0], [], []>, transpose_lhs_hint = false} : vector<2000x128xf32>, vector<128x128xf32>, vector<2000x128xf32> -> vector<2000x128xf32>
    %get3A_103 = arith.constant 2 : index
    %get3A_104 = arith.constant 0 : index
    %get3A_105 = vector.load %arg9[%get3A_103, %get3A_104] : memref<4x128xf32, #tpu.memory_space<vmem>>, vector<1x128xf32>
    %get3A_106 = vector.shape_cast %get3A_105 : vector<1x128xf32> to vector<128xf32>
    %broadcast_in_dim3A_107 = vector.shape_cast %get3A_106 : vector<128xf32> to vector<1x128xf32>
    %add3A_108 = vector.broadcast %broadcast_in_dim3A_107 : vector<1x128xf32> to vector<2000x128xf32>
    %add3A_109 = arith.addf %dot_general3A_102, %add3A_108 : vector<2000x128xf32>
    %swap3A_110 = arith.constant 2 : index
    %swap3A_111 = arith.constant 0 : index
    %swap3A_112 = arith.constant 0 : index
    %swap3A_113 = vector.load %arg11[%swap3A_110, %swap3A_111, %swap3A_112] : memref<4x2000x128xf32, #tpu.memory_space<vmem>>, vector<1x2000x128xf32>
    %swap3A_114 = vector.shape_cast %swap3A_113 : vector<1x2000x128xf32> to vector<2000x128xf32>
    %swap3A_115 = vector.shape_cast %add3A_109 : vector<2000x128xf32> to vector<1x2000x128xf32>
    tpu.vector_store %arg11[%swap3A_110, %swap3A_111, %swap3A_112], %swap3A_115 {strides = array<i32>} : memref<4x2000x128xf32, #tpu.memory_space<vmem>>, vector<1x2000x128xf32>,
    %get3A_116 = arith.constant 3 : index
    %get3A_117 = arith.constant 0 : index
    %get3A_118 = arith.constant 0 : index
    %get3A_119 = vector.load %arg8[%get3A_116, %get3A_117, %get3A_118] : memref<4x128x128xf32, #tpu.memory_space<vmem>>, vector<1x128x128xf32>
    %get3A_120 = vector.shape_cast %get3A_119 : vector<1x128x128xf32> to vector<128x128xf32>
    %dot_general3A_121 = arith.constant dense<0.000000e+00> : vector<2000x128xf32>
    %dot_general3A_122 = tpu.matmul %add3A_53, %get3A_120, %dot_general3A_121 {dimension_numbers = #tpu.dot_dimension_numbers<[1], [1], [0], [0], [0, 0, 1, 0], [], []>, transpose_lhs_hint = false} : vector<2000x128xf32>, vector<128x128xf32>, vector<2000x128xf32> -> vector<2000x128xf32>
    %get3A_123 = arith.constant 3 : index
    %get3A_124 = arith.constant 0 : index
    %get3A_125 = vector.load %arg9[%get3A_123, %get3A_124] : memref<4x128xf32, #tpu.memory_space<vmem>>, vector<1x128xf32>
    %get3A_126 = vector.shape_cast %get3A_125 : vector<1x128xf32> to vector<128xf32>
    %broadcast_in_dim3A_127 = vector.shape_cast %get3A_126 : vector<128xf32> to vector<1x128xf32>
    %add3A_128 = vector.broadcast %broadcast_in_dim3A_127 : vector<1x128xf32> to vector<2000x128xf32>
    %add3A_129 = arith.addf %dot_general3A_122, %add3A_128 : vector<2000x128xf32>
    %swap3A_130 = arith.constant 3 : index
    %swap3A_131 = arith.constant 0 : index
    %swap3A_132 = arith.constant 0 : index
    %swap3A_133 = vector.load %arg11[%swap3A_130, %swap3A_131, %swap3A_132] : memref<4x2000x128xf32, #tpu.memory_space<vmem>>, vector<1x2000x128xf32>
    %swap3A_134 = vector.shape_cast %swap3A_133 : vector<1x2000x128xf32> to vector<2000x128xf32>
    %swap3A_135 = vector.shape_cast %add3A_129 : vector<2000x128xf32> to vector<1x2000x128xf32>
    tpu.vector_store %arg11[%swap3A_130, %swap3A_131, %swap3A_132], %swap3A_135 {strides = array<i32>} : memref<4x2000x128xf32, #tpu.memory_space<vmem>>, vector<1x2000x128xf32>,
    return
  }
  func.func @transform_0(%arg0: i32) -> (i32, i32, i32) {
    %c0_i32 = arith.constant 0 : i32
    %c0_i32_0 = arith.constant 0 : i32
    %c0_i32_1 = arith.constant 0 : i32
    return %c0_i32, %arg0, %c0_i32_0 : i32, i32, i32
  }
  func.func @transform_1(%arg0: i32) -> (i32, i32, i32) {
    %c1_i32 = arith.constant 1 : i32
    %c0_i32 = arith.constant 0 : i32
    %c0_i32_0 = arith.constant 0 : i32
    return %c1_i32, %arg0, %c0_i32 : i32, i32, i32
  }
  func.func @transform_2(%arg0: i32) -> (i32, i32) {
    %c0_i32 = arith.constant 0 : i32
    %c0_i32_0 = arith.constant 0 : i32
    return %arg0, %c0_i32 : i32, i32
  }
  func.func @transform_3(%arg0: i32) -> (i32, i32) {
    %c0_i32 = arith.constant 0 : i32
    %c0_i32_0 = arith.constant 0 : i32
    %c0_i32_1 = arith.constant 0 : i32
    return %c0_i32, %c0_i32_0 : i32, i32
  }
  func.func @transform_4(%arg0: i32) -> (i32, i32) {
    %c0_i32 = arith.constant 0 : i32
    %c0_i32_0 = arith.constant 0 : i32
    %c0_i32_1 = arith.constant 0 : i32
    return %c0_i32, %c0_i32_0 : i32, i32
  }
  func.func @transform_5(%arg0: i32) -> i32 {
    %c0_i32 = arith.constant 0 : i32
    %c0_i32_0 = arith.constant 0 : i32
    return %c0_i32 : i32
  }
  func.func @transform_6(%arg0: i32) -> i32 {
    %c0_i32 = arith.constant 0 : i32
    %c0_i32_0 = arith.constant 0 : i32
    return %c0_i32 : i32
  }
  func.func @transform_7(%arg0: i32) -> (i32, i32, i32) {
    %c0_i32 = arith.constant 0 : i32
    %c0_i32_0 = arith.constant 0 : i32
    %c0_i32_1 = arith.constant 0 : i32
    %c0_i32_2 = arith.constant 0 : i32
    return %c0_i32, %c0_i32_0, %c0_i32_1 : i32, i32, i32
  }
  func.func @transform_8(%arg0: i32) -> (i32, i32) {
    %c0_i32 = arith.constant 0 : i32
    %c0_i32_0 = arith.constant 0 : i32
    %c0_i32_1 = arith.constant 0 : i32
    return %c0_i32, %c0_i32_0 : i32, i32
  }
  func.func @transform_9(%arg0: i32) -> (i32, i32) {
    %c0_i32 = arith.constant 0 : i32
    %c0_i32_0 = arith.constant 0 : i32
    return %arg0, %c0_i32 : i32, i32
  }
  func.func @transform_10(%arg0: i32) -> (i32, i32, i32) {
    %c0_i32 = arith.constant 0 : i32
    %c0_i32_0 = arith.constant 0 : i32
    %c0_i32_1 = arith.constant 0 : i32
    return %c0_i32, %arg0, %c0_i32_0 : i32, i32, i32
  }
}

module attributes {stable_mosaic.version = 14 : i64} {
  func.func @body(%arg0: i32, %arg1: memref<1x2000x128xf32, #tpu.memory_space<vmem>>, %arg2: memref<1x2000x128xf32, #tpu.memory_space<vmem>>, %arg3: memref<2000x128xf32, #tpu.memory_space<vmem>>, %arg4: memref<384x128xf32, #tpu.memory_space<vmem>>, %arg5: memref<384x128xf32, #tpu.memory_space<vmem>>, %arg6: memref<384xf32, #tpu.memory_space<vmem>>, %arg7: memref<384xf32, #tpu.memory_space<vmem>>, %arg8: memref<2000x128xf32, #tpu.memory_space<vmem>>, %arg9: memref<2000x256xf32, #tpu.memory_space<vmem>>) attributes {dimension_semantics = [#tpu.dimension_semantics<arbitrary>], iteration_bounds = array<i64: 5>, scalar_prefetch = 0 : i64, scratch_operands = 0 : i64, tpu.core_type = #tpu.core_type<tc>, window_params = [{transform_indices = @transform_0, window_bounds = array<i64: 1, 2000, 128>}, {transform_indices = @transform_1, window_bounds = array<i64: 1, 2000, 128>}, {transform_indices = @transform_2, window_bounds = array<i64: 2000, 128>}, {pipeline_mode = #tpu.pipeline_mode<synchronous>, transform_indices = @transform_3, window_bounds = array<i64: 384, 128>}, {pipeline_mode = #tpu.pipeline_mode<synchronous>, transform_indices = @transform_4, window_bounds = array<i64: 384, 128>}, {pipeline_mode = #tpu.pipeline_mode<synchronous>, transform_indices = @transform_5, window_bounds = array<i64: 384>}, {pipeline_mode = #tpu.pipeline_mode<synchronous>, transform_indices = @transform_6, window_bounds = array<i64: 384>}, {transform_indices = @transform_7, window_bounds = array<i64: 2000, 128>}, {transform_indices = @transform_8, window_bounds = array<i64: 2000, 256>}]} {
    %get3A = arith.constant 0 : index
    %get3A_0 = arith.constant 0 : index
    %get3A_1 = arith.constant 0 : index
    %get3A_2 = vector.load %arg1[%get3A, %get3A_0, %get3A_1] : memref<1x2000x128xf32, #tpu.memory_space<vmem>>, vector<1x2000x128xf32>
    %get3A_3 = vector.shape_cast %get3A_2 : vector<1x2000x128xf32> to vector<2000x128xf32>
    %get3A_4 = arith.constant 0 : index
    %get3A_5 = arith.constant 0 : index
    %get3A_6 = arith.constant 0 : index
    %get3A_7 = vector.load %arg2[%get3A_4, %get3A_5, %get3A_6] : memref<1x2000x128xf32, #tpu.memory_space<vmem>>, vector<1x2000x128xf32>
    %get3A_8 = vector.shape_cast %get3A_7 : vector<1x2000x128xf32> to vector<2000x128xf32>
    %add3A = arith.addf %get3A_3, %get3A_8 : vector<2000x128xf32>
    %get3A_9 = arith.constant 0 : index
    %get3A_10 = arith.constant 0 : index
    %get3A_11 = vector.load %arg3[%get3A_9, %get3A_10] : memref<2000x128xf32, #tpu.memory_space<vmem>>, vector<2000x128xf32>
    %get3A_12 = arith.constant 0 : index
    %get3A_13 = arith.constant 0 : index
    %get3A_14 = vector.load %arg4[%get3A_12, %get3A_13] : memref<384x128xf32, #tpu.memory_space<vmem>>, vector<384x128xf32>
    %dot_general3A = arith.constant dense<0.000000e+00> : vector<2000x384xf32>
    %dot_general3A_15 = tpu.matmul %add3A, %get3A_14, %dot_general3A {dimension_numbers = #tpu.dot_dimension_numbers<[1], [1], [0], [0], [0, 0, 1, 0], [], []>, transpose_lhs_hint = false} : vector<2000x128xf32>, vector<384x128xf32>, vector<2000x384xf32> -> vector<2000x384xf32>
    %get3A_16 = arith.constant 0 : index
    %get3A_17 = vector.load %arg6[%get3A_16] : memref<384xf32, #tpu.memory_space<vmem>>, vector<384xf32>
    %broadcast_in_dim3A = vector.shape_cast %get3A_17 : vector<384xf32> to vector<1x384xf32>
    %add3A_18 = vector.broadcast %broadcast_in_dim3A : vector<1x384xf32> to vector<2000x384xf32>
    %add3A_19 = arith.addf %dot_general3A_15, %add3A_18 : vector<2000x384xf32>
    %get3A_20 = arith.constant 0 : index
    %get3A_21 = arith.constant 0 : index
    %get3A_22 = vector.load %arg5[%get3A_20, %get3A_21] : memref<384x128xf32, #tpu.memory_space<vmem>>, vector<384x128xf32>
    %dot_general3A_23 = arith.constant dense<0.000000e+00> : vector<2000x384xf32>
    %dot_general3A_24 = tpu.matmul %get3A_11, %get3A_22, %dot_general3A_23 {dimension_numbers = #tpu.dot_dimension_numbers<[1], [1], [0], [0], [0, 0, 1, 0], [], []>, transpose_lhs_hint = false} : vector<2000x128xf32>, vector<384x128xf32>, vector<2000x384xf32> -> vector<2000x384xf32>
    %get3A_25 = arith.constant 0 : index
    %get3A_26 = vector.load %arg7[%get3A_25] : memref<384xf32, #tpu.memory_space<vmem>>, vector<384xf32>
    %broadcast_in_dim3A_27 = vector.shape_cast %get3A_26 : vector<384xf32> to vector<1x384xf32>
    %add3A_28 = vector.broadcast %broadcast_in_dim3A_27 : vector<1x384xf32> to vector<2000x384xf32>
    %add3A_29 = arith.addf %dot_general3A_24, %add3A_28 : vector<2000x384xf32>
    %slice3A = vector.extract_strided_slice %add3A_19 {offsets = [0, 0], sizes = [2000, 128], strides = [1, 1]} : vector<2000x384xf32> to vector<2000x128xf32>
    %slice3A_30 = vector.extract_strided_slice %add3A_29 {offsets = [0, 0], sizes = [2000, 128], strides = [1, 1]} : vector<2000x384xf32> to vector<2000x128xf32>
    %add3A_31 = arith.addf %slice3A, %slice3A_30 : vector<2000x128xf32>
    %logistic3A = arith.negf %add3A_31 : vector<2000x128xf32>
    %logistic3A_32 = math.exp %logistic3A : vector<2000x128xf32>
    %logistic3A_33 = arith.constant 1.000000e+00 : f32
    %logistic3A_34 = vector.broadcast %logistic3A_33 : f32 to vector<2000x128xf32>
    %logistic3A_35 = arith.addf %logistic3A_34, %logistic3A_32 : vector<2000x128xf32>
    %logistic3A_36 = arith.divf %logistic3A_34, %logistic3A_35 : vector<2000x128xf32>
    %slice3A_37 = vector.extract_strided_slice %add3A_19 {offsets = [0, 128], sizes = [2000, 128], strides = [1, 1]} : vector<2000x384xf32> to vector<2000x128xf32>
    %slice3A_38 = vector.extract_strided_slice %add3A_29 {offsets = [0, 128], sizes = [2000, 128], strides = [1, 1]} : vector<2000x384xf32> to vector<2000x128xf32>
    %add3A_39 = arith.addf %slice3A_37, %slice3A_38 : vector<2000x128xf32>
    %logistic3A_40 = arith.negf %add3A_39 : vector<2000x128xf32>
    %logistic3A_41 = math.exp %logistic3A_40 : vector<2000x128xf32>
    %logistic3A_42 = arith.constant 1.000000e+00 : f32
    %logistic3A_43 = vector.broadcast %logistic3A_42 : f32 to vector<2000x128xf32>
    %logistic3A_44 = arith.addf %logistic3A_43, %logistic3A_41 : vector<2000x128xf32>
    %logistic3A_45 = arith.divf %logistic3A_43, %logistic3A_44 : vector<2000x128xf32>
    %slice3A_46 = vector.extract_strided_slice %add3A_19 {offsets = [0, 256], sizes = [2000, 128], strides = [1, 1]} : vector<2000x384xf32> to vector<2000x128xf32>
    %slice3A_47 = vector.extract_strided_slice %add3A_29 {offsets = [0, 256], sizes = [2000, 128], strides = [1, 1]} : vector<2000x384xf32> to vector<2000x128xf32>
    %mul3A = arith.mulf %logistic3A_36, %slice3A_47 : vector<2000x128xf32>
    %add3A_48 = arith.addf %slice3A_46, %mul3A : vector<2000x128xf32>
    %tanh3A = math.tanh %add3A_48 : vector<2000x128xf32>
    %sub3A = arith.constant 1.000000e+00 : f32
    %sub3A_49 = vector.broadcast %sub3A : f32 to vector<2000x128xf32>
    %sub3A_50 = arith.subf %sub3A_49, %logistic3A_45 : vector<2000x128xf32>
    %mul3A_51 = arith.mulf %sub3A_50, %tanh3A : vector<2000x128xf32>
    %mul3A_52 = arith.mulf %logistic3A_45, %get3A_11 : vector<2000x128xf32>
    %add3A_53 = arith.addf %mul3A_51, %mul3A_52 : vector<2000x128xf32>
    %swap3A = arith.constant 0 : index
    %swap3A_54 = arith.constant 0 : index
    %swap3A_55 = vector.load %arg9[%swap3A, %swap3A_54] : memref<2000x256xf32, #tpu.memory_space<vmem>>, vector<2000x128xf32>
    tpu.vector_store %arg9[%swap3A, %swap3A_54], %add3A_53 {strides = array<i32>} : memref<2000x256xf32, #tpu.memory_space<vmem>>, vector<2000x128xf32>,
    %get3A_56 = arith.constant 0 : index
    %get3A_57 = arith.constant 0 : index
    %get3A_58 = vector.load %arg8[%get3A_56, %get3A_57] : memref<2000x128xf32, #tpu.memory_space<vmem>>, vector<2000x128xf32>
    %swap3A_59 = arith.constant 0 : index
    %swap3A_60 = arith.constant 128 : index
    %swap3A_61 = vector.load %arg9[%swap3A_59, %swap3A_60] : memref<2000x256xf32, #tpu.memory_space<vmem>>, vector<2000x128xf32>
    tpu.vector_store %arg9[%swap3A_59, %swap3A_60], %get3A_58 {strides = array<i32>} : memref<2000x256xf32, #tpu.memory_space<vmem>>, vector<2000x128xf32>,
    return
  }
  func.func @transform_0(%arg0: i32) -> (i32, i32, i32) {
    %c0_i32 = arith.constant 0 : i32
    %c0_i32_0 = arith.constant 0 : i32
    %c0_i32_1 = arith.constant 0 : i32
    return %c0_i32, %arg0, %c0_i32_0 : i32, i32, i32
  }
  func.func @transform_1(%arg0: i32) -> (i32, i32, i32) {
    %c1_i32 = arith.constant 1 : i32
    %c0_i32 = arith.constant 0 : i32
    %c0_i32_0 = arith.constant 0 : i32
    return %c1_i32, %arg0, %c0_i32 : i32, i32, i32
  }
  func.func @transform_2(%arg0: i32) -> (i32, i32) {
    %c0_i32 = arith.constant 0 : i32
    %c0_i32_0 = arith.constant 0 : i32
    return %arg0, %c0_i32 : i32, i32
  }
  func.func @transform_3(%arg0: i32) -> (i32, i32) {
    %c0_i32 = arith.constant 0 : i32
    %c0_i32_0 = arith.constant 0 : i32
    %c0_i32_1 = arith.constant 0 : i32
    return %c0_i32, %c0_i32_0 : i32, i32
  }
  func.func @transform_4(%arg0: i32) -> (i32, i32) {
    %c0_i32 = arith.constant 0 : i32
    %c0_i32_0 = arith.constant 0 : i32
    %c0_i32_1 = arith.constant 0 : i32
    return %c0_i32, %c0_i32_0 : i32, i32
  }
  func.func @transform_5(%arg0: i32) -> i32 {
    %c0_i32 = arith.constant 0 : i32
    %c0_i32_0 = arith.constant 0 : i32
    return %c0_i32 : i32
  }
  func.func @transform_6(%arg0: i32) -> i32 {
    %c0_i32 = arith.constant 0 : i32
    %c0_i32_0 = arith.constant 0 : i32
    return %c0_i32 : i32
  }
  func.func @transform_7(%arg0: i32) -> (i32, i32) {
    %c0_i32 = arith.constant 0 : i32
    %c0_i32_0 = arith.constant 0 : i32
    return %arg0, %c0_i32 : i32, i32
  }
  func.func @transform_8(%arg0: i32) -> (i32, i32) {
    %c0_i32 = arith.constant 0 : i32
    %c0_i32_0 = arith.constant 0 : i32
    return %arg0, %c0_i32 : i32, i32
  }
}

</mosaic_0001>

<sc_bundles>
// kernel: kernel.15.cloned.1.call-start
scs
__scs_entry_jumppad:
0x0: {  	(pc) =	sbr.rel $0x88, $3  }
0x1: {  	(tag) =	ssettag $0x0;
	lr =	simm.s32 $0x1  }
0x2: {  	[smem:$0x3F98] =	sst lr;
	_ =	strace $0xD0000000  }
0x3: {  	_ = 	snop  }
0x4: {  	_ = 	snop  }
0x5: {  	_ = 	snop  }
0x6: {  	_ = 	snop  }
0x7: {  	_ = 	snop  }
__scs_overlays_trampoline_lowered:
0x8: {  	[smem:$0x3FA7] =	sst s0  }
0x9: {  	[smem:$0x3FA8] =	sst s1  }
0xa: {  	[smem:$0x3FA9] =	sst s2  }
0xb: {  	[smem:$0x3FAA] =	sst s3  }
0xc: {  	[smem:$0x3FAB] =	sst s4  }
0xd: {  	[smem:$0x3FAC] =	sst s5  }
0xe: {  	[smem:$0x3FAD] =	sst s6  }
0xf: {  	[smem:$0x3FAE] =	sst s7  }
0x10: {  	[smem:$0x3FAF] =	sst s8  }
0x11: {  	[smem:$0x3FB0] =	sst s9;
	s0 =	simm.s32 @!p0 $0x0  }
0x12: {  	s1 =	sld [smem:$0x3F96];
	s0 =	simm.s32 @p0 $0x1  }
0x13: {  	[smem:$0x3FB1] =	sst s0;
	s0 =	simm.s32 @!p1 $0x0  }
0x14: {  	s2 =	sld [smem:$0x3F95];
	s0 =	simm.s32 @p1 $0x1  }
0x15: {  	[smem:$0x3FB2] =	sst s0;
	s0 =	simm.s32 @!p2 $0x0  }
0x16: {  	s3 =	sld [smem:$0x3FDB];
	s0 =	simm.s32 @p2 $0x1  }
0x17: {  	s4 =	simm.s32 $0x1BF5;
	[smem:$0x3FB4] =	sst s0  }
0x18: {  	s0 =	sld [smem:$0x3F97];
	_ =	swait.ge [sflag:s4], $0x0  }
0x19: {  	s7 =	sld [smem:$0x3F98]  }
0x1a: {  	s8 =	sadd.s32 $0xFFFFE003, lr  }
0x1b: {  	s9 =	sadd.s32 $0xFFFFFEF7, lr;
	s5 =	simm.s32 $0xFFFFFFFF;
	p2 =	slt.u32 s8, $0xFFFFF086  }
0x1c: {  	p1 =	slt.u32 s9, $0xF7A;
	s5 =	simm.s32 @!p2 $0x0  }
0x1d: {  	s5 =	simm.s32 @p1 $0x1;
	p0 =	seq.s32 s7, s2  }
0x1e: {  	s7 =	smul.u32 @!p0 $0xF7A, s2;
	p2 =	seq.s32 @!p0 s5, $0x0  }
0x1f: {  	s9 =	smul.u32 $0xF7A, s1;
	s8 =	simm.s32 @!p0 $0x1BF5;
	p2 =	por !p2, p0  }
0x20: {  	[sflag:s8] =	ssyncset.s32 @!p0 $0xFFFFF086;
	s6 =	sadd.s32 @!p0 s3, s7;
	s7 =	simm.s32 @!p0 $0x108  }
0x21: {  	s3 =	sadd.s32 s3, s9;
	s6 =	sadd.s32 @!p0 $0x88, s6;
	s7 =	simm.s32 @p2 $0x1082  }
0x22: {  	[simem:s7], [sflag:s8] =	dma.local @!p0 [hbm:s6], $0xF7A  }
0x23: {  	s9 =	sor.u32 $0xD0000000, s2;
	s6 =	simm.s32 $0x108;
	_ =	swait.ge @!p0 [sflag:s8], $0x0  }
0x24: {  	s3 =	sadd.s32 $0x88, s3;
	s6 =	simm.s32 @!p1 $0x1082;
	[sflag:s4] =	ssyncset.s32 $0xFFFFF086  }
0x25: {  	[simem:s6], [sflag:s4] =	dma.local [hbm:s3], $0xF7A  }
0x26: {  	[smem:$0x3F98] =	sst s1;
	(tag) =	ssettag s2;
	_ =	strace s9  }
0x27: {  	s1 =	sld [smem:$0x3FA8]  }
0x28: {  	s2 =	sld [smem:$0x3FA9]  }
0x29: {  	s4 =	sld [smem:$0x3FAB]  }
0x2a: {  	p0 =	seq.s32 s5, $0x0;
	s5 =	sld [smem:$0x3FAC]  }
0x2b: {  	s6 =	sld [smem:$0x3FAD]  }
0x2c: {  	s7 =	sld [smem:$0x3FAE]  }
0x2d: {  	s3 =	simm.s32 $0x108;
	s8 =	sld [smem:$0x3FAF]  }
0x2e: {  	s3 =	simm.s32 @!p0 $0x1082;
	s9 =	sld [smem:$0x3FB0]  }
0x2f: {  	lr =	sadd.s32 s0, s3;
	s0 =	sld [smem:$0x3FA7]  }
0x30: {  	s3 =	sld [smem:$0x3FAA]  }
0x31: {  	[smem:$0x3FB3] =	sst s10  }
0x32: {  	s10 =	sld [smem:$0x3FB1];
	_ =	sdelay $0x3  }
0x33: {  	p0 =	seq.s32 s10, $0x1;
	s10 =	sld [smem:$0x3FB3];
	_ =	sdelay $0x3  }
0x34: {  	[smem:$0x3FB3] =	sst s10  }
0x35: {  	s10 =	sld [smem:$0x3FB2];
	_ =	sdelay $0x3  }
0x36: {  	p1 =	seq.s32 s10, $0x1;
	s10 =	sld [smem:$0x3FB3];
	_ =	sdelay $0x3  }
0x37: {  	[smem:$0x3FB3] =	sst s10  }
0x38: {  	s10 =	sld [smem:$0x3FB4]  }
0x39: {  	_ = 	snop;
	(pc) =	sbr.ind lr, $3  }
0x3a: {  	_ = 	snop  }
0x3b: {  	_ = 	snop  }
0x3c: {  	p2 =	seq.s32 s10, $0x1;
	s10 =	sld [smem:$0x3FB3]  }
0x3d: {  	_ =	shalt  }
0x3e: {  	_ =	shalt  }
0x3f: {  	_ =	shalt  }
0x40: {  	_ =	shalt  }
0x41: {  	_ =	shalt  }
0x42: {  	_ =	shalt  }
0x43: {  	_ =	shalt  }
0x44: {  	_ =	shalt  }
0x45: {  	_ =	shalt  }
0x46: {  	_ =	shalt  }
0x47: {  	_ =	shalt  }
0x48: {  	_ =	shalt  }
0x49: {  	_ =	shalt  }
0x4a: {  	_ =	shalt  }
0x4b: {  	_ =	shalt  }
0x4c: {  	_ =	shalt  }
0x4d: {  	_ =	shalt  }
0x4e: {  	_ =	shalt  }
0x4f: {  	_ =	shalt  }
0x50: {  	_ =	shalt  }
0x51: {  	_ =	shalt  }
0x52: {  	_ =	shalt  }
0x53: {  	_ =	shalt  }
0x54: {  	_ =	shalt  }
0x55: {  	_ =	shalt  }
0x56: {  	_ =	shalt  }
0x57: {  	_ =	shalt  }
0x58: {  	_ =	shalt  }
0x59: {  	_ =	shalt  }
0x5a: {  	_ =	shalt  }
0x5b: {  	_ =	shalt  }
0x5c: {  	_ =	shalt  }
0x5d: {  	_ =	shalt  }
0x5e: {  	_ =	shalt  }
0x5f: {  	_ =	shalt  }
0x60: {  	_ =	shalt  }
0x61: {  	_ =	shalt  }
0x62: {  	_ =	shalt  }
0x63: {  	_ =	shalt  }
0x64: {  	_ =	shalt  }
0x65: {  	_ =	shalt  }
0x66: {  	_ =	shalt  }
0x67: {  	_ =	shalt  }
0x68: {  	_ =	shalt  }
0x69: {  	_ =	shalt  }
0x6a: {  	_ =	shalt  }
0x6b: {  	_ =	shalt  }
0x6c: {  	_ =	shalt  }
0x6d: {  	_ =	shalt  }
0x6e: {  	_ =	shalt  }
0x6f: {  	_ =	shalt  }
0x70: {  	_ =	shalt  }
0x71: {  	_ =	shalt  }
0x72: {  	_ =	shalt  }
0x73: {  	_ =	shalt  }
0x74: {  	_ =	shalt  }
0x75: {  	_ =	shalt  }
0x76: {  	_ =	shalt  }
0x77: {  	_ =	shalt  }
0x78: {  	_ =	shalt  }
0x79: {  	_ =	shalt  }
0x7a: {  	_ =	shalt  }
0x7b: {  	_ =	shalt  }
0x7c: {  	_ =	shalt  }
0x7d: {  	_ =	shalt  }
0x7e: {  	_ =	shalt  }
0x7f: {  	_ =	shalt  }
0x80: {  	_ =	shalt  }
0x81: {  	_ =	shalt  }
0x82: {  	_ =	shalt  }
0x83: {  	_ =	shalt  }
0x84: {  	_ =	shalt  }
0x85: {  	_ =	shalt  }
0x86: {  	_ =	shalt  }
0x87: {  	_ =	shalt  }
.Lfunc_end0:
.L_simem_size_0:
called_computation_lowered:
.L_overlay_start_0:
0x88: {  	s2 =	sld [smem:$0x3FD9]  }
0x89: {  	s3 =	sld [smem:$0x3FFE];
	_ =	sdelay $0x1  }
0x8a: {  	s1 =	srdreg.scid  }
0x8b: {  	s0 =	sand.u32 $0x1, s1  }
0x8c: {  	s17 =	sshll.u32 s0, $0xA;
	s2 =	sadd.s32 s3, s2  }
0x8d: {  	s2 =	sadd.s32 s2, s17  }
0x8e: {  	[smem:$0x3FBF] =	sst s2  }
0x8f: {  	_ = 	snop  }
0x90: {  	s2 =	sld [smem:$0x3FD0];
	(tm) =	ssettm $0x1  }
0x91: {  	s18 =	sld [smem:$0x3FFB];
	_ =	sdelay $0x3  }
0x92: {  	_ =	strace s18  }
0x93: {  	s3 =	sld [smem:$0x3FFC];
	_ =	sdelay $0x3  }
0x94: {  	_ =	strace s3  }
0x95: {  	s3 =	sld [smem:$0x3FFD];
	_ =	sdelay $0x3  }
0x96: {  	_ =	strace s3  }
0x97: {  	_ =	strace $0x8FFFFFFF  }
0x98: {  	s19 =	sld [smem:$0x3FDB];
	_ =	sdelay $0x1  }
0x99: {  	s4 =	simm.s32 $_scs_section_size  }
0x9a: {  	s5 =	simm.s32 $_size__tile_overlayer_lowered;
	s6 =	simm.s32 $_tile_overlayer_lowered  }
0x9b: {  	s22 =	simm.s32 $0x1BFF;
	s21 =	sshll.u32 s6, $0x1;
	s3 =	sadd.s32 s4, s19  }
0x9c: {  	s7 =	simm.s32 $0x0;
	s20 =	sshll.u32 s5, $0x1;
	s5 =	sadd.s32 s21, s3  }
0x9d: {  	[timem:s7], [sflag:s22] =	dma.local [hbm:s5], s20  }
0x9e: {  	_ =	swait.ge [sflag:s22], s20  }
0x9f: {  	s4 =	ssub.s32 $0x0, s20;
	[sflag:s22] =	ssyncset.done $0x0  }
0xa0: {  	[sflag:s22] =	ssyncadd.s32 s4;
	_ =	sdelay $0x1  }
0xa1: {  	s23 =	simm.s32 $0x1B8B  }
0xa2: {  	_ =	swait.ge [sflag:s23], $0x1  }
0xa3: {  	[sflag:s23] =	ssyncset.done $0x0  }
0xa4: {  	s25 =	simm.s32 $0x1B8E;
	s24 =	sld [smem:$0x3FFE];
	[sflag:s23] =	ssyncadd.s32 $0xFFFFFFFF  }
0xa5: {  	s26 =	simm.s32 $execute0_lowered;
	[smem:$0x3FD2] =	sst s25  }
0xa6: {  	s5 =	sshll.u32 s26, $0x1;
	_ =	strace $0x80000046;
	[dreg:$0x1] =	wrdreg $0xFFFFFFFF  }
0xa7: {  	s28 =	simm.s32 $_size_execute0_lowered;
	s3 =	sadd.s32 s3, s5;
	[dreg:$0x0] =	wrdreg $0x0  }
0xa8: {  	s5 =	sshll.u32 s28, $0x1;
	[dreg:$0x2] =	wrdreg s3  }
0xa9: {  	[dreg:$0x3] =	wrdreg s5  }
0xaa: {  	[dreg:$0x4] =	wrdreg $0xC0  }
0xab: {  	_ =	task [dreg:s7], $0x5FFFF  }
0xac: {  	[dreg:$0x1] =	wrdreg $0xFFFFFFFF  }
0xad: {  	[dreg:$0x0] =	wrdreg $0x60  }
0xae: {  	[dreg:$0x2] =	wrdreg s24  }
0xaf: {  	[dreg:$0x3] =	wrdreg s2  }
0xb0: {  	[dreg:$0x4] =	wrdreg $0xA8000  }
0xb1: {  	[dreg:$0x5] =	wrdreg $0x9  }
0xb2: {  	_ =	task.clear_ibuf [dreg:s7], $0x6FFFF;
	_ =	strace $0x90000046  }
0xb3: {  	s29 =	simm.s32 $0x9;
	_ =	strace $0x80000048  }
0xb4: {  	_ =	swait.ge [sflag:s29], $0x1  }
0xb5: {  	[sflag:s29] =	ssyncadd.s32 $0xFFFFFFFF  }
0xb6: {  	_ =	strace $0x90000048  }
0xb7: {  	_ =	sfence  }
0xb8: {  	s30 =	sld [smem:$0x0];
	_ =	sdelay $0x2  }
0xb9: {  	s31 =	sshll.u32 s1, $0xD;
	s1 =	sshrl.u32 s1, $0x2  }
0xba: {  	s3 =	sand.u32 $0x4000, s31;
	s1 =	sadd.s32 s1, s30  }
0xbb: {  	s0 =	sor.u32 s3, s0;
	s1 =	sshll.u32 s1, $0x11  }
0xbc: {  	s0 =	sor.u32 s1, s0  }
0xbd: {  	s0 =	sadd.s32 $0x8F2B, s0  }
0xbe: {  	[sflag:s0] =	ssyncadd.remote.s32 $0x1  }
0xbf: {  	_ =	sfence.sel $0xFFFF  }
0xc0: {  	[dreg:$0x0] =	wrdreg $0xFFFFFFFF;
	(pc) =	sbr.abs _section_cstart, $3  }
0xc1: {  	[dreg:$0x1] =	wrdreg $0xFFFFFFFF  }
0xc2: {  	_ =	task.clear_ibuf [dreg:s7], $0x2FFFF;
	_ =	strace $0x9FFFFFFF  }
0xc3: {  	(tm) =	ssettm $0x7FFFFFFF  }
tec
execute0_lowered:
.L_overlay_start_1:
0x0: {  	(tag) =	ssettag $0x1  }
0x1: {  	s5 =	rddreg [dreg:$0x0]  }
0x2: {  	s6 =	rddreg [dreg:$0x1]  }
0x3: {  	s2 =	rddreg [dreg:$0x2]  }
0x4: {  	s0 =	rddreg [dreg:$0x3];
	s3 =	simm.s32 $0x0;
	s4 =	srdreg.scid  }
0x5: {  	s1 =	stileid.u32;
	s17 =	simm.s32 $0x2800;
	s18 =	simm.s32 $0x6800  }
0x6: {  	s19 =	simm.s32 $0x1;
	s20 =	simm.s32 $0x2;
	s21 =	simm.s32 $0x1380  }
0x7: {  	s22 =	simm.s32 $0x2700;
	s23 =	simm.s32 $0x2780;
	s24 =	simm.s32 $0x0  }
0x8: {  	[smem:$0x7FF] =	sst s3;
	s7 =	sand.u32 $0x1, s4;
	s8 =	smul.u32 $0x13C00, s1  }
0x9: {  	s4 =	sadd.s32 $0x18400, s5;
	s10 =	sadd.s32 $0xE400, s5;
	s11 =	sadd.s32 $0x4400, s5  }
0xa: {  	s12 =	smul.u32 $0x4F000, s1;
	s29 =	sshll.u32 s1, $0x6;
	_ =	strace $0x80000047  }
0xb: {  	s9 =	smul.u32 $0x13C000, s7;
	s13 =	sshll.u32 s7, $0x4;
	s7 =	ssub.s32 $0x2, s7  }
0xc: {  	s13 =	sor.u32 s1, s13;
	s14 =	sshrl.u32 s7, $0x1;
	s12 =	sshrl.u32 s12, $0x2  }
0xd: {  	s28 =	sshrl.u32 s8, $0x3;
	s9 =	sadd.s32 s8, s9;
	s13 =	smul.u32 $0x2800, s13  }
0xe: {  	s14 =	ssub.s32 s7, s14;
	s16 =	sadd.s32 s12, s2;
	s9 =	sshrl.u32 s9, $0x3  }
0xf: {  	s12 =	smax.u32 s14, $0x1;
	s14 =	simm.s32 $0x3;
	s15 =	sadd.s32 s9, s5  }
0x10: {  	s30 =	sshrl.u32 s13, $0x3;
	s5 =	sadd.s32 s6, s28;
	s6 =	sor.u32 $0x1C03, s29  }
0x11: {  	s13 =	sshrl.u32 s16, $0x3;
	s16 =	simm.s32 $0x80;
	s31 =	sadd.s32 $0x280, s30  }
0x12: {  	s7 =	sadd.s32 s10, s30;
	s8 =	sadd.s32 s11, s30;
	s9 =	sadd.s32 s10, s31  }
0x13: {  	s10 =	sadd.s32 s11, s31;
	s11 =	sadd.s32 $0xB4800, s15;
	s15 =	simm.s32 $0x1400  }
.LBB2_1:
0x14: {  	[spmem:s13], [sflag:s6] =	dma.local [hbm:s5], $0x2780  }
0x15: {  	_ =	swait.ge [sflag:s14], $0x2780  }
0x16: {  	[sflag:s14] =	ssyncset.done $0x0  }
0x17: {  	[sflag:s14] =	ssyncadd.s32 $0xFFFFD880  }
0x18: {  	[bflag:$0x0] =	sbarrier.arrive $0xFFFF  }
0x19: {  	[tilespmem:s3], [sflag:$0x3] =	stream.linear.gather [hbm4b:s7+s3], $0x1400, $0x38;
	[tilespmem:$0x1E400] =	vst v63  }
0x1a: {  	_ =	swait.ge [sflag:s14], $0x1400  }
0x1b: {  	[sflag:s14] =	ssyncset.done $0x0  }
0x1c: {  	[sflag:s14] =	ssyncadd.s32 $0xFFFFEC00  }
0x1d: {  	[tilespmem:s15], [sflag:$0x3] =	stream.linear.gather [hbm4b:s8+s3], $0x1400, $0x38;
	[tilespmem:$0x1E400] =	vst v63  }
0x1e: {  	_ =	swait.ge [sflag:s14], $0x1400  }
0x1f: {  	[sflag:s14] =	ssyncset.done $0x0  }
0x20: {  	[sflag:s14] =	ssyncadd.s32 $0xFFFFEC00  }
0x21: {  	[tilespmem:s17], [sflag:$0x1] =	stream.indirect.gather [hbm4b:s4+s16], $0x80, s3, s16, $0xb8;
	[tilespmem:$0x1E400] =	vst v63  }
0x22: {  	s25 =	simm.s32 $0x80  }
0x23: {  	[tilespmem:s18], [sflag:$0x2] =	stream.indirect.gather [hbm4b:s4+s16], $0x80, s25, s16, $0xb8;
	[tilespmem:$0x1E400] =	vst v63  }
0x24: {  	_ =	swait.ge [sflag:s19], $0x4000  }
0x25: {  	[sflag:s19] =	ssyncset.done $0x0  }
0x26: {  	s29 =	simm.s32 $0x1400;
	[sflag:s19] =	ssyncadd.s32 $0xFFFFC000  }
0x27: {  	[spmem:s2] =	stream.indirect.scatter.add.f32 [tilespmem:s17], [sflag:$0x3], $0x80, s29, s16, $0xb8;
	[tilespmem:$0x1E400] =	vst v63  }
0x28: {  	_ =	swait.ge [sflag:s14], $0x4000  }
0x29: {  	[sflag:s14] =	ssyncset.done $0x0  }
0x2a: {  	s30 =	simm.s32 $0x100;
	[sflag:s14] =	ssyncadd.s32 $0xFFFFC000  }
0x2b: {  	[tilespmem:s17], [sflag:$0x1] =	stream.indirect.gather [hbm4b:s4+s16], $0x80, s30, s16, $0xb8;
	[tilespmem:$0x1E400] =	vst v63  }
0x2c: {  	_ =	swait.ge [sflag:s20], $0x4000  }
0x2d: {  	[sflag:s20] =	ssyncset.done $0x0  }
0x2e: {  	s31 =	simm.s32 $0x1480;
	[sflag:s20] =	ssyncadd.s32 $0xFFFFC000  }
0x2f: {  	[spmem:s2] =	stream.indirect.scatter.add.f32 [tilespmem:s18], [sflag:$0x3], $0x80, s31, s16, $0xb8;
	[tilespmem:$0x1E400] =	vst v63  }
0x30: {  	_ =	swait.ge [sflag:s14], $0x4000  }
0x31: {  	s26 =	simm.s32 $0x800;
	s25 =	simm.s32 $0x100;
	[sflag:s14] =	ssyncset.done $0x0  }
.LBB2_2:
0x32: {  	s28 =	sadd.s32 $0x80, s25  }
0x33: {  	[sflag:s14] =	ssyncadd.s32 $0xFFFFC000;
	s29 =	smov.u32 s26;
	s30 =	sadd.s32 $0x400, s26  }
0x34: {  	[tilespmem:s18], [sflag:$0x2] =	stream.indirect.gather [hbm4b:s4+s16], $0x80, s28, s16, $0xb8;
	[tilespmem:$0x1E400] =	vst v63  }
0x35: {  	p0 =	sne.s32 s26, $0x4800;
	_ =	swait.ge [sflag:s19], $0x4000  }
0x36: {  	[sflag:s19] =	ssyncset.done $0x0  }
0x37: {  	s26 =	sadd.s32 $0x1400, s25;
	[sflag:s19] =	ssyncadd.s32 $0xFFFFC000  }
0x38: {  	[spmem:s2] =	stream.indirect.scatter.add.f32 [tilespmem:s17], [sflag:$0x3], $0x80, s26, s16, $0xb8;
	[tilespmem:$0x1E400] =	vst v63  }
0x39: {  	_ =	swait.ge [sflag:s14], $0x4000  }
0x3a: {  	[sflag:s14] =	ssyncset.done $0x0  }
0x3b: {  	s26 =	sadd.s32 $0x100, s25;
	[sflag:s14] =	ssyncadd.s32 $0xFFFFC000  }
0x3c: {  	[tilespmem:s17], [sflag:$0x1] =	stream.indirect.gather [hbm4b:s4+s16], $0x80, s26, s16, $0xb8;
	[tilespmem:$0x1E400] =	vst v63  }
0x3d: {  	_ =	swait.ge [sflag:s20], $0x4000  }
.Ltmp0:
0x3e: {  	[sflag:s20] =	ssyncset.done $0x0;
	(pc) =	sbr.rel @p0 .LBB2_2-.Ltmp0, $4  }
0x3f: {  	s25 =	sadd.s32 $0x1480, s25;
	[sflag:s20] =	ssyncadd.s32 $0xFFFFC000  }
0x40: {  	[spmem:s2] =	stream.indirect.scatter.add.f32 [tilespmem:s18], [sflag:$0x3], $0x80, s25, s16, $0xb8;
	[tilespmem:$0x1E400] =	vst v63  }
0x41: {  	_ =	swait.ge [sflag:s14], $0x4000  }
0x42: {  	s26 =	smov.u32 s30;
	s25 =	sshra.s32 s29, $0x2;
	[sflag:s14] =	ssyncset.done $0x0  }
0x43: {  	s26 =	sadd.s32 $0x80, s25;
	[sflag:s14] =	ssyncadd.s32 $0xFFFFC000  }
0x44: {  	[tilespmem:s18], [sflag:$0x2] =	stream.indirect.gather [hbm4b:s4+s16], $0x80, s26, s16, $0xb8;
	[tilespmem:$0x1E400] =	vst v63  }
0x45: {  	_ =	swait.ge [sflag:s19], $0x4000  }
0x46: {  	[sflag:s19] =	ssyncset.done $0x0  }
0x47: {  	s29 =	sadd.s32 $0x1400, s25;
	[sflag:s19] =	ssyncadd.s32 $0xFFFFC000  }
0x48: {  	[spmem:s2] =	stream.indirect.scatter.add.f32 [tilespmem:s17], [sflag:$0x3], $0x80, s29, s16, $0xb8;
	[tilespmem:$0x1E400] =	vst v63  }
0x49: {  	_ =	swait.ge [sflag:s14], $0x4000  }
0x4a: {  	[sflag:s14] =	ssyncset.done $0x0  }
0x4b: {  	s30 =	sadd.s32 $0x100, s25;
	[sflag:s14] =	ssyncadd.s32 $0xFFFFC000  }
0x4c: {  	[tilespmem:s17], [sflag:$0x1] =	stream.indirect.gather [hbm4b:s4+s16], $0x80, s30, s16, $0xb8;
	[tilespmem:$0x1E400] =	vst v63  }
0x4d: {  	_ =	swait.ge [sflag:s20], $0x4000  }
0x4e: {  	[sflag:s20] =	ssyncset.done $0x0  }
0x4f: {  	s31 =	sadd.s32 $0x1480, s25;
	[sflag:s20] =	ssyncadd.s32 $0xFFFFC000  }
0x50: {  	[spmem:s2] =	stream.indirect.scatter.add.f32 [tilespmem:s18], [sflag:$0x3], $0x80, s31, s16, $0xb8;
	[tilespmem:$0x1E400] =	vst v63  }
0x51: {  	_ =	swait.ge [sflag:s14], $0x4000  }
0x52: {  	[sflag:s14] =	ssyncset.done $0x0  }
0x53: {  	[sflag:s14] =	ssyncadd.s32 $0xFFFFC000  }
0x54: {  	[tilespmem:s18], [sflag:$0x2] =	stream.indirect.gather [hbm4b:s4+s16], $0x80, s21, s16, $0xb8;
	[tilespmem:$0x1E400] =	vst v63  }
0x55: {  	_ =	swait.ge [sflag:s19], $0x4000  }
0x56: {  	[sflag:s19] =	ssyncset.done $0x0  }
0x57: {  	[sflag:s19] =	ssyncadd.s32 $0xFFFFC000  }
0x58: {  	[spmem:s2] =	stream.indirect.scatter.add.f32 [tilespmem:s17], [sflag:$0x3], $0x80, s22, s16, $0xb8;
	[tilespmem:$0x1E400] =	vst v63  }
0x59: {  	_ =	swait.ge [sflag:s14], $0x4000  }
0x5a: {  	[sflag:s14] =	ssyncset.done $0x0  }
0x5b: {  	[sflag:s14] =	ssyncadd.s32 $0xFFFFC000  }
0x5c: {  	_ =	swait.ge [sflag:s20], $0x4000  }
0x5d: {  	[sflag:s20] =	ssyncset.done $0x0  }
0x5e: {  	[sflag:s20] =	ssyncadd.s32 $0xFFFFC000  }
0x5f: {  	[spmem:s2] =	stream.indirect.scatter.add.f32 [tilespmem:s18], [sflag:$0x3], $0x80, s23, s16, $0xb8;
	[tilespmem:$0x1E400] =	vst v63  }
0x60: {  	_ =	swait.ge [sflag:s14], $0x4000  }
0x61: {  	[sflag:s14] =	ssyncset.done $0x0  }
0x62: {  	s26 =	simm.s32 $0x0;
	[sflag:s14] =	ssyncadd.s32 $0xFFFFC000  }
0x63: {  	[tilespmem:s26], [sflag:$0x3] =	stream.linear.gather [hbm4b:s9+s26], $0x1400, $0x38;
	[tilespmem:$0x1E400] =	vst v63  }
0x64: {  	_ =	swait.ge [sflag:s14], $0x1400  }
0x65: {  	[sflag:s14] =	ssyncset.done $0x0  }
0x66: {  	[sflag:s14] =	ssyncadd.s32 $0xFFFFEC00  }
0x67: {  	[tilespmem:s15], [sflag:$0x3] =	stream.linear.gather [hbm4b:s10+s26], $0x1400, $0x38;
	[tilespmem:$0x1E400] =	vst v63  }
0x68: {  	_ =	swait.ge [sflag:s14], $0x1400  }
0x69: {  	[sflag:s14] =	ssyncset.done $0x0  }
0x6a: {  	[sflag:s14] =	ssyncadd.s32 $0xFFFFEC00  }
0x6b: {  	[tilespmem:s17], [sflag:$0x1] =	stream.indirect.gather [hbm4b:s4+s16], $0x80, s26, s16, $0xb8;
	[tilespmem:$0x1E400] =	vst v63  }
0x6c: {  	s28 =	simm.s32 $0x80  }
0x6d: {  	[tilespmem:s18], [sflag:$0x2] =	stream.indirect.gather [hbm4b:s4+s16], $0x80, s28, s16, $0xb8;
	[tilespmem:$0x1E400] =	vst v63  }
0x6e: {  	_ =	swait.ge [sflag:s19], $0x4000  }
0x6f: {  	[sflag:s19] =	ssyncset.done $0x0  }
0x70: {  	s29 =	simm.s32 $0x1400;
	[sflag:s19] =	ssyncadd.s32 $0xFFFFC000  }
0x71: {  	[spmem:s2] =	stream.indirect.scatter.add.f32 [tilespmem:s17], [sflag:$0x3], $0x80, s29, s16, $0xb8;
	[tilespmem:$0x1E400] =	vst v63  }
0x72: {  	_ =	swait.ge [sflag:s14], $0x4000  }
0x73: {  	[sflag:s14] =	ssyncset.done $0x0  }
0x74: {  	s30 =	simm.s32 $0x100;
	[sflag:s14] =	ssyncadd.s32 $0xFFFFC000  }
0x75: {  	[tilespmem:s17], [sflag:$0x1] =	stream.indirect.gather [hbm4b:s4+s16], $0x80, s30, s16, $0xb8;
	[tilespmem:$0x1E400] =	vst v63  }
0x76: {  	_ =	swait.ge [sflag:s20], $0x4000  }
0x77: {  	[sflag:s20] =	ssyncset.done $0x0  }
0x78: {  	s31 =	simm.s32 $0x1480;
	[sflag:s20] =	ssyncadd.s32 $0xFFFFC000  }
0x79: {  	[spmem:s2] =	stream.indirect.scatter.add.f32 [tilespmem:s18], [sflag:$0x3], $0x80, s31, s16, $0xb8;
	[tilespmem:$0x1E400] =	vst v63  }
0x7a: {  	_ =	swait.ge [sflag:s14], $0x4000  }
0x7b: {  	s25 =	simm.s32 $0x100;
	s26 =	simm.s32 $0x800;
	[sflag:s14] =	ssyncset.done $0x0  }
.LBB2_4:
0x7c: {  	s28 =	sadd.s32 $0x80, s25  }
0x7d: {  	[sflag:s14] =	ssyncadd.s32 $0xFFFFC000;
	s29 =	smov.u32 s26;
	s30 =	sadd.s32 $0x400, s26  }
0x7e: {  	[tilespmem:s18], [sflag:$0x2] =	stream.indirect.gather [hbm4b:s4+s16], $0x80, s28, s16, $0xb8;
	[tilespmem:$0x1E400] =	vst v63  }
0x7f: {  	p0 =	sne.s32 s26, $0x4800;
	_ =	swait.ge [sflag:s19], $0x4000  }
0x80: {  	[sflag:s19] =	ssyncset.done $0x0  }
0x81: {  	s26 =	sadd.s32 $0x1400, s25;
	[sflag:s19] =	ssyncadd.s32 $0xFFFFC000  }
0x82: {  	[spmem:s2] =	stream.indirect.scatter.add.f32 [tilespmem:s17], [sflag:$0x3], $0x80, s26, s16, $0xb8;
	[tilespmem:$0x1E400] =	vst v63  }
0x83: {  	_ =	swait.ge [sflag:s14], $0x4000  }
0x84: {  	[sflag:s14] =	ssyncset.done $0x0  }
0x85: {  	s26 =	sadd.s32 $0x100, s25;
	[sflag:s14] =	ssyncadd.s32 $0xFFFFC000  }
0x86: {  	[tilespmem:s17], [sflag:$0x1] =	stream.indirect.gather [hbm4b:s4+s16], $0x80, s26, s16, $0xb8;
	[tilespmem:$0x1E400] =	vst v63  }
0x87: {  	_ =	swait.ge [sflag:s20], $0x4000  }
.Ltmp1:
0x88: {  	[sflag:s20] =	ssyncset.done $0x0;
	(pc) =	sbr.rel @p0 .LBB2_4-.Ltmp1, $4  }
0x89: {  	s25 =	sadd.s32 $0x1480, s25;
	[sflag:s20] =	ssyncadd.s32 $0xFFFFC000  }
0x8a: {  	[spmem:s2] =	stream.indirect.scatter.add.f32 [tilespmem:s18], [sflag:$0x3], $0x80, s25, s16, $0xb8;
	[tilespmem:$0x1E400] =	vst v63  }
0x8b: {  	_ =	swait.ge [sflag:s14], $0x4000  }
0x8c: {  	s26 =	smov.u32 s30;
	s25 =	sshra.s32 s29, $0x2;
	[sflag:s14] =	ssyncset.done $0x0  }
0x8d: {  	s26 =	sadd.s32 $0x80, s25;
	[sflag:s14] =	ssyncadd.s32 $0xFFFFC000  }
0x8e: {  	[tilespmem:s18], [sflag:$0x2] =	stream.indirect.gather [hbm4b:s4+s16], $0x80, s26, s16, $0xb8;
	[tilespmem:$0x1E400] =	vst v63  }
0x8f: {  	_ =	swait.ge [sflag:s19], $0x4000  }
0x90: {  	[sflag:s19] =	ssyncset.done $0x0  }
0x91: {  	s29 =	sadd.s32 $0x1400, s25;
	[sflag:s19] =	ssyncadd.s32 $0xFFFFC000  }
0x92: {  	[spmem:s2] =	stream.indirect.scatter.add.f32 [tilespmem:s17], [sflag:$0x3], $0x80, s29, s16, $0xb8;
	[tilespmem:$0x1E400] =	vst v63  }
0x93: {  	_ =	swait.ge [sflag:s14], $0x4000  }
0x94: {  	[sflag:s14] =	ssyncset.done $0x0  }
0x95: {  	s30 =	sadd.s32 $0x100, s25;
	[sflag:s14] =	ssyncadd.s32 $0xFFFFC000  }
0x96: {  	[tilespmem:s17], [sflag:$0x1] =	stream.indirect.gather [hbm4b:s4+s16], $0x80, s30, s16, $0xb8;
	[tilespmem:$0x1E400] =	vst v63  }
0x97: {  	_ =	swait.ge [sflag:s20], $0x4000  }
0x98: {  	[sflag:s20] =	ssyncset.done $0x0  }
0x99: {  	s31 =	sadd.s32 $0x1480, s25;
	[sflag:s20] =	ssyncadd.s32 $0xFFFFC000  }
0x9a: {  	[spmem:s2] =	stream.indirect.scatter.add.f32 [tilespmem:s18], [sflag:$0x3], $0x80, s31, s16, $0xb8;
	[tilespmem:$0x1E400] =	vst v63  }
0x9b: {  	_ =	swait.ge [sflag:s14], $0x4000  }
0x9c: {  	[sflag:s14] =	ssyncset.done $0x0  }
0x9d: {  	[sflag:s14] =	ssyncadd.s32 $0xFFFFC000  }
0x9e: {  	[tilespmem:s18], [sflag:$0x2] =	stream.indirect.gather [hbm4b:s4+s16], $0x80, s21, s16, $0xb8;
	[tilespmem:$0x1E400] =	vst v63  }
0x9f: {  	_ =	swait.ge [sflag:s19], $0x4000  }
0xa0: {  	[sflag:s19] =	ssyncset.done $0x0  }
0xa1: {  	[sflag:s19] =	ssyncadd.s32 $0xFFFFC000  }
0xa2: {  	[spmem:s2] =	stream.indirect.scatter.add.f32 [tilespmem:s17], [sflag:$0x3], $0x80, s22, s16, $0xb8;
	[tilespmem:$0x1E400] =	vst v63  }
0xa3: {  	_ =	swait.ge [sflag:s14], $0x4000  }
0xa4: {  	[sflag:s14] =	ssyncset.done $0x0  }
0xa5: {  	[sflag:s14] =	ssyncadd.s32 $0xFFFFC000  }
0xa6: {  	_ =	swait.ge [sflag:s20], $0x4000  }
0xa7: {  	[sflag:s20] =	ssyncset.done $0x0  }
0xa8: {  	[sflag:s20] =	ssyncadd.s32 $0xFFFFC000  }
0xa9: {  	[spmem:s2] =	stream.indirect.scatter.add.f32 [tilespmem:s18], [sflag:$0x3], $0x80, s23, s16, $0xb8;
	[tilespmem:$0x1E400] =	vst v63  }
0xaa: {  	_ =	swait.ge [sflag:s14], $0x4000  }
0xab: {  	s24 =	sadd.s32 $0x1, s24;
	[sflag:s14] =	ssyncset.done $0x0  }
0xac: {  	p0 =	sne.s32 s24, s12;
	[sflag:s14] =	ssyncadd.s32 $0xFFFFC000  }
.Ltmp2:
0xad: {  	[bflag:$0x0] =	sbarrier.arrive $0xFFFF;
	(pc) =	sbr.rel @p0 .LBB2_1-.Ltmp2, $4  }
0xae: {  	[hbm:s11], [sflag:s6] =	dma.local [spmem:s13], $0x2780  }
0xaf: {  	_ =	swait.ge [sflag:s14], $0x2780  }
0xb0: {  	[sflag:s14] =	ssyncset.done $0x0  }
0xb1: {  	[sflag:s14] =	ssyncadd.s32 $0xFFFFD880  }
0xb2: {  	_ =	sfence.sel $0x180000  }
0xb3: {  	[bflag:$0x0] =	sbarrier.arrive $0xFFFF  }
0xb4: {  	p0 =	sne.s32 s1, $0x0;
	_ =	strace $0x90000047  }
0xb5: {  	s0 =	sadd.s32 @!p0 $0x100000, s0;
	[bflag:$0x2] =	sbarrier.arrive $0xFFFF  }
0xb6: {  	[sflag:s0] =	ssyncadd.tile.s32 @!p0 $0x1;
	_ =	shalt  }
.Lfunc_end2:
_tile_overlayer_lowered:
.L_overlay_start_2:
0xb7: {  	(tag) =	ssettag $0x2  }
0xb8: {  	s0 =	rddreg [dreg:$0x0];
	s2 =	stileid.u32  }
0xb9: {  	s1 =	rddreg [dreg:$0x1];
	p0 =	sne.s32 s2, $0x0  }
0xba: {  	s3 =	rddreg [dreg:$0x2];
	[bflag:$0x3] =	sbarrier.arrive $0xFFFF;
	s2 =	simm.s32 @!p0 $0x1C03  }
0xbb: {  	[timem:s3], [sflag:s2] =	dma.local @!p0 [hbm:s0], s1  }
0xbc: {  	s0 =	simm.s32 @!p0 $0x3  }
0xbd: {  	_ =	swait.ge @!p0 [sflag:s0], s1  }
0xbe: {  	s1 =	ssub.s32 @!p0 $0x0, s1;
	[sflag:s0] =	ssyncset.done @!p0 $0x0  }
0xbf: {  	[sflag:s0] =	ssyncadd.s32 @!p0 s1  }
0xc0: {  	[bflag:$0x3] =	sbarrier.arrive $0xFFFF  }
0xc1: {  	_ =	shalt  }

// kernel: kernel.18.cloned.1.call-start
scs
__scs_entry_jumppad:
0x0: {  	(pc) =	sbr.rel $0x88, $3  }
0x1: {  	(tag) =	ssettag $0x0;
	lr =	simm.s32 $0x1  }
0x2: {  	[smem:$0x3F98] =	sst lr;
	_ =	strace $0xD0000000  }
0x3: {  	_ = 	snop  }
0x4: {  	_ = 	snop  }
0x5: {  	_ = 	snop  }
0x6: {  	_ = 	snop  }
0x7: {  	_ = 	snop  }
__scs_overlays_trampoline_lowered:
0x8: {  	[smem:$0x3FA7] =	sst s0  }
0x9: {  	[smem:$0x3FA8] =	sst s1  }
0xa: {  	[smem:$0x3FA9] =	sst s2  }
0xb: {  	[smem:$0x3FAA] =	sst s3  }
0xc: {  	[smem:$0x3FAB] =	sst s4  }
0xd: {  	[smem:$0x3FAC] =	sst s5  }
0xe: {  	[smem:$0x3FAD] =	sst s6  }
0xf: {  	[smem:$0x3FAE] =	sst s7  }
0x10: {  	[smem:$0x3FAF] =	sst s8  }
0x11: {  	[smem:$0x3FB0] =	sst s9;
	s0 =	simm.s32 @!p0 $0x0  }
0x12: {  	s1 =	sld [smem:$0x3F96];
	s0 =	simm.s32 @p0 $0x1  }
0x13: {  	[smem:$0x3FB1] =	sst s0;
	s0 =	simm.s32 @!p1 $0x0  }
0x14: {  	s2 =	sld [smem:$0x3F95];
	s0 =	simm.s32 @p1 $0x1  }
0x15: {  	[smem:$0x3FB2] =	sst s0;
	s0 =	simm.s32 @!p2 $0x0  }
0x16: {  	s3 =	sld [smem:$0x3FDB];
	s0 =	simm.s32 @p2 $0x1  }
0x17: {  	s4 =	simm.s32 $0x1BF5;
	[smem:$0x3FB4] =	sst s0  }
0x18: {  	s0 =	sld [smem:$0x3F97];
	_ =	swait.ge [sflag:s4], $0x0  }
0x19: {  	s7 =	sld [smem:$0x3F98]  }
0x1a: {  	s8 =	sadd.s32 $0xFFFFE003, lr  }
0x1b: {  	s9 =	sadd.s32 $0xFFFFFEF7, lr;
	s5 =	simm.s32 $0xFFFFFFFF;
	p2 =	slt.u32 s8, $0xFFFFF086  }
0x1c: {  	p1 =	slt.u32 s9, $0xF7A;
	s5 =	simm.s32 @!p2 $0x0  }
0x1d: {  	s5 =	simm.s32 @p1 $0x1;
	p0 =	seq.s32 s7, s2  }
0x1e: {  	s7 =	smul.u32 @!p0 $0xF7A, s2;
	p2 =	seq.s32 @!p0 s5, $0x0  }
0x1f: {  	s9 =	smul.u32 $0xF7A, s1;
	s8 =	simm.s32 @!p0 $0x1BF5;
	p2 =	por !p2, p0  }
0x20: {  	[sflag:s8] =	ssyncset.s32 @!p0 $0xFFFFF086;
	s6 =	sadd.s32 @!p0 s3, s7;
	s7 =	simm.s32 @!p0 $0x108  }
0x21: {  	s3 =	sadd.s32 s3, s9;
	s6 =	sadd.s32 @!p0 $0x88, s6;
	s7 =	simm.s32 @p2 $0x1082  }
0x22: {  	[simem:s7], [sflag:s8] =	dma.local @!p0 [hbm:s6], $0xF7A  }
0x23: {  	s9 =	sor.u32 $0xD0000000, s2;
	s6 =	simm.s32 $0x108;
	_ =	swait.ge @!p0 [sflag:s8], $0x0  }
0x24: {  	s3 =	sadd.s32 $0x88, s3;
	s6 =	simm.s32 @!p1 $0x1082;
	[sflag:s4] =	ssyncset.s32 $0xFFFFF086  }
0x25: {  	[simem:s6], [sflag:s4] =	dma.local [hbm:s3], $0xF7A  }
0x26: {  	[smem:$0x3F98] =	sst s1;
	(tag) =	ssettag s2;
	_ =	strace s9  }
0x27: {  	s1 =	sld [smem:$0x3FA8]  }
0x28: {  	s2 =	sld [smem:$0x3FA9]  }
0x29: {  	s4 =	sld [smem:$0x3FAB]  }
0x2a: {  	p0 =	seq.s32 s5, $0x0;
	s5 =	sld [smem:$0x3FAC]  }
0x2b: {  	s6 =	sld [smem:$0x3FAD]  }
0x2c: {  	s7 =	sld [smem:$0x3FAE]  }
0x2d: {  	s3 =	simm.s32 $0x108;
	s8 =	sld [smem:$0x3FAF]  }
0x2e: {  	s3 =	simm.s32 @!p0 $0x1082;
	s9 =	sld [smem:$0x3FB0]  }
0x2f: {  	lr =	sadd.s32 s0, s3;
	s0 =	sld [smem:$0x3FA7]  }
0x30: {  	s3 =	sld [smem:$0x3FAA]  }
0x31: {  	[smem:$0x3FB3] =	sst s10  }
0x32: {  	s10 =	sld [smem:$0x3FB1];
	_ =	sdelay $0x3  }
0x33: {  	p0 =	seq.s32 s10, $0x1;
	s10 =	sld [smem:$0x3FB3];
	_ =	sdelay $0x3  }
0x34: {  	[smem:$0x3FB3] =	sst s10  }
0x35: {  	s10 =	sld [smem:$0x3FB2];
	_ =	sdelay $0x3  }
0x36: {  	p1 =	seq.s32 s10, $0x1;
	s10 =	sld [smem:$0x3FB3];
	_ =	sdelay $0x3  }
0x37: {  	[smem:$0x3FB3] =	sst s10  }
0x38: {  	s10 =	sld [smem:$0x3FB4]  }
0x39: {  	_ = 	snop;
	(pc) =	sbr.ind lr, $3  }
0x3a: {  	_ = 	snop  }
0x3b: {  	_ = 	snop  }
0x3c: {  	p2 =	seq.s32 s10, $0x1;
	s10 =	sld [smem:$0x3FB3]  }
0x3d: {  	_ =	shalt  }
0x3e: {  	_ =	shalt  }
0x3f: {  	_ =	shalt  }
0x40: {  	_ =	shalt  }
0x41: {  	_ =	shalt  }
0x42: {  	_ =	shalt  }
0x43: {  	_ =	shalt  }
0x44: {  	_ =	shalt  }
0x45: {  	_ =	shalt  }
0x46: {  	_ =	shalt  }
0x47: {  	_ =	shalt  }
0x48: {  	_ =	shalt  }
0x49: {  	_ =	shalt  }
0x4a: {  	_ =	shalt  }
0x4b: {  	_ =	shalt  }
0x4c: {  	_ =	shalt  }
0x4d: {  	_ =	shalt  }
0x4e: {  	_ =	shalt  }
0x4f: {  	_ =	shalt  }
0x50: {  	_ =	shalt  }
0x51: {  	_ =	shalt  }
0x52: {  	_ =	shalt  }
0x53: {  	_ =	shalt  }
0x54: {  	_ =	shalt  }
0x55: {  	_ =	shalt  }
0x56: {  	_ =	shalt  }
0x57: {  	_ =	shalt  }
0x58: {  	_ =	shalt  }
0x59: {  	_ =	shalt  }
0x5a: {  	_ =	shalt  }
0x5b: {  	_ =	shalt  }
0x5c: {  	_ =	shalt  }
0x5d: {  	_ =	shalt  }
0x5e: {  	_ =	shalt  }
0x5f: {  	_ =	shalt  }
0x60: {  	_ =	shalt  }
0x61: {  	_ =	shalt  }
0x62: {  	_ =	shalt  }
0x63: {  	_ =	shalt  }
0x64: {  	_ =	shalt  }
0x65: {  	_ =	shalt  }
0x66: {  	_ =	shalt  }
0x67: {  	_ =	shalt  }
0x68: {  	_ =	shalt  }
0x69: {  	_ =	shalt  }
0x6a: {  	_ =	shalt  }
0x6b: {  	_ =	shalt  }
0x6c: {  	_ =	shalt  }
0x6d: {  	_ =	shalt  }
0x6e: {  	_ =	shalt  }
0x6f: {  	_ =	shalt  }
0x70: {  	_ =	shalt  }
0x71: {  	_ =	shalt  }
0x72: {  	_ =	shalt  }
0x73: {  	_ =	shalt  }
0x74: {  	_ =	shalt  }
0x75: {  	_ =	shalt  }
0x76: {  	_ =	shalt  }
0x77: {  	_ =	shalt  }
0x78: {  	_ =	shalt  }
0x79: {  	_ =	shalt  }
0x7a: {  	_ =	shalt  }
0x7b: {  	_ =	shalt  }
0x7c: {  	_ =	shalt  }
0x7d: {  	_ =	shalt  }
0x7e: {  	_ =	shalt  }
0x7f: {  	_ =	shalt  }
0x80: {  	_ =	shalt  }
0x81: {  	_ =	shalt  }
0x82: {  	_ =	shalt  }
0x83: {  	_ =	shalt  }
0x84: {  	_ =	shalt  }
0x85: {  	_ =	shalt  }
0x86: {  	_ =	shalt  }
0x87: {  	_ =	shalt  }
.Lfunc_end0:
.L_simem_size_0:
called_computation.1_lowered:
.L_overlay_start_0:
0x88: {  	s2 =	sld [smem:$0x3FD9]  }
0x89: {  	s3 =	sld [smem:$0x3FFE];
	_ =	sdelay $0x1  }
0x8a: {  	s1 =	srdreg.scid  }
0x8b: {  	s0 =	sand.u32 $0x1, s1  }
0x8c: {  	s17 =	sshll.u32 s0, $0xA;
	s2 =	sadd.s32 s3, s2  }
0x8d: {  	s2 =	sadd.s32 s2, s17  }
0x8e: {  	[smem:$0x3FBF] =	sst s2  }
0x8f: {  	_ = 	snop  }
0x90: {  	s2 =	sld [smem:$0x3FD0];
	(tm) =	ssettm $0x1  }
0x91: {  	s18 =	sld [smem:$0x3FFB];
	_ =	sdelay $0x3  }
0x92: {  	_ =	strace s18  }
0x93: {  	s3 =	sld [smem:$0x3FFC];
	_ =	sdelay $0x3  }
0x94: {  	_ =	strace s3  }
0x95: {  	s3 =	sld [smem:$0x3FFD];
	_ =	sdelay $0x3  }
0x96: {  	_ =	strace s3  }
0x97: {  	_ =	strace $0x8FFFFFFF  }
0x98: {  	s19 =	sld [smem:$0x3FDB];
	_ =	sdelay $0x1  }
0x99: {  	s4 =	simm.s32 $_scs_section_size  }
0x9a: {  	s5 =	simm.s32 $_size__tile_overlayer_lowered;
	s6 =	simm.s32 $_tile_overlayer_lowered  }
0x9b: {  	s22 =	simm.s32 $0x1BFF;
	s21 =	sshll.u32 s6, $0x1;
	s3 =	sadd.s32 s4, s19  }
0x9c: {  	s7 =	simm.s32 $0x0;
	s20 =	sshll.u32 s5, $0x1;
	s5 =	sadd.s32 s21, s3  }
0x9d: {  	[timem:s7], [sflag:s22] =	dma.local [hbm:s5], s20  }
0x9e: {  	_ =	swait.ge [sflag:s22], s20  }
0x9f: {  	s4 =	ssub.s32 $0x0, s20;
	[sflag:s22] =	ssyncset.done $0x0  }
0xa0: {  	[sflag:s22] =	ssyncadd.s32 s4;
	_ =	sdelay $0x1  }
0xa1: {  	s23 =	simm.s32 $0x1B8B  }
0xa2: {  	_ =	swait.ge [sflag:s23], $0x1  }
0xa3: {  	[sflag:s23] =	ssyncset.done $0x0  }
0xa4: {  	s25 =	simm.s32 $0x1B8E;
	s24 =	sld [smem:$0x3FFE];
	[sflag:s23] =	ssyncadd.s32 $0xFFFFFFFF  }
0xa5: {  	s26 =	simm.s32 $execute0_lowered;
	[smem:$0x3FD2] =	sst s25  }
0xa6: {  	s5 =	sshll.u32 s26, $0x1;
	_ =	strace $0x80000049;
	[dreg:$0x1] =	wrdreg $0xFFFFFFFF  }
0xa7: {  	s28 =	simm.s32 $_size_execute0_lowered;
	s3 =	sadd.s32 s3, s5;
	[dreg:$0x0] =	wrdreg $0x0  }
0xa8: {  	s5 =	sshll.u32 s28, $0x1;
	[dreg:$0x2] =	wrdreg s3  }
0xa9: {  	[dreg:$0x3] =	wrdreg s5  }
0xaa: {  	[dreg:$0x4] =	wrdreg $0xC0  }
0xab: {  	_ =	task [dreg:s7], $0x5FFFF  }
0xac: {  	[dreg:$0x1] =	wrdreg $0xFFFFFFFF  }
0xad: {  	[dreg:$0x0] =	wrdreg $0x60  }
0xae: {  	[dreg:$0x2] =	wrdreg s24  }
0xaf: {  	[dreg:$0x3] =	wrdreg s2  }
0xb0: {  	[dreg:$0x4] =	wrdreg $0xA8000  }
0xb1: {  	[dreg:$0x5] =	wrdreg $0x9  }
0xb2: {  	_ =	task.clear_ibuf [dreg:s7], $0x6FFFF;
	_ =	strace $0x90000049  }
0xb3: {  	s29 =	simm.s32 $0x9;
	_ =	strace $0x8000004B  }
0xb4: {  	_ =	swait.ge [sflag:s29], $0x1  }
0xb5: {  	[sflag:s29] =	ssyncadd.s32 $0xFFFFFFFF  }
0xb6: {  	_ =	strace $0x9000004B  }
0xb7: {  	_ =	sfence  }
0xb8: {  	s30 =	sld [smem:$0x0];
	_ =	sdelay $0x2  }
0xb9: {  	s31 =	sshll.u32 s1, $0xD;
	s1 =	sshrl.u32 s1, $0x2  }
0xba: {  	s3 =	sand.u32 $0x4000, s31;
	s1 =	sadd.s32 s1, s30  }
0xbb: {  	s0 =	sor.u32 s3, s0;
	s1 =	sshll.u32 s1, $0x11  }
0xbc: {  	s0 =	sor.u32 s1, s0  }
0xbd: {  	s0 =	sadd.s32 $0x8F2B, s0  }
0xbe: {  	[sflag:s0] =	ssyncadd.remote.s32 $0x1  }
0xbf: {  	_ =	sfence.sel $0xFFFF  }
0xc0: {  	[dreg:$0x0] =	wrdreg $0xFFFFFFFF;
	(pc) =	sbr.abs _section_cstart, $3  }
0xc1: {  	[dreg:$0x1] =	wrdreg $0xFFFFFFFF  }
0xc2: {  	_ =	task.clear_ibuf [dreg:s7], $0x2FFFF;
	_ =	strace $0x9FFFFFFF  }
0xc3: {  	(tm) =	ssettm $0x7FFFFFFF  }
tec
execute0_lowered:
.L_overlay_start_1:
0x0: {  	(tag) =	ssettag $0x1  }
0x1: {  	s5 =	rddreg [dreg:$0x0]  }
0x2: {  	s6 =	rddreg [dreg:$0x1]  }
0x3: {  	s2 =	rddreg [dreg:$0x2]  }
0x4: {  	s0 =	rddreg [dreg:$0x3];
	s3 =	simm.s32 $0x0;
	s4 =	srdreg.scid  }
0x5: {  	s1 =	stileid.u32;
	s17 =	simm.s32 $0x2800;
	s18 =	simm.s32 $0x6800  }
0x6: {  	s19 =	simm.s32 $0x1;
	s20 =	simm.s32 $0x2;
	s21 =	simm.s32 $0x1380  }
0x7: {  	s22 =	simm.s32 $0x2700;
	s23 =	simm.s32 $0x2780;
	s24 =	simm.s32 $0x0  }
0x8: {  	[smem:$0x7FF] =	sst s3;
	s7 =	sand.u32 $0x1, s4;
	s8 =	smul.u32 $0x13C00, s1  }
0x9: {  	s4 =	sadd.s32 $0x18400, s5;
	s10 =	sadd.s32 $0xE400, s5;
	s11 =	sadd.s32 $0x4400, s5  }
0xa: {  	s12 =	smul.u32 $0x4F000, s1;
	s29 =	sshll.u32 s1, $0x6;
	_ =	strace $0x8000004A  }
0xb: {  	s9 =	smul.u32 $0x13C000, s7;
	s13 =	sshll.u32 s7, $0x4;
	s7 =	ssub.s32 $0x2, s7  }
0xc: {  	s13 =	sor.u32 s1, s13;
	s14 =	sshrl.u32 s7, $0x1;
	s12 =	sshrl.u32 s12, $0x2  }
0xd: {  	s28 =	sshrl.u32 s8, $0x3;
	s9 =	sadd.s32 s8, s9;
	s13 =	smul.u32 $0x2800, s13  }
0xe: {  	s14 =	ssub.s32 s7, s14;
	s16 =	sadd.s32 s12, s2;
	s9 =	sshrl.u32 s9, $0x3  }
0xf: {  	s12 =	smax.u32 s14, $0x1;
	s14 =	simm.s32 $0x3;
	s15 =	sadd.s32 s9, s5  }
0x10: {  	s30 =	sshrl.u32 s13, $0x3;
	s5 =	sadd.s32 s6, s28;
	s6 =	sor.u32 $0x1C03, s29  }
0x11: {  	s13 =	sshrl.u32 s16, $0x3;
	s16 =	simm.s32 $0x80;
	s31 =	sadd.s32 $0x280, s30  }
0x12: {  	s7 =	sadd.s32 s10, s30;
	s8 =	sadd.s32 s11, s30;
	s9 =	sadd.s32 s10, s31  }
0x13: {  	s10 =	sadd.s32 s11, s31;
	s11 =	sadd.s32 $0xB4800, s15;
	s15 =	simm.s32 $0x1400  }
.LBB2_1:
0x14: {  	[spmem:s13], [sflag:s6] =	dma.local [hbm:s5], $0x2780  }
0x15: {  	_ =	swait.ge [sflag:s14], $0x2780  }
0x16: {  	[sflag:s14] =	ssyncset.done $0x0  }
0x17: {  	[sflag:s14] =	ssyncadd.s32 $0xFFFFD880  }
0x18: {  	[bflag:$0x0] =	sbarrier.arrive $0xFFFF  }
0x19: {  	[tilespmem:s3], [sflag:$0x3] =	stream.linear.gather [hbm4b:s7+s3], $0x1400, $0x38;
	[tilespmem:$0x1E400] =	vst v63  }
0x1a: {  	_ =	swait.ge [sflag:s14], $0x1400  }
0x1b: {  	[sflag:s14] =	ssyncset.done $0x0  }
0x1c: {  	[sflag:s14] =	ssyncadd.s32 $0xFFFFEC00  }
0x1d: {  	[tilespmem:s15], [sflag:$0x3] =	stream.linear.gather [hbm4b:s8+s3], $0x1400, $0x38;
	[tilespmem:$0x1E400] =	vst v63  }
0x1e: {  	_ =	swait.ge [sflag:s14], $0x1400  }
0x1f: {  	[sflag:s14] =	ssyncset.done $0x0  }
0x20: {  	[sflag:s14] =	ssyncadd.s32 $0xFFFFEC00  }
0x21: {  	[tilespmem:s17], [sflag:$0x1] =	stream.indirect.gather [hbm4b:s4+s16], $0x80, s3, s16, $0xb8;
	[tilespmem:$0x1E400] =	vst v63  }
0x22: {  	s25 =	simm.s32 $0x80  }
0x23: {  	[tilespmem:s18], [sflag:$0x2] =	stream.indirect.gather [hbm4b:s4+s16], $0x80, s25, s16, $0xb8;
	[tilespmem:$0x1E400] =	vst v63  }
0x24: {  	_ =	swait.ge [sflag:s19], $0x4000  }
0x25: {  	[sflag:s19] =	ssyncset.done $0x0  }
0x26: {  	s29 =	simm.s32 $0x1400;
	[sflag:s19] =	ssyncadd.s32 $0xFFFFC000  }
0x27: {  	[spmem:s2] =	stream.indirect.scatter.add.f32 [tilespmem:s17], [sflag:$0x3], $0x80, s29, s16, $0xb8;
	[tilespmem:$0x1E400] =	vst v63  }
0x28: {  	_ =	swait.ge [sflag:s14], $0x4000  }
0x29: {  	[sflag:s14] =	ssyncset.done $0x0  }
0x2a: {  	s30 =	simm.s32 $0x100;
	[sflag:s14] =	ssyncadd.s32 $0xFFFFC000  }
0x2b: {  	[tilespmem:s17], [sflag:$0x1] =	stream.indirect.gather [hbm4b:s4+s16], $0x80, s30, s16, $0xb8;
	[tilespmem:$0x1E400] =	vst v63  }
0x2c: {  	_ =	swait.ge [sflag:s20], $0x4000  }
0x2d: {  	[sflag:s20] =	ssyncset.done $0x0  }
0x2e: {  	s31 =	simm.s32 $0x1480;
	[sflag:s20] =	ssyncadd.s32 $0xFFFFC000  }
0x2f: {  	[spmem:s2] =	stream.indirect.scatter.add.f32 [tilespmem:s18], [sflag:$0x3], $0x80, s31, s16, $0xb8;
	[tilespmem:$0x1E400] =	vst v63  }
0x30: {  	_ =	swait.ge [sflag:s14], $0x4000  }
0x31: {  	s26 =	simm.s32 $0x800;
	s25 =	simm.s32 $0x100;
	[sflag:s14] =	ssyncset.done $0x0  }
.LBB2_2:
0x32: {  	s28 =	sadd.s32 $0x80, s25  }
0x33: {  	[sflag:s14] =	ssyncadd.s32 $0xFFFFC000;
	s29 =	smov.u32 s26;
	s30 =	sadd.s32 $0x400, s26  }
0x34: {  	[tilespmem:s18], [sflag:$0x2] =	stream.indirect.gather [hbm4b:s4+s16], $0x80, s28, s16, $0xb8;
	[tilespmem:$0x1E400] =	vst v63  }
0x35: {  	p0 =	sne.s32 s26, $0x4800;
	_ =	swait.ge [sflag:s19], $0x4000  }
0x36: {  	[sflag:s19] =	ssyncset.done $0x0  }
0x37: {  	s26 =	sadd.s32 $0x1400, s25;
	[sflag:s19] =	ssyncadd.s32 $0xFFFFC000  }
0x38: {  	[spmem:s2] =	stream.indirect.scatter.add.f32 [tilespmem:s17], [sflag:$0x3], $0x80, s26, s16, $0xb8;
	[tilespmem:$0x1E400] =	vst v63  }
0x39: {  	_ =	swait.ge [sflag:s14], $0x4000  }
0x3a: {  	[sflag:s14] =	ssyncset.done $0x0  }
0x3b: {  	s26 =	sadd.s32 $0x100, s25;
	[sflag:s14] =	ssyncadd.s32 $0xFFFFC000  }
0x3c: {  	[tilespmem:s17], [sflag:$0x1] =	stream.indirect.gather [hbm4b:s4+s16], $0x80, s26, s16, $0xb8;
	[tilespmem:$0x1E400] =	vst v63  }
0x3d: {  	_ =	swait.ge [sflag:s20], $0x4000  }
.Ltmp0:
0x3e: {  	[sflag:s20] =	ssyncset.done $0x0;
	(pc) =	sbr.rel @p0 .LBB2_2-.Ltmp0, $4  }
0x3f: {  	s25 =	sadd.s32 $0x1480, s25;
	[sflag:s20] =	ssyncadd.s32 $0xFFFFC000  }
0x40: {  	[spmem:s2] =	stream.indirect.scatter.add.f32 [tilespmem:s18], [sflag:$0x3], $0x80, s25, s16, $0xb8;
	[tilespmem:$0x1E400] =	vst v63  }
0x41: {  	_ =	swait.ge [sflag:s14], $0x4000  }
0x42: {  	s26 =	smov.u32 s30;
	s25 =	sshra.s32 s29, $0x2;
	[sflag:s14] =	ssyncset.done $0x0  }
0x43: {  	s26 =	sadd.s32 $0x80, s25;
	[sflag:s14] =	ssyncadd.s32 $0xFFFFC000  }
0x44: {  	[tilespmem:s18], [sflag:$0x2] =	stream.indirect.gather [hbm4b:s4+s16], $0x80, s26, s16, $0xb8;
	[tilespmem:$0x1E400] =	vst v63  }
0x45: {  	_ =	swait.ge [sflag:s19], $0x4000  }
0x46: {  	[sflag:s19] =	ssyncset.done $0x0  }
0x47: {  	s29 =	sadd.s32 $0x1400, s25;
	[sflag:s19] =	ssyncadd.s32 $0xFFFFC000  }
0x48: {  	[spmem:s2] =	stream.indirect.scatter.add.f32 [tilespmem:s17], [sflag:$0x3], $0x80, s29, s16, $0xb8;
	[tilespmem:$0x1E400] =	vst v63  }
0x49: {  	_ =	swait.ge [sflag:s14], $0x4000  }
0x4a: {  	[sflag:s14] =	ssyncset.done $0x0  }
0x4b: {  	s30 =	sadd.s32 $0x100, s25;
	[sflag:s14] =	ssyncadd.s32 $0xFFFFC000  }
0x4c: {  	[tilespmem:s17], [sflag:$0x1] =	stream.indirect.gather [hbm4b:s4+s16], $0x80, s30, s16, $0xb8;
	[tilespmem:$0x1E400] =	vst v63  }
0x4d: {  	_ =	swait.ge [sflag:s20], $0x4000  }
0x4e: {  	[sflag:s20] =	ssyncset.done $0x0  }
0x4f: {  	s31 =	sadd.s32 $0x1480, s25;
	[sflag:s20] =	ssyncadd.s32 $0xFFFFC000  }
0x50: {  	[spmem:s2] =	stream.indirect.scatter.add.f32 [tilespmem:s18], [sflag:$0x3], $0x80, s31, s16, $0xb8;
	[tilespmem:$0x1E400] =	vst v63  }
0x51: {  	_ =	swait.ge [sflag:s14], $0x4000  }
0x52: {  	[sflag:s14] =	ssyncset.done $0x0  }
0x53: {  	[sflag:s14] =	ssyncadd.s32 $0xFFFFC000  }
0x54: {  	[tilespmem:s18], [sflag:$0x2] =	stream.indirect.gather [hbm4b:s4+s16], $0x80, s21, s16, $0xb8;
	[tilespmem:$0x1E400] =	vst v63  }
0x55: {  	_ =	swait.ge [sflag:s19], $0x4000  }
0x56: {  	[sflag:s19] =	ssyncset.done $0x0  }
0x57: {  	[sflag:s19] =	ssyncadd.s32 $0xFFFFC000  }
0x58: {  	[spmem:s2] =	stream.indirect.scatter.add.f32 [tilespmem:s17], [sflag:$0x3], $0x80, s22, s16, $0xb8;
	[tilespmem:$0x1E400] =	vst v63  }
0x59: {  	_ =	swait.ge [sflag:s14], $0x4000  }
0x5a: {  	[sflag:s14] =	ssyncset.done $0x0  }
0x5b: {  	[sflag:s14] =	ssyncadd.s32 $0xFFFFC000  }
0x5c: {  	_ =	swait.ge [sflag:s20], $0x4000  }
0x5d: {  	[sflag:s20] =	ssyncset.done $0x0  }
0x5e: {  	[sflag:s20] =	ssyncadd.s32 $0xFFFFC000  }
0x5f: {  	[spmem:s2] =	stream.indirect.scatter.add.f32 [tilespmem:s18], [sflag:$0x3], $0x80, s23, s16, $0xb8;
	[tilespmem:$0x1E400] =	vst v63  }
0x60: {  	_ =	swait.ge [sflag:s14], $0x4000  }
0x61: {  	[sflag:s14] =	ssyncset.done $0x0  }
0x62: {  	s26 =	simm.s32 $0x0;
	[sflag:s14] =	ssyncadd.s32 $0xFFFFC000  }
0x63: {  	[tilespmem:s26], [sflag:$0x3] =	stream.linear.gather [hbm4b:s9+s26], $0x1400, $0x38;
	[tilespmem:$0x1E400] =	vst v63  }
0x64: {  	_ =	swait.ge [sflag:s14], $0x1400  }
0x65: {  	[sflag:s14] =	ssyncset.done $0x0  }
0x66: {  	[sflag:s14] =	ssyncadd.s32 $0xFFFFEC00  }
0x67: {  	[tilespmem:s15], [sflag:$0x3] =	stream.linear.gather [hbm4b:s10+s26], $0x1400, $0x38;
	[tilespmem:$0x1E400] =	vst v63  }
0x68: {  	_ =	swait.ge [sflag:s14], $0x1400  }
0x69: {  	[sflag:s14] =	ssyncset.done $0x0  }
0x6a: {  	[sflag:s14] =	ssyncadd.s32 $0xFFFFEC00  }
0x6b: {  	[tilespmem:s17], [sflag:$0x1] =	stream.indirect.gather [hbm4b:s4+s16], $0x80, s26, s16, $0xb8;
	[tilespmem:$0x1E400] =	vst v63  }
0x6c: {  	s28 =	simm.s32 $0x80  }
0x6d: {  	[tilespmem:s18], [sflag:$0x2] =	stream.indirect.gather [hbm4b:s4+s16], $0x80, s28, s16, $0xb8;
	[tilespmem:$0x1E400] =	vst v63  }
0x6e: {  	_ =	swait.ge [sflag:s19], $0x4000  }
0x6f: {  	[sflag:s19] =	ssyncset.done $0x0  }
0x70: {  	s29 =	simm.s32 $0x1400;
	[sflag:s19] =	ssyncadd.s32 $0xFFFFC000  }
0x71: {  	[spmem:s2] =	stream.indirect.scatter.add.f32 [tilespmem:s17], [sflag:$0x3], $0x80, s29, s16, $0xb8;
	[tilespmem:$0x1E400] =	vst v63  }
0x72: {  	_ =	swait.ge [sflag:s14], $0x4000  }
0x73: {  	[sflag:s14] =	ssyncset.done $0x0  }
0x74: {  	s30 =	simm.s32 $0x100;
	[sflag:s14] =	ssyncadd.s32 $0xFFFFC000  }
0x75: {  	[tilespmem:s17], [sflag:$0x1] =	stream.indirect.gather [hbm4b:s4+s16], $0x80, s30, s16, $0xb8;
	[tilespmem:$0x1E400] =	vst v63  }
0x76: {  	_ =	swait.ge [sflag:s20], $0x4000  }
0x77: {  	[sflag:s20] =	ssyncset.done $0x0  }
0x78: {  	s31 =	simm.s32 $0x1480;
	[sflag:s20] =	ssyncadd.s32 $0xFFFFC000  }
0x79: {  	[spmem:s2] =	stream.indirect.scatter.add.f32 [tilespmem:s18], [sflag:$0x3], $0x80, s31, s16, $0xb8;
	[tilespmem:$0x1E400] =	vst v63  }
0x7a: {  	_ =	swait.ge [sflag:s14], $0x4000  }
0x7b: {  	s25 =	simm.s32 $0x100;
	s26 =	simm.s32 $0x800;
	[sflag:s14] =	ssyncset.done $0x0  }
.LBB2_4:
0x7c: {  	s28 =	sadd.s32 $0x80, s25  }
0x7d: {  	[sflag:s14] =	ssyncadd.s32 $0xFFFFC000;
	s29 =	smov.u32 s26;
	s30 =	sadd.s32 $0x400, s26  }
0x7e: {  	[tilespmem:s18], [sflag:$0x2] =	stream.indirect.gather [hbm4b:s4+s16], $0x80, s28, s16, $0xb8;
	[tilespmem:$0x1E400] =	vst v63  }
0x7f: {  	p0 =	sne.s32 s26, $0x4800;
	_ =	swait.ge [sflag:s19], $0x4000  }
0x80: {  	[sflag:s19] =	ssyncset.done $0x0  }
0x81: {  	s26 =	sadd.s32 $0x1400, s25;
	[sflag:s19] =	ssyncadd.s32 $0xFFFFC000  }
0x82: {  	[spmem:s2] =	stream.indirect.scatter.add.f32 [tilespmem:s17], [sflag:$0x3], $0x80, s26, s16, $0xb8;
	[tilespmem:$0x1E400] =	vst v63  }
0x83: {  	_ =	swait.ge [sflag:s14], $0x4000  }
0x84: {  	[sflag:s14] =	ssyncset.done $0x0  }
0x85: {  	s26 =	sadd.s32 $0x100, s25;
	[sflag:s14] =	ssyncadd.s32 $0xFFFFC000  }
0x86: {  	[tilespmem:s17], [sflag:$0x1] =	stream.indirect.gather [hbm4b:s4+s16], $0x80, s26, s16, $0xb8;
	[tilespmem:$0x1E400] =	vst v63  }
0x87: {  	_ =	swait.ge [sflag:s20], $0x4000  }
.Ltmp1:
0x88: {  	[sflag:s20] =	ssyncset.done $0x0;
	(pc) =	sbr.rel @p0 .LBB2_4-.Ltmp1, $4  }
0x89: {  	s25 =	sadd.s32 $0x1480, s25;
	[sflag:s20] =	ssyncadd.s32 $0xFFFFC000  }
0x8a: {  	[spmem:s2] =	stream.indirect.scatter.add.f32 [tilespmem:s18], [sflag:$0x3], $0x80, s25, s16, $0xb8;
	[tilespmem:$0x1E400] =	vst v63  }
0x8b: {  	_ =	swait.ge [sflag:s14], $0x4000  }
0x8c: {  	s26 =	smov.u32 s30;
	s25 =	sshra.s32 s29, $0x2;
	[sflag:s14] =	ssyncset.done $0x0  }
0x8d: {  	s26 =	sadd.s32 $0x80, s25;
	[sflag:s14] =	ssyncadd.s32 $0xFFFFC000  }
0x8e: {  	[tilespmem:s18], [sflag:$0x2] =	stream.indirect.gather [hbm4b:s4+s16], $0x80, s26, s16, $0xb8;
	[tilespmem:$0x1E400] =	vst v63  }
0x8f: {  	_ =	swait.ge [sflag:s19], $0x4000  }
0x90: {  	[sflag:s19] =	ssyncset.done $0x0  }
0x91: {  	s29 =	sadd.s32 $0x1400, s25;
	[sflag:s19] =	ssyncadd.s32 $0xFFFFC000  }
0x92: {  	[spmem:s2] =	stream.indirect.scatter.add.f32 [tilespmem:s17], [sflag:$0x3], $0x80, s29, s16, $0xb8;
	[tilespmem:$0x1E400] =	vst v63  }
0x93: {  	_ =	swait.ge [sflag:s14], $0x4000  }
0x94: {  	[sflag:s14] =	ssyncset.done $0x0  }
0x95: {  	s30 =	sadd.s32 $0x100, s25;
	[sflag:s14] =	ssyncadd.s32 $0xFFFFC000  }
0x96: {  	[tilespmem:s17], [sflag:$0x1] =	stream.indirect.gather [hbm4b:s4+s16], $0x80, s30, s16, $0xb8;
	[tilespmem:$0x1E400] =	vst v63  }
0x97: {  	_ =	swait.ge [sflag:s20], $0x4000  }
0x98: {  	[sflag:s20] =	ssyncset.done $0x0  }
0x99: {  	s31 =	sadd.s32 $0x1480, s25;
	[sflag:s20] =	ssyncadd.s32 $0xFFFFC000  }
0x9a: {  	[spmem:s2] =	stream.indirect.scatter.add.f32 [tilespmem:s18], [sflag:$0x3], $0x80, s31, s16, $0xb8;
	[tilespmem:$0x1E400] =	vst v63  }
0x9b: {  	_ =	swait.ge [sflag:s14], $0x4000  }
0x9c: {  	[sflag:s14] =	ssyncset.done $0x0  }
0x9d: {  	[sflag:s14] =	ssyncadd.s32 $0xFFFFC000  }
0x9e: {  	[tilespmem:s18], [sflag:$0x2] =	stream.indirect.gather [hbm4b:s4+s16], $0x80, s21, s16, $0xb8;
	[tilespmem:$0x1E400] =	vst v63  }
0x9f: {  	_ =	swait.ge [sflag:s19], $0x4000  }
0xa0: {  	[sflag:s19] =	ssyncset.done $0x0  }
0xa1: {  	[sflag:s19] =	ssyncadd.s32 $0xFFFFC000  }
0xa2: {  	[spmem:s2] =	stream.indirect.scatter.add.f32 [tilespmem:s17], [sflag:$0x3], $0x80, s22, s16, $0xb8;
	[tilespmem:$0x1E400] =	vst v63  }
0xa3: {  	_ =	swait.ge [sflag:s14], $0x4000  }
0xa4: {  	[sflag:s14] =	ssyncset.done $0x0  }
0xa5: {  	[sflag:s14] =	ssyncadd.s32 $0xFFFFC000  }
0xa6: {  	_ =	swait.ge [sflag:s20], $0x4000  }
0xa7: {  	[sflag:s20] =	ssyncset.done $0x0  }
0xa8: {  	[sflag:s20] =	ssyncadd.s32 $0xFFFFC000  }
0xa9: {  	[spmem:s2] =	stream.indirect.scatter.add.f32 [tilespmem:s18], [sflag:$0x3], $0x80, s23, s16, $0xb8;
	[tilespmem:$0x1E400] =	vst v63  }
0xaa: {  	_ =	swait.ge [sflag:s14], $0x4000  }
0xab: {  	s24 =	sadd.s32 $0x1, s24;
	[sflag:s14] =	ssyncset.done $0x0  }
0xac: {  	p0 =	sne.s32 s24, s12;
	[sflag:s14] =	ssyncadd.s32 $0xFFFFC000  }
.Ltmp2:
0xad: {  	[bflag:$0x0] =	sbarrier.arrive $0xFFFF;
	(pc) =	sbr.rel @p0 .LBB2_1-.Ltmp2, $4  }
0xae: {  	[hbm:s11], [sflag:s6] =	dma.local [spmem:s13], $0x2780  }
0xaf: {  	_ =	swait.ge [sflag:s14], $0x2780  }
0xb0: {  	[sflag:s14] =	ssyncset.done $0x0  }
0xb1: {  	[sflag:s14] =	ssyncadd.s32 $0xFFFFD880  }
0xb2: {  	_ =	sfence.sel $0x180000  }
0xb3: {  	[bflag:$0x0] =	sbarrier.arrive $0xFFFF  }
0xb4: {  	p0 =	sne.s32 s1, $0x0;
	_ =	strace $0x9000004A  }
0xb5: {  	s0 =	sadd.s32 @!p0 $0x100000, s0;
	[bflag:$0x2] =	sbarrier.arrive $0xFFFF  }
0xb6: {  	[sflag:s0] =	ssyncadd.tile.s32 @!p0 $0x1;
	_ =	shalt  }
.Lfunc_end2:
_tile_overlayer_lowered:
.L_overlay_start_2:
0xb7: {  	(tag) =	ssettag $0x2  }
0xb8: {  	s0 =	rddreg [dreg:$0x0];
	s2 =	stileid.u32  }
0xb9: {  	s1 =	rddreg [dreg:$0x1];
	p0 =	sne.s32 s2, $0x0  }
0xba: {  	s3 =	rddreg [dreg:$0x2];
	[bflag:$0x3] =	sbarrier.arrive $0xFFFF;
	s2 =	simm.s32 @!p0 $0x1C03  }
0xbb: {  	[timem:s3], [sflag:s2] =	dma.local @!p0 [hbm:s0], s1  }
0xbc: {  	s0 =	simm.s32 @!p0 $0x3  }
0xbd: {  	_ =	swait.ge @!p0 [sflag:s0], s1  }
0xbe: {  	s1 =	ssub.s32 @!p0 $0x0, s1;
	[sflag:s0] =	ssyncset.done @!p0 $0x0  }
0xbf: {  	[sflag:s0] =	ssyncadd.s32 @!p0 s1  }
0xc0: {  	[bflag:$0x3] =	sbarrier.arrive $0xFFFF  }
0xc1: {  	_ =	shalt  }

// kernel: kernel.21.cloned.1.call-start
scs
__scs_entry_jumppad:
0x0: {  	(pc) =	sbr.rel $0x88, $3  }
0x1: {  	(tag) =	ssettag $0x0;
	lr =	simm.s32 $0x1  }
0x2: {  	[smem:$0x3F98] =	sst lr;
	_ =	strace $0xD0000000  }
0x3: {  	_ = 	snop  }
0x4: {  	_ = 	snop  }
0x5: {  	_ = 	snop  }
0x6: {  	_ = 	snop  }
0x7: {  	_ = 	snop  }
__scs_overlays_trampoline_lowered:
0x8: {  	[smem:$0x3FA7] =	sst s0  }
0x9: {  	[smem:$0x3FA8] =	sst s1  }
0xa: {  	[smem:$0x3FA9] =	sst s2  }
0xb: {  	[smem:$0x3FAA] =	sst s3  }
0xc: {  	[smem:$0x3FAB] =	sst s4  }
0xd: {  	[smem:$0x3FAC] =	sst s5  }
0xe: {  	[smem:$0x3FAD] =	sst s6  }
0xf: {  	[smem:$0x3FAE] =	sst s7  }
0x10: {  	[smem:$0x3FAF] =	sst s8  }
0x11: {  	[smem:$0x3FB0] =	sst s9;
	s0 =	simm.s32 @!p0 $0x0  }
0x12: {  	s1 =	sld [smem:$0x3F96];
	s0 =	simm.s32 @p0 $0x1  }
0x13: {  	[smem:$0x3FB1] =	sst s0;
	s0 =	simm.s32 @!p1 $0x0  }
0x14: {  	s2 =	sld [smem:$0x3F95];
	s0 =	simm.s32 @p1 $0x1  }
0x15: {  	[smem:$0x3FB2] =	sst s0;
	s0 =	simm.s32 @!p2 $0x0  }
0x16: {  	s3 =	sld [smem:$0x3FDB];
	s0 =	simm.s32 @p2 $0x1  }
0x17: {  	s4 =	simm.s32 $0x1BF5;
	[smem:$0x3FB4] =	sst s0  }
0x18: {  	s0 =	sld [smem:$0x3F97];
	_ =	swait.ge [sflag:s4], $0x0  }
0x19: {  	s7 =	sld [smem:$0x3F98]  }
0x1a: {  	s8 =	sadd.s32 $0xFFFFE003, lr  }
0x1b: {  	s9 =	sadd.s32 $0xFFFFFEF7, lr;
	s5 =	simm.s32 $0xFFFFFFFF;
	p2 =	slt.u32 s8, $0xFFFFF086  }
0x1c: {  	p1 =	slt.u32 s9, $0xF7A;
	s5 =	simm.s32 @!p2 $0x0  }
0x1d: {  	s5 =	simm.s32 @p1 $0x1;
	p0 =	seq.s32 s7, s2  }
0x1e: {  	s7 =	smul.u32 @!p0 $0xF7A, s2;
	p2 =	seq.s32 @!p0 s5, $0x0  }
0x1f: {  	s9 =	smul.u32 $0xF7A, s1;
	s8 =	simm.s32 @!p0 $0x1BF5;
	p2 =	por !p2, p0  }
0x20: {  	[sflag:s8] =	ssyncset.s32 @!p0 $0xFFFFF086;
	s6 =	sadd.s32 @!p0 s3, s7;
	s7 =	simm.s32 @!p0 $0x108  }
0x21: {  	s3 =	sadd.s32 s3, s9;
	s6 =	sadd.s32 @!p0 $0x88, s6;
	s7 =	simm.s32 @p2 $0x1082  }
0x22: {  	[simem:s7], [sflag:s8] =	dma.local @!p0 [hbm:s6], $0xF7A  }
0x23: {  	s9 =	sor.u32 $0xD0000000, s2;
	s6 =	simm.s32 $0x108;
	_ =	swait.ge @!p0 [sflag:s8], $0x0  }
0x24: {  	s3 =	sadd.s32 $0x88, s3;
	s6 =	simm.s32 @!p1 $0x1082;
	[sflag:s4] =	ssyncset.s32 $0xFFFFF086  }
0x25: {  	[simem:s6], [sflag:s4] =	dma.local [hbm:s3], $0xF7A  }
0x26: {  	[smem:$0x3F98] =	sst s1;
	(tag) =	ssettag s2;
	_ =	strace s9  }
0x27: {  	s1 =	sld [smem:$0x3FA8]  }
0x28: {  	s2 =	sld [smem:$0x3FA9]  }
0x29: {  	s4 =	sld [smem:$0x3FAB]  }
0x2a: {  	p0 =	seq.s32 s5, $0x0;
	s5 =	sld [smem:$0x3FAC]  }
0x2b: {  	s6 =	sld [smem:$0x3FAD]  }
0x2c: {  	s7 =	sld [smem:$0x3FAE]  }
0x2d: {  	s3 =	simm.s32 $0x108;
	s8 =	sld [smem:$0x3FAF]  }
0x2e: {  	s3 =	simm.s32 @!p0 $0x1082;
	s9 =	sld [smem:$0x3FB0]  }
0x2f: {  	lr =	sadd.s32 s0, s3;
	s0 =	sld [smem:$0x3FA7]  }
0x30: {  	s3 =	sld [smem:$0x3FAA]  }
0x31: {  	[smem:$0x3FB3] =	sst s10  }
0x32: {  	s10 =	sld [smem:$0x3FB1];
	_ =	sdelay $0x3  }
0x33: {  	p0 =	seq.s32 s10, $0x1;
	s10 =	sld [smem:$0x3FB3];
	_ =	sdelay $0x3  }
0x34: {  	[smem:$0x3FB3] =	sst s10  }
0x35: {  	s10 =	sld [smem:$0x3FB2];
	_ =	sdelay $0x3  }
0x36: {  	p1 =	seq.s32 s10, $0x1;
	s10 =	sld [smem:$0x3FB3];
	_ =	sdelay $0x3  }
0x37: {  	[smem:$0x3FB3] =	sst s10  }
0x38: {  	s10 =	sld [smem:$0x3FB4]  }
0x39: {  	_ = 	snop;
	(pc) =	sbr.ind lr, $3  }
0x3a: {  	_ = 	snop  }
0x3b: {  	_ = 	snop  }
0x3c: {  	p2 =	seq.s32 s10, $0x1;
	s10 =	sld [smem:$0x3FB3]  }
0x3d: {  	_ =	shalt  }
0x3e: {  	_ =	shalt  }
0x3f: {  	_ =	shalt  }
0x40: {  	_ =	shalt  }
0x41: {  	_ =	shalt  }
0x42: {  	_ =	shalt  }
0x43: {  	_ =	shalt  }
0x44: {  	_ =	shalt  }
0x45: {  	_ =	shalt  }
0x46: {  	_ =	shalt  }
0x47: {  	_ =	shalt  }
0x48: {  	_ =	shalt  }
0x49: {  	_ =	shalt  }
0x4a: {  	_ =	shalt  }
0x4b: {  	_ =	shalt  }
0x4c: {  	_ =	shalt  }
0x4d: {  	_ =	shalt  }
0x4e: {  	_ =	shalt  }
0x4f: {  	_ =	shalt  }
0x50: {  	_ =	shalt  }
0x51: {  	_ =	shalt  }
0x52: {  	_ =	shalt  }
0x53: {  	_ =	shalt  }
0x54: {  	_ =	shalt  }
0x55: {  	_ =	shalt  }
0x56: {  	_ =	shalt  }
0x57: {  	_ =	shalt  }
0x58: {  	_ =	shalt  }
0x59: {  	_ =	shalt  }
0x5a: {  	_ =	shalt  }
0x5b: {  	_ =	shalt  }
0x5c: {  	_ =	shalt  }
0x5d: {  	_ =	shalt  }
0x5e: {  	_ =	shalt  }
0x5f: {  	_ =	shalt  }
0x60: {  	_ =	shalt  }
0x61: {  	_ =	shalt  }
0x62: {  	_ =	shalt  }
0x63: {  	_ =	shalt  }
0x64: {  	_ =	shalt  }
0x65: {  	_ =	shalt  }
0x66: {  	_ =	shalt  }
0x67: {  	_ =	shalt  }
0x68: {  	_ =	shalt  }
0x69: {  	_ =	shalt  }
0x6a: {  	_ =	shalt  }
0x6b: {  	_ =	shalt  }
0x6c: {  	_ =	shalt  }
0x6d: {  	_ =	shalt  }
0x6e: {  	_ =	shalt  }
0x6f: {  	_ =	shalt  }
0x70: {  	_ =	shalt  }
0x71: {  	_ =	shalt  }
0x72: {  	_ =	shalt  }
0x73: {  	_ =	shalt  }
0x74: {  	_ =	shalt  }
0x75: {  	_ =	shalt  }
0x76: {  	_ =	shalt  }
0x77: {  	_ =	shalt  }
0x78: {  	_ =	shalt  }
0x79: {  	_ =	shalt  }
0x7a: {  	_ =	shalt  }
0x7b: {  	_ =	shalt  }
0x7c: {  	_ =	shalt  }
0x7d: {  	_ =	shalt  }
0x7e: {  	_ =	shalt  }
0x7f: {  	_ =	shalt  }
0x80: {  	_ =	shalt  }
0x81: {  	_ =	shalt  }
0x82: {  	_ =	shalt  }
0x83: {  	_ =	shalt  }
0x84: {  	_ =	shalt  }
0x85: {  	_ =	shalt  }
0x86: {  	_ =	shalt  }
0x87: {  	_ =	shalt  }
.Lfunc_end0:
.L_simem_size_0:
called_computation.2_lowered:
.L_overlay_start_0:
0x88: {  	s2 =	sld [smem:$0x3FD9]  }
0x89: {  	s3 =	sld [smem:$0x3FFE];
	_ =	sdelay $0x1  }
0x8a: {  	s1 =	srdreg.scid  }
0x8b: {  	s0 =	sand.u32 $0x1, s1  }
0x8c: {  	s17 =	sshll.u32 s0, $0xA;
	s2 =	sadd.s32 s3, s2  }
0x8d: {  	s2 =	sadd.s32 s2, s17  }
0x8e: {  	[smem:$0x3FBF] =	sst s2  }
0x8f: {  	_ = 	snop  }
0x90: {  	s2 =	sld [smem:$0x3FD0];
	(tm) =	ssettm $0x1  }
0x91: {  	s18 =	sld [smem:$0x3FFB];
	_ =	sdelay $0x3  }
0x92: {  	_ =	strace s18  }
0x93: {  	s3 =	sld [smem:$0x3FFC];
	_ =	sdelay $0x3  }
0x94: {  	_ =	strace s3  }
0x95: {  	s3 =	sld [smem:$0x3FFD];
	_ =	sdelay $0x3  }
0x96: {  	_ =	strace s3  }
0x97: {  	_ =	strace $0x8FFFFFFF  }
0x98: {  	s19 =	sld [smem:$0x3FDB];
	_ =	sdelay $0x1  }
0x99: {  	s4 =	simm.s32 $_scs_section_size  }
0x9a: {  	s5 =	simm.s32 $_size__tile_overlayer_lowered;
	s6 =	simm.s32 $_tile_overlayer_lowered  }
0x9b: {  	s22 =	simm.s32 $0x1BFF;
	s21 =	sshll.u32 s6, $0x1;
	s3 =	sadd.s32 s4, s19  }
0x9c: {  	s7 =	simm.s32 $0x0;
	s20 =	sshll.u32 s5, $0x1;
	s5 =	sadd.s32 s21, s3  }
0x9d: {  	[timem:s7], [sflag:s22] =	dma.local [hbm:s5], s20  }
0x9e: {  	_ =	swait.ge [sflag:s22], s20  }
0x9f: {  	s4 =	ssub.s32 $0x0, s20;
	[sflag:s22] =	ssyncset.done $0x0  }
0xa0: {  	[sflag:s22] =	ssyncadd.s32 s4;
	_ =	sdelay $0x1  }
0xa1: {  	s23 =	simm.s32 $0x1B8B  }
0xa2: {  	_ =	swait.ge [sflag:s23], $0x1  }
0xa3: {  	[sflag:s23] =	ssyncset.done $0x0  }
0xa4: {  	s25 =	simm.s32 $0x1B8E;
	s24 =	sld [smem:$0x3FFE];
	[sflag:s23] =	ssyncadd.s32 $0xFFFFFFFF  }
0xa5: {  	s26 =	simm.s32 $execute0_lowered;
	[smem:$0x3FD2] =	sst s25  }
0xa6: {  	s5 =	sshll.u32 s26, $0x1;
	_ =	strace $0x8000004C;
	[dreg:$0x1] =	wrdreg $0xFFFFFFFF  }
0xa7: {  	s28 =	simm.s32 $_size_execute0_lowered;
	s3 =	sadd.s32 s3, s5;
	[dreg:$0x0] =	wrdreg $0x0  }
0xa8: {  	s5 =	sshll.u32 s28, $0x1;
	[dreg:$0x2] =	wrdreg s3  }
0xa9: {  	[dreg:$0x3] =	wrdreg s5  }
0xaa: {  	[dreg:$0x4] =	wrdreg $0xC0  }
0xab: {  	_ =	task [dreg:s7], $0x5FFFF  }
0xac: {  	[dreg:$0x1] =	wrdreg $0xFFFFFFFF  }
0xad: {  	[dreg:$0x0] =	wrdreg $0x60  }
0xae: {  	[dreg:$0x2] =	wrdreg s24  }
0xaf: {  	[dreg:$0x3] =	wrdreg s2  }
0xb0: {  	[dreg:$0x4] =	wrdreg $0xA8000  }
0xb1: {  	[dreg:$0x5] =	wrdreg $0x9  }
0xb2: {  	_ =	task.clear_ibuf [dreg:s7], $0x6FFFF;
	_ =	strace $0x9000004C  }
0xb3: {  	s29 =	simm.s32 $0x9;
	_ =	strace $0x8000004E  }
0xb4: {  	_ =	swait.ge [sflag:s29], $0x1  }
0xb5: {  	[sflag:s29] =	ssyncadd.s32 $0xFFFFFFFF  }
0xb6: {  	_ =	strace $0x9000004E  }
0xb7: {  	_ =	sfence  }
0xb8: {  	s30 =	sld [smem:$0x0];
	_ =	sdelay $0x2  }
0xb9: {  	s31 =	sshll.u32 s1, $0xD;
	s1 =	sshrl.u32 s1, $0x2  }
0xba: {  	s3 =	sand.u32 $0x4000, s31;
	s1 =	sadd.s32 s1, s30  }
0xbb: {  	s0 =	sor.u32 s3, s0;
	s1 =	sshll.u32 s1, $0x11  }
0xbc: {  	s0 =	sor.u32 s1, s0  }
0xbd: {  	s0 =	sadd.s32 $0x8F2B, s0  }
0xbe: {  	[sflag:s0] =	ssyncadd.remote.s32 $0x1  }
0xbf: {  	_ =	sfence.sel $0xFFFF  }
0xc0: {  	[dreg:$0x0] =	wrdreg $0xFFFFFFFF;
	(pc) =	sbr.abs _section_cstart, $3  }
0xc1: {  	[dreg:$0x1] =	wrdreg $0xFFFFFFFF  }
0xc2: {  	_ =	task.clear_ibuf [dreg:s7], $0x2FFFF;
	_ =	strace $0x9FFFFFFF  }
0xc3: {  	(tm) =	ssettm $0x7FFFFFFF  }
tec
execute0_lowered:
.L_overlay_start_1:
0x0: {  	(tag) =	ssettag $0x1  }
0x1: {  	s5 =	rddreg [dreg:$0x0]  }
0x2: {  	s6 =	rddreg [dreg:$0x1]  }
0x3: {  	s2 =	rddreg [dreg:$0x2]  }
0x4: {  	s0 =	rddreg [dreg:$0x3];
	s3 =	simm.s32 $0x0;
	s4 =	srdreg.scid  }
0x5: {  	s1 =	stileid.u32;
	s17 =	simm.s32 $0x2800;
	s18 =	simm.s32 $0x6800  }
0x6: {  	s19 =	simm.s32 $0x1;
	s20 =	simm.s32 $0x2;
	s21 =	simm.s32 $0x1380  }
0x7: {  	s22 =	simm.s32 $0x2700;
	s23 =	simm.s32 $0x2780;
	s24 =	simm.s32 $0x0  }
0x8: {  	[smem:$0x7FF] =	sst s3;
	s7 =	sand.u32 $0x1, s4;
	s8 =	smul.u32 $0x13C00, s1  }
0x9: {  	s4 =	sadd.s32 $0x18400, s5;
	s10 =	sadd.s32 $0xE400, s5;
	s11 =	sadd.s32 $0x4400, s5  }
0xa: {  	s12 =	smul.u32 $0x4F000, s1;
	s29 =	sshll.u32 s1, $0x6;
	_ =	strace $0x8000004D  }
0xb: {  	s9 =	smul.u32 $0x13C000, s7;
	s13 =	sshll.u32 s7, $0x4;
	s7 =	ssub.s32 $0x2, s7  }
0xc: {  	s13 =	sor.u32 s1, s13;
	s14 =	sshrl.u32 s7, $0x1;
	s12 =	sshrl.u32 s12, $0x2  }
0xd: {  	s28 =	sshrl.u32 s8, $0x3;
	s9 =	sadd.s32 s8, s9;
	s13 =	smul.u32 $0x2800, s13  }
0xe: {  	s14 =	ssub.s32 s7, s14;
	s16 =	sadd.s32 s12, s2;
	s9 =	sshrl.u32 s9, $0x3  }
0xf: {  	s12 =	smax.u32 s14, $0x1;
	s14 =	simm.s32 $0x3;
	s15 =	sadd.s32 s9, s5  }
0x10: {  	s30 =	sshrl.u32 s13, $0x3;
	s5 =	sadd.s32 s6, s28;
	s6 =	sor.u32 $0x1C03, s29  }
0x11: {  	s13 =	sshrl.u32 s16, $0x3;
	s16 =	simm.s32 $0x80;
	s31 =	sadd.s32 $0x280, s30  }
0x12: {  	s7 =	sadd.s32 s10, s30;
	s8 =	sadd.s32 s11, s30;
	s9 =	sadd.s32 s10, s31  }
0x13: {  	s10 =	sadd.s32 s11, s31;
	s11 =	sadd.s32 $0xB4800, s15;
	s15 =	simm.s32 $0x1400  }
.LBB2_1:
0x14: {  	[spmem:s13], [sflag:s6] =	dma.local [hbm:s5], $0x2780  }
0x15: {  	_ =	swait.ge [sflag:s14], $0x2780  }
0x16: {  	[sflag:s14] =	ssyncset.done $0x0  }
0x17: {  	[sflag:s14] =	ssyncadd.s32 $0xFFFFD880  }
0x18: {  	[bflag:$0x0] =	sbarrier.arrive $0xFFFF  }
0x19: {  	[tilespmem:s3], [sflag:$0x3] =	stream.linear.gather [hbm4b:s7+s3], $0x1400, $0x38;
	[tilespmem:$0x1E400] =	vst v63  }
0x1a: {  	_ =	swait.ge [sflag:s14], $0x1400  }
0x1b: {  	[sflag:s14] =	ssyncset.done $0x0  }
0x1c: {  	[sflag:s14] =	ssyncadd.s32 $0xFFFFEC00  }
0x1d: {  	[tilespmem:s15], [sflag:$0x3] =	stream.linear.gather [hbm4b:s8+s3], $0x1400, $0x38;
	[tilespmem:$0x1E400] =	vst v63  }
0x1e: {  	_ =	swait.ge [sflag:s14], $0x1400  }
0x1f: {  	[sflag:s14] =	ssyncset.done $0x0  }
0x20: {  	[sflag:s14] =	ssyncadd.s32 $0xFFFFEC00  }
0x21: {  	[tilespmem:s17], [sflag:$0x1] =	stream.indirect.gather [hbm4b:s4+s16], $0x80, s3, s16, $0xb8;
	[tilespmem:$0x1E400] =	vst v63  }
0x22: {  	s25 =	simm.s32 $0x80  }
0x23: {  	[tilespmem:s18], [sflag:$0x2] =	stream.indirect.gather [hbm4b:s4+s16], $0x80, s25, s16, $0xb8;
	[tilespmem:$0x1E400] =	vst v63  }
0x24: {  	_ =	swait.ge [sflag:s19], $0x4000  }
0x25: {  	[sflag:s19] =	ssyncset.done $0x0  }
0x26: {  	s29 =	simm.s32 $0x1400;
	[sflag:s19] =	ssyncadd.s32 $0xFFFFC000  }
0x27: {  	[spmem:s2] =	stream.indirect.scatter.add.f32 [tilespmem:s17], [sflag:$0x3], $0x80, s29, s16, $0xb8;
	[tilespmem:$0x1E400] =	vst v63  }
0x28: {  	_ =	swait.ge [sflag:s14], $0x4000  }
0x29: {  	[sflag:s14] =	ssyncset.done $0x0  }
0x2a: {  	s30 =	simm.s32 $0x100;
	[sflag:s14] =	ssyncadd.s32 $0xFFFFC000  }
0x2b: {  	[tilespmem:s17], [sflag:$0x1] =	stream.indirect.gather [hbm4b:s4+s16], $0x80, s30, s16, $0xb8;
	[tilespmem:$0x1E400] =	vst v63  }
0x2c: {  	_ =	swait.ge [sflag:s20], $0x4000  }
0x2d: {  	[sflag:s20] =	ssyncset.done $0x0  }
0x2e: {  	s31 =	simm.s32 $0x1480;
	[sflag:s20] =	ssyncadd.s32 $0xFFFFC000  }
0x2f: {  	[spmem:s2] =	stream.indirect.scatter.add.f32 [tilespmem:s18], [sflag:$0x3], $0x80, s31, s16, $0xb8;
	[tilespmem:$0x1E400] =	vst v63  }
0x30: {  	_ =	swait.ge [sflag:s14], $0x4000  }
0x31: {  	s26 =	simm.s32 $0x800;
	s25 =	simm.s32 $0x100;
	[sflag:s14] =	ssyncset.done $0x0  }
.LBB2_2:
0x32: {  	s28 =	sadd.s32 $0x80, s25  }
0x33: {  	[sflag:s14] =	ssyncadd.s32 $0xFFFFC000;
	s29 =	smov.u32 s26;
	s30 =	sadd.s32 $0x400, s26  }
0x34: {  	[tilespmem:s18], [sflag:$0x2] =	stream.indirect.gather [hbm4b:s4+s16], $0x80, s28, s16, $0xb8;
	[tilespmem:$0x1E400] =	vst v63  }
0x35: {  	p0 =	sne.s32 s26, $0x4800;
	_ =	swait.ge [sflag:s19], $0x4000  }
0x36: {  	[sflag:s19] =	ssyncset.done $0x0  }
0x37: {  	s26 =	sadd.s32 $0x1400, s25;
	[sflag:s19] =	ssyncadd.s32 $0xFFFFC000  }
0x38: {  	[spmem:s2] =	stream.indirect.scatter.add.f32 [tilespmem:s17], [sflag:$0x3], $0x80, s26, s16, $0xb8;
	[tilespmem:$0x1E400] =	vst v63  }
0x39: {  	_ =	swait.ge [sflag:s14], $0x4000  }
0x3a: {  	[sflag:s14] =	ssyncset.done $0x0  }
0x3b: {  	s26 =	sadd.s32 $0x100, s25;
	[sflag:s14] =	ssyncadd.s32 $0xFFFFC000  }
0x3c: {  	[tilespmem:s17], [sflag:$0x1] =	stream.indirect.gather [hbm4b:s4+s16], $0x80, s26, s16, $0xb8;
	[tilespmem:$0x1E400] =	vst v63  }
0x3d: {  	_ =	swait.ge [sflag:s20], $0x4000  }
.Ltmp0:
0x3e: {  	[sflag:s20] =	ssyncset.done $0x0;
	(pc) =	sbr.rel @p0 .LBB2_2-.Ltmp0, $4  }
0x3f: {  	s25 =	sadd.s32 $0x1480, s25;
	[sflag:s20] =	ssyncadd.s32 $0xFFFFC000  }
0x40: {  	[spmem:s2] =	stream.indirect.scatter.add.f32 [tilespmem:s18], [sflag:$0x3], $0x80, s25, s16, $0xb8;
	[tilespmem:$0x1E400] =	vst v63  }
0x41: {  	_ =	swait.ge [sflag:s14], $0x4000  }
0x42: {  	s26 =	smov.u32 s30;
	s25 =	sshra.s32 s29, $0x2;
	[sflag:s14] =	ssyncset.done $0x0  }
0x43: {  	s26 =	sadd.s32 $0x80, s25;
	[sflag:s14] =	ssyncadd.s32 $0xFFFFC000  }
0x44: {  	[tilespmem:s18], [sflag:$0x2] =	stream.indirect.gather [hbm4b:s4+s16], $0x80, s26, s16, $0xb8;
	[tilespmem:$0x1E400] =	vst v63  }
0x45: {  	_ =	swait.ge [sflag:s19], $0x4000  }
0x46: {  	[sflag:s19] =	ssyncset.done $0x0  }
0x47: {  	s29 =	sadd.s32 $0x1400, s25;
	[sflag:s19] =	ssyncadd.s32 $0xFFFFC000  }
0x48: {  	[spmem:s2] =	stream.indirect.scatter.add.f32 [tilespmem:s17], [sflag:$0x3], $0x80, s29, s16, $0xb8;
	[tilespmem:$0x1E400] =	vst v63  }
0x49: {  	_ =	swait.ge [sflag:s14], $0x4000  }
0x4a: {  	[sflag:s14] =	ssyncset.done $0x0  }
0x4b: {  	s30 =	sadd.s32 $0x100, s25;
	[sflag:s14] =	ssyncadd.s32 $0xFFFFC000  }
0x4c: {  	[tilespmem:s17], [sflag:$0x1] =	stream.indirect.gather [hbm4b:s4+s16], $0x80, s30, s16, $0xb8;
	[tilespmem:$0x1E400] =	vst v63  }
0x4d: {  	_ =	swait.ge [sflag:s20], $0x4000  }
0x4e: {  	[sflag:s20] =	ssyncset.done $0x0  }
0x4f: {  	s31 =	sadd.s32 $0x1480, s25;
	[sflag:s20] =	ssyncadd.s32 $0xFFFFC000  }
0x50: {  	[spmem:s2] =	stream.indirect.scatter.add.f32 [tilespmem:s18], [sflag:$0x3], $0x80, s31, s16, $0xb8;
	[tilespmem:$0x1E400] =	vst v63  }
0x51: {  	_ =	swait.ge [sflag:s14], $0x4000  }
0x52: {  	[sflag:s14] =	ssyncset.done $0x0  }
0x53: {  	[sflag:s14] =	ssyncadd.s32 $0xFFFFC000  }
0x54: {  	[tilespmem:s18], [sflag:$0x2] =	stream.indirect.gather [hbm4b:s4+s16], $0x80, s21, s16, $0xb8;
	[tilespmem:$0x1E400] =	vst v63  }
0x55: {  	_ =	swait.ge [sflag:s19], $0x4000  }
0x56: {  	[sflag:s19] =	ssyncset.done $0x0  }
0x57: {  	[sflag:s19] =	ssyncadd.s32 $0xFFFFC000  }
0x58: {  	[spmem:s2] =	stream.indirect.scatter.add.f32 [tilespmem:s17], [sflag:$0x3], $0x80, s22, s16, $0xb8;
	[tilespmem:$0x1E400] =	vst v63  }
0x59: {  	_ =	swait.ge [sflag:s14], $0x4000  }
0x5a: {  	[sflag:s14] =	ssyncset.done $0x0  }
0x5b: {  	[sflag:s14] =	ssyncadd.s32 $0xFFFFC000  }
0x5c: {  	_ =	swait.ge [sflag:s20], $0x4000  }
0x5d: {  	[sflag:s20] =	ssyncset.done $0x0  }
0x5e: {  	[sflag:s20] =	ssyncadd.s32 $0xFFFFC000  }
0x5f: {  	[spmem:s2] =	stream.indirect.scatter.add.f32 [tilespmem:s18], [sflag:$0x3], $0x80, s23, s16, $0xb8;
	[tilespmem:$0x1E400] =	vst v63  }
0x60: {  	_ =	swait.ge [sflag:s14], $0x4000  }
0x61: {  	[sflag:s14] =	ssyncset.done $0x0  }
0x62: {  	s26 =	simm.s32 $0x0;
	[sflag:s14] =	ssyncadd.s32 $0xFFFFC000  }
0x63: {  	[tilespmem:s26], [sflag:$0x3] =	stream.linear.gather [hbm4b:s9+s26], $0x1400, $0x38;
	[tilespmem:$0x1E400] =	vst v63  }
0x64: {  	_ =	swait.ge [sflag:s14], $0x1400  }
0x65: {  	[sflag:s14] =	ssyncset.done $0x0  }
0x66: {  	[sflag:s14] =	ssyncadd.s32 $0xFFFFEC00  }
0x67: {  	[tilespmem:s15], [sflag:$0x3] =	stream.linear.gather [hbm4b:s10+s26], $0x1400, $0x38;
	[tilespmem:$0x1E400] =	vst v63  }
0x68: {  	_ =	swait.ge [sflag:s14], $0x1400  }
0x69: {  	[sflag:s14] =	ssyncset.done $0x0  }
0x6a: {  	[sflag:s14] =	ssyncadd.s32 $0xFFFFEC00  }
0x6b: {  	[tilespmem:s17], [sflag:$0x1] =	stream.indirect.gather [hbm4b:s4+s16], $0x80, s26, s16, $0xb8;
	[tilespmem:$0x1E400] =	vst v63  }
0x6c: {  	s28 =	simm.s32 $0x80  }
0x6d: {  	[tilespmem:s18], [sflag:$0x2] =	stream.indirect.gather [hbm4b:s4+s16], $0x80, s28, s16, $0xb8;
	[tilespmem:$0x1E400] =	vst v63  }
0x6e: {  	_ =	swait.ge [sflag:s19], $0x4000  }
0x6f: {  	[sflag:s19] =	ssyncset.done $0x0  }
0x70: {  	s29 =	simm.s32 $0x1400;
	[sflag:s19] =	ssyncadd.s32 $0xFFFFC000  }
0x71: {  	[spmem:s2] =	stream.indirect.scatter.add.f32 [tilespmem:s17], [sflag:$0x3], $0x80, s29, s16, $0xb8;
	[tilespmem:$0x1E400] =	vst v63  }
0x72: {  	_ =	swait.ge [sflag:s14], $0x4000  }
0x73: {  	[sflag:s14] =	ssyncset.done $0x0  }
0x74: {  	s30 =	simm.s32 $0x100;
	[sflag:s14] =	ssyncadd.s32 $0xFFFFC000  }
0x75: {  	[tilespmem:s17], [sflag:$0x1] =	stream.indirect.gather [hbm4b:s4+s16], $0x80, s30, s16, $0xb8;
	[tilespmem:$0x1E400] =	vst v63  }
0x76: {  	_ =	swait.ge [sflag:s20], $0x4000  }
0x77: {  	[sflag:s20] =	ssyncset.done $0x0  }
0x78: {  	s31 =	simm.s32 $0x1480;
	[sflag:s20] =	ssyncadd.s32 $0xFFFFC000  }
0x79: {  	[spmem:s2] =	stream.indirect.scatter.add.f32 [tilespmem:s18], [sflag:$0x3], $0x80, s31, s16, $0xb8;
	[tilespmem:$0x1E400] =	vst v63  }
0x7a: {  	_ =	swait.ge [sflag:s14], $0x4000  }
0x7b: {  	s25 =	simm.s32 $0x100;
	s26 =	simm.s32 $0x800;
	[sflag:s14] =	ssyncset.done $0x0  }
.LBB2_4:
0x7c: {  	s28 =	sadd.s32 $0x80, s25  }
0x7d: {  	[sflag:s14] =	ssyncadd.s32 $0xFFFFC000;
	s29 =	smov.u32 s26;
	s30 =	sadd.s32 $0x400, s26  }
0x7e: {  	[tilespmem:s18], [sflag:$0x2] =	stream.indirect.gather [hbm4b:s4+s16], $0x80, s28, s16, $0xb8;
	[tilespmem:$0x1E400] =	vst v63  }
0x7f: {  	p0 =	sne.s32 s26, $0x4800;
	_ =	swait.ge [sflag:s19], $0x4000  }
0x80: {  	[sflag:s19] =	ssyncset.done $0x0  }
0x81: {  	s26 =	sadd.s32 $0x1400, s25;
	[sflag:s19] =	ssyncadd.s32 $0xFFFFC000  }
0x82: {  	[spmem:s2] =	stream.indirect.scatter.add.f32 [tilespmem:s17], [sflag:$0x3], $0x80, s26, s16, $0xb8;
	[tilespmem:$0x1E400] =	vst v63  }
0x83: {  	_ =	swait.ge [sflag:s14], $0x4000  }
0x84: {  	[sflag:s14] =	ssyncset.done $0x0  }
0x85: {  	s26 =	sadd.s32 $0x100, s25;
	[sflag:s14] =	ssyncadd.s32 $0xFFFFC000  }
0x86: {  	[tilespmem:s17], [sflag:$0x1] =	stream.indirect.gather [hbm4b:s4+s16], $0x80, s26, s16, $0xb8;
	[tilespmem:$0x1E400] =	vst v63  }
0x87: {  	_ =	swait.ge [sflag:s20], $0x4000  }
.Ltmp1:
0x88: {  	[sflag:s20] =	ssyncset.done $0x0;
	(pc) =	sbr.rel @p0 .LBB2_4-.Ltmp1, $4  }
0x89: {  	s25 =	sadd.s32 $0x1480, s25;
	[sflag:s20] =	ssyncadd.s32 $0xFFFFC000  }
0x8a: {  	[spmem:s2] =	stream.indirect.scatter.add.f32 [tilespmem:s18], [sflag:$0x3], $0x80, s25, s16, $0xb8;
	[tilespmem:$0x1E400] =	vst v63  }
0x8b: {  	_ =	swait.ge [sflag:s14], $0x4000  }
0x8c: {  	s26 =	smov.u32 s30;
	s25 =	sshra.s32 s29, $0x2;
	[sflag:s14] =	ssyncset.done $0x0  }
0x8d: {  	s26 =	sadd.s32 $0x80, s25;
	[sflag:s14] =	ssyncadd.s32 $0xFFFFC000  }
0x8e: {  	[tilespmem:s18], [sflag:$0x2] =	stream.indirect.gather [hbm4b:s4+s16], $0x80, s26, s16, $0xb8;
	[tilespmem:$0x1E400] =	vst v63  }
0x8f: {  	_ =	swait.ge [sflag:s19], $0x4000  }
0x90: {  	[sflag:s19] =	ssyncset.done $0x0  }
0x91: {  	s29 =	sadd.s32 $0x1400, s25;
	[sflag:s19] =	ssyncadd.s32 $0xFFFFC000  }
0x92: {  	[spmem:s2] =	stream.indirect.scatter.add.f32 [tilespmem:s17], [sflag:$0x3], $0x80, s29, s16, $0xb8;
	[tilespmem:$0x1E400] =	vst v63  }
0x93: {  	_ =	swait.ge [sflag:s14], $0x4000  }
0x94: {  	[sflag:s14] =	ssyncset.done $0x0  }
0x95: {  	s30 =	sadd.s32 $0x100, s25;
	[sflag:s14] =	ssyncadd.s32 $0xFFFFC000  }
0x96: {  	[tilespmem:s17], [sflag:$0x1] =	stream.indirect.gather [hbm4b:s4+s16], $0x80, s30, s16, $0xb8;
	[tilespmem:$0x1E400] =	vst v63  }
0x97: {  	_ =	swait.ge [sflag:s20], $0x4000  }
0x98: {  	[sflag:s20] =	ssyncset.done $0x0  }
0x99: {  	s31 =	sadd.s32 $0x1480, s25;
	[sflag:s20] =	ssyncadd.s32 $0xFFFFC000  }
0x9a: {  	[spmem:s2] =	stream.indirect.scatter.add.f32 [tilespmem:s18], [sflag:$0x3], $0x80, s31, s16, $0xb8;
	[tilespmem:$0x1E400] =	vst v63  }
0x9b: {  	_ =	swait.ge [sflag:s14], $0x4000  }
0x9c: {  	[sflag:s14] =	ssyncset.done $0x0  }
0x9d: {  	[sflag:s14] =	ssyncadd.s32 $0xFFFFC000  }
0x9e: {  	[tilespmem:s18], [sflag:$0x2] =	stream.indirect.gather [hbm4b:s4+s16], $0x80, s21, s16, $0xb8;
	[tilespmem:$0x1E400] =	vst v63  }
0x9f: {  	_ =	swait.ge [sflag:s19], $0x4000  }
0xa0: {  	[sflag:s19] =	ssyncset.done $0x0  }
0xa1: {  	[sflag:s19] =	ssyncadd.s32 $0xFFFFC000  }
0xa2: {  	[spmem:s2] =	stream.indirect.scatter.add.f32 [tilespmem:s17], [sflag:$0x3], $0x80, s22, s16, $0xb8;
	[tilespmem:$0x1E400] =	vst v63  }
0xa3: {  	_ =	swait.ge [sflag:s14], $0x4000  }
0xa4: {  	[sflag:s14] =	ssyncset.done $0x0  }
0xa5: {  	[sflag:s14] =	ssyncadd.s32 $0xFFFFC000  }
0xa6: {  	_ =	swait.ge [sflag:s20], $0x4000  }
0xa7: {  	[sflag:s20] =	ssyncset.done $0x0  }
0xa8: {  	[sflag:s20] =	ssyncadd.s32 $0xFFFFC000  }
0xa9: {  	[spmem:s2] =	stream.indirect.scatter.add.f32 [tilespmem:s18], [sflag:$0x3], $0x80, s23, s16, $0xb8;
	[tilespmem:$0x1E400] =	vst v63  }
0xaa: {  	_ =	swait.ge [sflag:s14], $0x4000  }
0xab: {  	s24 =	sadd.s32 $0x1, s24;
	[sflag:s14] =	ssyncset.done $0x0  }
0xac: {  	p0 =	sne.s32 s24, s12;
	[sflag:s14] =	ssyncadd.s32 $0xFFFFC000  }
.Ltmp2:
0xad: {  	[bflag:$0x0] =	sbarrier.arrive $0xFFFF;
	(pc) =	sbr.rel @p0 .LBB2_1-.Ltmp2, $4  }
0xae: {  	[hbm:s11], [sflag:s6] =	dma.local [spmem:s13], $0x2780  }
0xaf: {  	_ =	swait.ge [sflag:s14], $0x2780  }
0xb0: {  	[sflag:s14] =	ssyncset.done $0x0  }
0xb1: {  	[sflag:s14] =	ssyncadd.s32 $0xFFFFD880  }
0xb2: {  	_ =	sfence.sel $0x180000  }
0xb3: {  	[bflag:$0x0] =	sbarrier.arrive $0xFFFF  }
0xb4: {  	p0 =	sne.s32 s1, $0x0;
	_ =	strace $0x9000004D  }
0xb5: {  	s0 =	sadd.s32 @!p0 $0x100000, s0;
	[bflag:$0x2] =	sbarrier.arrive $0xFFFF  }
0xb6: {  	[sflag:s0] =	ssyncadd.tile.s32 @!p0 $0x1;
	_ =	shalt  }
.Lfunc_end2:
_tile_overlayer_lowered:
.L_overlay_start_2:
0xb7: {  	(tag) =	ssettag $0x2  }
0xb8: {  	s0 =	rddreg [dreg:$0x0];
	s2 =	stileid.u32  }
0xb9: {  	s1 =	rddreg [dreg:$0x1];
	p0 =	sne.s32 s2, $0x0  }
0xba: {  	s3 =	rddreg [dreg:$0x2];
	[bflag:$0x3] =	sbarrier.arrive $0xFFFF;
	s2 =	simm.s32 @!p0 $0x1C03  }
0xbb: {  	[timem:s3], [sflag:s2] =	dma.local @!p0 [hbm:s0], s1  }
0xbc: {  	s0 =	simm.s32 @!p0 $0x3  }
0xbd: {  	_ =	swait.ge @!p0 [sflag:s0], s1  }
0xbe: {  	s1 =	ssub.s32 @!p0 $0x0, s1;
	[sflag:s0] =	ssyncset.done @!p0 $0x0  }
0xbf: {  	[sflag:s0] =	ssyncadd.s32 @!p0 s1  }
0xc0: {  	[bflag:$0x3] =	sbarrier.arrive $0xFFFF  }
0xc1: {  	_ =	shalt  }

// kernel: kernel.24.cloned.1.call-start
scs
__scs_entry_jumppad:
0x0: {  	(pc) =	sbr.rel $0x88, $3  }
0x1: {  	(tag) =	ssettag $0x0;
	lr =	simm.s32 $0x1  }
0x2: {  	[smem:$0x3F98] =	sst lr;
	_ =	strace $0xD0000000  }
0x3: {  	_ = 	snop  }
0x4: {  	_ = 	snop  }
0x5: {  	_ = 	snop  }
0x6: {  	_ = 	snop  }
0x7: {  	_ = 	snop  }
__scs_overlays_trampoline_lowered:
0x8: {  	[smem:$0x3FA7] =	sst s0  }
0x9: {  	[smem:$0x3FA8] =	sst s1  }
0xa: {  	[smem:$0x3FA9] =	sst s2  }
0xb: {  	[smem:$0x3FAA] =	sst s3  }
0xc: {  	[smem:$0x3FAB] =	sst s4  }
0xd: {  	[smem:$0x3FAC] =	sst s5  }
0xe: {  	[smem:$0x3FAD] =	sst s6  }
0xf: {  	[smem:$0x3FAE] =	sst s7  }
0x10: {  	[smem:$0x3FAF] =	sst s8  }
0x11: {  	[smem:$0x3FB0] =	sst s9;
	s0 =	simm.s32 @!p0 $0x0  }
0x12: {  	s1 =	sld [smem:$0x3F96];
	s0 =	simm.s32 @p0 $0x1  }
0x13: {  	[smem:$0x3FB1] =	sst s0;
	s0 =	simm.s32 @!p1 $0x0  }
0x14: {  	s2 =	sld [smem:$0x3F95];
	s0 =	simm.s32 @p1 $0x1  }
0x15: {  	[smem:$0x3FB2] =	sst s0;
	s0 =	simm.s32 @!p2 $0x0  }
0x16: {  	s3 =	sld [smem:$0x3FDB];
	s0 =	simm.s32 @p2 $0x1  }
0x17: {  	s4 =	simm.s32 $0x1BF5;
	[smem:$0x3FB4] =	sst s0  }
0x18: {  	s0 =	sld [smem:$0x3F97];
	_ =	swait.ge [sflag:s4], $0x0  }
0x19: {  	s7 =	sld [smem:$0x3F98]  }
0x1a: {  	s8 =	sadd.s32 $0xFFFFE003, lr  }
0x1b: {  	s9 =	sadd.s32 $0xFFFFFEF7, lr;
	s5 =	simm.s32 $0xFFFFFFFF;
	p2 =	slt.u32 s8, $0xFFFFF086  }
0x1c: {  	p1 =	slt.u32 s9, $0xF7A;
	s5 =	simm.s32 @!p2 $0x0  }
0x1d: {  	s5 =	simm.s32 @p1 $0x1;
	p0 =	seq.s32 s7, s2  }
0x1e: {  	s7 =	smul.u32 @!p0 $0xF7A, s2;
	p2 =	seq.s32 @!p0 s5, $0x0  }
0x1f: {  	s9 =	smul.u32 $0xF7A, s1;
	s8 =	simm.s32 @!p0 $0x1BF5;
	p2 =	por !p2, p0  }
0x20: {  	[sflag:s8] =	ssyncset.s32 @!p0 $0xFFFFF086;
	s6 =	sadd.s32 @!p0 s3, s7;
	s7 =	simm.s32 @!p0 $0x108  }
0x21: {  	s3 =	sadd.s32 s3, s9;
	s6 =	sadd.s32 @!p0 $0x88, s6;
	s7 =	simm.s32 @p2 $0x1082  }
0x22: {  	[simem:s7], [sflag:s8] =	dma.local @!p0 [hbm:s6], $0xF7A  }
0x23: {  	s9 =	sor.u32 $0xD0000000, s2;
	s6 =	simm.s32 $0x108;
	_ =	swait.ge @!p0 [sflag:s8], $0x0  }
0x24: {  	s3 =	sadd.s32 $0x88, s3;
	s6 =	simm.s32 @!p1 $0x1082;
	[sflag:s4] =	ssyncset.s32 $0xFFFFF086  }
0x25: {  	[simem:s6], [sflag:s4] =	dma.local [hbm:s3], $0xF7A  }
0x26: {  	[smem:$0x3F98] =	sst s1;
	(tag) =	ssettag s2;
	_ =	strace s9  }
0x27: {  	s1 =	sld [smem:$0x3FA8]  }
0x28: {  	s2 =	sld [smem:$0x3FA9]  }
0x29: {  	s4 =	sld [smem:$0x3FAB]  }
0x2a: {  	p0 =	seq.s32 s5, $0x0;
	s5 =	sld [smem:$0x3FAC]  }
0x2b: {  	s6 =	sld [smem:$0x3FAD]  }
0x2c: {  	s7 =	sld [smem:$0x3FAE]  }
0x2d: {  	s3 =	simm.s32 $0x108;
	s8 =	sld [smem:$0x3FAF]  }
0x2e: {  	s3 =	simm.s32 @!p0 $0x1082;
	s9 =	sld [smem:$0x3FB0]  }
0x2f: {  	lr =	sadd.s32 s0, s3;
	s0 =	sld [smem:$0x3FA7]  }
0x30: {  	s3 =	sld [smem:$0x3FAA]  }
0x31: {  	[smem:$0x3FB3] =	sst s10  }
0x32: {  	s10 =	sld [smem:$0x3FB1];
	_ =	sdelay $0x3  }
0x33: {  	p0 =	seq.s32 s10, $0x1;
	s10 =	sld [smem:$0x3FB3];
	_ =	sdelay $0x3  }
0x34: {  	[smem:$0x3FB3] =	sst s10  }
0x35: {  	s10 =	sld [smem:$0x3FB2];
	_ =	sdelay $0x3  }
0x36: {  	p1 =	seq.s32 s10, $0x1;
	s10 =	sld [smem:$0x3FB3];
	_ =	sdelay $0x3  }
0x37: {  	[smem:$0x3FB3] =	sst s10  }
0x38: {  	s10 =	sld [smem:$0x3FB4]  }
0x39: {  	_ = 	snop;
	(pc) =	sbr.ind lr, $3  }
0x3a: {  	_ = 	snop  }
0x3b: {  	_ = 	snop  }
0x3c: {  	p2 =	seq.s32 s10, $0x1;
	s10 =	sld [smem:$0x3FB3]  }
0x3d: {  	_ =	shalt  }
0x3e: {  	_ =	shalt  }
0x3f: {  	_ =	shalt  }
0x40: {  	_ =	shalt  }
0x41: {  	_ =	shalt  }
0x42: {  	_ =	shalt  }
0x43: {  	_ =	shalt  }
0x44: {  	_ =	shalt  }
0x45: {  	_ =	shalt  }
0x46: {  	_ =	shalt  }
0x47: {  	_ =	shalt  }
0x48: {  	_ =	shalt  }
0x49: {  	_ =	shalt  }
0x4a: {  	_ =	shalt  }
0x4b: {  	_ =	shalt  }
0x4c: {  	_ =	shalt  }
0x4d: {  	_ =	shalt  }
0x4e: {  	_ =	shalt  }
0x4f: {  	_ =	shalt  }
0x50: {  	_ =	shalt  }
0x51: {  	_ =	shalt  }
0x52: {  	_ =	shalt  }
0x53: {  	_ =	shalt  }
0x54: {  	_ =	shalt  }
0x55: {  	_ =	shalt  }
0x56: {  	_ =	shalt  }
0x57: {  	_ =	shalt  }
0x58: {  	_ =	shalt  }
0x59: {  	_ =	shalt  }
0x5a: {  	_ =	shalt  }
0x5b: {  	_ =	shalt  }
0x5c: {  	_ =	shalt  }
0x5d: {  	_ =	shalt  }
0x5e: {  	_ =	shalt  }
0x5f: {  	_ =	shalt  }
0x60: {  	_ =	shalt  }
0x61: {  	_ =	shalt  }
0x62: {  	_ =	shalt  }
0x63: {  	_ =	shalt  }
0x64: {  	_ =	shalt  }
0x65: {  	_ =	shalt  }
0x66: {  	_ =	shalt  }
0x67: {  	_ =	shalt  }
0x68: {  	_ =	shalt  }
0x69: {  	_ =	shalt  }
0x6a: {  	_ =	shalt  }
0x6b: {  	_ =	shalt  }
0x6c: {  	_ =	shalt  }
0x6d: {  	_ =	shalt  }
0x6e: {  	_ =	shalt  }
0x6f: {  	_ =	shalt  }
0x70: {  	_ =	shalt  }
0x71: {  	_ =	shalt  }
0x72: {  	_ =	shalt  }
0x73: {  	_ =	shalt  }
0x74: {  	_ =	shalt  }
0x75: {  	_ =	shalt  }
0x76: {  	_ =	shalt  }
0x77: {  	_ =	shalt  }
0x78: {  	_ =	shalt  }
0x79: {  	_ =	shalt  }
0x7a: {  	_ =	shalt  }
0x7b: {  	_ =	shalt  }
0x7c: {  	_ =	shalt  }
0x7d: {  	_ =	shalt  }
0x7e: {  	_ =	shalt  }
0x7f: {  	_ =	shalt  }
0x80: {  	_ =	shalt  }
0x81: {  	_ =	shalt  }
0x82: {  	_ =	shalt  }
0x83: {  	_ =	shalt  }
0x84: {  	_ =	shalt  }
0x85: {  	_ =	shalt  }
0x86: {  	_ =	shalt  }
0x87: {  	_ =	shalt  }
.Lfunc_end0:
.L_simem_size_0:
called_computation.3_lowered:
.L_overlay_start_0:
0x88: {  	s2 =	sld [smem:$0x3FD9]  }
0x89: {  	s3 =	sld [smem:$0x3FFE];
	_ =	sdelay $0x1  }
0x8a: {  	s1 =	srdreg.scid  }
0x8b: {  	s0 =	sand.u32 $0x1, s1  }
0x8c: {  	s17 =	sshll.u32 s0, $0xA;
	s2 =	sadd.s32 s3, s2  }
0x8d: {  	s2 =	sadd.s32 s2, s17  }
0x8e: {  	[smem:$0x3FBF] =	sst s2  }
0x8f: {  	_ = 	snop  }
0x90: {  	s2 =	sld [smem:$0x3FD0];
	(tm) =	ssettm $0x1  }
0x91: {  	s18 =	sld [smem:$0x3FFB];
	_ =	sdelay $0x3  }
0x92: {  	_ =	strace s18  }
0x93: {  	s3 =	sld [smem:$0x3FFC];
	_ =	sdelay $0x3  }
0x94: {  	_ =	strace s3  }
0x95: {  	s3 =	sld [smem:$0x3FFD];
	_ =	sdelay $0x3  }
0x96: {  	_ =	strace s3  }
0x97: {  	_ =	strace $0x8FFFFFFF  }
0x98: {  	s19 =	sld [smem:$0x3FDB];
	_ =	sdelay $0x1  }
0x99: {  	s4 =	simm.s32 $_scs_section_size  }
0x9a: {  	s5 =	simm.s32 $_size__tile_overlayer_lowered;
	s6 =	simm.s32 $_tile_overlayer_lowered  }
0x9b: {  	s22 =	simm.s32 $0x1BFF;
	s21 =	sshll.u32 s6, $0x1;
	s3 =	sadd.s32 s4, s19  }
0x9c: {  	s7 =	simm.s32 $0x0;
	s20 =	sshll.u32 s5, $0x1;
	s5 =	sadd.s32 s21, s3  }
0x9d: {  	[timem:s7], [sflag:s22] =	dma.local [hbm:s5], s20  }
0x9e: {  	_ =	swait.ge [sflag:s22], s20  }
0x9f: {  	s4 =	ssub.s32 $0x0, s20;
	[sflag:s22] =	ssyncset.done $0x0  }
0xa0: {  	[sflag:s22] =	ssyncadd.s32 s4;
	_ =	sdelay $0x1  }
0xa1: {  	s23 =	simm.s32 $0x1B8B  }
0xa2: {  	_ =	swait.ge [sflag:s23], $0x1  }
0xa3: {  	[sflag:s23] =	ssyncset.done $0x0  }
0xa4: {  	s25 =	simm.s32 $0x1B8E;
	s24 =	sld [smem:$0x3FFE];
	[sflag:s23] =	ssyncadd.s32 $0xFFFFFFFF  }
0xa5: {  	s26 =	simm.s32 $execute0_lowered;
	[smem:$0x3FD2] =	sst s25  }
0xa6: {  	s5 =	sshll.u32 s26, $0x1;
	_ =	strace $0x8000004F;
	[dreg:$0x1] =	wrdreg $0xFFFFFFFF  }
0xa7: {  	s28 =	simm.s32 $_size_execute0_lowered;
	s3 =	sadd.s32 s3, s5;
	[dreg:$0x0] =	wrdreg $0x0  }
0xa8: {  	s5 =	sshll.u32 s28, $0x1;
	[dreg:$0x2] =	wrdreg s3  }
0xa9: {  	[dreg:$0x3] =	wrdreg s5  }
0xaa: {  	[dreg:$0x4] =	wrdreg $0xC0  }
0xab: {  	_ =	task [dreg:s7], $0x5FFFF  }
0xac: {  	[dreg:$0x1] =	wrdreg $0xFFFFFFFF  }
0xad: {  	[dreg:$0x0] =	wrdreg $0x60  }
0xae: {  	[dreg:$0x2] =	wrdreg s24  }
0xaf: {  	[dreg:$0x3] =	wrdreg s2  }
0xb0: {  	[dreg:$0x4] =	wrdreg $0xA8000  }
0xb1: {  	[dreg:$0x5] =	wrdreg $0x9  }
0xb2: {  	_ =	task.clear_ibuf [dreg:s7], $0x6FFFF;
	_ =	strace $0x9000004F  }
0xb3: {  	s29 =	simm.s32 $0x9;
	_ =	strace $0x80000051  }
0xb4: {  	_ =	swait.ge [sflag:s29], $0x1  }
0xb5: {  	[sflag:s29] =	ssyncadd.s32 $0xFFFFFFFF  }
0xb6: {  	_ =	strace $0x90000051  }
0xb7: {  	_ =	sfence  }
0xb8: {  	s30 =	sld [smem:$0x0];
	_ =	sdelay $0x2  }
0xb9: {  	s31 =	sshll.u32 s1, $0xD;
	s1 =	sshrl.u32 s1, $0x2  }
0xba: {  	s3 =	sand.u32 $0x4000, s31;
	s1 =	sadd.s32 s1, s30  }
0xbb: {  	s0 =	sor.u32 s3, s0;
	s1 =	sshll.u32 s1, $0x11  }
0xbc: {  	s0 =	sor.u32 s1, s0  }
0xbd: {  	s0 =	sadd.s32 $0x8F2B, s0  }
0xbe: {  	[sflag:s0] =	ssyncadd.remote.s32 $0x1  }
0xbf: {  	_ =	sfence.sel $0xFFFF  }
0xc0: {  	[dreg:$0x0] =	wrdreg $0xFFFFFFFF;
	(pc) =	sbr.abs _section_cstart, $3  }
0xc1: {  	[dreg:$0x1] =	wrdreg $0xFFFFFFFF  }
0xc2: {  	_ =	task.clear_ibuf [dreg:s7], $0x2FFFF;
	_ =	strace $0x9FFFFFFF  }
0xc3: {  	(tm) =	ssettm $0x7FFFFFFF  }
tec
execute0_lowered:
.L_overlay_start_1:
0x0: {  	(tag) =	ssettag $0x1  }
0x1: {  	s5 =	rddreg [dreg:$0x0]  }
0x2: {  	s6 =	rddreg [dreg:$0x1]  }
0x3: {  	s2 =	rddreg [dreg:$0x2]  }
0x4: {  	s0 =	rddreg [dreg:$0x3];
	s3 =	simm.s32 $0x0;
	s4 =	srdreg.scid  }
0x5: {  	s1 =	stileid.u32;
	s17 =	simm.s32 $0x2800;
	s18 =	simm.s32 $0x6800  }
0x6: {  	s19 =	simm.s32 $0x1;
	s20 =	simm.s32 $0x2;
	s21 =	simm.s32 $0x1380  }
0x7: {  	s22 =	simm.s32 $0x2700;
	s23 =	simm.s32 $0x2780;
	s24 =	simm.s32 $0x0  }
0x8: {  	[smem:$0x7FF] =	sst s3;
	s7 =	sand.u32 $0x1, s4;
	s8 =	smul.u32 $0x13C00, s1  }
0x9: {  	s4 =	sadd.s32 $0x18400, s5;
	s10 =	sadd.s32 $0xE400, s5;
	s11 =	sadd.s32 $0x4400, s5  }
0xa: {  	s12 =	smul.u32 $0x4F000, s1;
	s29 =	sshll.u32 s1, $0x6;
	_ =	strace $0x80000050  }
0xb: {  	s9 =	smul.u32 $0x13C000, s7;
	s13 =	sshll.u32 s7, $0x4;
	s7 =	ssub.s32 $0x2, s7  }
0xc: {  	s13 =	sor.u32 s1, s13;
	s14 =	sshrl.u32 s7, $0x1;
	s12 =	sshrl.u32 s12, $0x2  }
0xd: {  	s28 =	sshrl.u32 s8, $0x3;
	s9 =	sadd.s32 s8, s9;
	s13 =	smul.u32 $0x2800, s13  }
0xe: {  	s14 =	ssub.s32 s7, s14;
	s16 =	sadd.s32 s12, s2;
	s9 =	sshrl.u32 s9, $0x3  }
0xf: {  	s12 =	smax.u32 s14, $0x1;
	s14 =	simm.s32 $0x3;
	s15 =	sadd.s32 s9, s5  }
0x10: {  	s30 =	sshrl.u32 s13, $0x3;
	s5 =	sadd.s32 s6, s28;
	s6 =	sor.u32 $0x1C03, s29  }
0x11: {  	s13 =	sshrl.u32 s16, $0x3;
	s16 =	simm.s32 $0x80;
	s31 =	sadd.s32 $0x280, s30  }
0x12: {  	s7 =	sadd.s32 s10, s30;
	s8 =	sadd.s32 s11, s30;
	s9 =	sadd.s32 s10, s31  }
0x13: {  	s10 =	sadd.s32 s11, s31;
	s11 =	sadd.s32 $0xB4800, s15;
	s15 =	simm.s32 $0x1400  }
.LBB2_1:
0x14: {  	[spmem:s13], [sflag:s6] =	dma.local [hbm:s5], $0x2780  }
0x15: {  	_ =	swait.ge [sflag:s14], $0x2780  }
0x16: {  	[sflag:s14] =	ssyncset.done $0x0  }
0x17: {  	[sflag:s14] =	ssyncadd.s32 $0xFFFFD880  }
0x18: {  	[bflag:$0x0] =	sbarrier.arrive $0xFFFF  }
0x19: {  	[tilespmem:s3], [sflag:$0x3] =	stream.linear.gather [hbm4b:s7+s3], $0x1400, $0x38;
	[tilespmem:$0x1E400] =	vst v63  }
0x1a: {  	_ =	swait.ge [sflag:s14], $0x1400  }
0x1b: {  	[sflag:s14] =	ssyncset.done $0x0  }
0x1c: {  	[sflag:s14] =	ssyncadd.s32 $0xFFFFEC00  }
0x1d: {  	[tilespmem:s15], [sflag:$0x3] =	stream.linear.gather [hbm4b:s8+s3], $0x1400, $0x38;
	[tilespmem:$0x1E400] =	vst v63  }
0x1e: {  	_ =	swait.ge [sflag:s14], $0x1400  }
0x1f: {  	[sflag:s14] =	ssyncset.done $0x0  }
0x20: {  	[sflag:s14] =	ssyncadd.s32 $0xFFFFEC00  }
0x21: {  	[tilespmem:s17], [sflag:$0x1] =	stream.indirect.gather [hbm4b:s4+s16], $0x80, s3, s16, $0xb8;
	[tilespmem:$0x1E400] =	vst v63  }
0x22: {  	s25 =	simm.s32 $0x80  }
0x23: {  	[tilespmem:s18], [sflag:$0x2] =	stream.indirect.gather [hbm4b:s4+s16], $0x80, s25, s16, $0xb8;
	[tilespmem:$0x1E400] =	vst v63  }
0x24: {  	_ =	swait.ge [sflag:s19], $0x4000  }
0x25: {  	[sflag:s19] =	ssyncset.done $0x0  }
0x26: {  	s29 =	simm.s32 $0x1400;
	[sflag:s19] =	ssyncadd.s32 $0xFFFFC000  }
0x27: {  	[spmem:s2] =	stream.indirect.scatter.add.f32 [tilespmem:s17], [sflag:$0x3], $0x80, s29, s16, $0xb8;
	[tilespmem:$0x1E400] =	vst v63  }
0x28: {  	_ =	swait.ge [sflag:s14], $0x4000  }
0x29: {  	[sflag:s14] =	ssyncset.done $0x0  }
0x2a: {  	s30 =	simm.s32 $0x100;
	[sflag:s14] =	ssyncadd.s32 $0xFFFFC000  }
0x2b: {  	[tilespmem:s17], [sflag:$0x1] =	stream.indirect.gather [hbm4b:s4+s16], $0x80, s30, s16, $0xb8;
	[tilespmem:$0x1E400] =	vst v63  }
0x2c: {  	_ =	swait.ge [sflag:s20], $0x4000  }
0x2d: {  	[sflag:s20] =	ssyncset.done $0x0  }
0x2e: {  	s31 =	simm.s32 $0x1480;
	[sflag:s20] =	ssyncadd.s32 $0xFFFFC000  }
0x2f: {  	[spmem:s2] =	stream.indirect.scatter.add.f32 [tilespmem:s18], [sflag:$0x3], $0x80, s31, s16, $0xb8;
	[tilespmem:$0x1E400] =	vst v63  }
0x30: {  	_ =	swait.ge [sflag:s14], $0x4000  }
0x31: {  	s26 =	simm.s32 $0x800;
	s25 =	simm.s32 $0x100;
	[sflag:s14] =	ssyncset.done $0x0  }
.LBB2_2:
0x32: {  	s28 =	sadd.s32 $0x80, s25  }
0x33: {  	[sflag:s14] =	ssyncadd.s32 $0xFFFFC000;
	s29 =	smov.u32 s26;
	s30 =	sadd.s32 $0x400, s26  }
0x34: {  	[tilespmem:s18], [sflag:$0x2] =	stream.indirect.gather [hbm4b:s4+s16], $0x80, s28, s16, $0xb8;
	[tilespmem:$0x1E400] =	vst v63  }
0x35: {  	p0 =	sne.s32 s26, $0x4800;
	_ =	swait.ge [sflag:s19], $0x4000  }
0x36: {  	[sflag:s19] =	ssyncset.done $0x0  }
0x37: {  	s26 =	sadd.s32 $0x1400, s25;
	[sflag:s19] =	ssyncadd.s32 $0xFFFFC000  }
0x38: {  	[spmem:s2] =	stream.indirect.scatter.add.f32 [tilespmem:s17], [sflag:$0x3], $0x80, s26, s16, $0xb8;
	[tilespmem:$0x1E400] =	vst v63  }
0x39: {  	_ =	swait.ge [sflag:s14], $0x4000  }
0x3a: {  	[sflag:s14] =	ssyncset.done $0x0  }
0x3b: {  	s26 =	sadd.s32 $0x100, s25;
	[sflag:s14] =	ssyncadd.s32 $0xFFFFC000  }
0x3c: {  	[tilespmem:s17], [sflag:$0x1] =	stream.indirect.gather [hbm4b:s4+s16], $0x80, s26, s16, $0xb8;
	[tilespmem:$0x1E400] =	vst v63  }
0x3d: {  	_ =	swait.ge [sflag:s20], $0x4000  }
.Ltmp0:
0x3e: {  	[sflag:s20] =	ssyncset.done $0x0;
	(pc) =	sbr.rel @p0 .LBB2_2-.Ltmp0, $4  }
0x3f: {  	s25 =	sadd.s32 $0x1480, s25;
	[sflag:s20] =	ssyncadd.s32 $0xFFFFC000  }
0x40: {  	[spmem:s2] =	stream.indirect.scatter.add.f32 [tilespmem:s18], [sflag:$0x3], $0x80, s25, s16, $0xb8;
	[tilespmem:$0x1E400] =	vst v63  }
0x41: {  	_ =	swait.ge [sflag:s14], $0x4000  }
0x42: {  	s26 =	smov.u32 s30;
	s25 =	sshra.s32 s29, $0x2;
	[sflag:s14] =	ssyncset.done $0x0  }
0x43: {  	s26 =	sadd.s32 $0x80, s25;
	[sflag:s14] =	ssyncadd.s32 $0xFFFFC000  }
0x44: {  	[tilespmem:s18], [sflag:$0x2] =	stream.indirect.gather [hbm4b:s4+s16], $0x80, s26, s16, $0xb8;
	[tilespmem:$0x1E400] =	vst v63  }
0x45: {  	_ =	swait.ge [sflag:s19], $0x4000  }
0x46: {  	[sflag:s19] =	ssyncset.done $0x0  }
0x47: {  	s29 =	sadd.s32 $0x1400, s25;
	[sflag:s19] =	ssyncadd.s32 $0xFFFFC000  }
0x48: {  	[spmem:s2] =	stream.indirect.scatter.add.f32 [tilespmem:s17], [sflag:$0x3], $0x80, s29, s16, $0xb8;
	[tilespmem:$0x1E400] =	vst v63  }
0x49: {  	_ =	swait.ge [sflag:s14], $0x4000  }
0x4a: {  	[sflag:s14] =	ssyncset.done $0x0  }
0x4b: {  	s30 =	sadd.s32 $0x100, s25;
	[sflag:s14] =	ssyncadd.s32 $0xFFFFC000  }
0x4c: {  	[tilespmem:s17], [sflag:$0x1] =	stream.indirect.gather [hbm4b:s4+s16], $0x80, s30, s16, $0xb8;
	[tilespmem:$0x1E400] =	vst v63  }
0x4d: {  	_ =	swait.ge [sflag:s20], $0x4000  }
0x4e: {  	[sflag:s20] =	ssyncset.done $0x0  }
0x4f: {  	s31 =	sadd.s32 $0x1480, s25;
	[sflag:s20] =	ssyncadd.s32 $0xFFFFC000  }
0x50: {  	[spmem:s2] =	stream.indirect.scatter.add.f32 [tilespmem:s18], [sflag:$0x3], $0x80, s31, s16, $0xb8;
	[tilespmem:$0x1E400] =	vst v63  }
0x51: {  	_ =	swait.ge [sflag:s14], $0x4000  }
0x52: {  	[sflag:s14] =	ssyncset.done $0x0  }
0x53: {  	[sflag:s14] =	ssyncadd.s32 $0xFFFFC000  }
0x54: {  	[tilespmem:s18], [sflag:$0x2] =	stream.indirect.gather [hbm4b:s4+s16], $0x80, s21, s16, $0xb8;
	[tilespmem:$0x1E400] =	vst v63  }
0x55: {  	_ =	swait.ge [sflag:s19], $0x4000  }
0x56: {  	[sflag:s19] =	ssyncset.done $0x0  }
0x57: {  	[sflag:s19] =	ssyncadd.s32 $0xFFFFC000  }
0x58: {  	[spmem:s2] =	stream.indirect.scatter.add.f32 [tilespmem:s17], [sflag:$0x3], $0x80, s22, s16, $0xb8;
	[tilespmem:$0x1E400] =	vst v63  }
0x59: {  	_ =	swait.ge [sflag:s14], $0x4000  }
0x5a: {  	[sflag:s14] =	ssyncset.done $0x0  }
0x5b: {  	[sflag:s14] =	ssyncadd.s32 $0xFFFFC000  }
0x5c: {  	_ =	swait.ge [sflag:s20], $0x4000  }
0x5d: {  	[sflag:s20] =	ssyncset.done $0x0  }
0x5e: {  	[sflag:s20] =	ssyncadd.s32 $0xFFFFC000  }
0x5f: {  	[spmem:s2] =	stream.indirect.scatter.add.f32 [tilespmem:s18], [sflag:$0x3], $0x80, s23, s16, $0xb8;
	[tilespmem:$0x1E400] =	vst v63  }
0x60: {  	_ =	swait.ge [sflag:s14], $0x4000  }
0x61: {  	[sflag:s14] =	ssyncset.done $0x0  }
0x62: {  	s26 =	simm.s32 $0x0;
	[sflag:s14] =	ssyncadd.s32 $0xFFFFC000  }
0x63: {  	[tilespmem:s26], [sflag:$0x3] =	stream.linear.gather [hbm4b:s9+s26], $0x1400, $0x38;
	[tilespmem:$0x1E400] =	vst v63  }
0x64: {  	_ =	swait.ge [sflag:s14], $0x1400  }
0x65: {  	[sflag:s14] =	ssyncset.done $0x0  }
0x66: {  	[sflag:s14] =	ssyncadd.s32 $0xFFFFEC00  }
0x67: {  	[tilespmem:s15], [sflag:$0x3] =	stream.linear.gather [hbm4b:s10+s26], $0x1400, $0x38;
	[tilespmem:$0x1E400] =	vst v63  }
0x68: {  	_ =	swait.ge [sflag:s14], $0x1400  }
0x69: {  	[sflag:s14] =	ssyncset.done $0x0  }
0x6a: {  	[sflag:s14] =	ssyncadd.s32 $0xFFFFEC00  }
0x6b: {  	[tilespmem:s17], [sflag:$0x1] =	stream.indirect.gather [hbm4b:s4+s16], $0x80, s26, s16, $0xb8;
	[tilespmem:$0x1E400] =	vst v63  }
0x6c: {  	s28 =	simm.s32 $0x80  }
0x6d: {  	[tilespmem:s18], [sflag:$0x2] =	stream.indirect.gather [hbm4b:s4+s16], $0x80, s28, s16, $0xb8;
	[tilespmem:$0x1E400] =	vst v63  }
0x6e: {  	_ =	swait.ge [sflag:s19], $0x4000  }
0x6f: {  	[sflag:s19] =	ssyncset.done $0x0  }
0x70: {  	s29 =	simm.s32 $0x1400;
	[sflag:s19] =	ssyncadd.s32 $0xFFFFC000  }
0x71: {  	[spmem:s2] =	stream.indirect.scatter.add.f32 [tilespmem:s17], [sflag:$0x3], $0x80, s29, s16, $0xb8;
	[tilespmem:$0x1E400] =	vst v63  }
0x72: {  	_ =	swait.ge [sflag:s14], $0x4000  }
0x73: {  	[sflag:s14] =	ssyncset.done $0x0  }
0x74: {  	s30 =	simm.s32 $0x100;
	[sflag:s14] =	ssyncadd.s32 $0xFFFFC000  }
0x75: {  	[tilespmem:s17], [sflag:$0x1] =	stream.indirect.gather [hbm4b:s4+s16], $0x80, s30, s16, $0xb8;
	[tilespmem:$0x1E400] =	vst v63  }
0x76: {  	_ =	swait.ge [sflag:s20], $0x4000  }
0x77: {  	[sflag:s20] =	ssyncset.done $0x0  }
0x78: {  	s31 =	simm.s32 $0x1480;
	[sflag:s20] =	ssyncadd.s32 $0xFFFFC000  }
0x79: {  	[spmem:s2] =	stream.indirect.scatter.add.f32 [tilespmem:s18], [sflag:$0x3], $0x80, s31, s16, $0xb8;
	[tilespmem:$0x1E400] =	vst v63  }
0x7a: {  	_ =	swait.ge [sflag:s14], $0x4000  }
0x7b: {  	s25 =	simm.s32 $0x100;
	s26 =	simm.s32 $0x800;
	[sflag:s14] =	ssyncset.done $0x0  }
.LBB2_4:
0x7c: {  	s28 =	sadd.s32 $0x80, s25  }
0x7d: {  	[sflag:s14] =	ssyncadd.s32 $0xFFFFC000;
	s29 =	smov.u32 s26;
	s30 =	sadd.s32 $0x400, s26  }
0x7e: {  	[tilespmem:s18], [sflag:$0x2] =	stream.indirect.gather [hbm4b:s4+s16], $0x80, s28, s16, $0xb8;
	[tilespmem:$0x1E400] =	vst v63  }
0x7f: {  	p0 =	sne.s32 s26, $0x4800;
	_ =	swait.ge [sflag:s19], $0x4000  }
0x80: {  	[sflag:s19] =	ssyncset.done $0x0  }
0x81: {  	s26 =	sadd.s32 $0x1400, s25;
	[sflag:s19] =	ssyncadd.s32 $0xFFFFC000  }
0x82: {  	[spmem:s2] =	stream.indirect.scatter.add.f32 [tilespmem:s17], [sflag:$0x3], $0x80, s26, s16, $0xb8;
	[tilespmem:$0x1E400] =	vst v63  }
0x83: {  	_ =	swait.ge [sflag:s14], $0x4000  }
0x84: {  	[sflag:s14] =	ssyncset.done $0x0  }
0x85: {  	s26 =	sadd.s32 $0x100, s25;
	[sflag:s14] =	ssyncadd.s32 $0xFFFFC000  }
0x86: {  	[tilespmem:s17], [sflag:$0x1] =	stream.indirect.gather [hbm4b:s4+s16], $0x80, s26, s16, $0xb8;
	[tilespmem:$0x1E400] =	vst v63  }
0x87: {  	_ =	swait.ge [sflag:s20], $0x4000  }
.Ltmp1:
0x88: {  	[sflag:s20] =	ssyncset.done $0x0;
	(pc) =	sbr.rel @p0 .LBB2_4-.Ltmp1, $4  }
0x89: {  	s25 =	sadd.s32 $0x1480, s25;
	[sflag:s20] =	ssyncadd.s32 $0xFFFFC000  }
0x8a: {  	[spmem:s2] =	stream.indirect.scatter.add.f32 [tilespmem:s18], [sflag:$0x3], $0x80, s25, s16, $0xb8;
	[tilespmem:$0x1E400] =	vst v63  }
0x8b: {  	_ =	swait.ge [sflag:s14], $0x4000  }
0x8c: {  	s26 =	smov.u32 s30;
	s25 =	sshra.s32 s29, $0x2;
	[sflag:s14] =	ssyncset.done $0x0  }
0x8d: {  	s26 =	sadd.s32 $0x80, s25;
	[sflag:s14] =	ssyncadd.s32 $0xFFFFC000  }
0x8e: {  	[tilespmem:s18], [sflag:$0x2] =	stream.indirect.gather [hbm4b:s4+s16], $0x80, s26, s16, $0xb8;
	[tilespmem:$0x1E400] =	vst v63  }
0x8f: {  	_ =	swait.ge [sflag:s19], $0x4000  }
0x90: {  	[sflag:s19] =	ssyncset.done $0x0  }
0x91: {  	s29 =	sadd.s32 $0x1400, s25;
	[sflag:s19] =	ssyncadd.s32 $0xFFFFC000  }
0x92: {  	[spmem:s2] =	stream.indirect.scatter.add.f32 [tilespmem:s17], [sflag:$0x3], $0x80, s29, s16, $0xb8;
	[tilespmem:$0x1E400] =	vst v63  }
0x93: {  	_ =	swait.ge [sflag:s14], $0x4000  }
0x94: {  	[sflag:s14] =	ssyncset.done $0x0  }
0x95: {  	s30 =	sadd.s32 $0x100, s25;
	[sflag:s14] =	ssyncadd.s32 $0xFFFFC000  }
0x96: {  	[tilespmem:s17], [sflag:$0x1] =	stream.indirect.gather [hbm4b:s4+s16], $0x80, s30, s16, $0xb8;
	[tilespmem:$0x1E400] =	vst v63  }
0x97: {  	_ =	swait.ge [sflag:s20], $0x4000  }
0x98: {  	[sflag:s20] =	ssyncset.done $0x0  }
0x99: {  	s31 =	sadd.s32 $0x1480, s25;
	[sflag:s20] =	ssyncadd.s32 $0xFFFFC000  }
0x9a: {  	[spmem:s2] =	stream.indirect.scatter.add.f32 [tilespmem:s18], [sflag:$0x3], $0x80, s31, s16, $0xb8;
	[tilespmem:$0x1E400] =	vst v63  }
0x9b: {  	_ =	swait.ge [sflag:s14], $0x4000  }
0x9c: {  	[sflag:s14] =	ssyncset.done $0x0  }
0x9d: {  	[sflag:s14] =	ssyncadd.s32 $0xFFFFC000  }
0x9e: {  	[tilespmem:s18], [sflag:$0x2] =	stream.indirect.gather [hbm4b:s4+s16], $0x80, s21, s16, $0xb8;
	[tilespmem:$0x1E400] =	vst v63  }
0x9f: {  	_ =	swait.ge [sflag:s19], $0x4000  }
0xa0: {  	[sflag:s19] =	ssyncset.done $0x0  }
0xa1: {  	[sflag:s19] =	ssyncadd.s32 $0xFFFFC000  }
0xa2: {  	[spmem:s2] =	stream.indirect.scatter.add.f32 [tilespmem:s17], [sflag:$0x3], $0x80, s22, s16, $0xb8;
	[tilespmem:$0x1E400] =	vst v63  }
0xa3: {  	_ =	swait.ge [sflag:s14], $0x4000  }
0xa4: {  	[sflag:s14] =	ssyncset.done $0x0  }
0xa5: {  	[sflag:s14] =	ssyncadd.s32 $0xFFFFC000  }
0xa6: {  	_ =	swait.ge [sflag:s20], $0x4000  }
0xa7: {  	[sflag:s20] =	ssyncset.done $0x0  }
0xa8: {  	[sflag:s20] =	ssyncadd.s32 $0xFFFFC000  }
0xa9: {  	[spmem:s2] =	stream.indirect.scatter.add.f32 [tilespmem:s18], [sflag:$0x3], $0x80, s23, s16, $0xb8;
	[tilespmem:$0x1E400] =	vst v63  }
0xaa: {  	_ =	swait.ge [sflag:s14], $0x4000  }
0xab: {  	s24 =	sadd.s32 $0x1, s24;
	[sflag:s14] =	ssyncset.done $0x0  }
0xac: {  	p0 =	sne.s32 s24, s12;
	[sflag:s14] =	ssyncadd.s32 $0xFFFFC000  }
.Ltmp2:
0xad: {  	[bflag:$0x0] =	sbarrier.arrive $0xFFFF;
	(pc) =	sbr.rel @p0 .LBB2_1-.Ltmp2, $4  }
0xae: {  	[hbm:s11], [sflag:s6] =	dma.local [spmem:s13], $0x2780  }
0xaf: {  	_ =	swait.ge [sflag:s14], $0x2780  }
0xb0: {  	[sflag:s14] =	ssyncset.done $0x0  }
0xb1: {  	[sflag:s14] =	ssyncadd.s32 $0xFFFFD880  }
0xb2: {  	_ =	sfence.sel $0x180000  }
0xb3: {  	[bflag:$0x0] =	sbarrier.arrive $0xFFFF  }
0xb4: {  	p0 =	sne.s32 s1, $0x0;
	_ =	strace $0x90000050  }
0xb5: {  	s0 =	sadd.s32 @!p0 $0x100000, s0;
	[bflag:$0x2] =	sbarrier.arrive $0xFFFF  }
0xb6: {  	[sflag:s0] =	ssyncadd.tile.s32 @!p0 $0x1;
	_ =	shalt  }
.Lfunc_end2:
_tile_overlayer_lowered:
.L_overlay_start_2:
0xb7: {  	(tag) =	ssettag $0x2  }
0xb8: {  	s0 =	rddreg [dreg:$0x0];
	s2 =	stileid.u32  }
0xb9: {  	s1 =	rddreg [dreg:$0x1];
	p0 =	sne.s32 s2, $0x0  }
0xba: {  	s3 =	rddreg [dreg:$0x2];
	[bflag:$0x3] =	sbarrier.arrive $0xFFFF;
	s2 =	simm.s32 @!p0 $0x1C03  }
0xbb: {  	[timem:s3], [sflag:s2] =	dma.local @!p0 [hbm:s0], s1  }
0xbc: {  	s0 =	simm.s32 @!p0 $0x3  }
0xbd: {  	_ =	swait.ge @!p0 [sflag:s0], s1  }
0xbe: {  	s1 =	ssub.s32 @!p0 $0x0, s1;
	[sflag:s0] =	ssyncset.done @!p0 $0x0  }
0xbf: {  	[sflag:s0] =	ssyncadd.s32 @!p0 s1  }
0xc0: {  	[bflag:$0x3] =	sbarrier.arrive $0xFFFF  }
0xc1: {  	_ =	shalt  }

// kernel: kernel.27.cloned.1.call-start
scs
__scs_entry_jumppad:
0x0: {  	(pc) =	sbr.rel $0x88, $3  }
0x1: {  	(tag) =	ssettag $0x0;
	lr =	simm.s32 $0x1  }
0x2: {  	[smem:$0x3F98] =	sst lr;
	_ =	strace $0xD0000000  }
0x3: {  	_ = 	snop  }
0x4: {  	_ = 	snop  }
0x5: {  	_ = 	snop  }
0x6: {  	_ = 	snop  }
0x7: {  	_ = 	snop  }
__scs_overlays_trampoline_lowered:
0x8: {  	[smem:$0x3FA7] =	sst s0  }
0x9: {  	[smem:$0x3FA8] =	sst s1  }
0xa: {  	[smem:$0x3FA9] =	sst s2  }
0xb: {  	[smem:$0x3FAA] =	sst s3  }
0xc: {  	[smem:$0x3FAB] =	sst s4  }
0xd: {  	[smem:$0x3FAC] =	sst s5  }
0xe: {  	[smem:$0x3FAD] =	sst s6  }
0xf: {  	[smem:$0x3FAE] =	sst s7  }
0x10: {  	[smem:$0x3FAF] =	sst s8  }
0x11: {  	[smem:$0x3FB0] =	sst s9;
	s0 =	simm.s32 @!p0 $0x0  }
0x12: {  	s1 =	sld [smem:$0x3F96];
	s0 =	simm.s32 @p0 $0x1  }
0x13: {  	[smem:$0x3FB1] =	sst s0;
	s0 =	simm.s32 @!p1 $0x0  }
0x14: {  	s2 =	sld [smem:$0x3F95];
	s0 =	simm.s32 @p1 $0x1  }
0x15: {  	[smem:$0x3FB2] =	sst s0;
	s0 =	simm.s32 @!p2 $0x0  }
0x16: {  	s3 =	sld [smem:$0x3FDB];
	s0 =	simm.s32 @p2 $0x1  }
0x17: {  	s4 =	simm.s32 $0x1BF5;
	[smem:$0x3FB4] =	sst s0  }
0x18: {  	s0 =	sld [smem:$0x3F97];
	_ =	swait.ge [sflag:s4], $0x0  }
0x19: {  	s7 =	sld [smem:$0x3F98]  }
0x1a: {  	s8 =	sadd.s32 $0xFFFFE003, lr  }
0x1b: {  	s9 =	sadd.s32 $0xFFFFFEF7, lr;
	s5 =	simm.s32 $0xFFFFFFFF;
	p2 =	slt.u32 s8, $0xFFFFF086  }
0x1c: {  	p1 =	slt.u32 s9, $0xF7A;
	s5 =	simm.s32 @!p2 $0x0  }
0x1d: {  	s5 =	simm.s32 @p1 $0x1;
	p0 =	seq.s32 s7, s2  }
0x1e: {  	s7 =	smul.u32 @!p0 $0xF7A, s2;
	p2 =	seq.s32 @!p0 s5, $0x0  }
0x1f: {  	s9 =	smul.u32 $0xF7A, s1;
	s8 =	simm.s32 @!p0 $0x1BF5;
	p2 =	por !p2, p0  }
0x20: {  	[sflag:s8] =	ssyncset.s32 @!p0 $0xFFFFF086;
	s6 =	sadd.s32 @!p0 s3, s7;
	s7 =	simm.s32 @!p0 $0x108  }
0x21: {  	s3 =	sadd.s32 s3, s9;
	s6 =	sadd.s32 @!p0 $0x88, s6;
	s7 =	simm.s32 @p2 $0x1082  }
0x22: {  	[simem:s7], [sflag:s8] =	dma.local @!p0 [hbm:s6], $0xF7A  }
0x23: {  	s9 =	sor.u32 $0xD0000000, s2;
	s6 =	simm.s32 $0x108;
	_ =	swait.ge @!p0 [sflag:s8], $0x0  }
0x24: {  	s3 =	sadd.s32 $0x88, s3;
	s6 =	simm.s32 @!p1 $0x1082;
	[sflag:s4] =	ssyncset.s32 $0xFFFFF086  }
0x25: {  	[simem:s6], [sflag:s4] =	dma.local [hbm:s3], $0xF7A  }
0x26: {  	[smem:$0x3F98] =	sst s1;
	(tag) =	ssettag s2;
	_ =	strace s9  }
0x27: {  	s1 =	sld [smem:$0x3FA8]  }
0x28: {  	s2 =	sld [smem:$0x3FA9]  }
0x29: {  	s4 =	sld [smem:$0x3FAB]  }
0x2a: {  	p0 =	seq.s32 s5, $0x0;
	s5 =	sld [smem:$0x3FAC]  }
0x2b: {  	s6 =	sld [smem:$0x3FAD]  }
0x2c: {  	s7 =	sld [smem:$0x3FAE]  }
0x2d: {  	s3 =	simm.s32 $0x108;
	s8 =	sld [smem:$0x3FAF]  }
0x2e: {  	s3 =	simm.s32 @!p0 $0x1082;
	s9 =	sld [smem:$0x3FB0]  }
0x2f: {  	lr =	sadd.s32 s0, s3;
	s0 =	sld [smem:$0x3FA7]  }
0x30: {  	s3 =	sld [smem:$0x3FAA]  }
0x31: {  	[smem:$0x3FB3] =	sst s10  }
0x32: {  	s10 =	sld [smem:$0x3FB1];
	_ =	sdelay $0x3  }
0x33: {  	p0 =	seq.s32 s10, $0x1;
	s10 =	sld [smem:$0x3FB3];
	_ =	sdelay $0x3  }
0x34: {  	[smem:$0x3FB3] =	sst s10  }
0x35: {  	s10 =	sld [smem:$0x3FB2];
	_ =	sdelay $0x3  }
0x36: {  	p1 =	seq.s32 s10, $0x1;
	s10 =	sld [smem:$0x3FB3];
	_ =	sdelay $0x3  }
0x37: {  	[smem:$0x3FB3] =	sst s10  }
0x38: {  	s10 =	sld [smem:$0x3FB4]  }
0x39: {  	_ = 	snop;
	(pc) =	sbr.ind lr, $3  }
0x3a: {  	_ = 	snop  }
0x3b: {  	_ = 	snop  }
0x3c: {  	p2 =	seq.s32 s10, $0x1;
	s10 =	sld [smem:$0x3FB3]  }
0x3d: {  	_ =	shalt  }
0x3e: {  	_ =	shalt  }
0x3f: {  	_ =	shalt  }
0x40: {  	_ =	shalt  }
0x41: {  	_ =	shalt  }
0x42: {  	_ =	shalt  }
0x43: {  	_ =	shalt  }
0x44: {  	_ =	shalt  }
0x45: {  	_ =	shalt  }
0x46: {  	_ =	shalt  }
0x47: {  	_ =	shalt  }
0x48: {  	_ =	shalt  }
0x49: {  	_ =	shalt  }
0x4a: {  	_ =	shalt  }
0x4b: {  	_ =	shalt  }
0x4c: {  	_ =	shalt  }
0x4d: {  	_ =	shalt  }
0x4e: {  	_ =	shalt  }
0x4f: {  	_ =	shalt  }
0x50: {  	_ =	shalt  }
0x51: {  	_ =	shalt  }
0x52: {  	_ =	shalt  }
0x53: {  	_ =	shalt  }
0x54: {  	_ =	shalt  }
0x55: {  	_ =	shalt  }
0x56: {  	_ =	shalt  }
0x57: {  	_ =	shalt  }
0x58: {  	_ =	shalt  }
0x59: {  	_ =	shalt  }
0x5a: {  	_ =	shalt  }
0x5b: {  	_ =	shalt  }
0x5c: {  	_ =	shalt  }
0x5d: {  	_ =	shalt  }
0x5e: {  	_ =	shalt  }
0x5f: {  	_ =	shalt  }
0x60: {  	_ =	shalt  }
0x61: {  	_ =	shalt  }
0x62: {  	_ =	shalt  }
0x63: {  	_ =	shalt  }
0x64: {  	_ =	shalt  }
0x65: {  	_ =	shalt  }
0x66: {  	_ =	shalt  }
0x67: {  	_ =	shalt  }
0x68: {  	_ =	shalt  }
0x69: {  	_ =	shalt  }
0x6a: {  	_ =	shalt  }
0x6b: {  	_ =	shalt  }
0x6c: {  	_ =	shalt  }
0x6d: {  	_ =	shalt  }
0x6e: {  	_ =	shalt  }
0x6f: {  	_ =	shalt  }
0x70: {  	_ =	shalt  }
0x71: {  	_ =	shalt  }
0x72: {  	_ =	shalt  }
0x73: {  	_ =	shalt  }
0x74: {  	_ =	shalt  }
0x75: {  	_ =	shalt  }
0x76: {  	_ =	shalt  }
0x77: {  	_ =	shalt  }
0x78: {  	_ =	shalt  }
0x79: {  	_ =	shalt  }
0x7a: {  	_ =	shalt  }
0x7b: {  	_ =	shalt  }
0x7c: {  	_ =	shalt  }
0x7d: {  	_ =	shalt  }
0x7e: {  	_ =	shalt  }
0x7f: {  	_ =	shalt  }
0x80: {  	_ =	shalt  }
0x81: {  	_ =	shalt  }
0x82: {  	_ =	shalt  }
0x83: {  	_ =	shalt  }
0x84: {  	_ =	shalt  }
0x85: {  	_ =	shalt  }
0x86: {  	_ =	shalt  }
0x87: {  	_ =	shalt  }
.Lfunc_end0:
.L_simem_size_0:
called_computation.4_lowered:
.L_overlay_start_0:
0x88: {  	s2 =	sld [smem:$0x3FD9]  }
0x89: {  	s3 =	sld [smem:$0x3FFE];
	_ =	sdelay $0x1  }
0x8a: {  	s1 =	srdreg.scid  }
0x8b: {  	s0 =	sand.u32 $0x1, s1  }
0x8c: {  	s17 =	sshll.u32 s0, $0xA;
	s2 =	sadd.s32 s3, s2  }
0x8d: {  	s2 =	sadd.s32 s2, s17  }
0x8e: {  	[smem:$0x3FBF] =	sst s2  }
0x8f: {  	_ = 	snop  }
0x90: {  	s2 =	sld [smem:$0x3FD0];
	(tm) =	ssettm $0x1  }
0x91: {  	s18 =	sld [smem:$0x3FFB];
	_ =	sdelay $0x3  }
0x92: {  	_ =	strace s18  }
0x93: {  	s3 =	sld [smem:$0x3FFC];
	_ =	sdelay $0x3  }
0x94: {  	_ =	strace s3  }
0x95: {  	s3 =	sld [smem:$0x3FFD];
	_ =	sdelay $0x3  }
0x96: {  	_ =	strace s3  }
0x97: {  	_ =	strace $0x8FFFFFFF  }
0x98: {  	s19 =	sld [smem:$0x3FDB];
	_ =	sdelay $0x1  }
0x99: {  	s4 =	simm.s32 $_scs_section_size  }
0x9a: {  	s5 =	simm.s32 $_size__tile_overlayer_lowered;
	s6 =	simm.s32 $_tile_overlayer_lowered  }
0x9b: {  	s22 =	simm.s32 $0x1BFF;
	s21 =	sshll.u32 s6, $0x1;
	s3 =	sadd.s32 s4, s19  }
0x9c: {  	s7 =	simm.s32 $0x0;
	s20 =	sshll.u32 s5, $0x1;
	s5 =	sadd.s32 s21, s3  }
0x9d: {  	[timem:s7], [sflag:s22] =	dma.local [hbm:s5], s20  }
0x9e: {  	_ =	swait.ge [sflag:s22], s20  }
0x9f: {  	s4 =	ssub.s32 $0x0, s20;
	[sflag:s22] =	ssyncset.done $0x0  }
0xa0: {  	[sflag:s22] =	ssyncadd.s32 s4;
	_ =	sdelay $0x1  }
0xa1: {  	s23 =	simm.s32 $0x1B8B  }
0xa2: {  	_ =	swait.ge [sflag:s23], $0x1  }
0xa3: {  	[sflag:s23] =	ssyncset.done $0x0  }
0xa4: {  	s25 =	simm.s32 $0x1B8E;
	s24 =	sld [smem:$0x3FFE];
	[sflag:s23] =	ssyncadd.s32 $0xFFFFFFFF  }
0xa5: {  	s26 =	simm.s32 $execute0_lowered;
	[smem:$0x3FD2] =	sst s25  }
0xa6: {  	s5 =	sshll.u32 s26, $0x1;
	_ =	strace $0x80000052;
	[dreg:$0x1] =	wrdreg $0xFFFFFFFF  }
0xa7: {  	s28 =	simm.s32 $_size_execute0_lowered;
	s3 =	sadd.s32 s3, s5;
	[dreg:$0x0] =	wrdreg $0x0  }
0xa8: {  	s5 =	sshll.u32 s28, $0x1;
	[dreg:$0x2] =	wrdreg s3  }
0xa9: {  	[dreg:$0x3] =	wrdreg s5  }
0xaa: {  	[dreg:$0x4] =	wrdreg $0xC0  }
0xab: {  	_ =	task [dreg:s7], $0x5FFFF  }
0xac: {  	[dreg:$0x1] =	wrdreg $0xFFFFFFFF  }
0xad: {  	[dreg:$0x0] =	wrdreg $0x60  }
0xae: {  	[dreg:$0x2] =	wrdreg s24  }
0xaf: {  	[dreg:$0x3] =	wrdreg s2  }
0xb0: {  	[dreg:$0x4] =	wrdreg $0xA8000  }
0xb1: {  	[dreg:$0x5] =	wrdreg $0x9  }
0xb2: {  	_ =	task.clear_ibuf [dreg:s7], $0x6FFFF;
	_ =	strace $0x90000052  }
0xb3: {  	s29 =	simm.s32 $0x9;
	_ =	strace $0x80000054  }
0xb4: {  	_ =	swait.ge [sflag:s29], $0x1  }
0xb5: {  	[sflag:s29] =	ssyncadd.s32 $0xFFFFFFFF  }
0xb6: {  	_ =	strace $0x90000054  }
0xb7: {  	_ =	sfence  }
0xb8: {  	s30 =	sld [smem:$0x0];
	_ =	sdelay $0x2  }
0xb9: {  	s31 =	sshll.u32 s1, $0xD;
	s1 =	sshrl.u32 s1, $0x2  }
0xba: {  	s3 =	sand.u32 $0x4000, s31;
	s1 =	sadd.s32 s1, s30  }
0xbb: {  	s0 =	sor.u32 s3, s0;
	s1 =	sshll.u32 s1, $0x11  }
0xbc: {  	s0 =	sor.u32 s1, s0  }
0xbd: {  	s0 =	sadd.s32 $0x8F2B, s0  }
0xbe: {  	[sflag:s0] =	ssyncadd.remote.s32 $0x1  }
0xbf: {  	_ =	sfence.sel $0xFFFF  }
0xc0: {  	[dreg:$0x0] =	wrdreg $0xFFFFFFFF;
	(pc) =	sbr.abs _section_cstart, $3  }
0xc1: {  	[dreg:$0x1] =	wrdreg $0xFFFFFFFF  }
0xc2: {  	_ =	task.clear_ibuf [dreg:s7], $0x2FFFF;
	_ =	strace $0x9FFFFFFF  }
0xc3: {  	(tm) =	ssettm $0x7FFFFFFF  }
tec
execute0_lowered:
.L_overlay_start_1:
0x0: {  	(tag) =	ssettag $0x1  }
0x1: {  	s5 =	rddreg [dreg:$0x0]  }
0x2: {  	s6 =	rddreg [dreg:$0x1]  }
0x3: {  	s2 =	rddreg [dreg:$0x2]  }
0x4: {  	s0 =	rddreg [dreg:$0x3];
	s3 =	simm.s32 $0x0;
	s4 =	srdreg.scid  }
0x5: {  	s1 =	stileid.u32;
	s17 =	simm.s32 $0x2800;
	s18 =	simm.s32 $0x6800  }
0x6: {  	s19 =	simm.s32 $0x1;
	s20 =	simm.s32 $0x2;
	s21 =	simm.s32 $0x1380  }
0x7: {  	s22 =	simm.s32 $0x2700;
	s23 =	simm.s32 $0x2780;
	s24 =	simm.s32 $0x0  }
0x8: {  	[smem:$0x7FF] =	sst s3;
	s7 =	sand.u32 $0x1, s4;
	s8 =	smul.u32 $0x13C00, s1  }
0x9: {  	s4 =	sadd.s32 $0x18400, s5;
	s10 =	sadd.s32 $0xE400, s5;
	s11 =	sadd.s32 $0x4400, s5  }
0xa: {  	s12 =	smul.u32 $0x4F000, s1;
	s29 =	sshll.u32 s1, $0x6;
	_ =	strace $0x80000053  }
0xb: {  	s9 =	smul.u32 $0x13C000, s7;
	s13 =	sshll.u32 s7, $0x4;
	s7 =	ssub.s32 $0x2, s7  }
0xc: {  	s13 =	sor.u32 s1, s13;
	s14 =	sshrl.u32 s7, $0x1;
	s12 =	sshrl.u32 s12, $0x2  }
0xd: {  	s28 =	sshrl.u32 s8, $0x3;
	s9 =	sadd.s32 s8, s9;
	s13 =	smul.u32 $0x2800, s13  }
0xe: {  	s14 =	ssub.s32 s7, s14;
	s16 =	sadd.s32 s12, s2;
	s9 =	sshrl.u32 s9, $0x3  }
0xf: {  	s12 =	smax.u32 s14, $0x1;
	s14 =	simm.s32 $0x3;
	s15 =	sadd.s32 s9, s5  }
0x10: {  	s30 =	sshrl.u32 s13, $0x3;
	s5 =	sadd.s32 s6, s28;
	s6 =	sor.u32 $0x1C03, s29  }
0x11: {  	s13 =	sshrl.u32 s16, $0x3;
	s16 =	simm.s32 $0x80;
	s31 =	sadd.s32 $0x280, s30  }
0x12: {  	s7 =	sadd.s32 s10, s30;
	s8 =	sadd.s32 s11, s30;
	s9 =	sadd.s32 s10, s31  }
0x13: {  	s10 =	sadd.s32 s11, s31;
	s11 =	sadd.s32 $0xB4800, s15;
	s15 =	simm.s32 $0x1400  }
.LBB2_1:
0x14: {  	[spmem:s13], [sflag:s6] =	dma.local [hbm:s5], $0x2780  }
0x15: {  	_ =	swait.ge [sflag:s14], $0x2780  }
0x16: {  	[sflag:s14] =	ssyncset.done $0x0  }
0x17: {  	[sflag:s14] =	ssyncadd.s32 $0xFFFFD880  }
0x18: {  	[bflag:$0x0] =	sbarrier.arrive $0xFFFF  }
0x19: {  	[tilespmem:s3], [sflag:$0x3] =	stream.linear.gather [hbm4b:s7+s3], $0x1400, $0x38;
	[tilespmem:$0x1E400] =	vst v63  }
0x1a: {  	_ =	swait.ge [sflag:s14], $0x1400  }
0x1b: {  	[sflag:s14] =	ssyncset.done $0x0  }
0x1c: {  	[sflag:s14] =	ssyncadd.s32 $0xFFFFEC00  }
0x1d: {  	[tilespmem:s15], [sflag:$0x3] =	stream.linear.gather [hbm4b:s8+s3], $0x1400, $0x38;
	[tilespmem:$0x1E400] =	vst v63  }
0x1e: {  	_ =	swait.ge [sflag:s14], $0x1400  }
0x1f: {  	[sflag:s14] =	ssyncset.done $0x0  }
0x20: {  	[sflag:s14] =	ssyncadd.s32 $0xFFFFEC00  }
0x21: {  	[tilespmem:s17], [sflag:$0x1] =	stream.indirect.gather [hbm4b:s4+s16], $0x80, s3, s16, $0xb8;
	[tilespmem:$0x1E400] =	vst v63  }
0x22: {  	s25 =	simm.s32 $0x80  }
0x23: {  	[tilespmem:s18], [sflag:$0x2] =	stream.indirect.gather [hbm4b:s4+s16], $0x80, s25, s16, $0xb8;
	[tilespmem:$0x1E400] =	vst v63  }
0x24: {  	_ =	swait.ge [sflag:s19], $0x4000  }
0x25: {  	[sflag:s19] =	ssyncset.done $0x0  }
0x26: {  	s29 =	simm.s32 $0x1400;
	[sflag:s19] =	ssyncadd.s32 $0xFFFFC000  }
0x27: {  	[spmem:s2] =	stream.indirect.scatter.add.f32 [tilespmem:s17], [sflag:$0x3], $0x80, s29, s16, $0xb8;
	[tilespmem:$0x1E400] =	vst v63  }
0x28: {  	_ =	swait.ge [sflag:s14], $0x4000  }
0x29: {  	[sflag:s14] =	ssyncset.done $0x0  }
0x2a: {  	s30 =	simm.s32 $0x100;
	[sflag:s14] =	ssyncadd.s32 $0xFFFFC000  }
0x2b: {  	[tilespmem:s17], [sflag:$0x1] =	stream.indirect.gather [hbm4b:s4+s16], $0x80, s30, s16, $0xb8;
	[tilespmem:$0x1E400] =	vst v63  }
0x2c: {  	_ =	swait.ge [sflag:s20], $0x4000  }
0x2d: {  	[sflag:s20] =	ssyncset.done $0x0  }
0x2e: {  	s31 =	simm.s32 $0x1480;
	[sflag:s20] =	ssyncadd.s32 $0xFFFFC000  }
0x2f: {  	[spmem:s2] =	stream.indirect.scatter.add.f32 [tilespmem:s18], [sflag:$0x3], $0x80, s31, s16, $0xb8;
	[tilespmem:$0x1E400] =	vst v63  }
0x30: {  	_ =	swait.ge [sflag:s14], $0x4000  }
0x31: {  	s26 =	simm.s32 $0x800;
	s25 =	simm.s32 $0x100;
	[sflag:s14] =	ssyncset.done $0x0  }
.LBB2_2:
0x32: {  	s28 =	sadd.s32 $0x80, s25  }
0x33: {  	[sflag:s14] =	ssyncadd.s32 $0xFFFFC000;
	s29 =	smov.u32 s26;
	s30 =	sadd.s32 $0x400, s26  }
0x34: {  	[tilespmem:s18], [sflag:$0x2] =	stream.indirect.gather [hbm4b:s4+s16], $0x80, s28, s16, $0xb8;
	[tilespmem:$0x1E400] =	vst v63  }
0x35: {  	p0 =	sne.s32 s26, $0x4800;
	_ =	swait.ge [sflag:s19], $0x4000  }
0x36: {  	[sflag:s19] =	ssyncset.done $0x0  }
0x37: {  	s26 =	sadd.s32 $0x1400, s25;
	[sflag:s19] =	ssyncadd.s32 $0xFFFFC000  }
0x38: {  	[spmem:s2] =	stream.indirect.scatter.add.f32 [tilespmem:s17], [sflag:$0x3], $0x80, s26, s16, $0xb8;
	[tilespmem:$0x1E400] =	vst v63  }
0x39: {  	_ =	swait.ge [sflag:s14], $0x4000  }
0x3a: {  	[sflag:s14] =	ssyncset.done $0x0  }
0x3b: {  	s26 =	sadd.s32 $0x100, s25;
	[sflag:s14] =	ssyncadd.s32 $0xFFFFC000  }
0x3c: {  	[tilespmem:s17], [sflag:$0x1] =	stream.indirect.gather [hbm4b:s4+s16], $0x80, s26, s16, $0xb8;
	[tilespmem:$0x1E400] =	vst v63  }
0x3d: {  	_ =	swait.ge [sflag:s20], $0x4000  }
.Ltmp0:
0x3e: {  	[sflag:s20] =	ssyncset.done $0x0;
	(pc) =	sbr.rel @p0 .LBB2_2-.Ltmp0, $4  }
0x3f: {  	s25 =	sadd.s32 $0x1480, s25;
	[sflag:s20] =	ssyncadd.s32 $0xFFFFC000  }
0x40: {  	[spmem:s2] =	stream.indirect.scatter.add.f32 [tilespmem:s18], [sflag:$0x3], $0x80, s25, s16, $0xb8;
	[tilespmem:$0x1E400] =	vst v63  }
0x41: {  	_ =	swait.ge [sflag:s14], $0x4000  }
0x42: {  	s26 =	smov.u32 s30;
	s25 =	sshra.s32 s29, $0x2;
	[sflag:s14] =	ssyncset.done $0x0  }
0x43: {  	s26 =	sadd.s32 $0x80, s25;
	[sflag:s14] =	ssyncadd.s32 $0xFFFFC000  }
0x44: {  	[tilespmem:s18], [sflag:$0x2] =	stream.indirect.gather [hbm4b:s4+s16], $0x80, s26, s16, $0xb8;
	[tilespmem:$0x1E400] =	vst v63  }
0x45: {  	_ =	swait.ge [sflag:s19], $0x4000  }
0x46: {  	[sflag:s19] =	ssyncset.done $0x0  }
0x47: {  	s29 =	sadd.s32 $0x1400, s25;
	[sflag:s19] =	ssyncadd.s32 $0xFFFFC000  }
0x48: {  	[spmem:s2] =	stream.indirect.scatter.add.f32 [tilespmem:s17], [sflag:$0x3], $0x80, s29, s16, $0xb8;
	[tilespmem:$0x1E400] =	vst v63  }
0x49: {  	_ =	swait.ge [sflag:s14], $0x4000  }
0x4a: {  	[sflag:s14] =	ssyncset.done $0x0  }
0x4b: {  	s30 =	sadd.s32 $0x100, s25;
	[sflag:s14] =	ssyncadd.s32 $0xFFFFC000  }
0x4c: {  	[tilespmem:s17], [sflag:$0x1] =	stream.indirect.gather [hbm4b:s4+s16], $0x80, s30, s16, $0xb8;
	[tilespmem:$0x1E400] =	vst v63  }
0x4d: {  	_ =	swait.ge [sflag:s20], $0x4000  }
0x4e: {  	[sflag:s20] =	ssyncset.done $0x0  }
0x4f: {  	s31 =	sadd.s32 $0x1480, s25;
	[sflag:s20] =	ssyncadd.s32 $0xFFFFC000  }
0x50: {  	[spmem:s2] =	stream.indirect.scatter.add.f32 [tilespmem:s18], [sflag:$0x3], $0x80, s31, s16, $0xb8;
	[tilespmem:$0x1E400] =	vst v63  }
0x51: {  	_ =	swait.ge [sflag:s14], $0x4000  }
0x52: {  	[sflag:s14] =	ssyncset.done $0x0  }
0x53: {  	[sflag:s14] =	ssyncadd.s32 $0xFFFFC000  }
0x54: {  	[tilespmem:s18], [sflag:$0x2] =	stream.indirect.gather [hbm4b:s4+s16], $0x80, s21, s16, $0xb8;
	[tilespmem:$0x1E400] =	vst v63  }
0x55: {  	_ =	swait.ge [sflag:s19], $0x4000  }
0x56: {  	[sflag:s19] =	ssyncset.done $0x0  }
0x57: {  	[sflag:s19] =	ssyncadd.s32 $0xFFFFC000  }
0x58: {  	[spmem:s2] =	stream.indirect.scatter.add.f32 [tilespmem:s17], [sflag:$0x3], $0x80, s22, s16, $0xb8;
	[tilespmem:$0x1E400] =	vst v63  }
0x59: {  	_ =	swait.ge [sflag:s14], $0x4000  }
0x5a: {  	[sflag:s14] =	ssyncset.done $0x0  }
0x5b: {  	[sflag:s14] =	ssyncadd.s32 $0xFFFFC000  }
0x5c: {  	_ =	swait.ge [sflag:s20], $0x4000  }
0x5d: {  	[sflag:s20] =	ssyncset.done $0x0  }
0x5e: {  	[sflag:s20] =	ssyncadd.s32 $0xFFFFC000  }
0x5f: {  	[spmem:s2] =	stream.indirect.scatter.add.f32 [tilespmem:s18], [sflag:$0x3], $0x80, s23, s16, $0xb8;
	[tilespmem:$0x1E400] =	vst v63  }
0x60: {  	_ =	swait.ge [sflag:s14], $0x4000  }
0x61: {  	[sflag:s14] =	ssyncset.done $0x0  }
0x62: {  	s26 =	simm.s32 $0x0;
	[sflag:s14] =	ssyncadd.s32 $0xFFFFC000  }
0x63: {  	[tilespmem:s26], [sflag:$0x3] =	stream.linear.gather [hbm4b:s9+s26], $0x1400, $0x38;
	[tilespmem:$0x1E400] =	vst v63  }
0x64: {  	_ =	swait.ge [sflag:s14], $0x1400  }
0x65: {  	[sflag:s14] =	ssyncset.done $0x0  }
0x66: {  	[sflag:s14] =	ssyncadd.s32 $0xFFFFEC00  }
0x67: {  	[tilespmem:s15], [sflag:$0x3] =	stream.linear.gather [hbm4b:s10+s26], $0x1400, $0x38;
	[tilespmem:$0x1E400] =	vst v63  }
0x68: {  	_ =	swait.ge [sflag:s14], $0x1400  }
0x69: {  	[sflag:s14] =	ssyncset.done $0x0  }
0x6a: {  	[sflag:s14] =	ssyncadd.s32 $0xFFFFEC00  }
0x6b: {  	[tilespmem:s17], [sflag:$0x1] =	stream.indirect.gather [hbm4b:s4+s16], $0x80, s26, s16, $0xb8;
	[tilespmem:$0x1E400] =	vst v63  }
0x6c: {  	s28 =	simm.s32 $0x80  }
0x6d: {  	[tilespmem:s18], [sflag:$0x2] =	stream.indirect.gather [hbm4b:s4+s16], $0x80, s28, s16, $0xb8;
	[tilespmem:$0x1E400] =	vst v63  }
0x6e: {  	_ =	swait.ge [sflag:s19], $0x4000  }
0x6f: {  	[sflag:s19] =	ssyncset.done $0x0  }
0x70: {  	s29 =	simm.s32 $0x1400;
	[sflag:s19] =	ssyncadd.s32 $0xFFFFC000  }
0x71: {  	[spmem:s2] =	stream.indirect.scatter.add.f32 [tilespmem:s17], [sflag:$0x3], $0x80, s29, s16, $0xb8;
	[tilespmem:$0x1E400] =	vst v63  }
0x72: {  	_ =	swait.ge [sflag:s14], $0x4000  }
0x73: {  	[sflag:s14] =	ssyncset.done $0x0  }
0x74: {  	s30 =	simm.s32 $0x100;
	[sflag:s14] =	ssyncadd.s32 $0xFFFFC000  }
0x75: {  	[tilespmem:s17], [sflag:$0x1] =	stream.indirect.gather [hbm4b:s4+s16], $0x80, s30, s16, $0xb8;
	[tilespmem:$0x1E400] =	vst v63  }
0x76: {  	_ =	swait.ge [sflag:s20], $0x4000  }
0x77: {  	[sflag:s20] =	ssyncset.done $0x0  }
0x78: {  	s31 =	simm.s32 $0x1480;
	[sflag:s20] =	ssyncadd.s32 $0xFFFFC000  }
0x79: {  	[spmem:s2] =	stream.indirect.scatter.add.f32 [tilespmem:s18], [sflag:$0x3], $0x80, s31, s16, $0xb8;
	[tilespmem:$0x1E400] =	vst v63  }
0x7a: {  	_ =	swait.ge [sflag:s14], $0x4000  }
0x7b: {  	s25 =	simm.s32 $0x100;
	s26 =	simm.s32 $0x800;
	[sflag:s14] =	ssyncset.done $0x0  }
.LBB2_4:
0x7c: {  	s28 =	sadd.s32 $0x80, s25  }
0x7d: {  	[sflag:s14] =	ssyncadd.s32 $0xFFFFC000;
	s29 =	smov.u32 s26;
	s30 =	sadd.s32 $0x400, s26  }
0x7e: {  	[tilespmem:s18], [sflag:$0x2] =	stream.indirect.gather [hbm4b:s4+s16], $0x80, s28, s16, $0xb8;
	[tilespmem:$0x1E400] =	vst v63  }
0x7f: {  	p0 =	sne.s32 s26, $0x4800;
	_ =	swait.ge [sflag:s19], $0x4000  }
0x80: {  	[sflag:s19] =	ssyncset.done $0x0  }
0x81: {  	s26 =	sadd.s32 $0x1400, s25;
	[sflag:s19] =	ssyncadd.s32 $0xFFFFC000  }
0x82: {  	[spmem:s2] =	stream.indirect.scatter.add.f32 [tilespmem:s17], [sflag:$0x3], $0x80, s26, s16, $0xb8;
	[tilespmem:$0x1E400] =	vst v63  }
0x83: {  	_ =	swait.ge [sflag:s14], $0x4000  }
0x84: {  	[sflag:s14] =	ssyncset.done $0x0  }
0x85: {  	s26 =	sadd.s32 $0x100, s25;
	[sflag:s14] =	ssyncadd.s32 $0xFFFFC000  }
0x86: {  	[tilespmem:s17], [sflag:$0x1] =	stream.indirect.gather [hbm4b:s4+s16], $0x80, s26, s16, $0xb8;
	[tilespmem:$0x1E400] =	vst v63  }
0x87: {  	_ =	swait.ge [sflag:s20], $0x4000  }
.Ltmp1:
0x88: {  	[sflag:s20] =	ssyncset.done $0x0;
	(pc) =	sbr.rel @p0 .LBB2_4-.Ltmp1, $4  }
0x89: {  	s25 =	sadd.s32 $0x1480, s25;
	[sflag:s20] =	ssyncadd.s32 $0xFFFFC000  }
0x8a: {  	[spmem:s2] =	stream.indirect.scatter.add.f32 [tilespmem:s18], [sflag:$0x3], $0x80, s25, s16, $0xb8;
	[tilespmem:$0x1E400] =	vst v63  }
0x8b: {  	_ =	swait.ge [sflag:s14], $0x4000  }
0x8c: {  	s26 =	smov.u32 s30;
	s25 =	sshra.s32 s29, $0x2;
	[sflag:s14] =	ssyncset.done $0x0  }
0x8d: {  	s26 =	sadd.s32 $0x80, s25;
	[sflag:s14] =	ssyncadd.s32 $0xFFFFC000  }
0x8e: {  	[tilespmem:s18], [sflag:$0x2] =	stream.indirect.gather [hbm4b:s4+s16], $0x80, s26, s16, $0xb8;
	[tilespmem:$0x1E400] =	vst v63  }
0x8f: {  	_ =	swait.ge [sflag:s19], $0x4000  }
0x90: {  	[sflag:s19] =	ssyncset.done $0x0  }
0x91: {  	s29 =	sadd.s32 $0x1400, s25;
	[sflag:s19] =	ssyncadd.s32 $0xFFFFC000  }
0x92: {  	[spmem:s2] =	stream.indirect.scatter.add.f32 [tilespmem:s17], [sflag:$0x3], $0x80, s29, s16, $0xb8;
	[tilespmem:$0x1E400] =	vst v63  }
0x93: {  	_ =	swait.ge [sflag:s14], $0x4000  }
0x94: {  	[sflag:s14] =	ssyncset.done $0x0  }
0x95: {  	s30 =	sadd.s32 $0x100, s25;
	[sflag:s14] =	ssyncadd.s32 $0xFFFFC000  }
0x96: {  	[tilespmem:s17], [sflag:$0x1] =	stream.indirect.gather [hbm4b:s4+s16], $0x80, s30, s16, $0xb8;
	[tilespmem:$0x1E400] =	vst v63  }
0x97: {  	_ =	swait.ge [sflag:s20], $0x4000  }
0x98: {  	[sflag:s20] =	ssyncset.done $0x0  }
0x99: {  	s31 =	sadd.s32 $0x1480, s25;
	[sflag:s20] =	ssyncadd.s32 $0xFFFFC000  }
0x9a: {  	[spmem:s2] =	stream.indirect.scatter.add.f32 [tilespmem:s18], [sflag:$0x3], $0x80, s31, s16, $0xb8;
	[tilespmem:$0x1E400] =	vst v63  }
0x9b: {  	_ =	swait.ge [sflag:s14], $0x4000  }
0x9c: {  	[sflag:s14] =	ssyncset.done $0x0  }
0x9d: {  	[sflag:s14] =	ssyncadd.s32 $0xFFFFC000  }
0x9e: {  	[tilespmem:s18], [sflag:$0x2] =	stream.indirect.gather [hbm4b:s4+s16], $0x80, s21, s16, $0xb8;
	[tilespmem:$0x1E400] =	vst v63  }
0x9f: {  	_ =	swait.ge [sflag:s19], $0x4000  }
0xa0: {  	[sflag:s19] =	ssyncset.done $0x0  }
0xa1: {  	[sflag:s19] =	ssyncadd.s32 $0xFFFFC000  }
0xa2: {  	[spmem:s2] =	stream.indirect.scatter.add.f32 [tilespmem:s17], [sflag:$0x3], $0x80, s22, s16, $0xb8;
	[tilespmem:$0x1E400] =	vst v63  }
0xa3: {  	_ =	swait.ge [sflag:s14], $0x4000  }
0xa4: {  	[sflag:s14] =	ssyncset.done $0x0  }
0xa5: {  	[sflag:s14] =	ssyncadd.s32 $0xFFFFC000  }
0xa6: {  	_ =	swait.ge [sflag:s20], $0x4000  }
0xa7: {  	[sflag:s20] =	ssyncset.done $0x0  }
0xa8: {  	[sflag:s20] =	ssyncadd.s32 $0xFFFFC000  }
0xa9: {  	[spmem:s2] =	stream.indirect.scatter.add.f32 [tilespmem:s18], [sflag:$0x3], $0x80, s23, s16, $0xb8;
	[tilespmem:$0x1E400] =	vst v63  }
0xaa: {  	_ =	swait.ge [sflag:s14], $0x4000  }
0xab: {  	s24 =	sadd.s32 $0x1, s24;
	[sflag:s14] =	ssyncset.done $0x0  }
0xac: {  	p0 =	sne.s32 s24, s12;
	[sflag:s14] =	ssyncadd.s32 $0xFFFFC000  }
.Ltmp2:
0xad: {  	[bflag:$0x0] =	sbarrier.arrive $0xFFFF;
	(pc) =	sbr.rel @p0 .LBB2_1-.Ltmp2, $4  }
0xae: {  	[hbm:s11], [sflag:s6] =	dma.local [spmem:s13], $0x2780  }
0xaf: {  	_ =	swait.ge [sflag:s14], $0x2780  }
0xb0: {  	[sflag:s14] =	ssyncset.done $0x0  }
0xb1: {  	[sflag:s14] =	ssyncadd.s32 $0xFFFFD880  }
0xb2: {  	_ =	sfence.sel $0x180000  }
0xb3: {  	[bflag:$0x0] =	sbarrier.arrive $0xFFFF  }
0xb4: {  	p0 =	sne.s32 s1, $0x0;
	_ =	strace $0x90000053  }
0xb5: {  	s0 =	sadd.s32 @!p0 $0x100000, s0;
	[bflag:$0x2] =	sbarrier.arrive $0xFFFF  }
0xb6: {  	[sflag:s0] =	ssyncadd.tile.s32 @!p0 $0x1;
	_ =	shalt  }
.Lfunc_end2:
_tile_overlayer_lowered:
.L_overlay_start_2:
0xb7: {  	(tag) =	ssettag $0x2  }
0xb8: {  	s0 =	rddreg [dreg:$0x0];
	s2 =	stileid.u32  }
0xb9: {  	s1 =	rddreg [dreg:$0x1];
	p0 =	sne.s32 s2, $0x0  }
0xba: {  	s3 =	rddreg [dreg:$0x2];
	[bflag:$0x3] =	sbarrier.arrive $0xFFFF;
	s2 =	simm.s32 @!p0 $0x1C03  }
0xbb: {  	[timem:s3], [sflag:s2] =	dma.local @!p0 [hbm:s0], s1  }
0xbc: {  	s0 =	simm.s32 @!p0 $0x3  }
0xbd: {  	_ =	swait.ge @!p0 [sflag:s0], s1  }
0xbe: {  	s1 =	ssub.s32 @!p0 $0x0, s1;
	[sflag:s0] =	ssyncset.done @!p0 $0x0  }
0xbf: {  	[sflag:s0] =	ssyncadd.s32 @!p0 s1  }
0xc0: {  	[bflag:$0x3] =	sbarrier.arrive $0xFFFF  }
0xc1: {  	_ =	shalt  }

// kernel: kernel.30.cloned.1.call-start
scs
__scs_entry_jumppad:
0x0: {  	(pc) =	sbr.rel $0x88, $3  }
0x1: {  	(tag) =	ssettag $0x0;
	lr =	simm.s32 $0x1  }
0x2: {  	[smem:$0x3F98] =	sst lr;
	_ =	strace $0xD0000000  }
0x3: {  	_ = 	snop  }
0x4: {  	_ = 	snop  }
0x5: {  	_ = 	snop  }
0x6: {  	_ = 	snop  }
0x7: {  	_ = 	snop  }
__scs_overlays_trampoline_lowered:
0x8: {  	[smem:$0x3FA7] =	sst s0  }
0x9: {  	[smem:$0x3FA8] =	sst s1  }
0xa: {  	[smem:$0x3FA9] =	sst s2  }
0xb: {  	[smem:$0x3FAA] =	sst s3  }
0xc: {  	[smem:$0x3FAB] =	sst s4  }
0xd: {  	[smem:$0x3FAC] =	sst s5  }
0xe: {  	[smem:$0x3FAD] =	sst s6  }
0xf: {  	[smem:$0x3FAE] =	sst s7  }
0x10: {  	[smem:$0x3FAF] =	sst s8  }
0x11: {  	[smem:$0x3FB0] =	sst s9;
	s0 =	simm.s32 @!p0 $0x0  }
0x12: {  	s1 =	sld [smem:$0x3F96];
	s0 =	simm.s32 @p0 $0x1  }
0x13: {  	[smem:$0x3FB1] =	sst s0;
	s0 =	simm.s32 @!p1 $0x0  }
0x14: {  	s2 =	sld [smem:$0x3F95];
	s0 =	simm.s32 @p1 $0x1  }
0x15: {  	[smem:$0x3FB2] =	sst s0;
	s0 =	simm.s32 @!p2 $0x0  }
0x16: {  	s3 =	sld [smem:$0x3FDB];
	s0 =	simm.s32 @p2 $0x1  }
0x17: {  	s4 =	simm.s32 $0x1BF5;
	[smem:$0x3FB4] =	sst s0  }
0x18: {  	s0 =	sld [smem:$0x3F97];
	_ =	swait.ge [sflag:s4], $0x0  }
0x19: {  	s7 =	sld [smem:$0x3F98]  }
0x1a: {  	s8 =	sadd.s32 $0xFFFFE003, lr  }
0x1b: {  	s9 =	sadd.s32 $0xFFFFFEF7, lr;
	s5 =	simm.s32 $0xFFFFFFFF;
	p2 =	slt.u32 s8, $0xFFFFF086  }
0x1c: {  	p1 =	slt.u32 s9, $0xF7A;
	s5 =	simm.s32 @!p2 $0x0  }
0x1d: {  	s5 =	simm.s32 @p1 $0x1;
	p0 =	seq.s32 s7, s2  }
0x1e: {  	s7 =	smul.u32 @!p0 $0xF7A, s2;
	p2 =	seq.s32 @!p0 s5, $0x0  }
0x1f: {  	s9 =	smul.u32 $0xF7A, s1;
	s8 =	simm.s32 @!p0 $0x1BF5;
	p2 =	por !p2, p0  }
0x20: {  	[sflag:s8] =	ssyncset.s32 @!p0 $0xFFFFF086;
	s6 =	sadd.s32 @!p0 s3, s7;
	s7 =	simm.s32 @!p0 $0x108  }
0x21: {  	s3 =	sadd.s32 s3, s9;
	s6 =	sadd.s32 @!p0 $0x88, s6;
	s7 =	simm.s32 @p2 $0x1082  }
0x22: {  	[simem:s7], [sflag:s8] =	dma.local @!p0 [hbm:s6], $0xF7A  }
0x23: {  	s9 =	sor.u32 $0xD0000000, s2;
	s6 =	simm.s32 $0x108;
	_ =	swait.ge @!p0 [sflag:s8], $0x0  }
0x24: {  	s3 =	sadd.s32 $0x88, s3;
	s6 =	simm.s32 @!p1 $0x1082;
	[sflag:s4] =	ssyncset.s32 $0xFFFFF086  }
0x25: {  	[simem:s6], [sflag:s4] =	dma.local [hbm:s3], $0xF7A  }
0x26: {  	[smem:$0x3F98] =	sst s1;
	(tag) =	ssettag s2;
	_ =	strace s9  }
0x27: {  	s1 =	sld [smem:$0x3FA8]  }
0x28: {  	s2 =	sld [smem:$0x3FA9]  }
0x29: {  	s4 =	sld [smem:$0x3FAB]  }
0x2a: {  	p0 =	seq.s32 s5, $0x0;
	s5 =	sld [smem:$0x3FAC]  }
0x2b: {  	s6 =	sld [smem:$0x3FAD]  }
0x2c: {  	s7 =	sld [smem:$0x3FAE]  }
0x2d: {  	s3 =	simm.s32 $0x108;
	s8 =	sld [smem:$0x3FAF]  }
0x2e: {  	s3 =	simm.s32 @!p0 $0x1082;
	s9 =	sld [smem:$0x3FB0]  }
0x2f: {  	lr =	sadd.s32 s0, s3;
	s0 =	sld [smem:$0x3FA7]  }
0x30: {  	s3 =	sld [smem:$0x3FAA]  }
0x31: {  	[smem:$0x3FB3] =	sst s10  }
0x32: {  	s10 =	sld [smem:$0x3FB1];
	_ =	sdelay $0x3  }
0x33: {  	p0 =	seq.s32 s10, $0x1;
	s10 =	sld [smem:$0x3FB3];
	_ =	sdelay $0x3  }
0x34: {  	[smem:$0x3FB3] =	sst s10  }
0x35: {  	s10 =	sld [smem:$0x3FB2];
	_ =	sdelay $0x3  }
0x36: {  	p1 =	seq.s32 s10, $0x1;
	s10 =	sld [smem:$0x3FB3];
	_ =	sdelay $0x3  }
0x37: {  	[smem:$0x3FB3] =	sst s10  }
0x38: {  	s10 =	sld [smem:$0x3FB4]  }
0x39: {  	_ = 	snop;
	(pc) =	sbr.ind lr, $3  }
0x3a: {  	_ = 	snop  }
0x3b: {  	_ = 	snop  }
0x3c: {  	p2 =	seq.s32 s10, $0x1;
	s10 =	sld [smem:$0x3FB3]  }
0x3d: {  	_ =	shalt  }
0x3e: {  	_ =	shalt  }
0x3f: {  	_ =	shalt  }
0x40: {  	_ =	shalt  }
0x41: {  	_ =	shalt  }
0x42: {  	_ =	shalt  }
0x43: {  	_ =	shalt  }
0x44: {  	_ =	shalt  }
0x45: {  	_ =	shalt  }
0x46: {  	_ =	shalt  }
0x47: {  	_ =	shalt  }
0x48: {  	_ =	shalt  }
0x49: {  	_ =	shalt  }
0x4a: {  	_ =	shalt  }
0x4b: {  	_ =	shalt  }
0x4c: {  	_ =	shalt  }
0x4d: {  	_ =	shalt  }
0x4e: {  	_ =	shalt  }
0x4f: {  	_ =	shalt  }
0x50: {  	_ =	shalt  }
0x51: {  	_ =	shalt  }
0x52: {  	_ =	shalt  }
0x53: {  	_ =	shalt  }
0x54: {  	_ =	shalt  }
0x55: {  	_ =	shalt  }
0x56: {  	_ =	shalt  }
0x57: {  	_ =	shalt  }
0x58: {  	_ =	shalt  }
0x59: {  	_ =	shalt  }
0x5a: {  	_ =	shalt  }
0x5b: {  	_ =	shalt  }
0x5c: {  	_ =	shalt  }
0x5d: {  	_ =	shalt  }
0x5e: {  	_ =	shalt  }
0x5f: {  	_ =	shalt  }
0x60: {  	_ =	shalt  }
0x61: {  	_ =	shalt  }
0x62: {  	_ =	shalt  }
0x63: {  	_ =	shalt  }
0x64: {  	_ =	shalt  }
0x65: {  	_ =	shalt  }
0x66: {  	_ =	shalt  }
0x67: {  	_ =	shalt  }
0x68: {  	_ =	shalt  }
0x69: {  	_ =	shalt  }
0x6a: {  	_ =	shalt  }
0x6b: {  	_ =	shalt  }
0x6c: {  	_ =	shalt  }
0x6d: {  	_ =	shalt  }
0x6e: {  	_ =	shalt  }
0x6f: {  	_ =	shalt  }
0x70: {  	_ =	shalt  }
0x71: {  	_ =	shalt  }
0x72: {  	_ =	shalt  }
0x73: {  	_ =	shalt  }
0x74: {  	_ =	shalt  }
0x75: {  	_ =	shalt  }
0x76: {  	_ =	shalt  }
0x77: {  	_ =	shalt  }
0x78: {  	_ =	shalt  }
0x79: {  	_ =	shalt  }
0x7a: {  	_ =	shalt  }
0x7b: {  	_ =	shalt  }
0x7c: {  	_ =	shalt  }
0x7d: {  	_ =	shalt  }
0x7e: {  	_ =	shalt  }
0x7f: {  	_ =	shalt  }
0x80: {  	_ =	shalt  }
0x81: {  	_ =	shalt  }
0x82: {  	_ =	shalt  }
0x83: {  	_ =	shalt  }
0x84: {  	_ =	shalt  }
0x85: {  	_ =	shalt  }
0x86: {  	_ =	shalt  }
0x87: {  	_ =	shalt  }
.Lfunc_end0:
.L_simem_size_0:
called_computation.5_lowered:
.L_overlay_start_0:
0x88: {  	s2 =	sld [smem:$0x3FD9]  }
0x89: {  	s3 =	sld [smem:$0x3FFE];
	_ =	sdelay $0x1  }
0x8a: {  	s1 =	srdreg.scid  }
0x8b: {  	s0 =	sand.u32 $0x1, s1  }
0x8c: {  	s17 =	sshll.u32 s0, $0xA;
	s2 =	sadd.s32 s3, s2  }
0x8d: {  	s2 =	sadd.s32 s2, s17  }
0x8e: {  	[smem:$0x3FBF] =	sst s2  }
0x8f: {  	_ = 	snop  }
0x90: {  	s2 =	sld [smem:$0x3FD0];
	(tm) =	ssettm $0x1  }
0x91: {  	s18 =	sld [smem:$0x3FFB];
	_ =	sdelay $0x3  }
0x92: {  	_ =	strace s18  }
0x93: {  	s3 =	sld [smem:$0x3FFC];
	_ =	sdelay $0x3  }
0x94: {  	_ =	strace s3  }
0x95: {  	s3 =	sld [smem:$0x3FFD];
	_ =	sdelay $0x3  }
0x96: {  	_ =	strace s3  }
0x97: {  	_ =	strace $0x8FFFFFFF  }
0x98: {  	s19 =	sld [smem:$0x3FDB];
	_ =	sdelay $0x1  }
0x99: {  	s4 =	simm.s32 $_scs_section_size  }
0x9a: {  	s5 =	simm.s32 $_size__tile_overlayer_lowered;
	s6 =	simm.s32 $_tile_overlayer_lowered  }
0x9b: {  	s22 =	simm.s32 $0x1BFF;
	s21 =	sshll.u32 s6, $0x1;
	s3 =	sadd.s32 s4, s19  }
0x9c: {  	s7 =	simm.s32 $0x0;
	s20 =	sshll.u32 s5, $0x1;
	s5 =	sadd.s32 s21, s3  }
0x9d: {  	[timem:s7], [sflag:s22] =	dma.local [hbm:s5], s20  }
0x9e: {  	_ =	swait.ge [sflag:s22], s20  }
0x9f: {  	s4 =	ssub.s32 $0x0, s20;
	[sflag:s22] =	ssyncset.done $0x0  }
0xa0: {  	[sflag:s22] =	ssyncadd.s32 s4;
	_ =	sdelay $0x1  }
0xa1: {  	s23 =	simm.s32 $0x1B8B  }
0xa2: {  	_ =	swait.ge [sflag:s23], $0x1  }
0xa3: {  	[sflag:s23] =	ssyncset.done $0x0  }
0xa4: {  	s25 =	simm.s32 $0x1B8E;
	s24 =	sld [smem:$0x3FFE];
	[sflag:s23] =	ssyncadd.s32 $0xFFFFFFFF  }
0xa5: {  	s26 =	simm.s32 $execute0_lowered;
	[smem:$0x3FD2] =	sst s25  }
0xa6: {  	s5 =	sshll.u32 s26, $0x1;
	_ =	strace $0x80000055;
	[dreg:$0x1] =	wrdreg $0xFFFFFFFF  }
0xa7: {  	s28 =	simm.s32 $_size_execute0_lowered;
	s3 =	sadd.s32 s3, s5;
	[dreg:$0x0] =	wrdreg $0x0  }
0xa8: {  	s5 =	sshll.u32 s28, $0x1;
	[dreg:$0x2] =	wrdreg s3  }
0xa9: {  	[dreg:$0x3] =	wrdreg s5  }
0xaa: {  	[dreg:$0x4] =	wrdreg $0xC0  }
0xab: {  	_ =	task [dreg:s7], $0x5FFFF  }
0xac: {  	[dreg:$0x1] =	wrdreg $0xFFFFFFFF  }
0xad: {  	[dreg:$0x0] =	wrdreg $0x60  }
0xae: {  	[dreg:$0x2] =	wrdreg s24  }
0xaf: {  	[dreg:$0x3] =	wrdreg s2  }
0xb0: {  	[dreg:$0x4] =	wrdreg $0xA8000  }
0xb1: {  	[dreg:$0x5] =	wrdreg $0x9  }
0xb2: {  	_ =	task.clear_ibuf [dreg:s7], $0x6FFFF;
	_ =	strace $0x90000055  }
0xb3: {  	s29 =	simm.s32 $0x9;
	_ =	strace $0x80000057  }
0xb4: {  	_ =	swait.ge [sflag:s29], $0x1  }
0xb5: {  	[sflag:s29] =	ssyncadd.s32 $0xFFFFFFFF  }
0xb6: {  	_ =	strace $0x90000057  }
0xb7: {  	_ =	sfence  }
0xb8: {  	s30 =	sld [smem:$0x0];
	_ =	sdelay $0x2  }
0xb9: {  	s31 =	sshll.u32 s1, $0xD;
	s1 =	sshrl.u32 s1, $0x2  }
0xba: {  	s3 =	sand.u32 $0x4000, s31;
	s1 =	sadd.s32 s1, s30  }
0xbb: {  	s0 =	sor.u32 s3, s0;
	s1 =	sshll.u32 s1, $0x11  }
0xbc: {  	s0 =	sor.u32 s1, s0  }
0xbd: {  	s0 =	sadd.s32 $0x8F2B, s0  }
0xbe: {  	[sflag:s0] =	ssyncadd.remote.s32 $0x1  }
0xbf: {  	_ =	sfence.sel $0xFFFF  }
0xc0: {  	[dreg:$0x0] =	wrdreg $0xFFFFFFFF;
	(pc) =	sbr.abs _section_cstart, $3  }
0xc1: {  	[dreg:$0x1] =	wrdreg $0xFFFFFFFF  }
0xc2: {  	_ =	task.clear_ibuf [dreg:s7], $0x2FFFF;
	_ =	strace $0x9FFFFFFF  }
0xc3: {  	(tm) =	ssettm $0x7FFFFFFF  }
tec
execute0_lowered:
.L_overlay_start_1:
0x0: {  	(tag) =	ssettag $0x1  }
0x1: {  	s5 =	rddreg [dreg:$0x0]  }
0x2: {  	s6 =	rddreg [dreg:$0x1]  }
0x3: {  	s2 =	rddreg [dreg:$0x2]  }
0x4: {  	s0 =	rddreg [dreg:$0x3];
	s3 =	simm.s32 $0x0;
	s4 =	srdreg.scid  }
0x5: {  	s1 =	stileid.u32;
	s17 =	simm.s32 $0x2800;
	s18 =	simm.s32 $0x6800  }
0x6: {  	s19 =	simm.s32 $0x1;
	s20 =	simm.s32 $0x2;
	s21 =	simm.s32 $0x1380  }
0x7: {  	s22 =	simm.s32 $0x2700;
	s23 =	simm.s32 $0x2780;
	s24 =	simm.s32 $0x0  }
0x8: {  	[smem:$0x7FF] =	sst s3;
	s7 =	sand.u32 $0x1, s4;
	s8 =	smul.u32 $0x13C00, s1  }
0x9: {  	s4 =	sadd.s32 $0x18400, s5;
	s10 =	sadd.s32 $0xE400, s5;
	s11 =	sadd.s32 $0x4400, s5  }
0xa: {  	s12 =	smul.u32 $0x4F000, s1;
	s29 =	sshll.u32 s1, $0x6;
	_ =	strace $0x80000056  }
0xb: {  	s9 =	smul.u32 $0x13C000, s7;
	s13 =	sshll.u32 s7, $0x4;
	s7 =	ssub.s32 $0x2, s7  }
0xc: {  	s13 =	sor.u32 s1, s13;
	s14 =	sshrl.u32 s7, $0x1;
	s12 =	sshrl.u32 s12, $0x2  }
0xd: {  	s28 =	sshrl.u32 s8, $0x3;
	s9 =	sadd.s32 s8, s9;
	s13 =	smul.u32 $0x2800, s13  }
0xe: {  	s14 =	ssub.s32 s7, s14;
	s16 =	sadd.s32 s12, s2;
	s9 =	sshrl.u32 s9, $0x3  }
0xf: {  	s12 =	smax.u32 s14, $0x1;
	s14 =	simm.s32 $0x3;
	s15 =	sadd.s32 s9, s5  }
0x10: {  	s30 =	sshrl.u32 s13, $0x3;
	s5 =	sadd.s32 s6, s28;
	s6 =	sor.u32 $0x1C03, s29  }
0x11: {  	s13 =	sshrl.u32 s16, $0x3;
	s16 =	simm.s32 $0x80;
	s31 =	sadd.s32 $0x280, s30  }
0x12: {  	s7 =	sadd.s32 s10, s30;
	s8 =	sadd.s32 s11, s30;
	s9 =	sadd.s32 s10, s31  }
0x13: {  	s10 =	sadd.s32 s11, s31;
	s11 =	sadd.s32 $0xB4800, s15;
	s15 =	simm.s32 $0x1400  }
.LBB2_1:
0x14: {  	[spmem:s13], [sflag:s6] =	dma.local [hbm:s5], $0x2780  }
0x15: {  	_ =	swait.ge [sflag:s14], $0x2780  }
0x16: {  	[sflag:s14] =	ssyncset.done $0x0  }
0x17: {  	[sflag:s14] =	ssyncadd.s32 $0xFFFFD880  }
0x18: {  	[bflag:$0x0] =	sbarrier.arrive $0xFFFF  }
0x19: {  	[tilespmem:s3], [sflag:$0x3] =	stream.linear.gather [hbm4b:s7+s3], $0x1400, $0x38;
	[tilespmem:$0x1E400] =	vst v63  }
0x1a: {  	_ =	swait.ge [sflag:s14], $0x1400  }
0x1b: {  	[sflag:s14] =	ssyncset.done $0x0  }
0x1c: {  	[sflag:s14] =	ssyncadd.s32 $0xFFFFEC00  }
0x1d: {  	[tilespmem:s15], [sflag:$0x3] =	stream.linear.gather [hbm4b:s8+s3], $0x1400, $0x38;
	[tilespmem:$0x1E400] =	vst v63  }
0x1e: {  	_ =	swait.ge [sflag:s14], $0x1400  }
0x1f: {  	[sflag:s14] =	ssyncset.done $0x0  }
0x20: {  	[sflag:s14] =	ssyncadd.s32 $0xFFFFEC00  }
0x21: {  	[tilespmem:s17], [sflag:$0x1] =	stream.indirect.gather [hbm4b:s4+s16], $0x80, s3, s16, $0xb8;
	[tilespmem:$0x1E400] =	vst v63  }
0x22: {  	s25 =	simm.s32 $0x80  }
0x23: {  	[tilespmem:s18], [sflag:$0x2] =	stream.indirect.gather [hbm4b:s4+s16], $0x80, s25, s16, $0xb8;
	[tilespmem:$0x1E400] =	vst v63  }
0x24: {  	_ =	swait.ge [sflag:s19], $0x4000  }
0x25: {  	[sflag:s19] =	ssyncset.done $0x0  }
0x26: {  	s29 =	simm.s32 $0x1400;
	[sflag:s19] =	ssyncadd.s32 $0xFFFFC000  }
0x27: {  	[spmem:s2] =	stream.indirect.scatter.add.f32 [tilespmem:s17], [sflag:$0x3], $0x80, s29, s16, $0xb8;
	[tilespmem:$0x1E400] =	vst v63  }
0x28: {  	_ =	swait.ge [sflag:s14], $0x4000  }
0x29: {  	[sflag:s14] =	ssyncset.done $0x0  }
0x2a: {  	s30 =	simm.s32 $0x100;
	[sflag:s14] =	ssyncadd.s32 $0xFFFFC000  }
0x2b: {  	[tilespmem:s17], [sflag:$0x1] =	stream.indirect.gather [hbm4b:s4+s16], $0x80, s30, s16, $0xb8;
	[tilespmem:$0x1E400] =	vst v63  }
0x2c: {  	_ =	swait.ge [sflag:s20], $0x4000  }
0x2d: {  	[sflag:s20] =	ssyncset.done $0x0  }
0x2e: {  	s31 =	simm.s32 $0x1480;
	[sflag:s20] =	ssyncadd.s32 $0xFFFFC000  }
0x2f: {  	[spmem:s2] =	stream.indirect.scatter.add.f32 [tilespmem:s18], [sflag:$0x3], $0x80, s31, s16, $0xb8;
	[tilespmem:$0x1E400] =	vst v63  }
0x30: {  	_ =	swait.ge [sflag:s14], $0x4000  }
0x31: {  	s26 =	simm.s32 $0x800;
	s25 =	simm.s32 $0x100;
	[sflag:s14] =	ssyncset.done $0x0  }
.LBB2_2:
0x32: {  	s28 =	sadd.s32 $0x80, s25  }
0x33: {  	[sflag:s14] =	ssyncadd.s32 $0xFFFFC000;
	s29 =	smov.u32 s26;
	s30 =	sadd.s32 $0x400, s26  }
0x34: {  	[tilespmem:s18], [sflag:$0x2] =	stream.indirect.gather [hbm4b:s4+s16], $0x80, s28, s16, $0xb8;
	[tilespmem:$0x1E400] =	vst v63  }
0x35: {  	p0 =	sne.s32 s26, $0x4800;
	_ =	swait.ge [sflag:s19], $0x4000  }
0x36: {  	[sflag:s19] =	ssyncset.done $0x0  }
0x37: {  	s26 =	sadd.s32 $0x1400, s25;
	[sflag:s19] =	ssyncadd.s32 $0xFFFFC000  }
0x38: {  	[spmem:s2] =	stream.indirect.scatter.add.f32 [tilespmem:s17], [sflag:$0x3], $0x80, s26, s16, $0xb8;
	[tilespmem:$0x1E400] =	vst v63  }
0x39: {  	_ =	swait.ge [sflag:s14], $0x4000  }
0x3a: {  	[sflag:s14] =	ssyncset.done $0x0  }
0x3b: {  	s26 =	sadd.s32 $0x100, s25;
	[sflag:s14] =	ssyncadd.s32 $0xFFFFC000  }
0x3c: {  	[tilespmem:s17], [sflag:$0x1] =	stream.indirect.gather [hbm4b:s4+s16], $0x80, s26, s16, $0xb8;
	[tilespmem:$0x1E400] =	vst v63  }
0x3d: {  	_ =	swait.ge [sflag:s20], $0x4000  }
.Ltmp0:
0x3e: {  	[sflag:s20] =	ssyncset.done $0x0;
	(pc) =	sbr.rel @p0 .LBB2_2-.Ltmp0, $4  }
0x3f: {  	s25 =	sadd.s32 $0x1480, s25;
	[sflag:s20] =	ssyncadd.s32 $0xFFFFC000  }
0x40: {  	[spmem:s2] =	stream.indirect.scatter.add.f32 [tilespmem:s18], [sflag:$0x3], $0x80, s25, s16, $0xb8;
	[tilespmem:$0x1E400] =	vst v63  }
0x41: {  	_ =	swait.ge [sflag:s14], $0x4000  }
0x42: {  	s26 =	smov.u32 s30;
	s25 =	sshra.s32 s29, $0x2;
	[sflag:s14] =	ssyncset.done $0x0  }
0x43: {  	s26 =	sadd.s32 $0x80, s25;
	[sflag:s14] =	ssyncadd.s32 $0xFFFFC000  }
0x44: {  	[tilespmem:s18], [sflag:$0x2] =	stream.indirect.gather [hbm4b:s4+s16], $0x80, s26, s16, $0xb8;
	[tilespmem:$0x1E400] =	vst v63  }
0x45: {  	_ =	swait.ge [sflag:s19], $0x4000  }
0x46: {  	[sflag:s19] =	ssyncset.done $0x0  }
0x47: {  	s29 =	sadd.s32 $0x1400, s25;
	[sflag:s19] =	ssyncadd.s32 $0xFFFFC000  }
0x48: {  	[spmem:s2] =	stream.indirect.scatter.add.f32 [tilespmem:s17], [sflag:$0x3], $0x80, s29, s16, $0xb8;
	[tilespmem:$0x1E400] =	vst v63  }
0x49: {  	_ =	swait.ge [sflag:s14], $0x4000  }
0x4a: {  	[sflag:s14] =	ssyncset.done $0x0  }
0x4b: {  	s30 =	sadd.s32 $0x100, s25;
	[sflag:s14] =	ssyncadd.s32 $0xFFFFC000  }
0x4c: {  	[tilespmem:s17], [sflag:$0x1] =	stream.indirect.gather [hbm4b:s4+s16], $0x80, s30, s16, $0xb8;
	[tilespmem:$0x1E400] =	vst v63  }
0x4d: {  	_ =	swait.ge [sflag:s20], $0x4000  }
0x4e: {  	[sflag:s20] =	ssyncset.done $0x0  }
0x4f: {  	s31 =	sadd.s32 $0x1480, s25;
	[sflag:s20] =	ssyncadd.s32 $0xFFFFC000  }
0x50: {  	[spmem:s2] =	stream.indirect.scatter.add.f32 [tilespmem:s18], [sflag:$0x3], $0x80, s31, s16, $0xb8;
	[tilespmem:$0x1E400] =	vst v63  }
0x51: {  	_ =	swait.ge [sflag:s14], $0x4000  }
0x52: {  	[sflag:s14] =	ssyncset.done $0x0  }
0x53: {  	[sflag:s14] =	ssyncadd.s32 $0xFFFFC000  }
0x54: {  	[tilespmem:s18], [sflag:$0x2] =	stream.indirect.gather [hbm4b:s4+s16], $0x80, s21, s16, $0xb8;
	[tilespmem:$0x1E400] =	vst v63  }
0x55: {  	_ =	swait.ge [sflag:s19], $0x4000  }
0x56: {  	[sflag:s19] =	ssyncset.done $0x0  }
0x57: {  	[sflag:s19] =	ssyncadd.s32 $0xFFFFC000  }
0x58: {  	[spmem:s2] =	stream.indirect.scatter.add.f32 [tilespmem:s17], [sflag:$0x3], $0x80, s22, s16, $0xb8;
	[tilespmem:$0x1E400] =	vst v63  }
0x59: {  	_ =	swait.ge [sflag:s14], $0x4000  }
0x5a: {  	[sflag:s14] =	ssyncset.done $0x0  }
0x5b: {  	[sflag:s14] =	ssyncadd.s32 $0xFFFFC000  }
0x5c: {  	_ =	swait.ge [sflag:s20], $0x4000  }
0x5d: {  	[sflag:s20] =	ssyncset.done $0x0  }
0x5e: {  	[sflag:s20] =	ssyncadd.s32 $0xFFFFC000  }
0x5f: {  	[spmem:s2] =	stream.indirect.scatter.add.f32 [tilespmem:s18], [sflag:$0x3], $0x80, s23, s16, $0xb8;
	[tilespmem:$0x1E400] =	vst v63  }
0x60: {  	_ =	swait.ge [sflag:s14], $0x4000  }
0x61: {  	[sflag:s14] =	ssyncset.done $0x0  }
0x62: {  	s26 =	simm.s32 $0x0;
	[sflag:s14] =	ssyncadd.s32 $0xFFFFC000  }
0x63: {  	[tilespmem:s26], [sflag:$0x3] =	stream.linear.gather [hbm4b:s9+s26], $0x1400, $0x38;
	[tilespmem:$0x1E400] =	vst v63  }
0x64: {  	_ =	swait.ge [sflag:s14], $0x1400  }
0x65: {  	[sflag:s14] =	ssyncset.done $0x0  }
0x66: {  	[sflag:s14] =	ssyncadd.s32 $0xFFFFEC00  }
0x67: {  	[tilespmem:s15], [sflag:$0x3] =	stream.linear.gather [hbm4b:s10+s26], $0x1400, $0x38;
	[tilespmem:$0x1E400] =	vst v63  }
0x68: {  	_ =	swait.ge [sflag:s14], $0x1400  }
0x69: {  	[sflag:s14] =	ssyncset.done $0x0  }
0x6a: {  	[sflag:s14] =	ssyncadd.s32 $0xFFFFEC00  }
0x6b: {  	[tilespmem:s17], [sflag:$0x1] =	stream.indirect.gather [hbm4b:s4+s16], $0x80, s26, s16, $0xb8;
	[tilespmem:$0x1E400] =	vst v63  }
0x6c: {  	s28 =	simm.s32 $0x80  }
0x6d: {  	[tilespmem:s18], [sflag:$0x2] =	stream.indirect.gather [hbm4b:s4+s16], $0x80, s28, s16, $0xb8;
	[tilespmem:$0x1E400] =	vst v63  }
0x6e: {  	_ =	swait.ge [sflag:s19], $0x4000  }
0x6f: {  	[sflag:s19] =	ssyncset.done $0x0  }
0x70: {  	s29 =	simm.s32 $0x1400;
	[sflag:s19] =	ssyncadd.s32 $0xFFFFC000  }
0x71: {  	[spmem:s2] =	stream.indirect.scatter.add.f32 [tilespmem:s17], [sflag:$0x3], $0x80, s29, s16, $0xb8;
	[tilespmem:$0x1E400] =	vst v63  }
0x72: {  	_ =	swait.ge [sflag:s14], $0x4000  }
0x73: {  	[sflag:s14] =	ssyncset.done $0x0  }
0x74: {  	s30 =	simm.s32 $0x100;
	[sflag:s14] =	ssyncadd.s32 $0xFFFFC000  }
0x75: {  	[tilespmem:s17], [sflag:$0x1] =	stream.indirect.gather [hbm4b:s4+s16], $0x80, s30, s16, $0xb8;
	[tilespmem:$0x1E400] =	vst v63  }
0x76: {  	_ =	swait.ge [sflag:s20], $0x4000  }
0x77: {  	[sflag:s20] =	ssyncset.done $0x0  }
0x78: {  	s31 =	simm.s32 $0x1480;
	[sflag:s20] =	ssyncadd.s32 $0xFFFFC000  }
0x79: {  	[spmem:s2] =	stream.indirect.scatter.add.f32 [tilespmem:s18], [sflag:$0x3], $0x80, s31, s16, $0xb8;
	[tilespmem:$0x1E400] =	vst v63  }
0x7a: {  	_ =	swait.ge [sflag:s14], $0x4000  }
0x7b: {  	s25 =	simm.s32 $0x100;
	s26 =	simm.s32 $0x800;
	[sflag:s14] =	ssyncset.done $0x0  }
.LBB2_4:
0x7c: {  	s28 =	sadd.s32 $0x80, s25  }
0x7d: {  	[sflag:s14] =	ssyncadd.s32 $0xFFFFC000;
	s29 =	smov.u32 s26;
	s30 =	sadd.s32 $0x400, s26  }
0x7e: {  	[tilespmem:s18], [sflag:$0x2] =	stream.indirect.gather [hbm4b:s4+s16], $0x80, s28, s16, $0xb8;
	[tilespmem:$0x1E400] =	vst v63  }
0x7f: {  	p0 =	sne.s32 s26, $0x4800;
	_ =	swait.ge [sflag:s19], $0x4000  }
0x80: {  	[sflag:s19] =	ssyncset.done $0x0  }
0x81: {  	s26 =	sadd.s32 $0x1400, s25;
	[sflag:s19] =	ssyncadd.s32 $0xFFFFC000  }
0x82: {  	[spmem:s2] =	stream.indirect.scatter.add.f32 [tilespmem:s17], [sflag:$0x3], $0x80, s26, s16, $0xb8;
	[tilespmem:$0x1E400] =	vst v63  }
0x83: {  	_ =	swait.ge [sflag:s14], $0x4000  }
0x84: {  	[sflag:s14] =	ssyncset.done $0x0  }
0x85: {  	s26 =	sadd.s32 $0x100, s25;
	[sflag:s14] =	ssyncadd.s32 $0xFFFFC000  }
0x86: {  	[tilespmem:s17], [sflag:$0x1] =	stream.indirect.gather [hbm4b:s4+s16], $0x80, s26, s16, $0xb8;
	[tilespmem:$0x1E400] =	vst v63  }
0x87: {  	_ =	swait.ge [sflag:s20], $0x4000  }
.Ltmp1:
0x88: {  	[sflag:s20] =	ssyncset.done $0x0;
	(pc) =	sbr.rel @p0 .LBB2_4-.Ltmp1, $4  }
0x89: {  	s25 =	sadd.s32 $0x1480, s25;
	[sflag:s20] =	ssyncadd.s32 $0xFFFFC000  }
0x8a: {  	[spmem:s2] =	stream.indirect.scatter.add.f32 [tilespmem:s18], [sflag:$0x3], $0x80, s25, s16, $0xb8;
	[tilespmem:$0x1E400] =	vst v63  }
0x8b: {  	_ =	swait.ge [sflag:s14], $0x4000  }
0x8c: {  	s26 =	smov.u32 s30;
	s25 =	sshra.s32 s29, $0x2;
	[sflag:s14] =	ssyncset.done $0x0  }
0x8d: {  	s26 =	sadd.s32 $0x80, s25;
	[sflag:s14] =	ssyncadd.s32 $0xFFFFC000  }
0x8e: {  	[tilespmem:s18], [sflag:$0x2] =	stream.indirect.gather [hbm4b:s4+s16], $0x80, s26, s16, $0xb8;
	[tilespmem:$0x1E400] =	vst v63  }
0x8f: {  	_ =	swait.ge [sflag:s19], $0x4000  }
0x90: {  	[sflag:s19] =	ssyncset.done $0x0  }
0x91: {  	s29 =	sadd.s32 $0x1400, s25;
	[sflag:s19] =	ssyncadd.s32 $0xFFFFC000  }
0x92: {  	[spmem:s2] =	stream.indirect.scatter.add.f32 [tilespmem:s17], [sflag:$0x3], $0x80, s29, s16, $0xb8;
	[tilespmem:$0x1E400] =	vst v63  }
0x93: {  	_ =	swait.ge [sflag:s14], $0x4000  }
0x94: {  	[sflag:s14] =	ssyncset.done $0x0  }
0x95: {  	s30 =	sadd.s32 $0x100, s25;
	[sflag:s14] =	ssyncadd.s32 $0xFFFFC000  }
0x96: {  	[tilespmem:s17], [sflag:$0x1] =	stream.indirect.gather [hbm4b:s4+s16], $0x80, s30, s16, $0xb8;
	[tilespmem:$0x1E400] =	vst v63  }
0x97: {  	_ =	swait.ge [sflag:s20], $0x4000  }
0x98: {  	[sflag:s20] =	ssyncset.done $0x0  }
0x99: {  	s31 =	sadd.s32 $0x1480, s25;
	[sflag:s20] =	ssyncadd.s32 $0xFFFFC000  }
0x9a: {  	[spmem:s2] =	stream.indirect.scatter.add.f32 [tilespmem:s18], [sflag:$0x3], $0x80, s31, s16, $0xb8;
	[tilespmem:$0x1E400] =	vst v63  }
0x9b: {  	_ =	swait.ge [sflag:s14], $0x4000  }
0x9c: {  	[sflag:s14] =	ssyncset.done $0x0  }
0x9d: {  	[sflag:s14] =	ssyncadd.s32 $0xFFFFC000  }
0x9e: {  	[tilespmem:s18], [sflag:$0x2] =	stream.indirect.gather [hbm4b:s4+s16], $0x80, s21, s16, $0xb8;
	[tilespmem:$0x1E400] =	vst v63  }
0x9f: {  	_ =	swait.ge [sflag:s19], $0x4000  }
0xa0: {  	[sflag:s19] =	ssyncset.done $0x0  }
0xa1: {  	[sflag:s19] =	ssyncadd.s32 $0xFFFFC000  }
0xa2: {  	[spmem:s2] =	stream.indirect.scatter.add.f32 [tilespmem:s17], [sflag:$0x3], $0x80, s22, s16, $0xb8;
	[tilespmem:$0x1E400] =	vst v63  }
0xa3: {  	_ =	swait.ge [sflag:s14], $0x4000  }
0xa4: {  	[sflag:s14] =	ssyncset.done $0x0  }
0xa5: {  	[sflag:s14] =	ssyncadd.s32 $0xFFFFC000  }
0xa6: {  	_ =	swait.ge [sflag:s20], $0x4000  }
0xa7: {  	[sflag:s20] =	ssyncset.done $0x0  }
0xa8: {  	[sflag:s20] =	ssyncadd.s32 $0xFFFFC000  }
0xa9: {  	[spmem:s2] =	stream.indirect.scatter.add.f32 [tilespmem:s18], [sflag:$0x3], $0x80, s23, s16, $0xb8;
	[tilespmem:$0x1E400] =	vst v63  }
0xaa: {  	_ =	swait.ge [sflag:s14], $0x4000  }
0xab: {  	s24 =	sadd.s32 $0x1, s24;
	[sflag:s14] =	ssyncset.done $0x0  }
0xac: {  	p0 =	sne.s32 s24, s12;
	[sflag:s14] =	ssyncadd.s32 $0xFFFFC000  }
.Ltmp2:
0xad: {  	[bflag:$0x0] =	sbarrier.arrive $0xFFFF;
	(pc) =	sbr.rel @p0 .LBB2_1-.Ltmp2, $4  }
0xae: {  	[hbm:s11], [sflag:s6] =	dma.local [spmem:s13], $0x2780  }
0xaf: {  	_ =	swait.ge [sflag:s14], $0x2780  }
0xb0: {  	[sflag:s14] =	ssyncset.done $0x0  }
0xb1: {  	[sflag:s14] =	ssyncadd.s32 $0xFFFFD880  }
0xb2: {  	_ =	sfence.sel $0x180000  }
0xb3: {  	[bflag:$0x0] =	sbarrier.arrive $0xFFFF  }
0xb4: {  	p0 =	sne.s32 s1, $0x0;
	_ =	strace $0x90000056  }
0xb5: {  	s0 =	sadd.s32 @!p0 $0x100000, s0;
	[bflag:$0x2] =	sbarrier.arrive $0xFFFF  }
0xb6: {  	[sflag:s0] =	ssyncadd.tile.s32 @!p0 $0x1;
	_ =	shalt  }
.Lfunc_end2:
_tile_overlayer_lowered:
.L_overlay_start_2:
0xb7: {  	(tag) =	ssettag $0x2  }
0xb8: {  	s0 =	rddreg [dreg:$0x0];
	s2 =	stileid.u32  }
0xb9: {  	s1 =	rddreg [dreg:$0x1];
	p0 =	sne.s32 s2, $0x0  }
0xba: {  	s3 =	rddreg [dreg:$0x2];
	[bflag:$0x3] =	sbarrier.arrive $0xFFFF;
	s2 =	simm.s32 @!p0 $0x1C03  }
0xbb: {  	[timem:s3], [sflag:s2] =	dma.local @!p0 [hbm:s0], s1  }
0xbc: {  	s0 =	simm.s32 @!p0 $0x3  }
0xbd: {  	_ =	swait.ge @!p0 [sflag:s0], s1  }
0xbe: {  	s1 =	ssub.s32 @!p0 $0x0, s1;
	[sflag:s0] =	ssyncset.done @!p0 $0x0  }
0xbf: {  	[sflag:s0] =	ssyncadd.s32 @!p0 s1  }
0xc0: {  	[bflag:$0x3] =	sbarrier.arrive $0xFFFF  }
0xc1: {  	_ =	shalt  }

</sc_bundles>
